<compile_context>
chip_gen: v7x
topology: tpu7x:2x2x1
jax: 0.10.2.dev20260603
libtpu: 0.0.44.dev20260713+nightly
codegen_flags: <defaults>
</compile_context>

<pallas_src>
import functools

import jax
import jax.numpy as jnp
from jax import lax
from jax.experimental import pallas as pl
from jax.experimental.pallas import tpu as pltpu
from jax.experimental.pallas import tpu_sc as plsc

_NC = 2
_NS = 16
_NW = _NC * _NS
_CH = 1024


def _silu(x):
    return x * jax.nn.sigmoid(x)


def _ln(x, g, b):
    m = x.mean(-1, keepdims=True)
    v = ((x - m) ** 2).mean(-1, keepdims=True)
    return (x - m) * jax.lax.rsqrt(v + 1e-5) * g + b


def _transform_body(nl_ref, nf_ref, w1a_ref, w1b_ref, b1_ref, nl2_ref, nf2_ref):
    nl2_ref[...] = jnp.dot(nl_ref[...], w1a_ref[...],
                           preferred_element_type=jnp.float32) + b1_ref[...]
    nf2_ref[...] = jnp.dot(nf_ref[...], w1b_ref[...],
                           preferred_element_type=jnp.float32)


def _transform_tables(node_latents, node_features, w1a, w1b, b1, block):
    n, h = node_latents.shape
    grid = (n // block,)
    full = lambda s: pl.BlockSpec(s, lambda i: (0,) * len(s))
    row = pl.BlockSpec((block, h), lambda i: (i, 0))
    return pl.pallas_call(
        _transform_body,
        grid=grid,
        in_specs=[row, row, full((h, h)), full((h, h)), full((1, h))],
        out_specs=[row, row],
        out_shape=[jax.ShapeDtypeStruct((n, h), jnp.float32)] * 2,
    )(node_latents, node_features, w1a, w1b, b1)


def _ee_t_body(xt_ref, w1t, b1c, w2t, b2c, gc, bec, eft_ref):
    xt = xt_ref[...]
    h1 = _silu(jnp.dot(w1t[...], xt, preferred_element_type=jnp.float32)
               + b1c[...])
    e1 = jnp.dot(w2t[...], h1, preferred_element_type=jnp.float32) + b2c[...]
    m = e1.mean(0, keepdims=True)
    v = ((e1 - m) ** 2).mean(0, keepdims=True)
    eft_ref[...] = (e1 - m) * jax.lax.rsqrt(v + 1e-5) * gc[...] + bec[...]


def _ee_transposed(xt, w1t, b1c, w2t, b2c, gc, bec, block):
    de, e = xt.shape
    h = w1t.shape[0]
    grid = (e // block,)
    full = lambda s: pl.BlockSpec(s, lambda i: (0,) * len(s))
    colx = pl.BlockSpec((de, block), lambda i: (0, i))
    colh = pl.BlockSpec((h, block), lambda i: (0, i))
    return pl.pallas_call(
        _ee_t_body,
        grid=grid,
        in_specs=[colx, full((h, de)), full((h, 1)), full((h, h)),
                  full((h, 1)), full((h, 1)), full((h, 1))],
        out_specs=colh,
        out_shape=jax.ShapeDtypeStruct((h, e), jnp.float32),
    )(xt, w1t, b1c, w2t, b2c, gc, bec)


def _sc_gather_add(nl2, nf2, s1d, r1d):
    h = nl2.shape[1]
    e_pad = s1d.shape[0]
    per_w = e_pad // _NW
    n_chunks = per_w // _CH
    cpk = _CH // 4
    mesh = plsc.VectorSubcoreMesh(core_axis_name="c", subcore_axis_name="s")

    @functools.partial(
        pl.kernel, mesh=mesh,
        compiler_params=pltpu.CompilerParams(use_tc_tiling_on_sc=False),
        out_type=jax.ShapeDtypeStruct((e_pad // 4, 4 * h), jnp.float32),
        scratch_types=[
            pltpu.VMEM((_CH,), jnp.int32),
            pltpu.VMEM((_CH,), jnp.int32),
            pltpu.VMEM((_CH, h), jnp.float32),
            pltpu.VMEM((_CH, h), jnp.float32),
            pltpu.VMEM((cpk, 4 * h), jnp.float32),
            pltpu.SemaphoreType.DMA,
            pltpu.SemaphoreType.DMA,
        ])
    def k(nl2_hbm, nf2_hbm, s_hbm, r_hbm, out_hbm, sidx, ridx, bufa, bufb,
          packb, sema, semb):
        wid = lax.axis_index("s") * _NC + lax.axis_index("c")
        base_w = wid * per_w
        base_w4 = wid * (per_w // 4)

        @pl.loop(0, n_chunks)
        def _(ci):
            base = base_w + ci * _CH
            pltpu.sync_copy(s_hbm.at[pl.ds(base, _CH)], sidx)
            pltpu.sync_copy(r_hbm.at[pl.ds(base, _CH)], ridx)
            cpa = pltpu.async_copy(nl2_hbm.at[sidx], bufa, sema)
            cpb = pltpu.async_copy(nf2_hbm.at[ridx], bufb, semb)
            cpa.wait()
            cpb.wait()

            @pl.loop(0, cpk)
            def _(r):
                for j in range(4):
                    i = 4 * r + j
                    packb[r, pl.ds(j * h, 16)] = (bufa[i, pl.ds(0, 16)]
                                                  + bufb[i, pl.ds(0, 16)])
                    packb[r, pl.ds(j * h + 16, 16)] = (bufa[i, pl.ds(16, 16)]
                                                       + bufb[i, pl.ds(16, 16)])

            pltpu.sync_copy(packb, out_hbm.at[pl.ds(base_w4 + ci * cpk, cpk)])

    return k(nl2, nf2, s1d, r1d)


def _sc_scatter(nef_p, r1d_perm, n, h):
    e_pad = nef_p.shape[0] * 4
    hh = h // 2
    per_t = e_pad // _NS
    n_chunks = per_t // _CH
    acc_rows = 102400
    stripe = acc_rows // _NS
    zb = 128
    last_flush = n - (_NS - 1) * stripe
    per_t_cnt = e_pad // _NC // _NS
    cnt_chunks = per_t_cnt // _CH
    mesh = plsc.VectorSubcoreMesh(core_axis_name="c", subcore_axis_name="s")

    @functools.partial(
        pl.kernel, mesh=mesh,
        compiler_params=pltpu.CompilerParams(use_tc_tiling_on_sc=False),
        out_type=[jax.ShapeDtypeStruct((n, h), jnp.float32),
                  jax.ShapeDtypeStruct((n, h), jnp.float32)],
        scratch_types=[
            pltpu.VMEM((_CH,), jnp.int32),
            pltpu.VMEM((_CH, hh), jnp.float32),
            pltpu.VMEM((zb, hh), jnp.float32),
            pltpu.VMEM((512, hh), jnp.float32),
            pltpu.VMEM_SHARED((acc_rows, hh), jnp.float32),
            pltpu.SemaphoreType.DMA,
        ])
    def k(nef_hbm, ridx_hbm, seg_hbm, cnt_hbm, idxb, valb, zerob, oneb, acc,
          sem):
        core = lax.axis_index("c")
        tid = lax.axis_index("s")
        colbase = core * hh

        @pl.loop(0, zb)
        def _(i):
            zerob[i, pl.ds(0, hh)] = jnp.zeros((hh,), jnp.float32)

        @pl.loop(0, 512)
        def _(i):
            oneb[i, pl.ds(0, hh)] = jnp.ones((hh,), jnp.float32)

        def zero_acc():
            for z in range(stripe // zb):
                pltpu.sync_copy(zerob, acc.at[pl.ds(tid * stripe + z * zb, zb)])

        def flush(dst_hbm):
            @pl.when(tid < _NS - 1)
            def _():
                pltpu.sync_copy(
                    acc.at[pl.ds(tid * stripe, stripe)],
                    dst_hbm.at[pl.ds(tid * stripe, stripe),
                               pl.ds(colbase, hh)])

            @pl.when(tid == _NS - 1)
            def _():
                pltpu.sync_copy(
                    acc.at[pl.ds((_NS - 1) * stripe, last_flush)],
                    dst_hbm.at[pl.ds((_NS - 1) * stripe, last_flush),
                               pl.ds(colbase, hh)])

        zero_acc()
        plsc.subcore_barrier()

        @pl.loop(0, n_chunks)
        def _(ci):
            base = tid * per_t + ci * _CH
            base4 = base // 4
            pltpu.sync_copy(ridx_hbm.at[pl.ds(base, _CH)], idxb)
            cps = []
            for j in range(4):
                cps.append(pltpu.async_copy(
                    nef_hbm.at[pl.ds(base4, _CH // 4),
                               pl.ds(j * h + colbase, hh)],
                    valb.at[pl.ds(j * (_CH // 4), _CH // 4)], sem))
            for cp in cps:
                cp.wait()
            pltpu.sync_copy(valb, acc.at[idxb], add=True)

        plsc.subcore_barrier()
        flush(seg_hbm)
        plsc.subcore_barrier()
        zero_acc()
        plsc.subcore_barrier()

        @pl.loop(0, cnt_chunks)
        def _(ci):
            base = core * (e_pad // _NC) + tid * per_t_cnt + ci * _CH
            pltpu.sync_copy(ridx_hbm.at[pl.ds(base, _CH)], idxb)
            pltpu.sync_copy(oneb, acc.at[idxb.at[pl.ds(0, 512)]], add=True)
            pltpu.sync_copy(oneb, acc.at[idxb.at[pl.ds(512, 512)]], add=True)

        plsc.subcore_barrier()
        flush(cnt_hbm)

    return k(nef_p, r1d_perm)


def _ln_packed(x, mavg, g, b):
    m = jnp.dot(x, mavg, preferred_element_type=jnp.float32)
    d = x - m
    v = jnp.dot(d * d, mavg, preferred_element_type=jnp.float32)
    return d * jax.lax.rsqrt(v + 1e-5) * g + b


def _edge_body(x_ref, g_ref, w1bd, eeb1, w2bd, eeb2, eeg, eebe,
               w1cbd, pew2bd, peb2, peg, pebe, mavg_ref, nef_ref):
    x = x_ref[...]
    mavg = mavg_ref[...]
    h1 = _silu(jnp.dot(x, w1bd[...], preferred_element_type=jnp.float32)
               + eeb1[...])
    e1 = jnp.dot(h1, w2bd[...], preferred_element_type=jnp.float32) + eeb2[...]
    ef = _ln_packed(e1, mavg, eeg[...], eebe[...])
    pre = g_ref[...] + jnp.dot(ef, w1cbd[...],
                               preferred_element_type=jnp.float32)
    h2 = _silu(pre)
    e2 = jnp.dot(h2, pew2bd[...], preferred_element_type=jnp.float32) + peb2[...]
    nef_ref[...] = _ln_packed(e2, mavg, peg[...], pebe[...])


def _edge_pass(x_p, g_p, w1bd, eeb1, w2bd, eeb2, eeg, eebe,
               w1cbd, pew2bd, peb2, peg, pebe, mavg, block):
    ep4, de4 = x_p.shape
    grid = (ep4 // block,)
    full = lambda s: pl.BlockSpec(s, lambda i: (0,) * len(s))
    rowx = pl.BlockSpec((block, de4), lambda i: (i, 0))
    rowp = pl.BlockSpec((block, 128), lambda i: (i, 0))
    return pl.pallas_call(
        _edge_body,
        grid=grid,
        in_specs=[rowx, rowp,
                  full((de4, 128)), full((1, 128)), full((128, 128)),
                  full((1, 128)), full((1, 128)), full((1, 128)),
                  full((128, 128)), full((128, 128)), full((1, 128)),
                  full((1, 128)), full((1, 128)), full((128, 128))],
        out_specs=rowp,
        out_shape=jax.ShapeDtypeStruct((g_p.shape[0], 128), jnp.float32),
    )(x_p, g_p, w1bd, eeb1, w2bd, eeb2, eeg, eebe,
      w1cbd, pew2bd, peb2, peg, pebe, mavg)


def _node_body(nf_ref, seg_ref, cnt_ref, pnW1a, pnW1b, pnb1, pnW2, pnb2,
               png, pnbe, noW1, nob1, noW2, nob2, out_ref):
    cnt = cnt_ref[:, 0:1] + cnt_ref[:, 16:17]
    mean = seg_ref[...] / jnp.maximum(cnt, 1.0)
    nf = nf_ref[...]
    pre = (jnp.dot(nf, pnW1a[...], preferred_element_type=jnp.float32)
           + jnp.dot(mean, pnW1b[...], preferred_element_type=jnp.float32)
           + pnb1[...])
    hdd = _silu(pre)
    y = _ln(jnp.dot(hdd, pnW2[...], preferred_element_type=jnp.float32)
            + pnb2[...], png[...], pnbe[...])
    z = jax.nn.sigmoid(jnp.dot(y, noW1[...], preferred_element_type=jnp.float32)
                       + nob1[...])
    out_ref[...] = (jnp.dot(z, noW2[...], preferred_element_type=jnp.float32)
                    + nob2[...])


def _node_pass(node_features, seg_sum, counts, pn_W1, pn_b1, pn_W2, pn_b2,
               pn_g, pn_be, no_W1, no_b1, no_W2, no_b2, block):
    n, h = node_features.shape
    dout = no_W2.shape[1]
    grid = (n // block,)
    full = lambda s: pl.BlockSpec(s, lambda i: (0,) * len(s))
    rowh = pl.BlockSpec((block, h), lambda i: (i, 0))
    rowo = pl.BlockSpec((block, dout), lambda i: (i, 0))
    w1a, w1b = pn_W1[:h], pn_W1[h:]
    return pl.pallas_call(
        _node_body,
        grid=grid,
        in_specs=[rowh, rowh, rowh,
                  full((h, h)), full((h, h)), full((1, h)), full((h, h)),
                  full((1, h)), full((1, h)), full((1, h)),
                  full((h, h)), full((1, h)), full((h, dout)), full((1, dout))],
        out_specs=rowo,
        out_shape=jax.ShapeDtypeStruct((n, dout), jnp.float32),
    )(node_features, seg_sum, counts, w1a, w1b, pn_b1, pn_W2, pn_b2,
      pn_g, pn_be, no_W1, no_b1, no_W2, no_b2)


def kernel(edge_idx, edge_features, node_latents, node_features,
           ee_W1, ee_b1, ee_W2, ee_b2, ee_g, ee_be,
           pe_W1, pe_b1, pe_W2, pe_b2, pe_g, pe_be,
           pn_W1, pn_b1, pn_W2, pn_b2, pn_g, pn_be,
           no_W1, no_b1, no_W2, no_b2):
    e = edge_idx.shape[0]
    n, h = node_features.shape
    r2 = lambda v: v.reshape(1, -1)

    senders = edge_idx[:, 0]
    receivers = edge_idx[:, 1]
    e_pad = ((e + _CH * _NW - 1) // (_CH * _NW)) * (_CH * _NW)
    pad0 = jnp.zeros((e_pad - e,), jnp.int32)
    s1d = jnp.concatenate([senders, pad0])
    r1d_g = jnp.concatenate([receivers, pad0])
    r1d = jnp.concatenate([receivers, jnp.full((e_pad - e,), n, jnp.int32)])
    r1d_perm = r1d.reshape(-1, _CH // 4, 4).transpose(0, 2, 1).reshape(-1)

    from jax.scipy.linalg import block_diag
    bd4 = lambda w: block_diag(w, w, w, w)
    t4 = lambda v: jnp.tile(v, 4).reshape(1, -1)
    x_p = edge_features.reshape(e // 4, -1)
    mavg = bd4(jnp.full((h, h), 1.0 / h, jnp.float32))

    w1a, w1b, w1c = pe_W1[:h], pe_W1[h:2 * h], pe_W1[2 * h:]
    nl2, nf2 = _transform_tables(node_latents, node_features, w1a, w1b,
                                 r2(pe_b1), block=4000 if n % 4000 == 0 else n)

    g_p = _sc_gather_add(nl2, nf2, s1d, r1d_g)

    cvec = lambda v: v.reshape(-1, 1)
    eft = _ee_transposed(edge_features.T, ee_W1.T, cvec(ee_b1), ee_W2.T,
                         cvec(ee_b2), cvec(ee_g), cvec(ee_be),
                         block=6400 if e % 6400 == 0 else e)
    ef = eft.T

    nef_p = _edge_pass(x_p, g_p, bd4(ee_W1), t4(ee_b1), bd4(ee_W2),
                       t4(ee_b2), t4(ee_g), t4(ee_be), bd4(w1c),
                       bd4(pe_W2), t4(pe_b2), t4(pe_g), t4(pe_be),
                       mavg, block=2000 if (e // 4) % 2000 == 0 else e // 4)

    seg_sum, counts = _sc_scatter(nef_p, r1d_perm, n, h)

    out = _node_pass(node_features, seg_sum, counts, pn_W1, r2(pn_b1), pn_W2,
                     r2(pn_b2), r2(pn_g), r2(pn_be), no_W1, r2(no_b1), no_W2,
                     r2(no_b2), block=4000 if n % 4000 == 0 else n)
    return (ef, out)

# --- scband reference (transcript-rebuilt; emitter-appended) ---
"""Pipeline reference for scband-decoder-71949292142783 (READ-ONLY COPY).

The authoritative reference and input builder live on the scoring server;
editing this copy changes nothing except your own understanding.
"""

import jax, jax.numpy as jnp
import numpy as np

N = 100000
E = 1600000
DE = 16
H = 32
DOUT = 4

def _w(key, shape):
    return jax.random.normal(key, shape, dtype=jnp.float32) * 0.05

def setup_inputs(seed: int = 0):
    key = jax.random.key(seed)
    ks = jax.random.split(key, 16)
    inp = {}
    inp["edge_idx"] = jax.random.randint(ks[0], (E, 2), 0, N, dtype=jnp.int32)
    inp["edge_features"] = jax.random.normal(ks[1], (E, DE), dtype=jnp.float32)
    inp["node_latents"] = jax.random.normal(ks[2], (N, H), dtype=jnp.float32)
    inp["node_features"] = jax.random.normal(ks[3], (N, H), dtype=jnp.float32)
    # embed_edge_fn: [DE, H, H], layer norm
    inp["ee_W1"] = _w(ks[4], (DE, H)); inp["ee_b1"] = jnp.zeros((H,), jnp.float32)
    inp["ee_W2"] = _w(ks[5], (H, H));  inp["ee_b2"] = jnp.zeros((H,), jnp.float32)
    inp["ee_g"] = jnp.ones((H,), jnp.float32); inp["ee_be"] = jnp.zeros((H,), jnp.float32)
    # process_edge_fn: [3H, H, H], layer norm
    inp["pe_W1"] = _w(ks[6], (3 * H, H)); inp["pe_b1"] = jnp.zeros((H,), jnp.float32)
    inp["pe_W2"] = _w(ks[7], (H, H));      inp["pe_b2"] = jnp.zeros((H,), jnp.float32)
    inp["pe_g"] = jnp.ones((H,), jnp.float32); inp["pe_be"] = jnp.zeros((H,), jnp.float32)
    # process_node_fn: [2H, H, H], layer norm
    inp["pn_W1"] = _w(ks[8], (2 * H, H)); inp["pn_b1"] = jnp.zeros((H,), jnp.float32)
    inp["pn_W2"] = _w(ks[9], (H, H));      inp["pn_b2"] = jnp.zeros((H,), jnp.float32)
    inp["pn_g"] = jnp.ones((H,), jnp.float32); inp["pn_be"] = jnp.zeros((H,), jnp.float32)
    # node_output_fn: [H, H, DOUT], no layer norm, sigmoid activation
    inp["no_W1"] = _w(ks[10], (H, H));    inp["no_b1"] = jnp.zeros((H,), jnp.float32)
    inp["no_W2"] = _w(ks[11], (H, DOUT)); inp["no_b2"] = jnp.zeros((DOUT,), jnp.float32)
    return inp

def _silu(x):
    return x * jax.nn.sigmoid(x)

def _ln(x, g, b):
    m = x.mean(-1, keepdims=True)
    v = ((x - m) ** 2).mean(-1, keepdims=True)
    return (x - m) / jnp.sqrt(v + 1e-5) * g + b

def _block(x, W1, b1, W2, b2, act):
    return act(x @ W1 + b1) @ W2 + b2

def reference(edge_idx, edge_features, node_latents, node_features,
              ee_W1, ee_b1, ee_W2, ee_b2, ee_g, ee_be,
              pe_W1, pe_b1, pe_W2, pe_b2, pe_g, pe_be,
              pn_W1, pn_b1, pn_W2, pn_b2, pn_g, pn_be,
              no_W1, no_b1, no_W2, no_b2):
    # embed edges
    ef = _ln(_block(edge_features, ee_W1, ee_b1, ee_W2, ee_b2, _silu), ee_g, ee_be)
    senders = edge_idx[:, 0]
    receivers = edge_idx[:, 1]
    # update edges: gather sender latents / receiver features
    sf = jnp.take(node_latents, senders, axis=0)
    rf = jnp.take(node_features, receivers, axis=0)
    new_ef = _ln(_block(jnp.concatenate([sf, rf, ef], axis=-1), pe_W1, pe_b1, pe_W2, pe_b2, _silu), pe_g, pe_be)
    # update nodes: scatter-mean over receivers
    n = node_features.shape[0]
    seg_sum = jax.ops.segment_sum(new_ef, receivers, num_segments=n)
    counts = jax.ops.segment_sum(jnp.ones((new_ef.shape[0], 1), new_ef.dtype), receivers, num_segments=n)
    mean_edges = seg_sum / jnp.maximum(counts, 1.0)
    new_nf = _ln(_block(jnp.concatenate([node_features, mean_edges], axis=-1), pn_W1, pn_b1, pn_W2, pn_b2, _silu), pn_g, pn_be)
    # output head (sigmoid activation between layers, linear last)
    out = _block(new_nf, no_W1, no_b1, no_W2, no_b2, jax.nn.sigmoid)
    return (ef, out)

if __name__ == "__main__":
    import jax
    _d = setup_inputs()
    print(jax.jit(kernel)(*tuple(_d.values())))

</pallas_src>

<mosaic_0001>
#map = affine_map<(d0, d1) -> (0, 0)>
#map1 = affine_map<(d0, d1) -> (0)>
module attributes {stable_mosaic.version = 14 : i64} {
  func.func @k(%arg0: i32, %arg1: i32, %arg2: memref<401408x128xf32, #tpu.memory_space<hbm>>, %arg3: memref<1605632xi32, #tpu.memory_space<hbm>>, %arg4: memref<100000x32xf32, #tpu.memory_space<hbm>>, %arg5: memref<100000x32xf32, #tpu.memory_space<hbm>>, %arg6: memref<1024xi32, #tpu.memory_space<vmem>>, %arg7: memref<1024x16xf32, #tpu.memory_space<vmem>>, %arg8: memref<128x16xf32, #tpu.memory_space<vmem>>, %arg9: memref<512x16xf32, #tpu.memory_space<vmem>>, %arg10: memref<102400x16xf32, #tpu.memory_space<vmem_shared>>, %arg11: memref<!tpu.dma_semaphore, #tpu.memory_space<semaphore_mem>>) attributes {dimension_semantics = [#tpu.dimension_semantics<core_parallel>, #tpu.dimension_semantics<subcore_parallel>], iteration_bounds = array<i64: 2, 16>, scalar_prefetch = 0 : i64, scratch_operands = 6 : i64, tpu.core_type = #tpu.core_type<sc_vector_subcore>, window_params = [{transform_indices = #map}, {transform_indices = #map1}, {transform_indices = #map}, {transform_indices = #map}]} {
    %mul3A = arith.constant 16 : i32
    %mul3A_0 = arith.muli %arg0, %mul3A : i32
    %scan3A = arith.constant 0 : i32
    %scan3A_1 = arith.constant 128 : i32
    %scan3A_2 = arith.addi %scan3A, %scan3A_1 : i32
    %scan3A_3 = arith.constant 1 : i32
    scf.for %scan3A_439 = %scan3A to %scan3A_2 step %scan3A_3  : i32 {
      %mul3A_440 = arith.constant 1 : i32
      %mul3A_441 = arith.muli %scan3A_439, %mul3A_440 : i32
      %add3A_442 = arith.constant 0 : i32
      %add3A_443 = arith.addi %add3A_442, %mul3A_441 : i32
      %broadcast_in_dim3A = arith.constant 0.000000e+00 : f32
      %broadcast_in_dim3A_444 = vector.broadcast %broadcast_in_dim3A : f32 to vector<16xf32>
      %swap3A = arith.index_cast %add3A_443 : i32 to index
      %swap3A_445 = arith.constant 0 : index
      %swap3A_446 = tpu.vector_load %arg8[%swap3A, %swap3A_445] {strides = array<i32>} : memref<128x16xf32, #tpu.memory_space<vmem>>, vector<1x16xf32>,
      %swap3A_447 = vector.shape_cast %swap3A_446 : vector<1x16xf32> to vector<16xf32>
      %swap3A_448 = vector.shape_cast %broadcast_in_dim3A_444 : vector<16xf32> to vector<1x16xf32>
      tpu.vector_store %arg8[%swap3A, %swap3A_445], %swap3A_448 {strides = array<i32>} : memref<128x16xf32, #tpu.memory_space<vmem>>, vector<1x16xf32>,
    }
    %scan3A_4 = arith.constant 128 : i32
    %scan3A_5 = arith.constant 0 : i32
    %scan3A_6 = arith.constant 512 : i32
    %scan3A_7 = arith.addi %scan3A_5, %scan3A_6 : i32
    %scan3A_8 = arith.constant 1 : i32
    scf.for %scan3A_439 = %scan3A_5 to %scan3A_7 step %scan3A_8  : i32 {
      %mul3A_440 = arith.constant 1 : i32
      %mul3A_441 = arith.muli %scan3A_439, %mul3A_440 : i32
      %add3A_442 = arith.constant 0 : i32
      %add3A_443 = arith.addi %add3A_442, %mul3A_441 : i32
      %broadcast_in_dim3A = arith.constant 1.000000e+00 : f32
      %broadcast_in_dim3A_444 = vector.broadcast %broadcast_in_dim3A : f32 to vector<16xf32>
      %swap3A = arith.index_cast %add3A_443 : i32 to index
      %swap3A_445 = arith.constant 0 : index
      %swap3A_446 = tpu.vector_load %arg9[%swap3A, %swap3A_445] {strides = array<i32>} : memref<512x16xf32, #tpu.memory_space<vmem>>, vector<1x16xf32>,
      %swap3A_447 = vector.shape_cast %swap3A_446 : vector<1x16xf32> to vector<16xf32>
      %swap3A_448 = vector.shape_cast %broadcast_in_dim3A_444 : vector<16xf32> to vector<1x16xf32>
      tpu.vector_store %arg9[%swap3A, %swap3A_445], %swap3A_448 {strides = array<i32>} : memref<512x16xf32, #tpu.memory_space<vmem>>, vector<1x16xf32>,
    }
    %scan3A_9 = arith.constant 512 : i32
    %mul3A_10 = arith.constant 6400 : i32
    %mul3A_11 = arith.muli %arg1, %mul3A_10 : i32
    %add3A = arith.constant 0 : i32
    %add3A_12 = arith.addi %mul3A_11, %add3A : i32
    "tpu.region"() ({
      %run_scoped3A = tpu.sem_alloc : memref<!tpu.dma_semaphore, #tpu.memory_space<semaphore_mem>>
      %dma_start3A = arith.constant 0 : i32
      %dma_start3A_439 = tpu.memref_slice %arg10[%add3A_12, %dma_start3A] : memref<102400x16xf32, #tpu.memory_space<vmem_shared>> -> memref<128x16xf32, #tpu.memory_space<vmem_shared>>
      %dma_start3A_440 = arith.constant 0 : i32
      %dma_start3A_441 = tpu.memref_slice %arg10[%add3A_12, %dma_start3A_440] : memref<102400x16xf32, #tpu.memory_space<vmem_shared>> -> memref<128x16xf32, #tpu.memory_space<vmem_shared>>
      tpu.enqueue_dma source(%arg8 : memref<128x16xf32, #tpu.memory_space<vmem>>) target(%dma_start3A_441 : memref<128x16xf32, #tpu.memory_space<vmem_shared>>) target_semaphore(%run_scoped3A : memref<!tpu.dma_semaphore, #tpu.memory_space<semaphore_mem>>)
      %dma_wait3A = arith.constant 0 : i32
      %dma_wait3A_442 = tpu.memref_slice %arg10[%add3A_12, %dma_wait3A] : memref<102400x16xf32, #tpu.memory_space<vmem_shared>> -> memref<128x16xf32, #tpu.memory_space<vmem_shared>>
      %dma_wait3A_443 = arith.constant 0 : i32
      %dma_wait3A_444 = tpu.memref_slice %arg10[%add3A_12, %dma_wait3A_443] : memref<102400x16xf32, #tpu.memory_space<vmem_shared>> -> memref<128x16xf32, #tpu.memory_space<vmem_shared>>
      tpu.wait_dma2 semaphore(%run_scoped3A : memref<!tpu.dma_semaphore, #tpu.memory_space<semaphore_mem>>) src(%arg8 : memref<128x16xf32, #tpu.memory_space<vmem>>) dst(%dma_wait3A_444 : memref<128x16xf32, #tpu.memory_space<vmem_shared>>)
      tpu.yield
    }) : () -> ()
    %mul3A_13 = arith.constant 6400 : i32
    %mul3A_14 = arith.muli %arg1, %mul3A_13 : i32
    %add3A_15 = arith.constant 128 : i32
    %add3A_16 = arith.addi %mul3A_14, %add3A_15 : i32
    "tpu.region"() ({
      %run_scoped3A = tpu.sem_alloc : memref<!tpu.dma_semaphore, #tpu.memory_space<semaphore_mem>>
      %dma_start3A = arith.constant 0 : i32
      %dma_start3A_439 = tpu.memref_slice %arg10[%add3A_16, %dma_start3A] : memref<102400x16xf32, #tpu.memory_space<vmem_shared>> -> memref<128x16xf32, #tpu.memory_space<vmem_shared>>
      %dma_start3A_440 = arith.constant 0 : i32
      %dma_start3A_441 = tpu.memref_slice %arg10[%add3A_16, %dma_start3A_440] : memref<102400x16xf32, #tpu.memory_space<vmem_shared>> -> memref<128x16xf32, #tpu.memory_space<vmem_shared>>
      tpu.enqueue_dma source(%arg8 : memref<128x16xf32, #tpu.memory_space<vmem>>) target(%dma_start3A_441 : memref<128x16xf32, #tpu.memory_space<vmem_shared>>) target_semaphore(%run_scoped3A : memref<!tpu.dma_semaphore, #tpu.memory_space<semaphore_mem>>)
      %dma_wait3A = arith.constant 0 : i32
      %dma_wait3A_442 = tpu.memref_slice %arg10[%add3A_16, %dma_wait3A] : memref<102400x16xf32, #tpu.memory_space<vmem_shared>> -> memref<128x16xf32, #tpu.memory_space<vmem_shared>>
      %dma_wait3A_443 = arith.constant 0 : i32
      %dma_wait3A_444 = tpu.memref_slice %arg10[%add3A_16, %dma_wait3A_443] : memref<102400x16xf32, #tpu.memory_space<vmem_shared>> -> memref<128x16xf32, #tpu.memory_space<vmem_shared>>
      tpu.wait_dma2 semaphore(%run_scoped3A : memref<!tpu.dma_semaphore, #tpu.memory_space<semaphore_mem>>) src(%arg8 : memref<128x16xf32, #tpu.memory_space<vmem>>) dst(%dma_wait3A_444 : memref<128x16xf32, #tpu.memory_space<vmem_shared>>)
      tpu.yield
    }) : () -> ()
    %mul3A_17 = arith.constant 6400 : i32
    %mul3A_18 = arith.muli %arg1, %mul3A_17 : i32
    %add3A_19 = arith.constant 256 : i32
    %add3A_20 = arith.addi %mul3A_18, %add3A_19 : i32
    "tpu.region"() ({
      %run_scoped3A = tpu.sem_alloc : memref<!tpu.dma_semaphore, #tpu.memory_space<semaphore_mem>>
      %dma_start3A = arith.constant 0 : i32
      %dma_start3A_439 = tpu.memref_slice %arg10[%add3A_20, %dma_start3A] : memref<102400x16xf32, #tpu.memory_space<vmem_shared>> -> memref<128x16xf32, #tpu.memory_space<vmem_shared>>
      %dma_start3A_440 = arith.constant 0 : i32
      %dma_start3A_441 = tpu.memref_slice %arg10[%add3A_20, %dma_start3A_440] : memref<102400x16xf32, #tpu.memory_space<vmem_shared>> -> memref<128x16xf32, #tpu.memory_space<vmem_shared>>
      tpu.enqueue_dma source(%arg8 : memref<128x16xf32, #tpu.memory_space<vmem>>) target(%dma_start3A_441 : memref<128x16xf32, #tpu.memory_space<vmem_shared>>) target_semaphore(%run_scoped3A : memref<!tpu.dma_semaphore, #tpu.memory_space<semaphore_mem>>)
      %dma_wait3A = arith.constant 0 : i32
      %dma_wait3A_442 = tpu.memref_slice %arg10[%add3A_20, %dma_wait3A] : memref<102400x16xf32, #tpu.memory_space<vmem_shared>> -> memref<128x16xf32, #tpu.memory_space<vmem_shared>>
      %dma_wait3A_443 = arith.constant 0 : i32
      %dma_wait3A_444 = tpu.memref_slice %arg10[%add3A_20, %dma_wait3A_443] : memref<102400x16xf32, #tpu.memory_space<vmem_shared>> -> memref<128x16xf32, #tpu.memory_space<vmem_shared>>
      tpu.wait_dma2 semaphore(%run_scoped3A : memref<!tpu.dma_semaphore, #tpu.memory_space<semaphore_mem>>) src(%arg8 : memref<128x16xf32, #tpu.memory_space<vmem>>) dst(%dma_wait3A_444 : memref<128x16xf32, #tpu.memory_space<vmem_shared>>)
      tpu.yield
    }) : () -> ()
    %mul3A_21 = arith.constant 6400 : i32
    %mul3A_22 = arith.muli %arg1, %mul3A_21 : i32
    %add3A_23 = arith.constant 384 : i32
    %add3A_24 = arith.addi %mul3A_22, %add3A_23 : i32
    "tpu.region"() ({
      %run_scoped3A = tpu.sem_alloc : memref<!tpu.dma_semaphore, #tpu.memory_space<semaphore_mem>>
      %dma_start3A = arith.constant 0 : i32
      %dma_start3A_439 = tpu.memref_slice %arg10[%add3A_24, %dma_start3A] : memref<102400x16xf32, #tpu.memory_space<vmem_shared>> -> memref<128x16xf32, #tpu.memory_space<vmem_shared>>
      %dma_start3A_440 = arith.constant 0 : i32
      %dma_start3A_441 = tpu.memref_slice %arg10[%add3A_24, %dma_start3A_440] : memref<102400x16xf32, #tpu.memory_space<vmem_shared>> -> memref<128x16xf32, #tpu.memory_space<vmem_shared>>
      tpu.enqueue_dma source(%arg8 : memref<128x16xf32, #tpu.memory_space<vmem>>) target(%dma_start3A_441 : memref<128x16xf32, #tpu.memory_space<vmem_shared>>) target_semaphore(%run_scoped3A : memref<!tpu.dma_semaphore, #tpu.memory_space<semaphore_mem>>)
      %dma_wait3A = arith.constant 0 : i32
      %dma_wait3A_442 = tpu.memref_slice %arg10[%add3A_24, %dma_wait3A] : memref<102400x16xf32, #tpu.memory_space<vmem_shared>> -> memref<128x16xf32, #tpu.memory_space<vmem_shared>>
      %dma_wait3A_443 = arith.constant 0 : i32
      %dma_wait3A_444 = tpu.memref_slice %arg10[%add3A_24, %dma_wait3A_443] : memref<102400x16xf32, #tpu.memory_space<vmem_shared>> -> memref<128x16xf32, #tpu.memory_space<vmem_shared>>
      tpu.wait_dma2 semaphore(%run_scoped3A : memref<!tpu.dma_semaphore, #tpu.memory_space<semaphore_mem>>) src(%arg8 : memref<128x16xf32, #tpu.memory_space<vmem>>) dst(%dma_wait3A_444 : memref<128x16xf32, #tpu.memory_space<vmem_shared>>)
      tpu.yield
    }) : () -> ()
    %mul3A_25 = arith.constant 6400 : i32
    %mul3A_26 = arith.muli %arg1, %mul3A_25 : i32
    %add3A_27 = arith.constant 512 : i32
    %add3A_28 = arith.addi %mul3A_26, %add3A_27 : i32
    "tpu.region"() ({
      %run_scoped3A = tpu.sem_alloc : memref<!tpu.dma_semaphore, #tpu.memory_space<semaphore_mem>>
      %dma_start3A = arith.constant 0 : i32
      %dma_start3A_439 = tpu.memref_slice %arg10[%add3A_28, %dma_start3A] : memref<102400x16xf32, #tpu.memory_space<vmem_shared>> -> memref<128x16xf32, #tpu.memory_space<vmem_shared>>
      %dma_start3A_440 = arith.constant 0 : i32
      %dma_start3A_441 = tpu.memref_slice %arg10[%add3A_28, %dma_start3A_440] : memref<102400x16xf32, #tpu.memory_space<vmem_shared>> -> memref<128x16xf32, #tpu.memory_space<vmem_shared>>
      tpu.enqueue_dma source(%arg8 : memref<128x16xf32, #tpu.memory_space<vmem>>) target(%dma_start3A_441 : memref<128x16xf32, #tpu.memory_space<vmem_shared>>) target_semaphore(%run_scoped3A : memref<!tpu.dma_semaphore, #tpu.memory_space<semaphore_mem>>)
      %dma_wait3A = arith.constant 0 : i32
      %dma_wait3A_442 = tpu.memref_slice %arg10[%add3A_28, %dma_wait3A] : memref<102400x16xf32, #tpu.memory_space<vmem_shared>> -> memref<128x16xf32, #tpu.memory_space<vmem_shared>>
      %dma_wait3A_443 = arith.constant 0 : i32
      %dma_wait3A_444 = tpu.memref_slice %arg10[%add3A_28, %dma_wait3A_443] : memref<102400x16xf32, #tpu.memory_space<vmem_shared>> -> memref<128x16xf32, #tpu.memory_space<vmem_shared>>
      tpu.wait_dma2 semaphore(%run_scoped3A : memref<!tpu.dma_semaphore, #tpu.memory_space<semaphore_mem>>) src(%arg8 : memref<128x16xf32, #tpu.memory_space<vmem>>) dst(%dma_wait3A_444 : memref<128x16xf32, #tpu.memory_space<vmem_shared>>)
      tpu.yield
    }) : () -> ()
    %mul3A_29 = arith.constant 6400 : i32
    %mul3A_30 = arith.muli %arg1, %mul3A_29 : i32
    %add3A_31 = arith.constant 640 : i32
    %add3A_32 = arith.addi %mul3A_30, %add3A_31 : i32
    "tpu.region"() ({
      %run_scoped3A = tpu.sem_alloc : memref<!tpu.dma_semaphore, #tpu.memory_space<semaphore_mem>>
      %dma_start3A = arith.constant 0 : i32
      %dma_start3A_439 = tpu.memref_slice %arg10[%add3A_32, %dma_start3A] : memref<102400x16xf32, #tpu.memory_space<vmem_shared>> -> memref<128x16xf32, #tpu.memory_space<vmem_shared>>
      %dma_start3A_440 = arith.constant 0 : i32
      %dma_start3A_441 = tpu.memref_slice %arg10[%add3A_32, %dma_start3A_440] : memref<102400x16xf32, #tpu.memory_space<vmem_shared>> -> memref<128x16xf32, #tpu.memory_space<vmem_shared>>
      tpu.enqueue_dma source(%arg8 : memref<128x16xf32, #tpu.memory_space<vmem>>) target(%dma_start3A_441 : memref<128x16xf32, #tpu.memory_space<vmem_shared>>) target_semaphore(%run_scoped3A : memref<!tpu.dma_semaphore, #tpu.memory_space<semaphore_mem>>)
      %dma_wait3A = arith.constant 0 : i32
      %dma_wait3A_442 = tpu.memref_slice %arg10[%add3A_32, %dma_wait3A] : memref<102400x16xf32, #tpu.memory_space<vmem_shared>> -> memref<128x16xf32, #tpu.memory_space<vmem_shared>>
      %dma_wait3A_443 = arith.constant 0 : i32
      %dma_wait3A_444 = tpu.memref_slice %arg10[%add3A_32, %dma_wait3A_443] : memref<102400x16xf32, #tpu.memory_space<vmem_shared>> -> memref<128x16xf32, #tpu.memory_space<vmem_shared>>
      tpu.wait_dma2 semaphore(%run_scoped3A : memref<!tpu.dma_semaphore, #tpu.memory_space<semaphore_mem>>) src(%arg8 : memref<128x16xf32, #tpu.memory_space<vmem>>) dst(%dma_wait3A_444 : memref<128x16xf32, #tpu.memory_space<vmem_shared>>)
      tpu.yield
    }) : () -> ()
    %mul3A_33 = arith.constant 6400 : i32
    %mul3A_34 = arith.muli %arg1, %mul3A_33 : i32
    %add3A_35 = arith.constant 768 : i32
    %add3A_36 = arith.addi %mul3A_34, %add3A_35 : i32
    "tpu.region"() ({
      %run_scoped3A = tpu.sem_alloc : memref<!tpu.dma_semaphore, #tpu.memory_space<semaphore_mem>>
      %dma_start3A = arith.constant 0 : i32
      %dma_start3A_439 = tpu.memref_slice %arg10[%add3A_36, %dma_start3A] : memref<102400x16xf32, #tpu.memory_space<vmem_shared>> -> memref<128x16xf32, #tpu.memory_space<vmem_shared>>
      %dma_start3A_440 = arith.constant 0 : i32
      %dma_start3A_441 = tpu.memref_slice %arg10[%add3A_36, %dma_start3A_440] : memref<102400x16xf32, #tpu.memory_space<vmem_shared>> -> memref<128x16xf32, #tpu.memory_space<vmem_shared>>
      tpu.enqueue_dma source(%arg8 : memref<128x16xf32, #tpu.memory_space<vmem>>) target(%dma_start3A_441 : memref<128x16xf32, #tpu.memory_space<vmem_shared>>) target_semaphore(%run_scoped3A : memref<!tpu.dma_semaphore, #tpu.memory_space<semaphore_mem>>)
      %dma_wait3A = arith.constant 0 : i32
      %dma_wait3A_442 = tpu.memref_slice %arg10[%add3A_36, %dma_wait3A] : memref<102400x16xf32, #tpu.memory_space<vmem_shared>> -> memref<128x16xf32, #tpu.memory_space<vmem_shared>>
      %dma_wait3A_443 = arith.constant 0 : i32
      %dma_wait3A_444 = tpu.memref_slice %arg10[%add3A_36, %dma_wait3A_443] : memref<102400x16xf32, #tpu.memory_space<vmem_shared>> -> memref<128x16xf32, #tpu.memory_space<vmem_shared>>
      tpu.wait_dma2 semaphore(%run_scoped3A : memref<!tpu.dma_semaphore, #tpu.memory_space<semaphore_mem>>) src(%arg8 : memref<128x16xf32, #tpu.memory_space<vmem>>) dst(%dma_wait3A_444 : memref<128x16xf32, #tpu.memory_space<vmem_shared>>)
      tpu.yield
    }) : () -> ()
    %mul3A_37 = arith.constant 6400 : i32
    %mul3A_38 = arith.muli %arg1, %mul3A_37 : i32
    %add3A_39 = arith.constant 896 : i32
    %add3A_40 = arith.addi %mul3A_38, %add3A_39 : i32
    "tpu.region"() ({
      %run_scoped3A = tpu.sem_alloc : memref<!tpu.dma_semaphore, #tpu.memory_space<semaphore_mem>>
      %dma_start3A = arith.constant 0 : i32
      %dma_start3A_439 = tpu.memref_slice %arg10[%add3A_40, %dma_start3A] : memref<102400x16xf32, #tpu.memory_space<vmem_shared>> -> memref<128x16xf32, #tpu.memory_space<vmem_shared>>
      %dma_start3A_440 = arith.constant 0 : i32
      %dma_start3A_441 = tpu.memref_slice %arg10[%add3A_40, %dma_start3A_440] : memref<102400x16xf32, #tpu.memory_space<vmem_shared>> -> memref<128x16xf32, #tpu.memory_space<vmem_shared>>
      tpu.enqueue_dma source(%arg8 : memref<128x16xf32, #tpu.memory_space<vmem>>) target(%dma_start3A_441 : memref<128x16xf32, #tpu.memory_space<vmem_shared>>) target_semaphore(%run_scoped3A : memref<!tpu.dma_semaphore, #tpu.memory_space<semaphore_mem>>)
      %dma_wait3A = arith.constant 0 : i32
      %dma_wait3A_442 = tpu.memref_slice %arg10[%add3A_40, %dma_wait3A] : memref<102400x16xf32, #tpu.memory_space<vmem_shared>> -> memref<128x16xf32, #tpu.memory_space<vmem_shared>>
      %dma_wait3A_443 = arith.constant 0 : i32
      %dma_wait3A_444 = tpu.memref_slice %arg10[%add3A_40, %dma_wait3A_443] : memref<102400x16xf32, #tpu.memory_space<vmem_shared>> -> memref<128x16xf32, #tpu.memory_space<vmem_shared>>
      tpu.wait_dma2 semaphore(%run_scoped3A : memref<!tpu.dma_semaphore, #tpu.memory_space<semaphore_mem>>) src(%arg8 : memref<128x16xf32, #tpu.memory_space<vmem>>) dst(%dma_wait3A_444 : memref<128x16xf32, #tpu.memory_space<vmem_shared>>)
      tpu.yield
    }) : () -> ()
    %mul3A_41 = arith.constant 6400 : i32
    %mul3A_42 = arith.muli %arg1, %mul3A_41 : i32
    %add3A_43 = arith.constant 1024 : i32
    %add3A_44 = arith.addi %mul3A_42, %add3A_43 : i32
    "tpu.region"() ({
      %run_scoped3A = tpu.sem_alloc : memref<!tpu.dma_semaphore, #tpu.memory_space<semaphore_mem>>
      %dma_start3A = arith.constant 0 : i32
      %dma_start3A_439 = tpu.memref_slice %arg10[%add3A_44, %dma_start3A] : memref<102400x16xf32, #tpu.memory_space<vmem_shared>> -> memref<128x16xf32, #tpu.memory_space<vmem_shared>>
      %dma_start3A_440 = arith.constant 0 : i32
      %dma_start3A_441 = tpu.memref_slice %arg10[%add3A_44, %dma_start3A_440] : memref<102400x16xf32, #tpu.memory_space<vmem_shared>> -> memref<128x16xf32, #tpu.memory_space<vmem_shared>>
      tpu.enqueue_dma source(%arg8 : memref<128x16xf32, #tpu.memory_space<vmem>>) target(%dma_start3A_441 : memref<128x16xf32, #tpu.memory_space<vmem_shared>>) target_semaphore(%run_scoped3A : memref<!tpu.dma_semaphore, #tpu.memory_space<semaphore_mem>>)
      %dma_wait3A = arith.constant 0 : i32
      %dma_wait3A_442 = tpu.memref_slice %arg10[%add3A_44, %dma_wait3A] : memref<102400x16xf32, #tpu.memory_space<vmem_shared>> -> memref<128x16xf32, #tpu.memory_space<vmem_shared>>
      %dma_wait3A_443 = arith.constant 0 : i32
      %dma_wait3A_444 = tpu.memref_slice %arg10[%add3A_44, %dma_wait3A_443] : memref<102400x16xf32, #tpu.memory_space<vmem_shared>> -> memref<128x16xf32, #tpu.memory_space<vmem_shared>>
      tpu.wait_dma2 semaphore(%run_scoped3A : memref<!tpu.dma_semaphore, #tpu.memory_space<semaphore_mem>>) src(%arg8 : memref<128x16xf32, #tpu.memory_space<vmem>>) dst(%dma_wait3A_444 : memref<128x16xf32, #tpu.memory_space<vmem_shared>>)
      tpu.yield
    }) : () -> ()
    %mul3A_45 = arith.constant 6400 : i32
    %mul3A_46 = arith.muli %arg1, %mul3A_45 : i32
    %add3A_47 = arith.constant 1152 : i32
    %add3A_48 = arith.addi %mul3A_46, %add3A_47 : i32
    "tpu.region"() ({
      %run_scoped3A = tpu.sem_alloc : memref<!tpu.dma_semaphore, #tpu.memory_space<semaphore_mem>>
      %dma_start3A = arith.constant 0 : i32
      %dma_start3A_439 = tpu.memref_slice %arg10[%add3A_48, %dma_start3A] : memref<102400x16xf32, #tpu.memory_space<vmem_shared>> -> memref<128x16xf32, #tpu.memory_space<vmem_shared>>
      %dma_start3A_440 = arith.constant 0 : i32
      %dma_start3A_441 = tpu.memref_slice %arg10[%add3A_48, %dma_start3A_440] : memref<102400x16xf32, #tpu.memory_space<vmem_shared>> -> memref<128x16xf32, #tpu.memory_space<vmem_shared>>
      tpu.enqueue_dma source(%arg8 : memref<128x16xf32, #tpu.memory_space<vmem>>) target(%dma_start3A_441 : memref<128x16xf32, #tpu.memory_space<vmem_shared>>) target_semaphore(%run_scoped3A : memref<!tpu.dma_semaphore, #tpu.memory_space<semaphore_mem>>)
      %dma_wait3A = arith.constant 0 : i32
      %dma_wait3A_442 = tpu.memref_slice %arg10[%add3A_48, %dma_wait3A] : memref<102400x16xf32, #tpu.memory_space<vmem_shared>> -> memref<128x16xf32, #tpu.memory_space<vmem_shared>>
      %dma_wait3A_443 = arith.constant 0 : i32
      %dma_wait3A_444 = tpu.memref_slice %arg10[%add3A_48, %dma_wait3A_443] : memref<102400x16xf32, #tpu.memory_space<vmem_shared>> -> memref<128x16xf32, #tpu.memory_space<vmem_shared>>
      tpu.wait_dma2 semaphore(%run_scoped3A : memref<!tpu.dma_semaphore, #tpu.memory_space<semaphore_mem>>) src(%arg8 : memref<128x16xf32, #tpu.memory_space<vmem>>) dst(%dma_wait3A_444 : memref<128x16xf32, #tpu.memory_space<vmem_shared>>)
      tpu.yield
    }) : () -> ()
    %mul3A_49 = arith.constant 6400 : i32
    %mul3A_50 = arith.muli %arg1, %mul3A_49 : i32
    %add3A_51 = arith.constant 1280 : i32
    %add3A_52 = arith.addi %mul3A_50, %add3A_51 : i32
    "tpu.region"() ({
      %run_scoped3A = tpu.sem_alloc : memref<!tpu.dma_semaphore, #tpu.memory_space<semaphore_mem>>
      %dma_start3A = arith.constant 0 : i32
      %dma_start3A_439 = tpu.memref_slice %arg10[%add3A_52, %dma_start3A] : memref<102400x16xf32, #tpu.memory_space<vmem_shared>> -> memref<128x16xf32, #tpu.memory_space<vmem_shared>>
      %dma_start3A_440 = arith.constant 0 : i32
      %dma_start3A_441 = tpu.memref_slice %arg10[%add3A_52, %dma_start3A_440] : memref<102400x16xf32, #tpu.memory_space<vmem_shared>> -> memref<128x16xf32, #tpu.memory_space<vmem_shared>>
      tpu.enqueue_dma source(%arg8 : memref<128x16xf32, #tpu.memory_space<vmem>>) target(%dma_start3A_441 : memref<128x16xf32, #tpu.memory_space<vmem_shared>>) target_semaphore(%run_scoped3A : memref<!tpu.dma_semaphore, #tpu.memory_space<semaphore_mem>>)
      %dma_wait3A = arith.constant 0 : i32
      %dma_wait3A_442 = tpu.memref_slice %arg10[%add3A_52, %dma_wait3A] : memref<102400x16xf32, #tpu.memory_space<vmem_shared>> -> memref<128x16xf32, #tpu.memory_space<vmem_shared>>
      %dma_wait3A_443 = arith.constant 0 : i32
      %dma_wait3A_444 = tpu.memref_slice %arg10[%add3A_52, %dma_wait3A_443] : memref<102400x16xf32, #tpu.memory_space<vmem_shared>> -> memref<128x16xf32, #tpu.memory_space<vmem_shared>>
      tpu.wait_dma2 semaphore(%run_scoped3A : memref<!tpu.dma_semaphore, #tpu.memory_space<semaphore_mem>>) src(%arg8 : memref<128x16xf32, #tpu.memory_space<vmem>>) dst(%dma_wait3A_444 : memref<128x16xf32, #tpu.memory_space<vmem_shared>>)
      tpu.yield
    }) : () -> ()
    %mul3A_53 = arith.constant 6400 : i32
    %mul3A_54 = arith.muli %arg1, %mul3A_53 : i32
    %add3A_55 = arith.constant 1408 : i32
    %add3A_56 = arith.addi %mul3A_54, %add3A_55 : i32
    "tpu.region"() ({
      %run_scoped3A = tpu.sem_alloc : memref<!tpu.dma_semaphore, #tpu.memory_space<semaphore_mem>>
      %dma_start3A = arith.constant 0 : i32
      %dma_start3A_439 = tpu.memref_slice %arg10[%add3A_56, %dma_start3A] : memref<102400x16xf32, #tpu.memory_space<vmem_shared>> -> memref<128x16xf32, #tpu.memory_space<vmem_shared>>
      %dma_start3A_440 = arith.constant 0 : i32
      %dma_start3A_441 = tpu.memref_slice %arg10[%add3A_56, %dma_start3A_440] : memref<102400x16xf32, #tpu.memory_space<vmem_shared>> -> memref<128x16xf32, #tpu.memory_space<vmem_shared>>
      tpu.enqueue_dma source(%arg8 : memref<128x16xf32, #tpu.memory_space<vmem>>) target(%dma_start3A_441 : memref<128x16xf32, #tpu.memory_space<vmem_shared>>) target_semaphore(%run_scoped3A : memref<!tpu.dma_semaphore, #tpu.memory_space<semaphore_mem>>)
      %dma_wait3A = arith.constant 0 : i32
      %dma_wait3A_442 = tpu.memref_slice %arg10[%add3A_56, %dma_wait3A] : memref<102400x16xf32, #tpu.memory_space<vmem_shared>> -> memref<128x16xf32, #tpu.memory_space<vmem_shared>>
      %dma_wait3A_443 = arith.constant 0 : i32
      %dma_wait3A_444 = tpu.memref_slice %arg10[%add3A_56, %dma_wait3A_443] : memref<102400x16xf32, #tpu.memory_space<vmem_shared>> -> memref<128x16xf32, #tpu.memory_space<vmem_shared>>
      tpu.wait_dma2 semaphore(%run_scoped3A : memref<!tpu.dma_semaphore, #tpu.memory_space<semaphore_mem>>) src(%arg8 : memref<128x16xf32, #tpu.memory_space<vmem>>) dst(%dma_wait3A_444 : memref<128x16xf32, #tpu.memory_space<vmem_shared>>)
      tpu.yield
    }) : () -> ()
    %mul3A_57 = arith.constant 6400 : i32
    %mul3A_58 = arith.muli %arg1, %mul3A_57 : i32
    %add3A_59 = arith.constant 1536 : i32
    %add3A_60 = arith.addi %mul3A_58, %add3A_59 : i32
    "tpu.region"() ({
      %run_scoped3A = tpu.sem_alloc : memref<!tpu.dma_semaphore, #tpu.memory_space<semaphore_mem>>
      %dma_start3A = arith.constant 0 : i32
      %dma_start3A_439 = tpu.memref_slice %arg10[%add3A_60, %dma_start3A] : memref<102400x16xf32, #tpu.memory_space<vmem_shared>> -> memref<128x16xf32, #tpu.memory_space<vmem_shared>>
      %dma_start3A_440 = arith.constant 0 : i32
      %dma_start3A_441 = tpu.memref_slice %arg10[%add3A_60, %dma_start3A_440] : memref<102400x16xf32, #tpu.memory_space<vmem_shared>> -> memref<128x16xf32, #tpu.memory_space<vmem_shared>>
      tpu.enqueue_dma source(%arg8 : memref<128x16xf32, #tpu.memory_space<vmem>>) target(%dma_start3A_441 : memref<128x16xf32, #tpu.memory_space<vmem_shared>>) target_semaphore(%run_scoped3A : memref<!tpu.dma_semaphore, #tpu.memory_space<semaphore_mem>>)
      %dma_wait3A = arith.constant 0 : i32
      %dma_wait3A_442 = tpu.memref_slice %arg10[%add3A_60, %dma_wait3A] : memref<102400x16xf32, #tpu.memory_space<vmem_shared>> -> memref<128x16xf32, #tpu.memory_space<vmem_shared>>
      %dma_wait3A_443 = arith.constant 0 : i32
      %dma_wait3A_444 = tpu.memref_slice %arg10[%add3A_60, %dma_wait3A_443] : memref<102400x16xf32, #tpu.memory_space<vmem_shared>> -> memref<128x16xf32, #tpu.memory_space<vmem_shared>>
      tpu.wait_dma2 semaphore(%run_scoped3A : memref<!tpu.dma_semaphore, #tpu.memory_space<semaphore_mem>>) src(%arg8 : memref<128x16xf32, #tpu.memory_space<vmem>>) dst(%dma_wait3A_444 : memref<128x16xf32, #tpu.memory_space<vmem_shared>>)
      tpu.yield
    }) : () -> ()
    %mul3A_61 = arith.constant 6400 : i32
    %mul3A_62 = arith.muli %arg1, %mul3A_61 : i32
    %add3A_63 = arith.constant 1664 : i32
    %add3A_64 = arith.addi %mul3A_62, %add3A_63 : i32
    "tpu.region"() ({
      %run_scoped3A = tpu.sem_alloc : memref<!tpu.dma_semaphore, #tpu.memory_space<semaphore_mem>>
      %dma_start3A = arith.constant 0 : i32
      %dma_start3A_439 = tpu.memref_slice %arg10[%add3A_64, %dma_start3A] : memref<102400x16xf32, #tpu.memory_space<vmem_shared>> -> memref<128x16xf32, #tpu.memory_space<vmem_shared>>
      %dma_start3A_440 = arith.constant 0 : i32
      %dma_start3A_441 = tpu.memref_slice %arg10[%add3A_64, %dma_start3A_440] : memref<102400x16xf32, #tpu.memory_space<vmem_shared>> -> memref<128x16xf32, #tpu.memory_space<vmem_shared>>
      tpu.enqueue_dma source(%arg8 : memref<128x16xf32, #tpu.memory_space<vmem>>) target(%dma_start3A_441 : memref<128x16xf32, #tpu.memory_space<vmem_shared>>) target_semaphore(%run_scoped3A : memref<!tpu.dma_semaphore, #tpu.memory_space<semaphore_mem>>)
      %dma_wait3A = arith.constant 0 : i32
      %dma_wait3A_442 = tpu.memref_slice %arg10[%add3A_64, %dma_wait3A] : memref<102400x16xf32, #tpu.memory_space<vmem_shared>> -> memref<128x16xf32, #tpu.memory_space<vmem_shared>>
      %dma_wait3A_443 = arith.constant 0 : i32
      %dma_wait3A_444 = tpu.memref_slice %arg10[%add3A_64, %dma_wait3A_443] : memref<102400x16xf32, #tpu.memory_space<vmem_shared>> -> memref<128x16xf32, #tpu.memory_space<vmem_shared>>
      tpu.wait_dma2 semaphore(%run_scoped3A : memref<!tpu.dma_semaphore, #tpu.memory_space<semaphore_mem>>) src(%arg8 : memref<128x16xf32, #tpu.memory_space<vmem>>) dst(%dma_wait3A_444 : memref<128x16xf32, #tpu.memory_space<vmem_shared>>)
      tpu.yield
    }) : () -> ()
    %mul3A_65 = arith.constant 6400 : i32
    %mul3A_66 = arith.muli %arg1, %mul3A_65 : i32
    %add3A_67 = arith.constant 1792 : i32
    %add3A_68 = arith.addi %mul3A_66, %add3A_67 : i32
    "tpu.region"() ({
      %run_scoped3A = tpu.sem_alloc : memref<!tpu.dma_semaphore, #tpu.memory_space<semaphore_mem>>
      %dma_start3A = arith.constant 0 : i32
      %dma_start3A_439 = tpu.memref_slice %arg10[%add3A_68, %dma_start3A] : memref<102400x16xf32, #tpu.memory_space<vmem_shared>> -> memref<128x16xf32, #tpu.memory_space<vmem_shared>>
      %dma_start3A_440 = arith.constant 0 : i32
      %dma_start3A_441 = tpu.memref_slice %arg10[%add3A_68, %dma_start3A_440] : memref<102400x16xf32, #tpu.memory_space<vmem_shared>> -> memref<128x16xf32, #tpu.memory_space<vmem_shared>>
      tpu.enqueue_dma source(%arg8 : memref<128x16xf32, #tpu.memory_space<vmem>>) target(%dma_start3A_441 : memref<128x16xf32, #tpu.memory_space<vmem_shared>>) target_semaphore(%run_scoped3A : memref<!tpu.dma_semaphore, #tpu.memory_space<semaphore_mem>>)
      %dma_wait3A = arith.constant 0 : i32
      %dma_wait3A_442 = tpu.memref_slice %arg10[%add3A_68, %dma_wait3A] : memref<102400x16xf32, #tpu.memory_space<vmem_shared>> -> memref<128x16xf32, #tpu.memory_space<vmem_shared>>
      %dma_wait3A_443 = arith.constant 0 : i32
      %dma_wait3A_444 = tpu.memref_slice %arg10[%add3A_68, %dma_wait3A_443] : memref<102400x16xf32, #tpu.memory_space<vmem_shared>> -> memref<128x16xf32, #tpu.memory_space<vmem_shared>>
      tpu.wait_dma2 semaphore(%run_scoped3A : memref<!tpu.dma_semaphore, #tpu.memory_space<semaphore_mem>>) src(%arg8 : memref<128x16xf32, #tpu.memory_space<vmem>>) dst(%dma_wait3A_444 : memref<128x16xf32, #tpu.memory_space<vmem_shared>>)
      tpu.yield
    }) : () -> ()
    %mul3A_69 = arith.constant 6400 : i32
    %mul3A_70 = arith.muli %arg1, %mul3A_69 : i32
    %add3A_71 = arith.constant 1920 : i32
    %add3A_72 = arith.addi %mul3A_70, %add3A_71 : i32
    "tpu.region"() ({
      %run_scoped3A = tpu.sem_alloc : memref<!tpu.dma_semaphore, #tpu.memory_space<semaphore_mem>>
      %dma_start3A = arith.constant 0 : i32
      %dma_start3A_439 = tpu.memref_slice %arg10[%add3A_72, %dma_start3A] : memref<102400x16xf32, #tpu.memory_space<vmem_shared>> -> memref<128x16xf32, #tpu.memory_space<vmem_shared>>
      %dma_start3A_440 = arith.constant 0 : i32
      %dma_start3A_441 = tpu.memref_slice %arg10[%add3A_72, %dma_start3A_440] : memref<102400x16xf32, #tpu.memory_space<vmem_shared>> -> memref<128x16xf32, #tpu.memory_space<vmem_shared>>
      tpu.enqueue_dma source(%arg8 : memref<128x16xf32, #tpu.memory_space<vmem>>) target(%dma_start3A_441 : memref<128x16xf32, #tpu.memory_space<vmem_shared>>) target_semaphore(%run_scoped3A : memref<!tpu.dma_semaphore, #tpu.memory_space<semaphore_mem>>)
      %dma_wait3A = arith.constant 0 : i32
      %dma_wait3A_442 = tpu.memref_slice %arg10[%add3A_72, %dma_wait3A] : memref<102400x16xf32, #tpu.memory_space<vmem_shared>> -> memref<128x16xf32, #tpu.memory_space<vmem_shared>>
      %dma_wait3A_443 = arith.constant 0 : i32
      %dma_wait3A_444 = tpu.memref_slice %arg10[%add3A_72, %dma_wait3A_443] : memref<102400x16xf32, #tpu.memory_space<vmem_shared>> -> memref<128x16xf32, #tpu.memory_space<vmem_shared>>
      tpu.wait_dma2 semaphore(%run_scoped3A : memref<!tpu.dma_semaphore, #tpu.memory_space<semaphore_mem>>) src(%arg8 : memref<128x16xf32, #tpu.memory_space<vmem>>) dst(%dma_wait3A_444 : memref<128x16xf32, #tpu.memory_space<vmem_shared>>)
      tpu.yield
    }) : () -> ()
    %mul3A_73 = arith.constant 6400 : i32
    %mul3A_74 = arith.muli %arg1, %mul3A_73 : i32
    %add3A_75 = arith.constant 2048 : i32
    %add3A_76 = arith.addi %mul3A_74, %add3A_75 : i32
    "tpu.region"() ({
      %run_scoped3A = tpu.sem_alloc : memref<!tpu.dma_semaphore, #tpu.memory_space<semaphore_mem>>
      %dma_start3A = arith.constant 0 : i32
      %dma_start3A_439 = tpu.memref_slice %arg10[%add3A_76, %dma_start3A] : memref<102400x16xf32, #tpu.memory_space<vmem_shared>> -> memref<128x16xf32, #tpu.memory_space<vmem_shared>>
      %dma_start3A_440 = arith.constant 0 : i32
      %dma_start3A_441 = tpu.memref_slice %arg10[%add3A_76, %dma_start3A_440] : memref<102400x16xf32, #tpu.memory_space<vmem_shared>> -> memref<128x16xf32, #tpu.memory_space<vmem_shared>>
      tpu.enqueue_dma source(%arg8 : memref<128x16xf32, #tpu.memory_space<vmem>>) target(%dma_start3A_441 : memref<128x16xf32, #tpu.memory_space<vmem_shared>>) target_semaphore(%run_scoped3A : memref<!tpu.dma_semaphore, #tpu.memory_space<semaphore_mem>>)
      %dma_wait3A = arith.constant 0 : i32
      %dma_wait3A_442 = tpu.memref_slice %arg10[%add3A_76, %dma_wait3A] : memref<102400x16xf32, #tpu.memory_space<vmem_shared>> -> memref<128x16xf32, #tpu.memory_space<vmem_shared>>
      %dma_wait3A_443 = arith.constant 0 : i32
      %dma_wait3A_444 = tpu.memref_slice %arg10[%add3A_76, %dma_wait3A_443] : memref<102400x16xf32, #tpu.memory_space<vmem_shared>> -> memref<128x16xf32, #tpu.memory_space<vmem_shared>>
      tpu.wait_dma2 semaphore(%run_scoped3A : memref<!tpu.dma_semaphore, #tpu.memory_space<semaphore_mem>>) src(%arg8 : memref<128x16xf32, #tpu.memory_space<vmem>>) dst(%dma_wait3A_444 : memref<128x16xf32, #tpu.memory_space<vmem_shared>>)
      tpu.yield
    }) : () -> ()
    %mul3A_77 = arith.constant 6400 : i32
    %mul3A_78 = arith.muli %arg1, %mul3A_77 : i32
    %add3A_79 = arith.constant 2176 : i32
    %add3A_80 = arith.addi %mul3A_78, %add3A_79 : i32
    "tpu.region"() ({
      %run_scoped3A = tpu.sem_alloc : memref<!tpu.dma_semaphore, #tpu.memory_space<semaphore_mem>>
      %dma_start3A = arith.constant 0 : i32
      %dma_start3A_439 = tpu.memref_slice %arg10[%add3A_80, %dma_start3A] : memref<102400x16xf32, #tpu.memory_space<vmem_shared>> -> memref<128x16xf32, #tpu.memory_space<vmem_shared>>
      %dma_start3A_440 = arith.constant 0 : i32
      %dma_start3A_441 = tpu.memref_slice %arg10[%add3A_80, %dma_start3A_440] : memref<102400x16xf32, #tpu.memory_space<vmem_shared>> -> memref<128x16xf32, #tpu.memory_space<vmem_shared>>
      tpu.enqueue_dma source(%arg8 : memref<128x16xf32, #tpu.memory_space<vmem>>) target(%dma_start3A_441 : memref<128x16xf32, #tpu.memory_space<vmem_shared>>) target_semaphore(%run_scoped3A : memref<!tpu.dma_semaphore, #tpu.memory_space<semaphore_mem>>)
      %dma_wait3A = arith.constant 0 : i32
      %dma_wait3A_442 = tpu.memref_slice %arg10[%add3A_80, %dma_wait3A] : memref<102400x16xf32, #tpu.memory_space<vmem_shared>> -> memref<128x16xf32, #tpu.memory_space<vmem_shared>>
      %dma_wait3A_443 = arith.constant 0 : i32
      %dma_wait3A_444 = tpu.memref_slice %arg10[%add3A_80, %dma_wait3A_443] : memref<102400x16xf32, #tpu.memory_space<vmem_shared>> -> memref<128x16xf32, #tpu.memory_space<vmem_shared>>
      tpu.wait_dma2 semaphore(%run_scoped3A : memref<!tpu.dma_semaphore, #tpu.memory_space<semaphore_mem>>) src(%arg8 : memref<128x16xf32, #tpu.memory_space<vmem>>) dst(%dma_wait3A_444 : memref<128x16xf32, #tpu.memory_space<vmem_shared>>)
      tpu.yield
    }) : () -> ()
    %mul3A_81 = arith.constant 6400 : i32
    %mul3A_82 = arith.muli %arg1, %mul3A_81 : i32
    %add3A_83 = arith.constant 2304 : i32
    %add3A_84 = arith.addi %mul3A_82, %add3A_83 : i32
    "tpu.region"() ({
      %run_scoped3A = tpu.sem_alloc : memref<!tpu.dma_semaphore, #tpu.memory_space<semaphore_mem>>
      %dma_start3A = arith.constant 0 : i32
      %dma_start3A_439 = tpu.memref_slice %arg10[%add3A_84, %dma_start3A] : memref<102400x16xf32, #tpu.memory_space<vmem_shared>> -> memref<128x16xf32, #tpu.memory_space<vmem_shared>>
      %dma_start3A_440 = arith.constant 0 : i32
      %dma_start3A_441 = tpu.memref_slice %arg10[%add3A_84, %dma_start3A_440] : memref<102400x16xf32, #tpu.memory_space<vmem_shared>> -> memref<128x16xf32, #tpu.memory_space<vmem_shared>>
      tpu.enqueue_dma source(%arg8 : memref<128x16xf32, #tpu.memory_space<vmem>>) target(%dma_start3A_441 : memref<128x16xf32, #tpu.memory_space<vmem_shared>>) target_semaphore(%run_scoped3A : memref<!tpu.dma_semaphore, #tpu.memory_space<semaphore_mem>>)
      %dma_wait3A = arith.constant 0 : i32
      %dma_wait3A_442 = tpu.memref_slice %arg10[%add3A_84, %dma_wait3A] : memref<102400x16xf32, #tpu.memory_space<vmem_shared>> -> memref<128x16xf32, #tpu.memory_space<vmem_shared>>
      %dma_wait3A_443 = arith.constant 0 : i32
      %dma_wait3A_444 = tpu.memref_slice %arg10[%add3A_84, %dma_wait3A_443] : memref<102400x16xf32, #tpu.memory_space<vmem_shared>> -> memref<128x16xf32, #tpu.memory_space<vmem_shared>>
      tpu.wait_dma2 semaphore(%run_scoped3A : memref<!tpu.dma_semaphore, #tpu.memory_space<semaphore_mem>>) src(%arg8 : memref<128x16xf32, #tpu.memory_space<vmem>>) dst(%dma_wait3A_444 : memref<128x16xf32, #tpu.memory_space<vmem_shared>>)
      tpu.yield
    }) : () -> ()
    %mul3A_85 = arith.constant 6400 : i32
    %mul3A_86 = arith.muli %arg1, %mul3A_85 : i32
    %add3A_87 = arith.constant 2432 : i32
    %add3A_88 = arith.addi %mul3A_86, %add3A_87 : i32
    "tpu.region"() ({
      %run_scoped3A = tpu.sem_alloc : memref<!tpu.dma_semaphore, #tpu.memory_space<semaphore_mem>>
      %dma_start3A = arith.constant 0 : i32
      %dma_start3A_439 = tpu.memref_slice %arg10[%add3A_88, %dma_start3A] : memref<102400x16xf32, #tpu.memory_space<vmem_shared>> -> memref<128x16xf32, #tpu.memory_space<vmem_shared>>
      %dma_start3A_440 = arith.constant 0 : i32
      %dma_start3A_441 = tpu.memref_slice %arg10[%add3A_88, %dma_start3A_440] : memref<102400x16xf32, #tpu.memory_space<vmem_shared>> -> memref<128x16xf32, #tpu.memory_space<vmem_shared>>
      tpu.enqueue_dma source(%arg8 : memref<128x16xf32, #tpu.memory_space<vmem>>) target(%dma_start3A_441 : memref<128x16xf32, #tpu.memory_space<vmem_shared>>) target_semaphore(%run_scoped3A : memref<!tpu.dma_semaphore, #tpu.memory_space<semaphore_mem>>)
      %dma_wait3A = arith.constant 0 : i32
      %dma_wait3A_442 = tpu.memref_slice %arg10[%add3A_88, %dma_wait3A] : memref<102400x16xf32, #tpu.memory_space<vmem_shared>> -> memref<128x16xf32, #tpu.memory_space<vmem_shared>>
      %dma_wait3A_443 = arith.constant 0 : i32
      %dma_wait3A_444 = tpu.memref_slice %arg10[%add3A_88, %dma_wait3A_443] : memref<102400x16xf32, #tpu.memory_space<vmem_shared>> -> memref<128x16xf32, #tpu.memory_space<vmem_shared>>
      tpu.wait_dma2 semaphore(%run_scoped3A : memref<!tpu.dma_semaphore, #tpu.memory_space<semaphore_mem>>) src(%arg8 : memref<128x16xf32, #tpu.memory_space<vmem>>) dst(%dma_wait3A_444 : memref<128x16xf32, #tpu.memory_space<vmem_shared>>)
      tpu.yield
    }) : () -> ()
    %mul3A_89 = arith.constant 6400 : i32
    %mul3A_90 = arith.muli %arg1, %mul3A_89 : i32
    %add3A_91 = arith.constant 2560 : i32
    %add3A_92 = arith.addi %mul3A_90, %add3A_91 : i32
    "tpu.region"() ({
      %run_scoped3A = tpu.sem_alloc : memref<!tpu.dma_semaphore, #tpu.memory_space<semaphore_mem>>
      %dma_start3A = arith.constant 0 : i32
      %dma_start3A_439 = tpu.memref_slice %arg10[%add3A_92, %dma_start3A] : memref<102400x16xf32, #tpu.memory_space<vmem_shared>> -> memref<128x16xf32, #tpu.memory_space<vmem_shared>>
      %dma_start3A_440 = arith.constant 0 : i32
      %dma_start3A_441 = tpu.memref_slice %arg10[%add3A_92, %dma_start3A_440] : memref<102400x16xf32, #tpu.memory_space<vmem_shared>> -> memref<128x16xf32, #tpu.memory_space<vmem_shared>>
      tpu.enqueue_dma source(%arg8 : memref<128x16xf32, #tpu.memory_space<vmem>>) target(%dma_start3A_441 : memref<128x16xf32, #tpu.memory_space<vmem_shared>>) target_semaphore(%run_scoped3A : memref<!tpu.dma_semaphore, #tpu.memory_space<semaphore_mem>>)
      %dma_wait3A = arith.constant 0 : i32
      %dma_wait3A_442 = tpu.memref_slice %arg10[%add3A_92, %dma_wait3A] : memref<102400x16xf32, #tpu.memory_space<vmem_shared>> -> memref<128x16xf32, #tpu.memory_space<vmem_shared>>
      %dma_wait3A_443 = arith.constant 0 : i32
      %dma_wait3A_444 = tpu.memref_slice %arg10[%add3A_92, %dma_wait3A_443] : memref<102400x16xf32, #tpu.memory_space<vmem_shared>> -> memref<128x16xf32, #tpu.memory_space<vmem_shared>>
      tpu.wait_dma2 semaphore(%run_scoped3A : memref<!tpu.dma_semaphore, #tpu.memory_space<semaphore_mem>>) src(%arg8 : memref<128x16xf32, #tpu.memory_space<vmem>>) dst(%dma_wait3A_444 : memref<128x16xf32, #tpu.memory_space<vmem_shared>>)
      tpu.yield
    }) : () -> ()
    %mul3A_93 = arith.constant 6400 : i32
    %mul3A_94 = arith.muli %arg1, %mul3A_93 : i32
    %add3A_95 = arith.constant 2688 : i32
    %add3A_96 = arith.addi %mul3A_94, %add3A_95 : i32
    "tpu.region"() ({
      %run_scoped3A = tpu.sem_alloc : memref<!tpu.dma_semaphore, #tpu.memory_space<semaphore_mem>>
      %dma_start3A = arith.constant 0 : i32
      %dma_start3A_439 = tpu.memref_slice %arg10[%add3A_96, %dma_start3A] : memref<102400x16xf32, #tpu.memory_space<vmem_shared>> -> memref<128x16xf32, #tpu.memory_space<vmem_shared>>
      %dma_start3A_440 = arith.constant 0 : i32
      %dma_start3A_441 = tpu.memref_slice %arg10[%add3A_96, %dma_start3A_440] : memref<102400x16xf32, #tpu.memory_space<vmem_shared>> -> memref<128x16xf32, #tpu.memory_space<vmem_shared>>
      tpu.enqueue_dma source(%arg8 : memref<128x16xf32, #tpu.memory_space<vmem>>) target(%dma_start3A_441 : memref<128x16xf32, #tpu.memory_space<vmem_shared>>) target_semaphore(%run_scoped3A : memref<!tpu.dma_semaphore, #tpu.memory_space<semaphore_mem>>)
      %dma_wait3A = arith.constant 0 : i32
      %dma_wait3A_442 = tpu.memref_slice %arg10[%add3A_96, %dma_wait3A] : memref<102400x16xf32, #tpu.memory_space<vmem_shared>> -> memref<128x16xf32, #tpu.memory_space<vmem_shared>>
      %dma_wait3A_443 = arith.constant 0 : i32
      %dma_wait3A_444 = tpu.memref_slice %arg10[%add3A_96, %dma_wait3A_443] : memref<102400x16xf32, #tpu.memory_space<vmem_shared>> -> memref<128x16xf32, #tpu.memory_space<vmem_shared>>
      tpu.wait_dma2 semaphore(%run_scoped3A : memref<!tpu.dma_semaphore, #tpu.memory_space<semaphore_mem>>) src(%arg8 : memref<128x16xf32, #tpu.memory_space<vmem>>) dst(%dma_wait3A_444 : memref<128x16xf32, #tpu.memory_space<vmem_shared>>)
      tpu.yield
    }) : () -> ()
    %mul3A_97 = arith.constant 6400 : i32
    %mul3A_98 = arith.muli %arg1, %mul3A_97 : i32
    %add3A_99 = arith.constant 2816 : i32
    %add3A_100 = arith.addi %mul3A_98, %add3A_99 : i32
    "tpu.region"() ({
      %run_scoped3A = tpu.sem_alloc : memref<!tpu.dma_semaphore, #tpu.memory_space<semaphore_mem>>
      %dma_start3A = arith.constant 0 : i32
      %dma_start3A_439 = tpu.memref_slice %arg10[%add3A_100, %dma_start3A] : memref<102400x16xf32, #tpu.memory_space<vmem_shared>> -> memref<128x16xf32, #tpu.memory_space<vmem_shared>>
      %dma_start3A_440 = arith.constant 0 : i32
      %dma_start3A_441 = tpu.memref_slice %arg10[%add3A_100, %dma_start3A_440] : memref<102400x16xf32, #tpu.memory_space<vmem_shared>> -> memref<128x16xf32, #tpu.memory_space<vmem_shared>>
      tpu.enqueue_dma source(%arg8 : memref<128x16xf32, #tpu.memory_space<vmem>>) target(%dma_start3A_441 : memref<128x16xf32, #tpu.memory_space<vmem_shared>>) target_semaphore(%run_scoped3A : memref<!tpu.dma_semaphore, #tpu.memory_space<semaphore_mem>>)
      %dma_wait3A = arith.constant 0 : i32
      %dma_wait3A_442 = tpu.memref_slice %arg10[%add3A_100, %dma_wait3A] : memref<102400x16xf32, #tpu.memory_space<vmem_shared>> -> memref<128x16xf32, #tpu.memory_space<vmem_shared>>
      %dma_wait3A_443 = arith.constant 0 : i32
      %dma_wait3A_444 = tpu.memref_slice %arg10[%add3A_100, %dma_wait3A_443] : memref<102400x16xf32, #tpu.memory_space<vmem_shared>> -> memref<128x16xf32, #tpu.memory_space<vmem_shared>>
      tpu.wait_dma2 semaphore(%run_scoped3A : memref<!tpu.dma_semaphore, #tpu.memory_space<semaphore_mem>>) src(%arg8 : memref<128x16xf32, #tpu.memory_space<vmem>>) dst(%dma_wait3A_444 : memref<128x16xf32, #tpu.memory_space<vmem_shared>>)
      tpu.yield
    }) : () -> ()
    %mul3A_101 = arith.constant 6400 : i32
    %mul3A_102 = arith.muli %arg1, %mul3A_101 : i32
    %add3A_103 = arith.constant 2944 : i32
    %add3A_104 = arith.addi %mul3A_102, %add3A_103 : i32
    "tpu.region"() ({
      %run_scoped3A = tpu.sem_alloc : memref<!tpu.dma_semaphore, #tpu.memory_space<semaphore_mem>>
      %dma_start3A = arith.constant 0 : i32
      %dma_start3A_439 = tpu.memref_slice %arg10[%add3A_104, %dma_start3A] : memref<102400x16xf32, #tpu.memory_space<vmem_shared>> -> memref<128x16xf32, #tpu.memory_space<vmem_shared>>
      %dma_start3A_440 = arith.constant 0 : i32
      %dma_start3A_441 = tpu.memref_slice %arg10[%add3A_104, %dma_start3A_440] : memref<102400x16xf32, #tpu.memory_space<vmem_shared>> -> memref<128x16xf32, #tpu.memory_space<vmem_shared>>
      tpu.enqueue_dma source(%arg8 : memref<128x16xf32, #tpu.memory_space<vmem>>) target(%dma_start3A_441 : memref<128x16xf32, #tpu.memory_space<vmem_shared>>) target_semaphore(%run_scoped3A : memref<!tpu.dma_semaphore, #tpu.memory_space<semaphore_mem>>)
      %dma_wait3A = arith.constant 0 : i32
      %dma_wait3A_442 = tpu.memref_slice %arg10[%add3A_104, %dma_wait3A] : memref<102400x16xf32, #tpu.memory_space<vmem_shared>> -> memref<128x16xf32, #tpu.memory_space<vmem_shared>>
      %dma_wait3A_443 = arith.constant 0 : i32
      %dma_wait3A_444 = tpu.memref_slice %arg10[%add3A_104, %dma_wait3A_443] : memref<102400x16xf32, #tpu.memory_space<vmem_shared>> -> memref<128x16xf32, #tpu.memory_space<vmem_shared>>
      tpu.wait_dma2 semaphore(%run_scoped3A : memref<!tpu.dma_semaphore, #tpu.memory_space<semaphore_mem>>) src(%arg8 : memref<128x16xf32, #tpu.memory_space<vmem>>) dst(%dma_wait3A_444 : memref<128x16xf32, #tpu.memory_space<vmem_shared>>)
      tpu.yield
    }) : () -> ()
    %mul3A_105 = arith.constant 6400 : i32
    %mul3A_106 = arith.muli %arg1, %mul3A_105 : i32
    %add3A_107 = arith.constant 3072 : i32
    %add3A_108 = arith.addi %mul3A_106, %add3A_107 : i32
    "tpu.region"() ({
      %run_scoped3A = tpu.sem_alloc : memref<!tpu.dma_semaphore, #tpu.memory_space<semaphore_mem>>
      %dma_start3A = arith.constant 0 : i32
      %dma_start3A_439 = tpu.memref_slice %arg10[%add3A_108, %dma_start3A] : memref<102400x16xf32, #tpu.memory_space<vmem_shared>> -> memref<128x16xf32, #tpu.memory_space<vmem_shared>>
      %dma_start3A_440 = arith.constant 0 : i32
      %dma_start3A_441 = tpu.memref_slice %arg10[%add3A_108, %dma_start3A_440] : memref<102400x16xf32, #tpu.memory_space<vmem_shared>> -> memref<128x16xf32, #tpu.memory_space<vmem_shared>>
      tpu.enqueue_dma source(%arg8 : memref<128x16xf32, #tpu.memory_space<vmem>>) target(%dma_start3A_441 : memref<128x16xf32, #tpu.memory_space<vmem_shared>>) target_semaphore(%run_scoped3A : memref<!tpu.dma_semaphore, #tpu.memory_space<semaphore_mem>>)
      %dma_wait3A = arith.constant 0 : i32
      %dma_wait3A_442 = tpu.memref_slice %arg10[%add3A_108, %dma_wait3A] : memref<102400x16xf32, #tpu.memory_space<vmem_shared>> -> memref<128x16xf32, #tpu.memory_space<vmem_shared>>
      %dma_wait3A_443 = arith.constant 0 : i32
      %dma_wait3A_444 = tpu.memref_slice %arg10[%add3A_108, %dma_wait3A_443] : memref<102400x16xf32, #tpu.memory_space<vmem_shared>> -> memref<128x16xf32, #tpu.memory_space<vmem_shared>>
      tpu.wait_dma2 semaphore(%run_scoped3A : memref<!tpu.dma_semaphore, #tpu.memory_space<semaphore_mem>>) src(%arg8 : memref<128x16xf32, #tpu.memory_space<vmem>>) dst(%dma_wait3A_444 : memref<128x16xf32, #tpu.memory_space<vmem_shared>>)
      tpu.yield
    }) : () -> ()
    %mul3A_109 = arith.constant 6400 : i32
    %mul3A_110 = arith.muli %arg1, %mul3A_109 : i32
    %add3A_111 = arith.constant 3200 : i32
    %add3A_112 = arith.addi %mul3A_110, %add3A_111 : i32
    "tpu.region"() ({
      %run_scoped3A = tpu.sem_alloc : memref<!tpu.dma_semaphore, #tpu.memory_space<semaphore_mem>>
      %dma_start3A = arith.constant 0 : i32
      %dma_start3A_439 = tpu.memref_slice %arg10[%add3A_112, %dma_start3A] : memref<102400x16xf32, #tpu.memory_space<vmem_shared>> -> memref<128x16xf32, #tpu.memory_space<vmem_shared>>
      %dma_start3A_440 = arith.constant 0 : i32
      %dma_start3A_441 = tpu.memref_slice %arg10[%add3A_112, %dma_start3A_440] : memref<102400x16xf32, #tpu.memory_space<vmem_shared>> -> memref<128x16xf32, #tpu.memory_space<vmem_shared>>
      tpu.enqueue_dma source(%arg8 : memref<128x16xf32, #tpu.memory_space<vmem>>) target(%dma_start3A_441 : memref<128x16xf32, #tpu.memory_space<vmem_shared>>) target_semaphore(%run_scoped3A : memref<!tpu.dma_semaphore, #tpu.memory_space<semaphore_mem>>)
      %dma_wait3A = arith.constant 0 : i32
      %dma_wait3A_442 = tpu.memref_slice %arg10[%add3A_112, %dma_wait3A] : memref<102400x16xf32, #tpu.memory_space<vmem_shared>> -> memref<128x16xf32, #tpu.memory_space<vmem_shared>>
      %dma_wait3A_443 = arith.constant 0 : i32
      %dma_wait3A_444 = tpu.memref_slice %arg10[%add3A_112, %dma_wait3A_443] : memref<102400x16xf32, #tpu.memory_space<vmem_shared>> -> memref<128x16xf32, #tpu.memory_space<vmem_shared>>
      tpu.wait_dma2 semaphore(%run_scoped3A : memref<!tpu.dma_semaphore, #tpu.memory_space<semaphore_mem>>) src(%arg8 : memref<128x16xf32, #tpu.memory_space<vmem>>) dst(%dma_wait3A_444 : memref<128x16xf32, #tpu.memory_space<vmem_shared>>)
      tpu.yield
    }) : () -> ()
    %mul3A_113 = arith.constant 6400 : i32
    %mul3A_114 = arith.muli %arg1, %mul3A_113 : i32
    %add3A_115 = arith.constant 3328 : i32
    %add3A_116 = arith.addi %mul3A_114, %add3A_115 : i32
    "tpu.region"() ({
      %run_scoped3A = tpu.sem_alloc : memref<!tpu.dma_semaphore, #tpu.memory_space<semaphore_mem>>
      %dma_start3A = arith.constant 0 : i32
      %dma_start3A_439 = tpu.memref_slice %arg10[%add3A_116, %dma_start3A] : memref<102400x16xf32, #tpu.memory_space<vmem_shared>> -> memref<128x16xf32, #tpu.memory_space<vmem_shared>>
      %dma_start3A_440 = arith.constant 0 : i32
      %dma_start3A_441 = tpu.memref_slice %arg10[%add3A_116, %dma_start3A_440] : memref<102400x16xf32, #tpu.memory_space<vmem_shared>> -> memref<128x16xf32, #tpu.memory_space<vmem_shared>>
      tpu.enqueue_dma source(%arg8 : memref<128x16xf32, #tpu.memory_space<vmem>>) target(%dma_start3A_441 : memref<128x16xf32, #tpu.memory_space<vmem_shared>>) target_semaphore(%run_scoped3A : memref<!tpu.dma_semaphore, #tpu.memory_space<semaphore_mem>>)
      %dma_wait3A = arith.constant 0 : i32
      %dma_wait3A_442 = tpu.memref_slice %arg10[%add3A_116, %dma_wait3A] : memref<102400x16xf32, #tpu.memory_space<vmem_shared>> -> memref<128x16xf32, #tpu.memory_space<vmem_shared>>
      %dma_wait3A_443 = arith.constant 0 : i32
      %dma_wait3A_444 = tpu.memref_slice %arg10[%add3A_116, %dma_wait3A_443] : memref<102400x16xf32, #tpu.memory_space<vmem_shared>> -> memref<128x16xf32, #tpu.memory_space<vmem_shared>>
      tpu.wait_dma2 semaphore(%run_scoped3A : memref<!tpu.dma_semaphore, #tpu.memory_space<semaphore_mem>>) src(%arg8 : memref<128x16xf32, #tpu.memory_space<vmem>>) dst(%dma_wait3A_444 : memref<128x16xf32, #tpu.memory_space<vmem_shared>>)
      tpu.yield
    }) : () -> ()
    %mul3A_117 = arith.constant 6400 : i32
    %mul3A_118 = arith.muli %arg1, %mul3A_117 : i32
    %add3A_119 = arith.constant 3456 : i32
    %add3A_120 = arith.addi %mul3A_118, %add3A_119 : i32
    "tpu.region"() ({
      %run_scoped3A = tpu.sem_alloc : memref<!tpu.dma_semaphore, #tpu.memory_space<semaphore_mem>>
      %dma_start3A = arith.constant 0 : i32
      %dma_start3A_439 = tpu.memref_slice %arg10[%add3A_120, %dma_start3A] : memref<102400x16xf32, #tpu.memory_space<vmem_shared>> -> memref<128x16xf32, #tpu.memory_space<vmem_shared>>
      %dma_start3A_440 = arith.constant 0 : i32
      %dma_start3A_441 = tpu.memref_slice %arg10[%add3A_120, %dma_start3A_440] : memref<102400x16xf32, #tpu.memory_space<vmem_shared>> -> memref<128x16xf32, #tpu.memory_space<vmem_shared>>
      tpu.enqueue_dma source(%arg8 : memref<128x16xf32, #tpu.memory_space<vmem>>) target(%dma_start3A_441 : memref<128x16xf32, #tpu.memory_space<vmem_shared>>) target_semaphore(%run_scoped3A : memref<!tpu.dma_semaphore, #tpu.memory_space<semaphore_mem>>)
      %dma_wait3A = arith.constant 0 : i32
      %dma_wait3A_442 = tpu.memref_slice %arg10[%add3A_120, %dma_wait3A] : memref<102400x16xf32, #tpu.memory_space<vmem_shared>> -> memref<128x16xf32, #tpu.memory_space<vmem_shared>>
      %dma_wait3A_443 = arith.constant 0 : i32
      %dma_wait3A_444 = tpu.memref_slice %arg10[%add3A_120, %dma_wait3A_443] : memref<102400x16xf32, #tpu.memory_space<vmem_shared>> -> memref<128x16xf32, #tpu.memory_space<vmem_shared>>
      tpu.wait_dma2 semaphore(%run_scoped3A : memref<!tpu.dma_semaphore, #tpu.memory_space<semaphore_mem>>) src(%arg8 : memref<128x16xf32, #tpu.memory_space<vmem>>) dst(%dma_wait3A_444 : memref<128x16xf32, #tpu.memory_space<vmem_shared>>)
      tpu.yield
    }) : () -> ()
    %mul3A_121 = arith.constant 6400 : i32
    %mul3A_122 = arith.muli %arg1, %mul3A_121 : i32
    %add3A_123 = arith.constant 3584 : i32
    %add3A_124 = arith.addi %mul3A_122, %add3A_123 : i32
    "tpu.region"() ({
      %run_scoped3A = tpu.sem_alloc : memref<!tpu.dma_semaphore, #tpu.memory_space<semaphore_mem>>
      %dma_start3A = arith.constant 0 : i32
      %dma_start3A_439 = tpu.memref_slice %arg10[%add3A_124, %dma_start3A] : memref<102400x16xf32, #tpu.memory_space<vmem_shared>> -> memref<128x16xf32, #tpu.memory_space<vmem_shared>>
      %dma_start3A_440 = arith.constant 0 : i32
      %dma_start3A_441 = tpu.memref_slice %arg10[%add3A_124, %dma_start3A_440] : memref<102400x16xf32, #tpu.memory_space<vmem_shared>> -> memref<128x16xf32, #tpu.memory_space<vmem_shared>>
      tpu.enqueue_dma source(%arg8 : memref<128x16xf32, #tpu.memory_space<vmem>>) target(%dma_start3A_441 : memref<128x16xf32, #tpu.memory_space<vmem_shared>>) target_semaphore(%run_scoped3A : memref<!tpu.dma_semaphore, #tpu.memory_space<semaphore_mem>>)
      %dma_wait3A = arith.constant 0 : i32
      %dma_wait3A_442 = tpu.memref_slice %arg10[%add3A_124, %dma_wait3A] : memref<102400x16xf32, #tpu.memory_space<vmem_shared>> -> memref<128x16xf32, #tpu.memory_space<vmem_shared>>
      %dma_wait3A_443 = arith.constant 0 : i32
      %dma_wait3A_444 = tpu.memref_slice %arg10[%add3A_124, %dma_wait3A_443] : memref<102400x16xf32, #tpu.memory_space<vmem_shared>> -> memref<128x16xf32, #tpu.memory_space<vmem_shared>>
      tpu.wait_dma2 semaphore(%run_scoped3A : memref<!tpu.dma_semaphore, #tpu.memory_space<semaphore_mem>>) src(%arg8 : memref<128x16xf32, #tpu.memory_space<vmem>>) dst(%dma_wait3A_444 : memref<128x16xf32, #tpu.memory_space<vmem_shared>>)
      tpu.yield
    }) : () -> ()
    %mul3A_125 = arith.constant 6400 : i32
    %mul3A_126 = arith.muli %arg1, %mul3A_125 : i32
    %add3A_127 = arith.constant 3712 : i32
    %add3A_128 = arith.addi %mul3A_126, %add3A_127 : i32
    "tpu.region"() ({
      %run_scoped3A = tpu.sem_alloc : memref<!tpu.dma_semaphore, #tpu.memory_space<semaphore_mem>>
      %dma_start3A = arith.constant 0 : i32
      %dma_start3A_439 = tpu.memref_slice %arg10[%add3A_128, %dma_start3A] : memref<102400x16xf32, #tpu.memory_space<vmem_shared>> -> memref<128x16xf32, #tpu.memory_space<vmem_shared>>
      %dma_start3A_440 = arith.constant 0 : i32
      %dma_start3A_441 = tpu.memref_slice %arg10[%add3A_128, %dma_start3A_440] : memref<102400x16xf32, #tpu.memory_space<vmem_shared>> -> memref<128x16xf32, #tpu.memory_space<vmem_shared>>
      tpu.enqueue_dma source(%arg8 : memref<128x16xf32, #tpu.memory_space<vmem>>) target(%dma_start3A_441 : memref<128x16xf32, #tpu.memory_space<vmem_shared>>) target_semaphore(%run_scoped3A : memref<!tpu.dma_semaphore, #tpu.memory_space<semaphore_mem>>)
      %dma_wait3A = arith.constant 0 : i32
      %dma_wait3A_442 = tpu.memref_slice %arg10[%add3A_128, %dma_wait3A] : memref<102400x16xf32, #tpu.memory_space<vmem_shared>> -> memref<128x16xf32, #tpu.memory_space<vmem_shared>>
      %dma_wait3A_443 = arith.constant 0 : i32
      %dma_wait3A_444 = tpu.memref_slice %arg10[%add3A_128, %dma_wait3A_443] : memref<102400x16xf32, #tpu.memory_space<vmem_shared>> -> memref<128x16xf32, #tpu.memory_space<vmem_shared>>
      tpu.wait_dma2 semaphore(%run_scoped3A : memref<!tpu.dma_semaphore, #tpu.memory_space<semaphore_mem>>) src(%arg8 : memref<128x16xf32, #tpu.memory_space<vmem>>) dst(%dma_wait3A_444 : memref<128x16xf32, #tpu.memory_space<vmem_shared>>)
      tpu.yield
    }) : () -> ()
    %mul3A_129 = arith.constant 6400 : i32
    %mul3A_130 = arith.muli %arg1, %mul3A_129 : i32
    %add3A_131 = arith.constant 3840 : i32
    %add3A_132 = arith.addi %mul3A_130, %add3A_131 : i32
    "tpu.region"() ({
      %run_scoped3A = tpu.sem_alloc : memref<!tpu.dma_semaphore, #tpu.memory_space<semaphore_mem>>
      %dma_start3A = arith.constant 0 : i32
      %dma_start3A_439 = tpu.memref_slice %arg10[%add3A_132, %dma_start3A] : memref<102400x16xf32, #tpu.memory_space<vmem_shared>> -> memref<128x16xf32, #tpu.memory_space<vmem_shared>>
      %dma_start3A_440 = arith.constant 0 : i32
      %dma_start3A_441 = tpu.memref_slice %arg10[%add3A_132, %dma_start3A_440] : memref<102400x16xf32, #tpu.memory_space<vmem_shared>> -> memref<128x16xf32, #tpu.memory_space<vmem_shared>>
      tpu.enqueue_dma source(%arg8 : memref<128x16xf32, #tpu.memory_space<vmem>>) target(%dma_start3A_441 : memref<128x16xf32, #tpu.memory_space<vmem_shared>>) target_semaphore(%run_scoped3A : memref<!tpu.dma_semaphore, #tpu.memory_space<semaphore_mem>>)
      %dma_wait3A = arith.constant 0 : i32
      %dma_wait3A_442 = tpu.memref_slice %arg10[%add3A_132, %dma_wait3A] : memref<102400x16xf32, #tpu.memory_space<vmem_shared>> -> memref<128x16xf32, #tpu.memory_space<vmem_shared>>
      %dma_wait3A_443 = arith.constant 0 : i32
      %dma_wait3A_444 = tpu.memref_slice %arg10[%add3A_132, %dma_wait3A_443] : memref<102400x16xf32, #tpu.memory_space<vmem_shared>> -> memref<128x16xf32, #tpu.memory_space<vmem_shared>>
      tpu.wait_dma2 semaphore(%run_scoped3A : memref<!tpu.dma_semaphore, #tpu.memory_space<semaphore_mem>>) src(%arg8 : memref<128x16xf32, #tpu.memory_space<vmem>>) dst(%dma_wait3A_444 : memref<128x16xf32, #tpu.memory_space<vmem_shared>>)
      tpu.yield
    }) : () -> ()
    %mul3A_133 = arith.constant 6400 : i32
    %mul3A_134 = arith.muli %arg1, %mul3A_133 : i32
    %add3A_135 = arith.constant 3968 : i32
    %add3A_136 = arith.addi %mul3A_134, %add3A_135 : i32
    "tpu.region"() ({
      %run_scoped3A = tpu.sem_alloc : memref<!tpu.dma_semaphore, #tpu.memory_space<semaphore_mem>>
      %dma_start3A = arith.constant 0 : i32
      %dma_start3A_439 = tpu.memref_slice %arg10[%add3A_136, %dma_start3A] : memref<102400x16xf32, #tpu.memory_space<vmem_shared>> -> memref<128x16xf32, #tpu.memory_space<vmem_shared>>
      %dma_start3A_440 = arith.constant 0 : i32
      %dma_start3A_441 = tpu.memref_slice %arg10[%add3A_136, %dma_start3A_440] : memref<102400x16xf32, #tpu.memory_space<vmem_shared>> -> memref<128x16xf32, #tpu.memory_space<vmem_shared>>
      tpu.enqueue_dma source(%arg8 : memref<128x16xf32, #tpu.memory_space<vmem>>) target(%dma_start3A_441 : memref<128x16xf32, #tpu.memory_space<vmem_shared>>) target_semaphore(%run_scoped3A : memref<!tpu.dma_semaphore, #tpu.memory_space<semaphore_mem>>)
      %dma_wait3A = arith.constant 0 : i32
      %dma_wait3A_442 = tpu.memref_slice %arg10[%add3A_136, %dma_wait3A] : memref<102400x16xf32, #tpu.memory_space<vmem_shared>> -> memref<128x16xf32, #tpu.memory_space<vmem_shared>>
      %dma_wait3A_443 = arith.constant 0 : i32
      %dma_wait3A_444 = tpu.memref_slice %arg10[%add3A_136, %dma_wait3A_443] : memref<102400x16xf32, #tpu.memory_space<vmem_shared>> -> memref<128x16xf32, #tpu.memory_space<vmem_shared>>
      tpu.wait_dma2 semaphore(%run_scoped3A : memref<!tpu.dma_semaphore, #tpu.memory_space<semaphore_mem>>) src(%arg8 : memref<128x16xf32, #tpu.memory_space<vmem>>) dst(%dma_wait3A_444 : memref<128x16xf32, #tpu.memory_space<vmem_shared>>)
      tpu.yield
    }) : () -> ()
    %mul3A_137 = arith.constant 6400 : i32
    %mul3A_138 = arith.muli %arg1, %mul3A_137 : i32
    %add3A_139 = arith.constant 4096 : i32
    %add3A_140 = arith.addi %mul3A_138, %add3A_139 : i32
    "tpu.region"() ({
      %run_scoped3A = tpu.sem_alloc : memref<!tpu.dma_semaphore, #tpu.memory_space<semaphore_mem>>
      %dma_start3A = arith.constant 0 : i32
      %dma_start3A_439 = tpu.memref_slice %arg10[%add3A_140, %dma_start3A] : memref<102400x16xf32, #tpu.memory_space<vmem_shared>> -> memref<128x16xf32, #tpu.memory_space<vmem_shared>>
      %dma_start3A_440 = arith.constant 0 : i32
      %dma_start3A_441 = tpu.memref_slice %arg10[%add3A_140, %dma_start3A_440] : memref<102400x16xf32, #tpu.memory_space<vmem_shared>> -> memref<128x16xf32, #tpu.memory_space<vmem_shared>>
      tpu.enqueue_dma source(%arg8 : memref<128x16xf32, #tpu.memory_space<vmem>>) target(%dma_start3A_441 : memref<128x16xf32, #tpu.memory_space<vmem_shared>>) target_semaphore(%run_scoped3A : memref<!tpu.dma_semaphore, #tpu.memory_space<semaphore_mem>>)
      %dma_wait3A = arith.constant 0 : i32
      %dma_wait3A_442 = tpu.memref_slice %arg10[%add3A_140, %dma_wait3A] : memref<102400x16xf32, #tpu.memory_space<vmem_shared>> -> memref<128x16xf32, #tpu.memory_space<vmem_shared>>
      %dma_wait3A_443 = arith.constant 0 : i32
      %dma_wait3A_444 = tpu.memref_slice %arg10[%add3A_140, %dma_wait3A_443] : memref<102400x16xf32, #tpu.memory_space<vmem_shared>> -> memref<128x16xf32, #tpu.memory_space<vmem_shared>>
      tpu.wait_dma2 semaphore(%run_scoped3A : memref<!tpu.dma_semaphore, #tpu.memory_space<semaphore_mem>>) src(%arg8 : memref<128x16xf32, #tpu.memory_space<vmem>>) dst(%dma_wait3A_444 : memref<128x16xf32, #tpu.memory_space<vmem_shared>>)
      tpu.yield
    }) : () -> ()
    %mul3A_141 = arith.constant 6400 : i32
    %mul3A_142 = arith.muli %arg1, %mul3A_141 : i32
    %add3A_143 = arith.constant 4224 : i32
    %add3A_144 = arith.addi %mul3A_142, %add3A_143 : i32
    "tpu.region"() ({
      %run_scoped3A = tpu.sem_alloc : memref<!tpu.dma_semaphore, #tpu.memory_space<semaphore_mem>>
      %dma_start3A = arith.constant 0 : i32
      %dma_start3A_439 = tpu.memref_slice %arg10[%add3A_144, %dma_start3A] : memref<102400x16xf32, #tpu.memory_space<vmem_shared>> -> memref<128x16xf32, #tpu.memory_space<vmem_shared>>
      %dma_start3A_440 = arith.constant 0 : i32
      %dma_start3A_441 = tpu.memref_slice %arg10[%add3A_144, %dma_start3A_440] : memref<102400x16xf32, #tpu.memory_space<vmem_shared>> -> memref<128x16xf32, #tpu.memory_space<vmem_shared>>
      tpu.enqueue_dma source(%arg8 : memref<128x16xf32, #tpu.memory_space<vmem>>) target(%dma_start3A_441 : memref<128x16xf32, #tpu.memory_space<vmem_shared>>) target_semaphore(%run_scoped3A : memref<!tpu.dma_semaphore, #tpu.memory_space<semaphore_mem>>)
      %dma_wait3A = arith.constant 0 : i32
      %dma_wait3A_442 = tpu.memref_slice %arg10[%add3A_144, %dma_wait3A] : memref<102400x16xf32, #tpu.memory_space<vmem_shared>> -> memref<128x16xf32, #tpu.memory_space<vmem_shared>>
      %dma_wait3A_443 = arith.constant 0 : i32
      %dma_wait3A_444 = tpu.memref_slice %arg10[%add3A_144, %dma_wait3A_443] : memref<102400x16xf32, #tpu.memory_space<vmem_shared>> -> memref<128x16xf32, #tpu.memory_space<vmem_shared>>
      tpu.wait_dma2 semaphore(%run_scoped3A : memref<!tpu.dma_semaphore, #tpu.memory_space<semaphore_mem>>) src(%arg8 : memref<128x16xf32, #tpu.memory_space<vmem>>) dst(%dma_wait3A_444 : memref<128x16xf32, #tpu.memory_space<vmem_shared>>)
      tpu.yield
    }) : () -> ()
    %mul3A_145 = arith.constant 6400 : i32
    %mul3A_146 = arith.muli %arg1, %mul3A_145 : i32
    %add3A_147 = arith.constant 4352 : i32
    %add3A_148 = arith.addi %mul3A_146, %add3A_147 : i32
    "tpu.region"() ({
      %run_scoped3A = tpu.sem_alloc : memref<!tpu.dma_semaphore, #tpu.memory_space<semaphore_mem>>
      %dma_start3A = arith.constant 0 : i32
      %dma_start3A_439 = tpu.memref_slice %arg10[%add3A_148, %dma_start3A] : memref<102400x16xf32, #tpu.memory_space<vmem_shared>> -> memref<128x16xf32, #tpu.memory_space<vmem_shared>>
      %dma_start3A_440 = arith.constant 0 : i32
      %dma_start3A_441 = tpu.memref_slice %arg10[%add3A_148, %dma_start3A_440] : memref<102400x16xf32, #tpu.memory_space<vmem_shared>> -> memref<128x16xf32, #tpu.memory_space<vmem_shared>>
      tpu.enqueue_dma source(%arg8 : memref<128x16xf32, #tpu.memory_space<vmem>>) target(%dma_start3A_441 : memref<128x16xf32, #tpu.memory_space<vmem_shared>>) target_semaphore(%run_scoped3A : memref<!tpu.dma_semaphore, #tpu.memory_space<semaphore_mem>>)
      %dma_wait3A = arith.constant 0 : i32
      %dma_wait3A_442 = tpu.memref_slice %arg10[%add3A_148, %dma_wait3A] : memref<102400x16xf32, #tpu.memory_space<vmem_shared>> -> memref<128x16xf32, #tpu.memory_space<vmem_shared>>
      %dma_wait3A_443 = arith.constant 0 : i32
      %dma_wait3A_444 = tpu.memref_slice %arg10[%add3A_148, %dma_wait3A_443] : memref<102400x16xf32, #tpu.memory_space<vmem_shared>> -> memref<128x16xf32, #tpu.memory_space<vmem_shared>>
      tpu.wait_dma2 semaphore(%run_scoped3A : memref<!tpu.dma_semaphore, #tpu.memory_space<semaphore_mem>>) src(%arg8 : memref<128x16xf32, #tpu.memory_space<vmem>>) dst(%dma_wait3A_444 : memref<128x16xf32, #tpu.memory_space<vmem_shared>>)
      tpu.yield
    }) : () -> ()
    %mul3A_149 = arith.constant 6400 : i32
    %mul3A_150 = arith.muli %arg1, %mul3A_149 : i32
    %add3A_151 = arith.constant 4480 : i32
    %add3A_152 = arith.addi %mul3A_150, %add3A_151 : i32
    "tpu.region"() ({
      %run_scoped3A = tpu.sem_alloc : memref<!tpu.dma_semaphore, #tpu.memory_space<semaphore_mem>>
      %dma_start3A = arith.constant 0 : i32
      %dma_start3A_439 = tpu.memref_slice %arg10[%add3A_152, %dma_start3A] : memref<102400x16xf32, #tpu.memory_space<vmem_shared>> -> memref<128x16xf32, #tpu.memory_space<vmem_shared>>
      %dma_start3A_440 = arith.constant 0 : i32
      %dma_start3A_441 = tpu.memref_slice %arg10[%add3A_152, %dma_start3A_440] : memref<102400x16xf32, #tpu.memory_space<vmem_shared>> -> memref<128x16xf32, #tpu.memory_space<vmem_shared>>
      tpu.enqueue_dma source(%arg8 : memref<128x16xf32, #tpu.memory_space<vmem>>) target(%dma_start3A_441 : memref<128x16xf32, #tpu.memory_space<vmem_shared>>) target_semaphore(%run_scoped3A : memref<!tpu.dma_semaphore, #tpu.memory_space<semaphore_mem>>)
      %dma_wait3A = arith.constant 0 : i32
      %dma_wait3A_442 = tpu.memref_slice %arg10[%add3A_152, %dma_wait3A] : memref<102400x16xf32, #tpu.memory_space<vmem_shared>> -> memref<128x16xf32, #tpu.memory_space<vmem_shared>>
      %dma_wait3A_443 = arith.constant 0 : i32
      %dma_wait3A_444 = tpu.memref_slice %arg10[%add3A_152, %dma_wait3A_443] : memref<102400x16xf32, #tpu.memory_space<vmem_shared>> -> memref<128x16xf32, #tpu.memory_space<vmem_shared>>
      tpu.wait_dma2 semaphore(%run_scoped3A : memref<!tpu.dma_semaphore, #tpu.memory_space<semaphore_mem>>) src(%arg8 : memref<128x16xf32, #tpu.memory_space<vmem>>) dst(%dma_wait3A_444 : memref<128x16xf32, #tpu.memory_space<vmem_shared>>)
      tpu.yield
    }) : () -> ()
    %mul3A_153 = arith.constant 6400 : i32
    %mul3A_154 = arith.muli %arg1, %mul3A_153 : i32
    %add3A_155 = arith.constant 4608 : i32
    %add3A_156 = arith.addi %mul3A_154, %add3A_155 : i32
    "tpu.region"() ({
      %run_scoped3A = tpu.sem_alloc : memref<!tpu.dma_semaphore, #tpu.memory_space<semaphore_mem>>
      %dma_start3A = arith.constant 0 : i32
      %dma_start3A_439 = tpu.memref_slice %arg10[%add3A_156, %dma_start3A] : memref<102400x16xf32, #tpu.memory_space<vmem_shared>> -> memref<128x16xf32, #tpu.memory_space<vmem_shared>>
      %dma_start3A_440 = arith.constant 0 : i32
      %dma_start3A_441 = tpu.memref_slice %arg10[%add3A_156, %dma_start3A_440] : memref<102400x16xf32, #tpu.memory_space<vmem_shared>> -> memref<128x16xf32, #tpu.memory_space<vmem_shared>>
      tpu.enqueue_dma source(%arg8 : memref<128x16xf32, #tpu.memory_space<vmem>>) target(%dma_start3A_441 : memref<128x16xf32, #tpu.memory_space<vmem_shared>>) target_semaphore(%run_scoped3A : memref<!tpu.dma_semaphore, #tpu.memory_space<semaphore_mem>>)
      %dma_wait3A = arith.constant 0 : i32
      %dma_wait3A_442 = tpu.memref_slice %arg10[%add3A_156, %dma_wait3A] : memref<102400x16xf32, #tpu.memory_space<vmem_shared>> -> memref<128x16xf32, #tpu.memory_space<vmem_shared>>
      %dma_wait3A_443 = arith.constant 0 : i32
      %dma_wait3A_444 = tpu.memref_slice %arg10[%add3A_156, %dma_wait3A_443] : memref<102400x16xf32, #tpu.memory_space<vmem_shared>> -> memref<128x16xf32, #tpu.memory_space<vmem_shared>>
      tpu.wait_dma2 semaphore(%run_scoped3A : memref<!tpu.dma_semaphore, #tpu.memory_space<semaphore_mem>>) src(%arg8 : memref<128x16xf32, #tpu.memory_space<vmem>>) dst(%dma_wait3A_444 : memref<128x16xf32, #tpu.memory_space<vmem_shared>>)
      tpu.yield
    }) : () -> ()
    %mul3A_157 = arith.constant 6400 : i32
    %mul3A_158 = arith.muli %arg1, %mul3A_157 : i32
    %add3A_159 = arith.constant 4736 : i32
    %add3A_160 = arith.addi %mul3A_158, %add3A_159 : i32
    "tpu.region"() ({
      %run_scoped3A = tpu.sem_alloc : memref<!tpu.dma_semaphore, #tpu.memory_space<semaphore_mem>>
      %dma_start3A = arith.constant 0 : i32
      %dma_start3A_439 = tpu.memref_slice %arg10[%add3A_160, %dma_start3A] : memref<102400x16xf32, #tpu.memory_space<vmem_shared>> -> memref<128x16xf32, #tpu.memory_space<vmem_shared>>
      %dma_start3A_440 = arith.constant 0 : i32
      %dma_start3A_441 = tpu.memref_slice %arg10[%add3A_160, %dma_start3A_440] : memref<102400x16xf32, #tpu.memory_space<vmem_shared>> -> memref<128x16xf32, #tpu.memory_space<vmem_shared>>
      tpu.enqueue_dma source(%arg8 : memref<128x16xf32, #tpu.memory_space<vmem>>) target(%dma_start3A_441 : memref<128x16xf32, #tpu.memory_space<vmem_shared>>) target_semaphore(%run_scoped3A : memref<!tpu.dma_semaphore, #tpu.memory_space<semaphore_mem>>)
      %dma_wait3A = arith.constant 0 : i32
      %dma_wait3A_442 = tpu.memref_slice %arg10[%add3A_160, %dma_wait3A] : memref<102400x16xf32, #tpu.memory_space<vmem_shared>> -> memref<128x16xf32, #tpu.memory_space<vmem_shared>>
      %dma_wait3A_443 = arith.constant 0 : i32
      %dma_wait3A_444 = tpu.memref_slice %arg10[%add3A_160, %dma_wait3A_443] : memref<102400x16xf32, #tpu.memory_space<vmem_shared>> -> memref<128x16xf32, #tpu.memory_space<vmem_shared>>
      tpu.wait_dma2 semaphore(%run_scoped3A : memref<!tpu.dma_semaphore, #tpu.memory_space<semaphore_mem>>) src(%arg8 : memref<128x16xf32, #tpu.memory_space<vmem>>) dst(%dma_wait3A_444 : memref<128x16xf32, #tpu.memory_space<vmem_shared>>)
      tpu.yield
    }) : () -> ()
    %mul3A_161 = arith.constant 6400 : i32
    %mul3A_162 = arith.muli %arg1, %mul3A_161 : i32
    %add3A_163 = arith.constant 4864 : i32
    %add3A_164 = arith.addi %mul3A_162, %add3A_163 : i32
    "tpu.region"() ({
      %run_scoped3A = tpu.sem_alloc : memref<!tpu.dma_semaphore, #tpu.memory_space<semaphore_mem>>
      %dma_start3A = arith.constant 0 : i32
      %dma_start3A_439 = tpu.memref_slice %arg10[%add3A_164, %dma_start3A] : memref<102400x16xf32, #tpu.memory_space<vmem_shared>> -> memref<128x16xf32, #tpu.memory_space<vmem_shared>>
      %dma_start3A_440 = arith.constant 0 : i32
      %dma_start3A_441 = tpu.memref_slice %arg10[%add3A_164, %dma_start3A_440] : memref<102400x16xf32, #tpu.memory_space<vmem_shared>> -> memref<128x16xf32, #tpu.memory_space<vmem_shared>>
      tpu.enqueue_dma source(%arg8 : memref<128x16xf32, #tpu.memory_space<vmem>>) target(%dma_start3A_441 : memref<128x16xf32, #tpu.memory_space<vmem_shared>>) target_semaphore(%run_scoped3A : memref<!tpu.dma_semaphore, #tpu.memory_space<semaphore_mem>>)
      %dma_wait3A = arith.constant 0 : i32
      %dma_wait3A_442 = tpu.memref_slice %arg10[%add3A_164, %dma_wait3A] : memref<102400x16xf32, #tpu.memory_space<vmem_shared>> -> memref<128x16xf32, #tpu.memory_space<vmem_shared>>
      %dma_wait3A_443 = arith.constant 0 : i32
      %dma_wait3A_444 = tpu.memref_slice %arg10[%add3A_164, %dma_wait3A_443] : memref<102400x16xf32, #tpu.memory_space<vmem_shared>> -> memref<128x16xf32, #tpu.memory_space<vmem_shared>>
      tpu.wait_dma2 semaphore(%run_scoped3A : memref<!tpu.dma_semaphore, #tpu.memory_space<semaphore_mem>>) src(%arg8 : memref<128x16xf32, #tpu.memory_space<vmem>>) dst(%dma_wait3A_444 : memref<128x16xf32, #tpu.memory_space<vmem_shared>>)
      tpu.yield
    }) : () -> ()
    %mul3A_165 = arith.constant 6400 : i32
    %mul3A_166 = arith.muli %arg1, %mul3A_165 : i32
    %add3A_167 = arith.constant 4992 : i32
    %add3A_168 = arith.addi %mul3A_166, %add3A_167 : i32
    "tpu.region"() ({
      %run_scoped3A = tpu.sem_alloc : memref<!tpu.dma_semaphore, #tpu.memory_space<semaphore_mem>>
      %dma_start3A = arith.constant 0 : i32
      %dma_start3A_439 = tpu.memref_slice %arg10[%add3A_168, %dma_start3A] : memref<102400x16xf32, #tpu.memory_space<vmem_shared>> -> memref<128x16xf32, #tpu.memory_space<vmem_shared>>
      %dma_start3A_440 = arith.constant 0 : i32
      %dma_start3A_441 = tpu.memref_slice %arg10[%add3A_168, %dma_start3A_440] : memref<102400x16xf32, #tpu.memory_space<vmem_shared>> -> memref<128x16xf32, #tpu.memory_space<vmem_shared>>
      tpu.enqueue_dma source(%arg8 : memref<128x16xf32, #tpu.memory_space<vmem>>) target(%dma_start3A_441 : memref<128x16xf32, #tpu.memory_space<vmem_shared>>) target_semaphore(%run_scoped3A : memref<!tpu.dma_semaphore, #tpu.memory_space<semaphore_mem>>)
      %dma_wait3A = arith.constant 0 : i32
      %dma_wait3A_442 = tpu.memref_slice %arg10[%add3A_168, %dma_wait3A] : memref<102400x16xf32, #tpu.memory_space<vmem_shared>> -> memref<128x16xf32, #tpu.memory_space<vmem_shared>>
      %dma_wait3A_443 = arith.constant 0 : i32
      %dma_wait3A_444 = tpu.memref_slice %arg10[%add3A_168, %dma_wait3A_443] : memref<102400x16xf32, #tpu.memory_space<vmem_shared>> -> memref<128x16xf32, #tpu.memory_space<vmem_shared>>
      tpu.wait_dma2 semaphore(%run_scoped3A : memref<!tpu.dma_semaphore, #tpu.memory_space<semaphore_mem>>) src(%arg8 : memref<128x16xf32, #tpu.memory_space<vmem>>) dst(%dma_wait3A_444 : memref<128x16xf32, #tpu.memory_space<vmem_shared>>)
      tpu.yield
    }) : () -> ()
    %mul3A_169 = arith.constant 6400 : i32
    %mul3A_170 = arith.muli %arg1, %mul3A_169 : i32
    %add3A_171 = arith.constant 5120 : i32
    %add3A_172 = arith.addi %mul3A_170, %add3A_171 : i32
    "tpu.region"() ({
      %run_scoped3A = tpu.sem_alloc : memref<!tpu.dma_semaphore, #tpu.memory_space<semaphore_mem>>
      %dma_start3A = arith.constant 0 : i32
      %dma_start3A_439 = tpu.memref_slice %arg10[%add3A_172, %dma_start3A] : memref<102400x16xf32, #tpu.memory_space<vmem_shared>> -> memref<128x16xf32, #tpu.memory_space<vmem_shared>>
      %dma_start3A_440 = arith.constant 0 : i32
      %dma_start3A_441 = tpu.memref_slice %arg10[%add3A_172, %dma_start3A_440] : memref<102400x16xf32, #tpu.memory_space<vmem_shared>> -> memref<128x16xf32, #tpu.memory_space<vmem_shared>>
      tpu.enqueue_dma source(%arg8 : memref<128x16xf32, #tpu.memory_space<vmem>>) target(%dma_start3A_441 : memref<128x16xf32, #tpu.memory_space<vmem_shared>>) target_semaphore(%run_scoped3A : memref<!tpu.dma_semaphore, #tpu.memory_space<semaphore_mem>>)
      %dma_wait3A = arith.constant 0 : i32
      %dma_wait3A_442 = tpu.memref_slice %arg10[%add3A_172, %dma_wait3A] : memref<102400x16xf32, #tpu.memory_space<vmem_shared>> -> memref<128x16xf32, #tpu.memory_space<vmem_shared>>
      %dma_wait3A_443 = arith.constant 0 : i32
      %dma_wait3A_444 = tpu.memref_slice %arg10[%add3A_172, %dma_wait3A_443] : memref<102400x16xf32, #tpu.memory_space<vmem_shared>> -> memref<128x16xf32, #tpu.memory_space<vmem_shared>>
      tpu.wait_dma2 semaphore(%run_scoped3A : memref<!tpu.dma_semaphore, #tpu.memory_space<semaphore_mem>>) src(%arg8 : memref<128x16xf32, #tpu.memory_space<vmem>>) dst(%dma_wait3A_444 : memref<128x16xf32, #tpu.memory_space<vmem_shared>>)
      tpu.yield
    }) : () -> ()
    %mul3A_173 = arith.constant 6400 : i32
    %mul3A_174 = arith.muli %arg1, %mul3A_173 : i32
    %add3A_175 = arith.constant 5248 : i32
    %add3A_176 = arith.addi %mul3A_174, %add3A_175 : i32
    "tpu.region"() ({
      %run_scoped3A = tpu.sem_alloc : memref<!tpu.dma_semaphore, #tpu.memory_space<semaphore_mem>>
      %dma_start3A = arith.constant 0 : i32
      %dma_start3A_439 = tpu.memref_slice %arg10[%add3A_176, %dma_start3A] : memref<102400x16xf32, #tpu.memory_space<vmem_shared>> -> memref<128x16xf32, #tpu.memory_space<vmem_shared>>
      %dma_start3A_440 = arith.constant 0 : i32
      %dma_start3A_441 = tpu.memref_slice %arg10[%add3A_176, %dma_start3A_440] : memref<102400x16xf32, #tpu.memory_space<vmem_shared>> -> memref<128x16xf32, #tpu.memory_space<vmem_shared>>
      tpu.enqueue_dma source(%arg8 : memref<128x16xf32, #tpu.memory_space<vmem>>) target(%dma_start3A_441 : memref<128x16xf32, #tpu.memory_space<vmem_shared>>) target_semaphore(%run_scoped3A : memref<!tpu.dma_semaphore, #tpu.memory_space<semaphore_mem>>)
      %dma_wait3A = arith.constant 0 : i32
      %dma_wait3A_442 = tpu.memref_slice %arg10[%add3A_176, %dma_wait3A] : memref<102400x16xf32, #tpu.memory_space<vmem_shared>> -> memref<128x16xf32, #tpu.memory_space<vmem_shared>>
      %dma_wait3A_443 = arith.constant 0 : i32
      %dma_wait3A_444 = tpu.memref_slice %arg10[%add3A_176, %dma_wait3A_443] : memref<102400x16xf32, #tpu.memory_space<vmem_shared>> -> memref<128x16xf32, #tpu.memory_space<vmem_shared>>
      tpu.wait_dma2 semaphore(%run_scoped3A : memref<!tpu.dma_semaphore, #tpu.memory_space<semaphore_mem>>) src(%arg8 : memref<128x16xf32, #tpu.memory_space<vmem>>) dst(%dma_wait3A_444 : memref<128x16xf32, #tpu.memory_space<vmem_shared>>)
      tpu.yield
    }) : () -> ()
    %mul3A_177 = arith.constant 6400 : i32
    %mul3A_178 = arith.muli %arg1, %mul3A_177 : i32
    %add3A_179 = arith.constant 5376 : i32
    %add3A_180 = arith.addi %mul3A_178, %add3A_179 : i32
    "tpu.region"() ({
      %run_scoped3A = tpu.sem_alloc : memref<!tpu.dma_semaphore, #tpu.memory_space<semaphore_mem>>
      %dma_start3A = arith.constant 0 : i32
      %dma_start3A_439 = tpu.memref_slice %arg10[%add3A_180, %dma_start3A] : memref<102400x16xf32, #tpu.memory_space<vmem_shared>> -> memref<128x16xf32, #tpu.memory_space<vmem_shared>>
      %dma_start3A_440 = arith.constant 0 : i32
      %dma_start3A_441 = tpu.memref_slice %arg10[%add3A_180, %dma_start3A_440] : memref<102400x16xf32, #tpu.memory_space<vmem_shared>> -> memref<128x16xf32, #tpu.memory_space<vmem_shared>>
      tpu.enqueue_dma source(%arg8 : memref<128x16xf32, #tpu.memory_space<vmem>>) target(%dma_start3A_441 : memref<128x16xf32, #tpu.memory_space<vmem_shared>>) target_semaphore(%run_scoped3A : memref<!tpu.dma_semaphore, #tpu.memory_space<semaphore_mem>>)
      %dma_wait3A = arith.constant 0 : i32
      %dma_wait3A_442 = tpu.memref_slice %arg10[%add3A_180, %dma_wait3A] : memref<102400x16xf32, #tpu.memory_space<vmem_shared>> -> memref<128x16xf32, #tpu.memory_space<vmem_shared>>
      %dma_wait3A_443 = arith.constant 0 : i32
      %dma_wait3A_444 = tpu.memref_slice %arg10[%add3A_180, %dma_wait3A_443] : memref<102400x16xf32, #tpu.memory_space<vmem_shared>> -> memref<128x16xf32, #tpu.memory_space<vmem_shared>>
      tpu.wait_dma2 semaphore(%run_scoped3A : memref<!tpu.dma_semaphore, #tpu.memory_space<semaphore_mem>>) src(%arg8 : memref<128x16xf32, #tpu.memory_space<vmem>>) dst(%dma_wait3A_444 : memref<128x16xf32, #tpu.memory_space<vmem_shared>>)
      tpu.yield
    }) : () -> ()
    %mul3A_181 = arith.constant 6400 : i32
    %mul3A_182 = arith.muli %arg1, %mul3A_181 : i32
    %add3A_183 = arith.constant 5504 : i32
    %add3A_184 = arith.addi %mul3A_182, %add3A_183 : i32
    "tpu.region"() ({
      %run_scoped3A = tpu.sem_alloc : memref<!tpu.dma_semaphore, #tpu.memory_space<semaphore_mem>>
      %dma_start3A = arith.constant 0 : i32
      %dma_start3A_439 = tpu.memref_slice %arg10[%add3A_184, %dma_start3A] : memref<102400x16xf32, #tpu.memory_space<vmem_shared>> -> memref<128x16xf32, #tpu.memory_space<vmem_shared>>
      %dma_start3A_440 = arith.constant 0 : i32
      %dma_start3A_441 = tpu.memref_slice %arg10[%add3A_184, %dma_start3A_440] : memref<102400x16xf32, #tpu.memory_space<vmem_shared>> -> memref<128x16xf32, #tpu.memory_space<vmem_shared>>
      tpu.enqueue_dma source(%arg8 : memref<128x16xf32, #tpu.memory_space<vmem>>) target(%dma_start3A_441 : memref<128x16xf32, #tpu.memory_space<vmem_shared>>) target_semaphore(%run_scoped3A : memref<!tpu.dma_semaphore, #tpu.memory_space<semaphore_mem>>)
      %dma_wait3A = arith.constant 0 : i32
      %dma_wait3A_442 = tpu.memref_slice %arg10[%add3A_184, %dma_wait3A] : memref<102400x16xf32, #tpu.memory_space<vmem_shared>> -> memref<128x16xf32, #tpu.memory_space<vmem_shared>>
      %dma_wait3A_443 = arith.constant 0 : i32
      %dma_wait3A_444 = tpu.memref_slice %arg10[%add3A_184, %dma_wait3A_443] : memref<102400x16xf32, #tpu.memory_space<vmem_shared>> -> memref<128x16xf32, #tpu.memory_space<vmem_shared>>
      tpu.wait_dma2 semaphore(%run_scoped3A : memref<!tpu.dma_semaphore, #tpu.memory_space<semaphore_mem>>) src(%arg8 : memref<128x16xf32, #tpu.memory_space<vmem>>) dst(%dma_wait3A_444 : memref<128x16xf32, #tpu.memory_space<vmem_shared>>)
      tpu.yield
    }) : () -> ()
    %mul3A_185 = arith.constant 6400 : i32
    %mul3A_186 = arith.muli %arg1, %mul3A_185 : i32
    %add3A_187 = arith.constant 5632 : i32
    %add3A_188 = arith.addi %mul3A_186, %add3A_187 : i32
    "tpu.region"() ({
      %run_scoped3A = tpu.sem_alloc : memref<!tpu.dma_semaphore, #tpu.memory_space<semaphore_mem>>
      %dma_start3A = arith.constant 0 : i32
      %dma_start3A_439 = tpu.memref_slice %arg10[%add3A_188, %dma_start3A] : memref<102400x16xf32, #tpu.memory_space<vmem_shared>> -> memref<128x16xf32, #tpu.memory_space<vmem_shared>>
      %dma_start3A_440 = arith.constant 0 : i32
      %dma_start3A_441 = tpu.memref_slice %arg10[%add3A_188, %dma_start3A_440] : memref<102400x16xf32, #tpu.memory_space<vmem_shared>> -> memref<128x16xf32, #tpu.memory_space<vmem_shared>>
      tpu.enqueue_dma source(%arg8 : memref<128x16xf32, #tpu.memory_space<vmem>>) target(%dma_start3A_441 : memref<128x16xf32, #tpu.memory_space<vmem_shared>>) target_semaphore(%run_scoped3A : memref<!tpu.dma_semaphore, #tpu.memory_space<semaphore_mem>>)
      %dma_wait3A = arith.constant 0 : i32
      %dma_wait3A_442 = tpu.memref_slice %arg10[%add3A_188, %dma_wait3A] : memref<102400x16xf32, #tpu.memory_space<vmem_shared>> -> memref<128x16xf32, #tpu.memory_space<vmem_shared>>
      %dma_wait3A_443 = arith.constant 0 : i32
      %dma_wait3A_444 = tpu.memref_slice %arg10[%add3A_188, %dma_wait3A_443] : memref<102400x16xf32, #tpu.memory_space<vmem_shared>> -> memref<128x16xf32, #tpu.memory_space<vmem_shared>>
      tpu.wait_dma2 semaphore(%run_scoped3A : memref<!tpu.dma_semaphore, #tpu.memory_space<semaphore_mem>>) src(%arg8 : memref<128x16xf32, #tpu.memory_space<vmem>>) dst(%dma_wait3A_444 : memref<128x16xf32, #tpu.memory_space<vmem_shared>>)
      tpu.yield
    }) : () -> ()
    %mul3A_189 = arith.constant 6400 : i32
    %mul3A_190 = arith.muli %arg1, %mul3A_189 : i32
    %add3A_191 = arith.constant 5760 : i32
    %add3A_192 = arith.addi %mul3A_190, %add3A_191 : i32
    "tpu.region"() ({
      %run_scoped3A = tpu.sem_alloc : memref<!tpu.dma_semaphore, #tpu.memory_space<semaphore_mem>>
      %dma_start3A = arith.constant 0 : i32
      %dma_start3A_439 = tpu.memref_slice %arg10[%add3A_192, %dma_start3A] : memref<102400x16xf32, #tpu.memory_space<vmem_shared>> -> memref<128x16xf32, #tpu.memory_space<vmem_shared>>
      %dma_start3A_440 = arith.constant 0 : i32
      %dma_start3A_441 = tpu.memref_slice %arg10[%add3A_192, %dma_start3A_440] : memref<102400x16xf32, #tpu.memory_space<vmem_shared>> -> memref<128x16xf32, #tpu.memory_space<vmem_shared>>
      tpu.enqueue_dma source(%arg8 : memref<128x16xf32, #tpu.memory_space<vmem>>) target(%dma_start3A_441 : memref<128x16xf32, #tpu.memory_space<vmem_shared>>) target_semaphore(%run_scoped3A : memref<!tpu.dma_semaphore, #tpu.memory_space<semaphore_mem>>)
      %dma_wait3A = arith.constant 0 : i32
      %dma_wait3A_442 = tpu.memref_slice %arg10[%add3A_192, %dma_wait3A] : memref<102400x16xf32, #tpu.memory_space<vmem_shared>> -> memref<128x16xf32, #tpu.memory_space<vmem_shared>>
      %dma_wait3A_443 = arith.constant 0 : i32
      %dma_wait3A_444 = tpu.memref_slice %arg10[%add3A_192, %dma_wait3A_443] : memref<102400x16xf32, #tpu.memory_space<vmem_shared>> -> memref<128x16xf32, #tpu.memory_space<vmem_shared>>
      tpu.wait_dma2 semaphore(%run_scoped3A : memref<!tpu.dma_semaphore, #tpu.memory_space<semaphore_mem>>) src(%arg8 : memref<128x16xf32, #tpu.memory_space<vmem>>) dst(%dma_wait3A_444 : memref<128x16xf32, #tpu.memory_space<vmem_shared>>)
      tpu.yield
    }) : () -> ()
    %mul3A_193 = arith.constant 6400 : i32
    %mul3A_194 = arith.muli %arg1, %mul3A_193 : i32
    %add3A_195 = arith.constant 5888 : i32
    %add3A_196 = arith.addi %mul3A_194, %add3A_195 : i32
    "tpu.region"() ({
      %run_scoped3A = tpu.sem_alloc : memref<!tpu.dma_semaphore, #tpu.memory_space<semaphore_mem>>
      %dma_start3A = arith.constant 0 : i32
      %dma_start3A_439 = tpu.memref_slice %arg10[%add3A_196, %dma_start3A] : memref<102400x16xf32, #tpu.memory_space<vmem_shared>> -> memref<128x16xf32, #tpu.memory_space<vmem_shared>>
      %dma_start3A_440 = arith.constant 0 : i32
      %dma_start3A_441 = tpu.memref_slice %arg10[%add3A_196, %dma_start3A_440] : memref<102400x16xf32, #tpu.memory_space<vmem_shared>> -> memref<128x16xf32, #tpu.memory_space<vmem_shared>>
      tpu.enqueue_dma source(%arg8 : memref<128x16xf32, #tpu.memory_space<vmem>>) target(%dma_start3A_441 : memref<128x16xf32, #tpu.memory_space<vmem_shared>>) target_semaphore(%run_scoped3A : memref<!tpu.dma_semaphore, #tpu.memory_space<semaphore_mem>>)
      %dma_wait3A = arith.constant 0 : i32
      %dma_wait3A_442 = tpu.memref_slice %arg10[%add3A_196, %dma_wait3A] : memref<102400x16xf32, #tpu.memory_space<vmem_shared>> -> memref<128x16xf32, #tpu.memory_space<vmem_shared>>
      %dma_wait3A_443 = arith.constant 0 : i32
      %dma_wait3A_444 = tpu.memref_slice %arg10[%add3A_196, %dma_wait3A_443] : memref<102400x16xf32, #tpu.memory_space<vmem_shared>> -> memref<128x16xf32, #tpu.memory_space<vmem_shared>>
      tpu.wait_dma2 semaphore(%run_scoped3A : memref<!tpu.dma_semaphore, #tpu.memory_space<semaphore_mem>>) src(%arg8 : memref<128x16xf32, #tpu.memory_space<vmem>>) dst(%dma_wait3A_444 : memref<128x16xf32, #tpu.memory_space<vmem_shared>>)
      tpu.yield
    }) : () -> ()
    %mul3A_197 = arith.constant 6400 : i32
    %mul3A_198 = arith.muli %arg1, %mul3A_197 : i32
    %add3A_199 = arith.constant 6016 : i32
    %add3A_200 = arith.addi %mul3A_198, %add3A_199 : i32
    "tpu.region"() ({
      %run_scoped3A = tpu.sem_alloc : memref<!tpu.dma_semaphore, #tpu.memory_space<semaphore_mem>>
      %dma_start3A = arith.constant 0 : i32
      %dma_start3A_439 = tpu.memref_slice %arg10[%add3A_200, %dma_start3A] : memref<102400x16xf32, #tpu.memory_space<vmem_shared>> -> memref<128x16xf32, #tpu.memory_space<vmem_shared>>
      %dma_start3A_440 = arith.constant 0 : i32
      %dma_start3A_441 = tpu.memref_slice %arg10[%add3A_200, %dma_start3A_440] : memref<102400x16xf32, #tpu.memory_space<vmem_shared>> -> memref<128x16xf32, #tpu.memory_space<vmem_shared>>
      tpu.enqueue_dma source(%arg8 : memref<128x16xf32, #tpu.memory_space<vmem>>) target(%dma_start3A_441 : memref<128x16xf32, #tpu.memory_space<vmem_shared>>) target_semaphore(%run_scoped3A : memref<!tpu.dma_semaphore, #tpu.memory_space<semaphore_mem>>)
      %dma_wait3A = arith.constant 0 : i32
      %dma_wait3A_442 = tpu.memref_slice %arg10[%add3A_200, %dma_wait3A] : memref<102400x16xf32, #tpu.memory_space<vmem_shared>> -> memref<128x16xf32, #tpu.memory_space<vmem_shared>>
      %dma_wait3A_443 = arith.constant 0 : i32
      %dma_wait3A_444 = tpu.memref_slice %arg10[%add3A_200, %dma_wait3A_443] : memref<102400x16xf32, #tpu.memory_space<vmem_shared>> -> memref<128x16xf32, #tpu.memory_space<vmem_shared>>
      tpu.wait_dma2 semaphore(%run_scoped3A : memref<!tpu.dma_semaphore, #tpu.memory_space<semaphore_mem>>) src(%arg8 : memref<128x16xf32, #tpu.memory_space<vmem>>) dst(%dma_wait3A_444 : memref<128x16xf32, #tpu.memory_space<vmem_shared>>)
      tpu.yield
    }) : () -> ()
    %mul3A_201 = arith.constant 6400 : i32
    %mul3A_202 = arith.muli %arg1, %mul3A_201 : i32
    %add3A_203 = arith.constant 6144 : i32
    %add3A_204 = arith.addi %mul3A_202, %add3A_203 : i32
    "tpu.region"() ({
      %run_scoped3A = tpu.sem_alloc : memref<!tpu.dma_semaphore, #tpu.memory_space<semaphore_mem>>
      %dma_start3A = arith.constant 0 : i32
      %dma_start3A_439 = tpu.memref_slice %arg10[%add3A_204, %dma_start3A] : memref<102400x16xf32, #tpu.memory_space<vmem_shared>> -> memref<128x16xf32, #tpu.memory_space<vmem_shared>>
      %dma_start3A_440 = arith.constant 0 : i32
      %dma_start3A_441 = tpu.memref_slice %arg10[%add3A_204, %dma_start3A_440] : memref<102400x16xf32, #tpu.memory_space<vmem_shared>> -> memref<128x16xf32, #tpu.memory_space<vmem_shared>>
      tpu.enqueue_dma source(%arg8 : memref<128x16xf32, #tpu.memory_space<vmem>>) target(%dma_start3A_441 : memref<128x16xf32, #tpu.memory_space<vmem_shared>>) target_semaphore(%run_scoped3A : memref<!tpu.dma_semaphore, #tpu.memory_space<semaphore_mem>>)
      %dma_wait3A = arith.constant 0 : i32
      %dma_wait3A_442 = tpu.memref_slice %arg10[%add3A_204, %dma_wait3A] : memref<102400x16xf32, #tpu.memory_space<vmem_shared>> -> memref<128x16xf32, #tpu.memory_space<vmem_shared>>
      %dma_wait3A_443 = arith.constant 0 : i32
      %dma_wait3A_444 = tpu.memref_slice %arg10[%add3A_204, %dma_wait3A_443] : memref<102400x16xf32, #tpu.memory_space<vmem_shared>> -> memref<128x16xf32, #tpu.memory_space<vmem_shared>>
      tpu.wait_dma2 semaphore(%run_scoped3A : memref<!tpu.dma_semaphore, #tpu.memory_space<semaphore_mem>>) src(%arg8 : memref<128x16xf32, #tpu.memory_space<vmem>>) dst(%dma_wait3A_444 : memref<128x16xf32, #tpu.memory_space<vmem_shared>>)
      tpu.yield
    }) : () -> ()
    %mul3A_205 = arith.constant 6400 : i32
    %mul3A_206 = arith.muli %arg1, %mul3A_205 : i32
    %add3A_207 = arith.constant 6272 : i32
    %add3A_208 = arith.addi %mul3A_206, %add3A_207 : i32
    "tpu.region"() ({
      %run_scoped3A = tpu.sem_alloc : memref<!tpu.dma_semaphore, #tpu.memory_space<semaphore_mem>>
      %dma_start3A = arith.constant 0 : i32
      %dma_start3A_439 = tpu.memref_slice %arg10[%add3A_208, %dma_start3A] : memref<102400x16xf32, #tpu.memory_space<vmem_shared>> -> memref<128x16xf32, #tpu.memory_space<vmem_shared>>
      %dma_start3A_440 = arith.constant 0 : i32
      %dma_start3A_441 = tpu.memref_slice %arg10[%add3A_208, %dma_start3A_440] : memref<102400x16xf32, #tpu.memory_space<vmem_shared>> -> memref<128x16xf32, #tpu.memory_space<vmem_shared>>
      tpu.enqueue_dma source(%arg8 : memref<128x16xf32, #tpu.memory_space<vmem>>) target(%dma_start3A_441 : memref<128x16xf32, #tpu.memory_space<vmem_shared>>) target_semaphore(%run_scoped3A : memref<!tpu.dma_semaphore, #tpu.memory_space<semaphore_mem>>)
      %dma_wait3A = arith.constant 0 : i32
      %dma_wait3A_442 = tpu.memref_slice %arg10[%add3A_208, %dma_wait3A] : memref<102400x16xf32, #tpu.memory_space<vmem_shared>> -> memref<128x16xf32, #tpu.memory_space<vmem_shared>>
      %dma_wait3A_443 = arith.constant 0 : i32
      %dma_wait3A_444 = tpu.memref_slice %arg10[%add3A_208, %dma_wait3A_443] : memref<102400x16xf32, #tpu.memory_space<vmem_shared>> -> memref<128x16xf32, #tpu.memory_space<vmem_shared>>
      tpu.wait_dma2 semaphore(%run_scoped3A : memref<!tpu.dma_semaphore, #tpu.memory_space<semaphore_mem>>) src(%arg8 : memref<128x16xf32, #tpu.memory_space<vmem>>) dst(%dma_wait3A_444 : memref<128x16xf32, #tpu.memory_space<vmem_shared>>)
      tpu.yield
    }) : () -> ()
    %barrier3A = arith.constant 0 : index
    tpu.barrier barrier_id(%barrier3A)
    %scan3A_209 = arith.constant 0 : i32
    %scan3A_210 = arith.constant 98 : i32
    %scan3A_211 = arith.addi %scan3A_209, %scan3A_210 : i32
    %scan3A_212 = arith.constant 1 : i32
    scf.for %scan3A_439 = %scan3A_209 to %scan3A_211 step %scan3A_212  : i32 {
      %mul3A_440 = arith.constant 1 : i32
      %mul3A_441 = arith.muli %scan3A_439, %mul3A_440 : i32
      %add3A_442 = arith.constant 0 : i32
      %add3A_443 = arith.addi %add3A_442, %mul3A_441 : i32
      %mul3A_444 = arith.constant 100352 : i32
      %mul3A_445 = arith.muli %arg1, %mul3A_444 : i32
      %mul3A_446 = arith.constant 1024 : i32
      %mul3A_447 = arith.muli %add3A_443, %mul3A_446 : i32
      %add3A_448 = arith.addi %mul3A_445, %mul3A_447 : i32
      %jit3A = arith.constant 4 : i32
      %div3A = arith.divsi %add3A_448, %jit3A : i32
      %sign3A = arith.constant 0 : i32
      %sign3A_449 = arith.cmpi sgt, %add3A_448, %sign3A : i32
      %sign3A_450 = arith.extui %sign3A_449 : i1 to i32
      %sign3A_451 = arith.constant 0 : i32
      %sign3A_452 = arith.cmpi slt, %add3A_448, %sign3A_451 : i32
      %sign3A_453 = arith.extui %sign3A_452 : i1 to i32
      %sign3A_454 = arith.subi %sign3A_450, %sign3A_453 : i32
      %sign3A_455 = arith.constant 0 : i32
      %sign3A_456 = arith.cmpi sgt, %jit3A, %sign3A_455 : i32
      %sign3A_457 = arith.extui %sign3A_456 : i1 to i32
      %sign3A_458 = arith.constant 0 : i32
      %sign3A_459 = arith.cmpi slt, %jit3A, %sign3A_458 : i32
      %sign3A_460 = arith.extui %sign3A_459 : i1 to i32
      %sign3A_461 = arith.subi %sign3A_457, %sign3A_460 : i32
      %ne3A = arith.cmpi ne, %sign3A_454, %sign3A_461 : i32
      %rem3A = arith.remsi %add3A_448, %jit3A : i32
      %ne3A_462 = arith.constant 0 : i32
      %ne3A_463 = arith.cmpi ne, %rem3A, %ne3A_462 : i32
      %and3A = arith.andi %ne3A, %ne3A_463 : i1
      %sub3A = arith.constant 1 : i32
      %sub3A_464 = arith.subi %div3A, %sub3A : i32
      %select_n3A = arith.select %and3A, %sub3A_464, %div3A : i32
      "tpu.region"() ({
        %run_scoped3A = tpu.sem_alloc : memref<!tpu.dma_semaphore, #tpu.memory_space<semaphore_mem>>
        %dma_start3A_535 = tpu.memref_slice %arg3[%add3A_448] : memref<1605632xi32, #tpu.memory_space<hbm>> -> memref<1024xi32, #tpu.memory_space<hbm>>
        %dma_start3A_536 = tpu.memref_slice %arg3[%add3A_448] : memref<1605632xi32, #tpu.memory_space<hbm>> -> memref<1024xi32, #tpu.memory_space<hbm>>
        tpu.enqueue_dma source(%dma_start3A_536 : memref<1024xi32, #tpu.memory_space<hbm>>) target(%arg6 : memref<1024xi32, #tpu.memory_space<vmem>>) target_semaphore(%run_scoped3A : memref<!tpu.dma_semaphore, #tpu.memory_space<semaphore_mem>>)
        %dma_wait3A_537 = tpu.memref_slice %arg3[%add3A_448] : memref<1605632xi32, #tpu.memory_space<hbm>> -> memref<1024xi32, #tpu.memory_space<hbm>>
        %dma_wait3A_538 = tpu.memref_slice %arg3[%add3A_448] : memref<1605632xi32, #tpu.memory_space<hbm>> -> memref<1024xi32, #tpu.memory_space<hbm>>
        tpu.wait_dma2 semaphore(%run_scoped3A : memref<!tpu.dma_semaphore, #tpu.memory_space<semaphore_mem>>) src(%dma_wait3A_538 : memref<1024xi32, #tpu.memory_space<hbm>>) dst(%arg6 : memref<1024xi32, #tpu.memory_space<vmem>>)
        tpu.yield
      }) : () -> ()
      %add3A_465 = arith.constant 0 : i32
      %add3A_466 = arith.addi %add3A_465, %mul3A_0 : i32
      %dma_start3A = arith.constant 0 : i32
      %dma_start3A_467 = arith.constant 0 : i32
      %dma_start3A_468 = tpu.memref_slice %arg7[%dma_start3A, %dma_start3A_467] : memref<1024x16xf32, #tpu.memory_space<vmem>> -> memref<256x16xf32, #tpu.memory_space<vmem>>
      %dma_start3A_469 = tpu.memref_slice %arg2[%select_n3A, %add3A_466] : memref<401408x128xf32, #tpu.memory_space<hbm>> -> memref<256x16xf32, #tpu.memory_space<hbm>>
      %dma_start3A_470 = arith.constant 0 : i32
      %dma_start3A_471 = arith.constant 0 : i32
      %dma_start3A_472 = tpu.memref_slice %arg7[%dma_start3A_470, %dma_start3A_471] : memref<1024x16xf32, #tpu.memory_space<vmem>> -> memref<256x16xf32, #tpu.memory_space<vmem>>
      %dma_start3A_473 = tpu.memref_slice %arg2[%select_n3A, %add3A_466] : memref<401408x128xf32, #tpu.memory_space<hbm>> -> memref<256x16xf32, #tpu.memory_space<hbm>>
      tpu.enqueue_dma source(%dma_start3A_473 : memref<256x16xf32, #tpu.memory_space<hbm>>) target(%dma_start3A_472 : memref<256x16xf32, #tpu.memory_space<vmem>>) target_semaphore(%arg11 : memref<!tpu.dma_semaphore, #tpu.memory_space<semaphore_mem>>)
      %add3A_474 = arith.constant 32 : i32
      %add3A_475 = arith.addi %add3A_474, %mul3A_0 : i32
      %dma_start3A_476 = arith.constant 256 : i32
      %dma_start3A_477 = arith.constant 0 : i32
      %dma_start3A_478 = tpu.memref_slice %arg7[%dma_start3A_476, %dma_start3A_477] : memref<1024x16xf32, #tpu.memory_space<vmem>> -> memref<256x16xf32, #tpu.memory_space<vmem>>
      %dma_start3A_479 = tpu.memref_slice %arg2[%select_n3A, %add3A_475] : memref<401408x128xf32, #tpu.memory_space<hbm>> -> memref<256x16xf32, #tpu.memory_space<hbm>>
      %dma_start3A_480 = arith.constant 256 : i32
      %dma_start3A_481 = arith.constant 0 : i32
      %dma_start3A_482 = tpu.memref_slice %arg7[%dma_start3A_480, %dma_start3A_481] : memref<1024x16xf32, #tpu.memory_space<vmem>> -> memref<256x16xf32, #tpu.memory_space<vmem>>
      %dma_start3A_483 = tpu.memref_slice %arg2[%select_n3A, %add3A_475] : memref<401408x128xf32, #tpu.memory_space<hbm>> -> memref<256x16xf32, #tpu.memory_space<hbm>>
      tpu.enqueue_dma source(%dma_start3A_483 : memref<256x16xf32, #tpu.memory_space<hbm>>) target(%dma_start3A_482 : memref<256x16xf32, #tpu.memory_space<vmem>>) target_semaphore(%arg11 : memref<!tpu.dma_semaphore, #tpu.memory_space<semaphore_mem>>)
      %add3A_484 = arith.constant 64 : i32
      %add3A_485 = arith.addi %add3A_484, %mul3A_0 : i32
      %dma_start3A_486 = arith.constant 512 : i32
      %dma_start3A_487 = arith.constant 0 : i32
      %dma_start3A_488 = tpu.memref_slice %arg7[%dma_start3A_486, %dma_start3A_487] : memref<1024x16xf32, #tpu.memory_space<vmem>> -> memref<256x16xf32, #tpu.memory_space<vmem>>
      %dma_start3A_489 = tpu.memref_slice %arg2[%select_n3A, %add3A_485] : memref<401408x128xf32, #tpu.memory_space<hbm>> -> memref<256x16xf32, #tpu.memory_space<hbm>>
      %dma_start3A_490 = arith.constant 512 : i32
      %dma_start3A_491 = arith.constant 0 : i32
      %dma_start3A_492 = tpu.memref_slice %arg7[%dma_start3A_490, %dma_start3A_491] : memref<1024x16xf32, #tpu.memory_space<vmem>> -> memref<256x16xf32, #tpu.memory_space<vmem>>
      %dma_start3A_493 = tpu.memref_slice %arg2[%select_n3A, %add3A_485] : memref<401408x128xf32, #tpu.memory_space<hbm>> -> memref<256x16xf32, #tpu.memory_space<hbm>>
      tpu.enqueue_dma source(%dma_start3A_493 : memref<256x16xf32, #tpu.memory_space<hbm>>) target(%dma_start3A_492 : memref<256x16xf32, #tpu.memory_space<vmem>>) target_semaphore(%arg11 : memref<!tpu.dma_semaphore, #tpu.memory_space<semaphore_mem>>)
      %add3A_494 = arith.constant 96 : i32
      %add3A_495 = arith.addi %add3A_494, %mul3A_0 : i32
      %dma_start3A_496 = arith.constant 768 : i32
      %dma_start3A_497 = arith.constant 0 : i32
      %dma_start3A_498 = tpu.memref_slice %arg7[%dma_start3A_496, %dma_start3A_497] : memref<1024x16xf32, #tpu.memory_space<vmem>> -> memref<256x16xf32, #tpu.memory_space<vmem>>
      %dma_start3A_499 = tpu.memref_slice %arg2[%select_n3A, %add3A_495] : memref<401408x128xf32, #tpu.memory_space<hbm>> -> memref<256x16xf32, #tpu.memory_space<hbm>>
      %dma_start3A_500 = arith.constant 768 : i32
      %dma_start3A_501 = arith.constant 0 : i32
      %dma_start3A_502 = tpu.memref_slice %arg7[%dma_start3A_500, %dma_start3A_501] : memref<1024x16xf32, #tpu.memory_space<vmem>> -> memref<256x16xf32, #tpu.memory_space<vmem>>
      %dma_start3A_503 = tpu.memref_slice %arg2[%select_n3A, %add3A_495] : memref<401408x128xf32, #tpu.memory_space<hbm>> -> memref<256x16xf32, #tpu.memory_space<hbm>>
      tpu.enqueue_dma source(%dma_start3A_503 : memref<256x16xf32, #tpu.memory_space<hbm>>) target(%dma_start3A_502 : memref<256x16xf32, #tpu.memory_space<vmem>>) target_semaphore(%arg11 : memref<!tpu.dma_semaphore, #tpu.memory_space<semaphore_mem>>)
      %dma_wait3A = arith.constant 0 : i32
      %dma_wait3A_504 = arith.constant 0 : i32
      %dma_wait3A_505 = tpu.memref_slice %arg7[%dma_wait3A, %dma_wait3A_504] : memref<1024x16xf32, #tpu.memory_space<vmem>> -> memref<256x16xf32, #tpu.memory_space<vmem>>
      %dma_wait3A_506 = tpu.memref_slice %arg2[%select_n3A, %add3A_466] : memref<401408x128xf32, #tpu.memory_space<hbm>> -> memref<256x16xf32, #tpu.memory_space<hbm>>
      %dma_wait3A_507 = arith.constant 0 : i32
      %dma_wait3A_508 = arith.constant 0 : i32
      %dma_wait3A_509 = tpu.memref_slice %arg7[%dma_wait3A_507, %dma_wait3A_508] : memref<1024x16xf32, #tpu.memory_space<vmem>> -> memref<256x16xf32, #tpu.memory_space<vmem>>
      %dma_wait3A_510 = tpu.memref_slice %arg2[%select_n3A, %add3A_466] : memref<401408x128xf32, #tpu.memory_space<hbm>> -> memref<256x16xf32, #tpu.memory_space<hbm>>
      tpu.wait_dma2 semaphore(%arg11 : memref<!tpu.dma_semaphore, #tpu.memory_space<semaphore_mem>>) src(%dma_wait3A_510 : memref<256x16xf32, #tpu.memory_space<hbm>>) dst(%dma_wait3A_509 : memref<256x16xf32, #tpu.memory_space<vmem>>)
      %dma_wait3A_511 = arith.constant 256 : i32
      %dma_wait3A_512 = arith.constant 0 : i32
      %dma_wait3A_513 = tpu.memref_slice %arg7[%dma_wait3A_511, %dma_wait3A_512] : memref<1024x16xf32, #tpu.memory_space<vmem>> -> memref<256x16xf32, #tpu.memory_space<vmem>>
      %dma_wait3A_514 = tpu.memref_slice %arg2[%select_n3A, %add3A_475] : memref<401408x128xf32, #tpu.memory_space<hbm>> -> memref<256x16xf32, #tpu.memory_space<hbm>>
      %dma_wait3A_515 = arith.constant 256 : i32
      %dma_wait3A_516 = arith.constant 0 : i32
      %dma_wait3A_517 = tpu.memref_slice %arg7[%dma_wait3A_515, %dma_wait3A_516] : memref<1024x16xf32, #tpu.memory_space<vmem>> -> memref<256x16xf32, #tpu.memory_space<vmem>>
      %dma_wait3A_518 = tpu.memref_slice %arg2[%select_n3A, %add3A_475] : memref<401408x128xf32, #tpu.memory_space<hbm>> -> memref<256x16xf32, #tpu.memory_space<hbm>>
      tpu.wait_dma2 semaphore(%arg11 : memref<!tpu.dma_semaphore, #tpu.memory_space<semaphore_mem>>) src(%dma_wait3A_518 : memref<256x16xf32, #tpu.memory_space<hbm>>) dst(%dma_wait3A_517 : memref<256x16xf32, #tpu.memory_space<vmem>>)
      %dma_wait3A_519 = arith.constant 512 : i32
      %dma_wait3A_520 = arith.constant 0 : i32
      %dma_wait3A_521 = tpu.memref_slice %arg7[%dma_wait3A_519, %dma_wait3A_520] : memref<1024x16xf32, #tpu.memory_space<vmem>> -> memref<256x16xf32, #tpu.memory_space<vmem>>
      %dma_wait3A_522 = tpu.memref_slice %arg2[%select_n3A, %add3A_485] : memref<401408x128xf32, #tpu.memory_space<hbm>> -> memref<256x16xf32, #tpu.memory_space<hbm>>
      %dma_wait3A_523 = arith.constant 512 : i32
      %dma_wait3A_524 = arith.constant 0 : i32
      %dma_wait3A_525 = tpu.memref_slice %arg7[%dma_wait3A_523, %dma_wait3A_524] : memref<1024x16xf32, #tpu.memory_space<vmem>> -> memref<256x16xf32, #tpu.memory_space<vmem>>
      %dma_wait3A_526 = tpu.memref_slice %arg2[%select_n3A, %add3A_485] : memref<401408x128xf32, #tpu.memory_space<hbm>> -> memref<256x16xf32, #tpu.memory_space<hbm>>
      tpu.wait_dma2 semaphore(%arg11 : memref<!tpu.dma_semaphore, #tpu.memory_space<semaphore_mem>>) src(%dma_wait3A_526 : memref<256x16xf32, #tpu.memory_space<hbm>>) dst(%dma_wait3A_525 : memref<256x16xf32, #tpu.memory_space<vmem>>)
      %dma_wait3A_527 = arith.constant 768 : i32
      %dma_wait3A_528 = arith.constant 0 : i32
      %dma_wait3A_529 = tpu.memref_slice %arg7[%dma_wait3A_527, %dma_wait3A_528] : memref<1024x16xf32, #tpu.memory_space<vmem>> -> memref<256x16xf32, #tpu.memory_space<vmem>>
      %dma_wait3A_530 = tpu.memref_slice %arg2[%select_n3A, %add3A_495] : memref<401408x128xf32, #tpu.memory_space<hbm>> -> memref<256x16xf32, #tpu.memory_space<hbm>>
      %dma_wait3A_531 = arith.constant 768 : i32
      %dma_wait3A_532 = arith.constant 0 : i32
      %dma_wait3A_533 = tpu.memref_slice %arg7[%dma_wait3A_531, %dma_wait3A_532] : memref<1024x16xf32, #tpu.memory_space<vmem>> -> memref<256x16xf32, #tpu.memory_space<vmem>>
      %dma_wait3A_534 = tpu.memref_slice %arg2[%select_n3A, %add3A_495] : memref<401408x128xf32, #tpu.memory_space<hbm>> -> memref<256x16xf32, #tpu.memory_space<hbm>>
      tpu.wait_dma2 semaphore(%arg11 : memref<!tpu.dma_semaphore, #tpu.memory_space<semaphore_mem>>) src(%dma_wait3A_534 : memref<256x16xf32, #tpu.memory_space<hbm>>) dst(%dma_wait3A_533 : memref<256x16xf32, #tpu.memory_space<vmem>>)
      "tpu.region"() ({
        %run_scoped3A = tpu.sem_alloc : memref<!tpu.dma_semaphore, #tpu.memory_space<semaphore_mem>>
        %dma_start3A_535 = arith.constant 0 : i32
        %dma_start3A_536 = arith.constant 0 : i32
        %dma_start3A_537 = tpu.memref_slice %arg10[%dma_start3A_535, %dma_start3A_536] : memref<102400x16xf32, #tpu.memory_space<vmem_shared>> -> memref<102400x16xf32, #tpu.memory_space<vmem_shared>>
        tpu.enqueue_indirect_dma source(%arg7 : memref<1024x16xf32, #tpu.memory_space<vmem>>) target(%dma_start3A_537 : memref<102400x16xf32, #tpu.memory_space<vmem_shared>>) offsets(%arg6 : memref<1024xi32, #tpu.memory_space<vmem>>) semaphore(%run_scoped3A : memref<!tpu.dma_semaphore, #tpu.memory_space<semaphore_mem>>) {add = true}
        %dma_wait3A_538 = arith.constant 0 : i32
        %dma_wait3A_539 = arith.constant 0 : i32
        %dma_wait3A_540 = tpu.memref_slice %arg10[%dma_wait3A_538, %dma_wait3A_539] : memref<102400x16xf32, #tpu.memory_space<vmem_shared>> -> memref<102400x16xf32, #tpu.memory_space<vmem_shared>>
        tpu.wait_indirect_dma semaphore(%run_scoped3A : memref<!tpu.dma_semaphore, #tpu.memory_space<semaphore_mem>>) src(%arg7 : memref<1024x16xf32, #tpu.memory_space<vmem>>) dst(%dma_wait3A_540 : memref<102400x16xf32, #tpu.memory_space<vmem_shared>>)
        tpu.yield
      }) : () -> ()
    }
    %scan3A_213 = arith.constant 98 : i32
    %barrier3A_214 = arith.constant 0 : index
    tpu.barrier barrier_id(%barrier3A_214)
    %lt3A = arith.constant 15 : i32
    %lt3A_215 = arith.cmpi slt, %arg1, %lt3A : i32
    %convert_element_type3A = arith.extui %lt3A_215 : i1 to i32
    %cond3A = arith.constant 0 : i32
    %cond3A_216 = arith.cmpi ne, %convert_element_type3A, %cond3A : i32
    scf.if %cond3A_216 {
      %mul3A_439 = arith.constant 6400 : i32
      %mul3A_440 = arith.muli %arg1, %mul3A_439 : i32
      %mul3A_441 = arith.constant 6400 : i32
      %mul3A_442 = arith.muli %arg1, %mul3A_441 : i32
      "tpu.region"() ({
        %run_scoped3A = tpu.sem_alloc : memref<!tpu.dma_semaphore, #tpu.memory_space<semaphore_mem>>
        %dma_start3A = tpu.memref_slice %arg4[%mul3A_442, %mul3A_0] : memref<100000x32xf32, #tpu.memory_space<hbm>> -> memref<6400x16xf32, #tpu.memory_space<hbm>>
        %dma_start3A_443 = arith.constant 0 : i32
        %dma_start3A_444 = tpu.memref_slice %arg10[%mul3A_440, %dma_start3A_443] : memref<102400x16xf32, #tpu.memory_space<vmem_shared>> -> memref<6400x16xf32, #tpu.memory_space<vmem_shared>>
        tpu.enqueue_dma source(%dma_start3A_444 : memref<6400x16xf32, #tpu.memory_space<vmem_shared>>) target(%dma_start3A : memref<6400x16xf32, #tpu.memory_space<hbm>>) target_semaphore(%run_scoped3A : memref<!tpu.dma_semaphore, #tpu.memory_space<semaphore_mem>>)
        %dma_wait3A = tpu.memref_slice %arg4[%mul3A_442, %mul3A_0] : memref<100000x32xf32, #tpu.memory_space<hbm>> -> memref<6400x16xf32, #tpu.memory_space<hbm>>
        %dma_wait3A_445 = arith.constant 0 : i32
        %dma_wait3A_446 = tpu.memref_slice %arg10[%mul3A_440, %dma_wait3A_445] : memref<102400x16xf32, #tpu.memory_space<vmem_shared>> -> memref<6400x16xf32, #tpu.memory_space<vmem_shared>>
        tpu.wait_dma2 semaphore(%run_scoped3A : memref<!tpu.dma_semaphore, #tpu.memory_space<semaphore_mem>>) src(%dma_wait3A_446 : memref<6400x16xf32, #tpu.memory_space<vmem_shared>>) dst(%dma_wait3A : memref<6400x16xf32, #tpu.memory_space<hbm>>)
        tpu.yield
      }) : () -> ()
    } else {
    }
    %eq3A = arith.constant 15 : i32
    %eq3A_217 = arith.cmpi eq, %arg1, %eq3A : i32
    %convert_element_type3A_218 = arith.extui %eq3A_217 : i1 to i32
    %cond3A_219 = arith.constant 0 : i32
    %cond3A_220 = arith.cmpi ne, %convert_element_type3A_218, %cond3A_219 : i32
    scf.if %cond3A_220 {
      "tpu.region"() ({
        %run_scoped3A = tpu.sem_alloc : memref<!tpu.dma_semaphore, #tpu.memory_space<semaphore_mem>>
        %dma_start3A = arith.constant 96000 : i32
        %dma_start3A_439 = tpu.memref_slice %arg4[%dma_start3A, %mul3A_0] : memref<100000x32xf32, #tpu.memory_space<hbm>> -> memref<4000x16xf32, #tpu.memory_space<hbm>>
        %dma_start3A_440 = arith.constant 96000 : i32
        %dma_start3A_441 = arith.constant 0 : i32
        %dma_start3A_442 = tpu.memref_slice %arg10[%dma_start3A_440, %dma_start3A_441] : memref<102400x16xf32, #tpu.memory_space<vmem_shared>> -> memref<4000x16xf32, #tpu.memory_space<vmem_shared>>
        tpu.enqueue_dma source(%dma_start3A_442 : memref<4000x16xf32, #tpu.memory_space<vmem_shared>>) target(%dma_start3A_439 : memref<4000x16xf32, #tpu.memory_space<hbm>>) target_semaphore(%run_scoped3A : memref<!tpu.dma_semaphore, #tpu.memory_space<semaphore_mem>>)
        %dma_wait3A = arith.constant 96000 : i32
        %dma_wait3A_443 = tpu.memref_slice %arg4[%dma_wait3A, %mul3A_0] : memref<100000x32xf32, #tpu.memory_space<hbm>> -> memref<4000x16xf32, #tpu.memory_space<hbm>>
        %dma_wait3A_444 = arith.constant 96000 : i32
        %dma_wait3A_445 = arith.constant 0 : i32
        %dma_wait3A_446 = tpu.memref_slice %arg10[%dma_wait3A_444, %dma_wait3A_445] : memref<102400x16xf32, #tpu.memory_space<vmem_shared>> -> memref<4000x16xf32, #tpu.memory_space<vmem_shared>>
        tpu.wait_dma2 semaphore(%run_scoped3A : memref<!tpu.dma_semaphore, #tpu.memory_space<semaphore_mem>>) src(%dma_wait3A_446 : memref<4000x16xf32, #tpu.memory_space<vmem_shared>>) dst(%dma_wait3A_443 : memref<4000x16xf32, #tpu.memory_space<hbm>>)
        tpu.yield
      }) : () -> ()
    } else {
    }
    %barrier3A_221 = arith.constant 0 : index
    tpu.barrier barrier_id(%barrier3A_221)
    %mul3A_222 = arith.constant 6400 : i32
    %mul3A_223 = arith.muli %arg1, %mul3A_222 : i32
    %add3A_224 = arith.constant 0 : i32
    %add3A_225 = arith.addi %mul3A_223, %add3A_224 : i32
    "tpu.region"() ({
      %run_scoped3A = tpu.sem_alloc : memref<!tpu.dma_semaphore, #tpu.memory_space<semaphore_mem>>
      %dma_start3A = arith.constant 0 : i32
      %dma_start3A_439 = tpu.memref_slice %arg10[%add3A_225, %dma_start3A] : memref<102400x16xf32, #tpu.memory_space<vmem_shared>> -> memref<128x16xf32, #tpu.memory_space<vmem_shared>>
      %dma_start3A_440 = arith.constant 0 : i32
      %dma_start3A_441 = tpu.memref_slice %arg10[%add3A_225, %dma_start3A_440] : memref<102400x16xf32, #tpu.memory_space<vmem_shared>> -> memref<128x16xf32, #tpu.memory_space<vmem_shared>>
      tpu.enqueue_dma source(%arg8 : memref<128x16xf32, #tpu.memory_space<vmem>>) target(%dma_start3A_441 : memref<128x16xf32, #tpu.memory_space<vmem_shared>>) target_semaphore(%run_scoped3A : memref<!tpu.dma_semaphore, #tpu.memory_space<semaphore_mem>>)
      %dma_wait3A = arith.constant 0 : i32
      %dma_wait3A_442 = tpu.memref_slice %arg10[%add3A_225, %dma_wait3A] : memref<102400x16xf32, #tpu.memory_space<vmem_shared>> -> memref<128x16xf32, #tpu.memory_space<vmem_shared>>
      %dma_wait3A_443 = arith.constant 0 : i32
      %dma_wait3A_444 = tpu.memref_slice %arg10[%add3A_225, %dma_wait3A_443] : memref<102400x16xf32, #tpu.memory_space<vmem_shared>> -> memref<128x16xf32, #tpu.memory_space<vmem_shared>>
      tpu.wait_dma2 semaphore(%run_scoped3A : memref<!tpu.dma_semaphore, #tpu.memory_space<semaphore_mem>>) src(%arg8 : memref<128x16xf32, #tpu.memory_space<vmem>>) dst(%dma_wait3A_444 : memref<128x16xf32, #tpu.memory_space<vmem_shared>>)
      tpu.yield
    }) : () -> ()
    %mul3A_226 = arith.constant 6400 : i32
    %mul3A_227 = arith.muli %arg1, %mul3A_226 : i32
    %add3A_228 = arith.constant 128 : i32
    %add3A_229 = arith.addi %mul3A_227, %add3A_228 : i32
    "tpu.region"() ({
      %run_scoped3A = tpu.sem_alloc : memref<!tpu.dma_semaphore, #tpu.memory_space<semaphore_mem>>
      %dma_start3A = arith.constant 0 : i32
      %dma_start3A_439 = tpu.memref_slice %arg10[%add3A_229, %dma_start3A] : memref<102400x16xf32, #tpu.memory_space<vmem_shared>> -> memref<128x16xf32, #tpu.memory_space<vmem_shared>>
      %dma_start3A_440 = arith.constant 0 : i32
      %dma_start3A_441 = tpu.memref_slice %arg10[%add3A_229, %dma_start3A_440] : memref<102400x16xf32, #tpu.memory_space<vmem_shared>> -> memref<128x16xf32, #tpu.memory_space<vmem_shared>>
      tpu.enqueue_dma source(%arg8 : memref<128x16xf32, #tpu.memory_space<vmem>>) target(%dma_start3A_441 : memref<128x16xf32, #tpu.memory_space<vmem_shared>>) target_semaphore(%run_scoped3A : memref<!tpu.dma_semaphore, #tpu.memory_space<semaphore_mem>>)
      %dma_wait3A = arith.constant 0 : i32
      %dma_wait3A_442 = tpu.memref_slice %arg10[%add3A_229, %dma_wait3A] : memref<102400x16xf32, #tpu.memory_space<vmem_shared>> -> memref<128x16xf32, #tpu.memory_space<vmem_shared>>
      %dma_wait3A_443 = arith.constant 0 : i32
      %dma_wait3A_444 = tpu.memref_slice %arg10[%add3A_229, %dma_wait3A_443] : memref<102400x16xf32, #tpu.memory_space<vmem_shared>> -> memref<128x16xf32, #tpu.memory_space<vmem_shared>>
      tpu.wait_dma2 semaphore(%run_scoped3A : memref<!tpu.dma_semaphore, #tpu.memory_space<semaphore_mem>>) src(%arg8 : memref<128x16xf32, #tpu.memory_space<vmem>>) dst(%dma_wait3A_444 : memref<128x16xf32, #tpu.memory_space<vmem_shared>>)
      tpu.yield
    }) : () -> ()
    %mul3A_230 = arith.constant 6400 : i32
    %mul3A_231 = arith.muli %arg1, %mul3A_230 : i32
    %add3A_232 = arith.constant 256 : i32
    %add3A_233 = arith.addi %mul3A_231, %add3A_232 : i32
    "tpu.region"() ({
      %run_scoped3A = tpu.sem_alloc : memref<!tpu.dma_semaphore, #tpu.memory_space<semaphore_mem>>
      %dma_start3A = arith.constant 0 : i32
      %dma_start3A_439 = tpu.memref_slice %arg10[%add3A_233, %dma_start3A] : memref<102400x16xf32, #tpu.memory_space<vmem_shared>> -> memref<128x16xf32, #tpu.memory_space<vmem_shared>>
      %dma_start3A_440 = arith.constant 0 : i32
      %dma_start3A_441 = tpu.memref_slice %arg10[%add3A_233, %dma_start3A_440] : memref<102400x16xf32, #tpu.memory_space<vmem_shared>> -> memref<128x16xf32, #tpu.memory_space<vmem_shared>>
      tpu.enqueue_dma source(%arg8 : memref<128x16xf32, #tpu.memory_space<vmem>>) target(%dma_start3A_441 : memref<128x16xf32, #tpu.memory_space<vmem_shared>>) target_semaphore(%run_scoped3A : memref<!tpu.dma_semaphore, #tpu.memory_space<semaphore_mem>>)
      %dma_wait3A = arith.constant 0 : i32
      %dma_wait3A_442 = tpu.memref_slice %arg10[%add3A_233, %dma_wait3A] : memref<102400x16xf32, #tpu.memory_space<vmem_shared>> -> memref<128x16xf32, #tpu.memory_space<vmem_shared>>
      %dma_wait3A_443 = arith.constant 0 : i32
      %dma_wait3A_444 = tpu.memref_slice %arg10[%add3A_233, %dma_wait3A_443] : memref<102400x16xf32, #tpu.memory_space<vmem_shared>> -> memref<128x16xf32, #tpu.memory_space<vmem_shared>>
      tpu.wait_dma2 semaphore(%run_scoped3A : memref<!tpu.dma_semaphore, #tpu.memory_space<semaphore_mem>>) src(%arg8 : memref<128x16xf32, #tpu.memory_space<vmem>>) dst(%dma_wait3A_444 : memref<128x16xf32, #tpu.memory_space<vmem_shared>>)
      tpu.yield
    }) : () -> ()
    %mul3A_234 = arith.constant 6400 : i32
    %mul3A_235 = arith.muli %arg1, %mul3A_234 : i32
    %add3A_236 = arith.constant 384 : i32
    %add3A_237 = arith.addi %mul3A_235, %add3A_236 : i32
    "tpu.region"() ({
      %run_scoped3A = tpu.sem_alloc : memref<!tpu.dma_semaphore, #tpu.memory_space<semaphore_mem>>
      %dma_start3A = arith.constant 0 : i32
      %dma_start3A_439 = tpu.memref_slice %arg10[%add3A_237, %dma_start3A] : memref<102400x16xf32, #tpu.memory_space<vmem_shared>> -> memref<128x16xf32, #tpu.memory_space<vmem_shared>>
      %dma_start3A_440 = arith.constant 0 : i32
      %dma_start3A_441 = tpu.memref_slice %arg10[%add3A_237, %dma_start3A_440] : memref<102400x16xf32, #tpu.memory_space<vmem_shared>> -> memref<128x16xf32, #tpu.memory_space<vmem_shared>>
      tpu.enqueue_dma source(%arg8 : memref<128x16xf32, #tpu.memory_space<vmem>>) target(%dma_start3A_441 : memref<128x16xf32, #tpu.memory_space<vmem_shared>>) target_semaphore(%run_scoped3A : memref<!tpu.dma_semaphore, #tpu.memory_space<semaphore_mem>>)
      %dma_wait3A = arith.constant 0 : i32
      %dma_wait3A_442 = tpu.memref_slice %arg10[%add3A_237, %dma_wait3A] : memref<102400x16xf32, #tpu.memory_space<vmem_shared>> -> memref<128x16xf32, #tpu.memory_space<vmem_shared>>
      %dma_wait3A_443 = arith.constant 0 : i32
      %dma_wait3A_444 = tpu.memref_slice %arg10[%add3A_237, %dma_wait3A_443] : memref<102400x16xf32, #tpu.memory_space<vmem_shared>> -> memref<128x16xf32, #tpu.memory_space<vmem_shared>>
      tpu.wait_dma2 semaphore(%run_scoped3A : memref<!tpu.dma_semaphore, #tpu.memory_space<semaphore_mem>>) src(%arg8 : memref<128x16xf32, #tpu.memory_space<vmem>>) dst(%dma_wait3A_444 : memref<128x16xf32, #tpu.memory_space<vmem_shared>>)
      tpu.yield
    }) : () -> ()
    %mul3A_238 = arith.constant 6400 : i32
    %mul3A_239 = arith.muli %arg1, %mul3A_238 : i32
    %add3A_240 = arith.constant 512 : i32
    %add3A_241 = arith.addi %mul3A_239, %add3A_240 : i32
    "tpu.region"() ({
      %run_scoped3A = tpu.sem_alloc : memref<!tpu.dma_semaphore, #tpu.memory_space<semaphore_mem>>
      %dma_start3A = arith.constant 0 : i32
      %dma_start3A_439 = tpu.memref_slice %arg10[%add3A_241, %dma_start3A] : memref<102400x16xf32, #tpu.memory_space<vmem_shared>> -> memref<128x16xf32, #tpu.memory_space<vmem_shared>>
      %dma_start3A_440 = arith.constant 0 : i32
      %dma_start3A_441 = tpu.memref_slice %arg10[%add3A_241, %dma_start3A_440] : memref<102400x16xf32, #tpu.memory_space<vmem_shared>> -> memref<128x16xf32, #tpu.memory_space<vmem_shared>>
      tpu.enqueue_dma source(%arg8 : memref<128x16xf32, #tpu.memory_space<vmem>>) target(%dma_start3A_441 : memref<128x16xf32, #tpu.memory_space<vmem_shared>>) target_semaphore(%run_scoped3A : memref<!tpu.dma_semaphore, #tpu.memory_space<semaphore_mem>>)
      %dma_wait3A = arith.constant 0 : i32
      %dma_wait3A_442 = tpu.memref_slice %arg10[%add3A_241, %dma_wait3A] : memref<102400x16xf32, #tpu.memory_space<vmem_shared>> -> memref<128x16xf32, #tpu.memory_space<vmem_shared>>
      %dma_wait3A_443 = arith.constant 0 : i32
      %dma_wait3A_444 = tpu.memref_slice %arg10[%add3A_241, %dma_wait3A_443] : memref<102400x16xf32, #tpu.memory_space<vmem_shared>> -> memref<128x16xf32, #tpu.memory_space<vmem_shared>>
      tpu.wait_dma2 semaphore(%run_scoped3A : memref<!tpu.dma_semaphore, #tpu.memory_space<semaphore_mem>>) src(%arg8 : memref<128x16xf32, #tpu.memory_space<vmem>>) dst(%dma_wait3A_444 : memref<128x16xf32, #tpu.memory_space<vmem_shared>>)
      tpu.yield
    }) : () -> ()
    %mul3A_242 = arith.constant 6400 : i32
    %mul3A_243 = arith.muli %arg1, %mul3A_242 : i32
    %add3A_244 = arith.constant 640 : i32
    %add3A_245 = arith.addi %mul3A_243, %add3A_244 : i32
    "tpu.region"() ({
      %run_scoped3A = tpu.sem_alloc : memref<!tpu.dma_semaphore, #tpu.memory_space<semaphore_mem>>
      %dma_start3A = arith.constant 0 : i32
      %dma_start3A_439 = tpu.memref_slice %arg10[%add3A_245, %dma_start3A] : memref<102400x16xf32, #tpu.memory_space<vmem_shared>> -> memref<128x16xf32, #tpu.memory_space<vmem_shared>>
      %dma_start3A_440 = arith.constant 0 : i32
      %dma_start3A_441 = tpu.memref_slice %arg10[%add3A_245, %dma_start3A_440] : memref<102400x16xf32, #tpu.memory_space<vmem_shared>> -> memref<128x16xf32, #tpu.memory_space<vmem_shared>>
      tpu.enqueue_dma source(%arg8 : memref<128x16xf32, #tpu.memory_space<vmem>>) target(%dma_start3A_441 : memref<128x16xf32, #tpu.memory_space<vmem_shared>>) target_semaphore(%run_scoped3A : memref<!tpu.dma_semaphore, #tpu.memory_space<semaphore_mem>>)
      %dma_wait3A = arith.constant 0 : i32
      %dma_wait3A_442 = tpu.memref_slice %arg10[%add3A_245, %dma_wait3A] : memref<102400x16xf32, #tpu.memory_space<vmem_shared>> -> memref<128x16xf32, #tpu.memory_space<vmem_shared>>
      %dma_wait3A_443 = arith.constant 0 : i32
      %dma_wait3A_444 = tpu.memref_slice %arg10[%add3A_245, %dma_wait3A_443] : memref<102400x16xf32, #tpu.memory_space<vmem_shared>> -> memref<128x16xf32, #tpu.memory_space<vmem_shared>>
      tpu.wait_dma2 semaphore(%run_scoped3A : memref<!tpu.dma_semaphore, #tpu.memory_space<semaphore_mem>>) src(%arg8 : memref<128x16xf32, #tpu.memory_space<vmem>>) dst(%dma_wait3A_444 : memref<128x16xf32, #tpu.memory_space<vmem_shared>>)
      tpu.yield
    }) : () -> ()
    %mul3A_246 = arith.constant 6400 : i32
    %mul3A_247 = arith.muli %arg1, %mul3A_246 : i32
    %add3A_248 = arith.constant 768 : i32
    %add3A_249 = arith.addi %mul3A_247, %add3A_248 : i32
    "tpu.region"() ({
      %run_scoped3A = tpu.sem_alloc : memref<!tpu.dma_semaphore, #tpu.memory_space<semaphore_mem>>
      %dma_start3A = arith.constant 0 : i32
      %dma_start3A_439 = tpu.memref_slice %arg10[%add3A_249, %dma_start3A] : memref<102400x16xf32, #tpu.memory_space<vmem_shared>> -> memref<128x16xf32, #tpu.memory_space<vmem_shared>>
      %dma_start3A_440 = arith.constant 0 : i32
      %dma_start3A_441 = tpu.memref_slice %arg10[%add3A_249, %dma_start3A_440] : memref<102400x16xf32, #tpu.memory_space<vmem_shared>> -> memref<128x16xf32, #tpu.memory_space<vmem_shared>>
      tpu.enqueue_dma source(%arg8 : memref<128x16xf32, #tpu.memory_space<vmem>>) target(%dma_start3A_441 : memref<128x16xf32, #tpu.memory_space<vmem_shared>>) target_semaphore(%run_scoped3A : memref<!tpu.dma_semaphore, #tpu.memory_space<semaphore_mem>>)
      %dma_wait3A = arith.constant 0 : i32
      %dma_wait3A_442 = tpu.memref_slice %arg10[%add3A_249, %dma_wait3A] : memref<102400x16xf32, #tpu.memory_space<vmem_shared>> -> memref<128x16xf32, #tpu.memory_space<vmem_shared>>
      %dma_wait3A_443 = arith.constant 0 : i32
      %dma_wait3A_444 = tpu.memref_slice %arg10[%add3A_249, %dma_wait3A_443] : memref<102400x16xf32, #tpu.memory_space<vmem_shared>> -> memref<128x16xf32, #tpu.memory_space<vmem_shared>>
      tpu.wait_dma2 semaphore(%run_scoped3A : memref<!tpu.dma_semaphore, #tpu.memory_space<semaphore_mem>>) src(%arg8 : memref<128x16xf32, #tpu.memory_space<vmem>>) dst(%dma_wait3A_444 : memref<128x16xf32, #tpu.memory_space<vmem_shared>>)
      tpu.yield
    }) : () -> ()
    %mul3A_250 = arith.constant 6400 : i32
    %mul3A_251 = arith.muli %arg1, %mul3A_250 : i32
    %add3A_252 = arith.constant 896 : i32
    %add3A_253 = arith.addi %mul3A_251, %add3A_252 : i32
    "tpu.region"() ({
      %run_scoped3A = tpu.sem_alloc : memref<!tpu.dma_semaphore, #tpu.memory_space<semaphore_mem>>
      %dma_start3A = arith.constant 0 : i32
      %dma_start3A_439 = tpu.memref_slice %arg10[%add3A_253, %dma_start3A] : memref<102400x16xf32, #tpu.memory_space<vmem_shared>> -> memref<128x16xf32, #tpu.memory_space<vmem_shared>>
      %dma_start3A_440 = arith.constant 0 : i32
      %dma_start3A_441 = tpu.memref_slice %arg10[%add3A_253, %dma_start3A_440] : memref<102400x16xf32, #tpu.memory_space<vmem_shared>> -> memref<128x16xf32, #tpu.memory_space<vmem_shared>>
      tpu.enqueue_dma source(%arg8 : memref<128x16xf32, #tpu.memory_space<vmem>>) target(%dma_start3A_441 : memref<128x16xf32, #tpu.memory_space<vmem_shared>>) target_semaphore(%run_scoped3A : memref<!tpu.dma_semaphore, #tpu.memory_space<semaphore_mem>>)
      %dma_wait3A = arith.constant 0 : i32
      %dma_wait3A_442 = tpu.memref_slice %arg10[%add3A_253, %dma_wait3A] : memref<102400x16xf32, #tpu.memory_space<vmem_shared>> -> memref<128x16xf32, #tpu.memory_space<vmem_shared>>
      %dma_wait3A_443 = arith.constant 0 : i32
      %dma_wait3A_444 = tpu.memref_slice %arg10[%add3A_253, %dma_wait3A_443] : memref<102400x16xf32, #tpu.memory_space<vmem_shared>> -> memref<128x16xf32, #tpu.memory_space<vmem_shared>>
      tpu.wait_dma2 semaphore(%run_scoped3A : memref<!tpu.dma_semaphore, #tpu.memory_space<semaphore_mem>>) src(%arg8 : memref<128x16xf32, #tpu.memory_space<vmem>>) dst(%dma_wait3A_444 : memref<128x16xf32, #tpu.memory_space<vmem_shared>>)
      tpu.yield
    }) : () -> ()
    %mul3A_254 = arith.constant 6400 : i32
    %mul3A_255 = arith.muli %arg1, %mul3A_254 : i32
    %add3A_256 = arith.constant 1024 : i32
    %add3A_257 = arith.addi %mul3A_255, %add3A_256 : i32
    "tpu.region"() ({
      %run_scoped3A = tpu.sem_alloc : memref<!tpu.dma_semaphore, #tpu.memory_space<semaphore_mem>>
      %dma_start3A = arith.constant 0 : i32
      %dma_start3A_439 = tpu.memref_slice %arg10[%add3A_257, %dma_start3A] : memref<102400x16xf32, #tpu.memory_space<vmem_shared>> -> memref<128x16xf32, #tpu.memory_space<vmem_shared>>
      %dma_start3A_440 = arith.constant 0 : i32
      %dma_start3A_441 = tpu.memref_slice %arg10[%add3A_257, %dma_start3A_440] : memref<102400x16xf32, #tpu.memory_space<vmem_shared>> -> memref<128x16xf32, #tpu.memory_space<vmem_shared>>
      tpu.enqueue_dma source(%arg8 : memref<128x16xf32, #tpu.memory_space<vmem>>) target(%dma_start3A_441 : memref<128x16xf32, #tpu.memory_space<vmem_shared>>) target_semaphore(%run_scoped3A : memref<!tpu.dma_semaphore, #tpu.memory_space<semaphore_mem>>)
      %dma_wait3A = arith.constant 0 : i32
      %dma_wait3A_442 = tpu.memref_slice %arg10[%add3A_257, %dma_wait3A] : memref<102400x16xf32, #tpu.memory_space<vmem_shared>> -> memref<128x16xf32, #tpu.memory_space<vmem_shared>>
      %dma_wait3A_443 = arith.constant 0 : i32
      %dma_wait3A_444 = tpu.memref_slice %arg10[%add3A_257, %dma_wait3A_443] : memref<102400x16xf32, #tpu.memory_space<vmem_shared>> -> memref<128x16xf32, #tpu.memory_space<vmem_shared>>
      tpu.wait_dma2 semaphore(%run_scoped3A : memref<!tpu.dma_semaphore, #tpu.memory_space<semaphore_mem>>) src(%arg8 : memref<128x16xf32, #tpu.memory_space<vmem>>) dst(%dma_wait3A_444 : memref<128x16xf32, #tpu.memory_space<vmem_shared>>)
      tpu.yield
    }) : () -> ()
    %mul3A_258 = arith.constant 6400 : i32
    %mul3A_259 = arith.muli %arg1, %mul3A_258 : i32
    %add3A_260 = arith.constant 1152 : i32
    %add3A_261 = arith.addi %mul3A_259, %add3A_260 : i32
    "tpu.region"() ({
      %run_scoped3A = tpu.sem_alloc : memref<!tpu.dma_semaphore, #tpu.memory_space<semaphore_mem>>
      %dma_start3A = arith.constant 0 : i32
      %dma_start3A_439 = tpu.memref_slice %arg10[%add3A_261, %dma_start3A] : memref<102400x16xf32, #tpu.memory_space<vmem_shared>> -> memref<128x16xf32, #tpu.memory_space<vmem_shared>>
      %dma_start3A_440 = arith.constant 0 : i32
      %dma_start3A_441 = tpu.memref_slice %arg10[%add3A_261, %dma_start3A_440] : memref<102400x16xf32, #tpu.memory_space<vmem_shared>> -> memref<128x16xf32, #tpu.memory_space<vmem_shared>>
      tpu.enqueue_dma source(%arg8 : memref<128x16xf32, #tpu.memory_space<vmem>>) target(%dma_start3A_441 : memref<128x16xf32, #tpu.memory_space<vmem_shared>>) target_semaphore(%run_scoped3A : memref<!tpu.dma_semaphore, #tpu.memory_space<semaphore_mem>>)
      %dma_wait3A = arith.constant 0 : i32
      %dma_wait3A_442 = tpu.memref_slice %arg10[%add3A_261, %dma_wait3A] : memref<102400x16xf32, #tpu.memory_space<vmem_shared>> -> memref<128x16xf32, #tpu.memory_space<vmem_shared>>
      %dma_wait3A_443 = arith.constant 0 : i32
      %dma_wait3A_444 = tpu.memref_slice %arg10[%add3A_261, %dma_wait3A_443] : memref<102400x16xf32, #tpu.memory_space<vmem_shared>> -> memref<128x16xf32, #tpu.memory_space<vmem_shared>>
      tpu.wait_dma2 semaphore(%run_scoped3A : memref<!tpu.dma_semaphore, #tpu.memory_space<semaphore_mem>>) src(%arg8 : memref<128x16xf32, #tpu.memory_space<vmem>>) dst(%dma_wait3A_444 : memref<128x16xf32, #tpu.memory_space<vmem_shared>>)
      tpu.yield
    }) : () -> ()
    %mul3A_262 = arith.constant 6400 : i32
    %mul3A_263 = arith.muli %arg1, %mul3A_262 : i32
    %add3A_264 = arith.constant 1280 : i32
    %add3A_265 = arith.addi %mul3A_263, %add3A_264 : i32
    "tpu.region"() ({
      %run_scoped3A = tpu.sem_alloc : memref<!tpu.dma_semaphore, #tpu.memory_space<semaphore_mem>>
      %dma_start3A = arith.constant 0 : i32
      %dma_start3A_439 = tpu.memref_slice %arg10[%add3A_265, %dma_start3A] : memref<102400x16xf32, #tpu.memory_space<vmem_shared>> -> memref<128x16xf32, #tpu.memory_space<vmem_shared>>
      %dma_start3A_440 = arith.constant 0 : i32
      %dma_start3A_441 = tpu.memref_slice %arg10[%add3A_265, %dma_start3A_440] : memref<102400x16xf32, #tpu.memory_space<vmem_shared>> -> memref<128x16xf32, #tpu.memory_space<vmem_shared>>
      tpu.enqueue_dma source(%arg8 : memref<128x16xf32, #tpu.memory_space<vmem>>) target(%dma_start3A_441 : memref<128x16xf32, #tpu.memory_space<vmem_shared>>) target_semaphore(%run_scoped3A : memref<!tpu.dma_semaphore, #tpu.memory_space<semaphore_mem>>)
      %dma_wait3A = arith.constant 0 : i32
      %dma_wait3A_442 = tpu.memref_slice %arg10[%add3A_265, %dma_wait3A] : memref<102400x16xf32, #tpu.memory_space<vmem_shared>> -> memref<128x16xf32, #tpu.memory_space<vmem_shared>>
      %dma_wait3A_443 = arith.constant 0 : i32
      %dma_wait3A_444 = tpu.memref_slice %arg10[%add3A_265, %dma_wait3A_443] : memref<102400x16xf32, #tpu.memory_space<vmem_shared>> -> memref<128x16xf32, #tpu.memory_space<vmem_shared>>
      tpu.wait_dma2 semaphore(%run_scoped3A : memref<!tpu.dma_semaphore, #tpu.memory_space<semaphore_mem>>) src(%arg8 : memref<128x16xf32, #tpu.memory_space<vmem>>) dst(%dma_wait3A_444 : memref<128x16xf32, #tpu.memory_space<vmem_shared>>)
      tpu.yield
    }) : () -> ()
    %mul3A_266 = arith.constant 6400 : i32
    %mul3A_267 = arith.muli %arg1, %mul3A_266 : i32
    %add3A_268 = arith.constant 1408 : i32
    %add3A_269 = arith.addi %mul3A_267, %add3A_268 : i32
    "tpu.region"() ({
      %run_scoped3A = tpu.sem_alloc : memref<!tpu.dma_semaphore, #tpu.memory_space<semaphore_mem>>
      %dma_start3A = arith.constant 0 : i32
      %dma_start3A_439 = tpu.memref_slice %arg10[%add3A_269, %dma_start3A] : memref<102400x16xf32, #tpu.memory_space<vmem_shared>> -> memref<128x16xf32, #tpu.memory_space<vmem_shared>>
      %dma_start3A_440 = arith.constant 0 : i32
      %dma_start3A_441 = tpu.memref_slice %arg10[%add3A_269, %dma_start3A_440] : memref<102400x16xf32, #tpu.memory_space<vmem_shared>> -> memref<128x16xf32, #tpu.memory_space<vmem_shared>>
      tpu.enqueue_dma source(%arg8 : memref<128x16xf32, #tpu.memory_space<vmem>>) target(%dma_start3A_441 : memref<128x16xf32, #tpu.memory_space<vmem_shared>>) target_semaphore(%run_scoped3A : memref<!tpu.dma_semaphore, #tpu.memory_space<semaphore_mem>>)
      %dma_wait3A = arith.constant 0 : i32
      %dma_wait3A_442 = tpu.memref_slice %arg10[%add3A_269, %dma_wait3A] : memref<102400x16xf32, #tpu.memory_space<vmem_shared>> -> memref<128x16xf32, #tpu.memory_space<vmem_shared>>
      %dma_wait3A_443 = arith.constant 0 : i32
      %dma_wait3A_444 = tpu.memref_slice %arg10[%add3A_269, %dma_wait3A_443] : memref<102400x16xf32, #tpu.memory_space<vmem_shared>> -> memref<128x16xf32, #tpu.memory_space<vmem_shared>>
      tpu.wait_dma2 semaphore(%run_scoped3A : memref<!tpu.dma_semaphore, #tpu.memory_space<semaphore_mem>>) src(%arg8 : memref<128x16xf32, #tpu.memory_space<vmem>>) dst(%dma_wait3A_444 : memref<128x16xf32, #tpu.memory_space<vmem_shared>>)
      tpu.yield
    }) : () -> ()
    %mul3A_270 = arith.constant 6400 : i32
    %mul3A_271 = arith.muli %arg1, %mul3A_270 : i32
    %add3A_272 = arith.constant 1536 : i32
    %add3A_273 = arith.addi %mul3A_271, %add3A_272 : i32
    "tpu.region"() ({
      %run_scoped3A = tpu.sem_alloc : memref<!tpu.dma_semaphore, #tpu.memory_space<semaphore_mem>>
      %dma_start3A = arith.constant 0 : i32
      %dma_start3A_439 = tpu.memref_slice %arg10[%add3A_273, %dma_start3A] : memref<102400x16xf32, #tpu.memory_space<vmem_shared>> -> memref<128x16xf32, #tpu.memory_space<vmem_shared>>
      %dma_start3A_440 = arith.constant 0 : i32
      %dma_start3A_441 = tpu.memref_slice %arg10[%add3A_273, %dma_start3A_440] : memref<102400x16xf32, #tpu.memory_space<vmem_shared>> -> memref<128x16xf32, #tpu.memory_space<vmem_shared>>
      tpu.enqueue_dma source(%arg8 : memref<128x16xf32, #tpu.memory_space<vmem>>) target(%dma_start3A_441 : memref<128x16xf32, #tpu.memory_space<vmem_shared>>) target_semaphore(%run_scoped3A : memref<!tpu.dma_semaphore, #tpu.memory_space<semaphore_mem>>)
      %dma_wait3A = arith.constant 0 : i32
      %dma_wait3A_442 = tpu.memref_slice %arg10[%add3A_273, %dma_wait3A] : memref<102400x16xf32, #tpu.memory_space<vmem_shared>> -> memref<128x16xf32, #tpu.memory_space<vmem_shared>>
      %dma_wait3A_443 = arith.constant 0 : i32
      %dma_wait3A_444 = tpu.memref_slice %arg10[%add3A_273, %dma_wait3A_443] : memref<102400x16xf32, #tpu.memory_space<vmem_shared>> -> memref<128x16xf32, #tpu.memory_space<vmem_shared>>
      tpu.wait_dma2 semaphore(%run_scoped3A : memref<!tpu.dma_semaphore, #tpu.memory_space<semaphore_mem>>) src(%arg8 : memref<128x16xf32, #tpu.memory_space<vmem>>) dst(%dma_wait3A_444 : memref<128x16xf32, #tpu.memory_space<vmem_shared>>)
      tpu.yield
    }) : () -> ()
    %mul3A_274 = arith.constant 6400 : i32
    %mul3A_275 = arith.muli %arg1, %mul3A_274 : i32
    %add3A_276 = arith.constant 1664 : i32
    %add3A_277 = arith.addi %mul3A_275, %add3A_276 : i32
    "tpu.region"() ({
      %run_scoped3A = tpu.sem_alloc : memref<!tpu.dma_semaphore, #tpu.memory_space<semaphore_mem>>
      %dma_start3A = arith.constant 0 : i32
      %dma_start3A_439 = tpu.memref_slice %arg10[%add3A_277, %dma_start3A] : memref<102400x16xf32, #tpu.memory_space<vmem_shared>> -> memref<128x16xf32, #tpu.memory_space<vmem_shared>>
      %dma_start3A_440 = arith.constant 0 : i32
      %dma_start3A_441 = tpu.memref_slice %arg10[%add3A_277, %dma_start3A_440] : memref<102400x16xf32, #tpu.memory_space<vmem_shared>> -> memref<128x16xf32, #tpu.memory_space<vmem_shared>>
      tpu.enqueue_dma source(%arg8 : memref<128x16xf32, #tpu.memory_space<vmem>>) target(%dma_start3A_441 : memref<128x16xf32, #tpu.memory_space<vmem_shared>>) target_semaphore(%run_scoped3A : memref<!tpu.dma_semaphore, #tpu.memory_space<semaphore_mem>>)
      %dma_wait3A = arith.constant 0 : i32
      %dma_wait3A_442 = tpu.memref_slice %arg10[%add3A_277, %dma_wait3A] : memref<102400x16xf32, #tpu.memory_space<vmem_shared>> -> memref<128x16xf32, #tpu.memory_space<vmem_shared>>
      %dma_wait3A_443 = arith.constant 0 : i32
      %dma_wait3A_444 = tpu.memref_slice %arg10[%add3A_277, %dma_wait3A_443] : memref<102400x16xf32, #tpu.memory_space<vmem_shared>> -> memref<128x16xf32, #tpu.memory_space<vmem_shared>>
      tpu.wait_dma2 semaphore(%run_scoped3A : memref<!tpu.dma_semaphore, #tpu.memory_space<semaphore_mem>>) src(%arg8 : memref<128x16xf32, #tpu.memory_space<vmem>>) dst(%dma_wait3A_444 : memref<128x16xf32, #tpu.memory_space<vmem_shared>>)
      tpu.yield
    }) : () -> ()
    %mul3A_278 = arith.constant 6400 : i32
    %mul3A_279 = arith.muli %arg1, %mul3A_278 : i32
    %add3A_280 = arith.constant 1792 : i32
    %add3A_281 = arith.addi %mul3A_279, %add3A_280 : i32
    "tpu.region"() ({
      %run_scoped3A = tpu.sem_alloc : memref<!tpu.dma_semaphore, #tpu.memory_space<semaphore_mem>>
      %dma_start3A = arith.constant 0 : i32
      %dma_start3A_439 = tpu.memref_slice %arg10[%add3A_281, %dma_start3A] : memref<102400x16xf32, #tpu.memory_space<vmem_shared>> -> memref<128x16xf32, #tpu.memory_space<vmem_shared>>
      %dma_start3A_440 = arith.constant 0 : i32
      %dma_start3A_441 = tpu.memref_slice %arg10[%add3A_281, %dma_start3A_440] : memref<102400x16xf32, #tpu.memory_space<vmem_shared>> -> memref<128x16xf32, #tpu.memory_space<vmem_shared>>
      tpu.enqueue_dma source(%arg8 : memref<128x16xf32, #tpu.memory_space<vmem>>) target(%dma_start3A_441 : memref<128x16xf32, #tpu.memory_space<vmem_shared>>) target_semaphore(%run_scoped3A : memref<!tpu.dma_semaphore, #tpu.memory_space<semaphore_mem>>)
      %dma_wait3A = arith.constant 0 : i32
      %dma_wait3A_442 = tpu.memref_slice %arg10[%add3A_281, %dma_wait3A] : memref<102400x16xf32, #tpu.memory_space<vmem_shared>> -> memref<128x16xf32, #tpu.memory_space<vmem_shared>>
      %dma_wait3A_443 = arith.constant 0 : i32
      %dma_wait3A_444 = tpu.memref_slice %arg10[%add3A_281, %dma_wait3A_443] : memref<102400x16xf32, #tpu.memory_space<vmem_shared>> -> memref<128x16xf32, #tpu.memory_space<vmem_shared>>
      tpu.wait_dma2 semaphore(%run_scoped3A : memref<!tpu.dma_semaphore, #tpu.memory_space<semaphore_mem>>) src(%arg8 : memref<128x16xf32, #tpu.memory_space<vmem>>) dst(%dma_wait3A_444 : memref<128x16xf32, #tpu.memory_space<vmem_shared>>)
      tpu.yield
    }) : () -> ()
    %mul3A_282 = arith.constant 6400 : i32
    %mul3A_283 = arith.muli %arg1, %mul3A_282 : i32
    %add3A_284 = arith.constant 1920 : i32
    %add3A_285 = arith.addi %mul3A_283, %add3A_284 : i32
    "tpu.region"() ({
      %run_scoped3A = tpu.sem_alloc : memref<!tpu.dma_semaphore, #tpu.memory_space<semaphore_mem>>
      %dma_start3A = arith.constant 0 : i32
      %dma_start3A_439 = tpu.memref_slice %arg10[%add3A_285, %dma_start3A] : memref<102400x16xf32, #tpu.memory_space<vmem_shared>> -> memref<128x16xf32, #tpu.memory_space<vmem_shared>>
      %dma_start3A_440 = arith.constant 0 : i32
      %dma_start3A_441 = tpu.memref_slice %arg10[%add3A_285, %dma_start3A_440] : memref<102400x16xf32, #tpu.memory_space<vmem_shared>> -> memref<128x16xf32, #tpu.memory_space<vmem_shared>>
      tpu.enqueue_dma source(%arg8 : memref<128x16xf32, #tpu.memory_space<vmem>>) target(%dma_start3A_441 : memref<128x16xf32, #tpu.memory_space<vmem_shared>>) target_semaphore(%run_scoped3A : memref<!tpu.dma_semaphore, #tpu.memory_space<semaphore_mem>>)
      %dma_wait3A = arith.constant 0 : i32
      %dma_wait3A_442 = tpu.memref_slice %arg10[%add3A_285, %dma_wait3A] : memref<102400x16xf32, #tpu.memory_space<vmem_shared>> -> memref<128x16xf32, #tpu.memory_space<vmem_shared>>
      %dma_wait3A_443 = arith.constant 0 : i32
      %dma_wait3A_444 = tpu.memref_slice %arg10[%add3A_285, %dma_wait3A_443] : memref<102400x16xf32, #tpu.memory_space<vmem_shared>> -> memref<128x16xf32, #tpu.memory_space<vmem_shared>>
      tpu.wait_dma2 semaphore(%run_scoped3A : memref<!tpu.dma_semaphore, #tpu.memory_space<semaphore_mem>>) src(%arg8 : memref<128x16xf32, #tpu.memory_space<vmem>>) dst(%dma_wait3A_444 : memref<128x16xf32, #tpu.memory_space<vmem_shared>>)
      tpu.yield
    }) : () -> ()
    %mul3A_286 = arith.constant 6400 : i32
    %mul3A_287 = arith.muli %arg1, %mul3A_286 : i32
    %add3A_288 = arith.constant 2048 : i32
    %add3A_289 = arith.addi %mul3A_287, %add3A_288 : i32
    "tpu.region"() ({
      %run_scoped3A = tpu.sem_alloc : memref<!tpu.dma_semaphore, #tpu.memory_space<semaphore_mem>>
      %dma_start3A = arith.constant 0 : i32
      %dma_start3A_439 = tpu.memref_slice %arg10[%add3A_289, %dma_start3A] : memref<102400x16xf32, #tpu.memory_space<vmem_shared>> -> memref<128x16xf32, #tpu.memory_space<vmem_shared>>
      %dma_start3A_440 = arith.constant 0 : i32
      %dma_start3A_441 = tpu.memref_slice %arg10[%add3A_289, %dma_start3A_440] : memref<102400x16xf32, #tpu.memory_space<vmem_shared>> -> memref<128x16xf32, #tpu.memory_space<vmem_shared>>
      tpu.enqueue_dma source(%arg8 : memref<128x16xf32, #tpu.memory_space<vmem>>) target(%dma_start3A_441 : memref<128x16xf32, #tpu.memory_space<vmem_shared>>) target_semaphore(%run_scoped3A : memref<!tpu.dma_semaphore, #tpu.memory_space<semaphore_mem>>)
      %dma_wait3A = arith.constant 0 : i32
      %dma_wait3A_442 = tpu.memref_slice %arg10[%add3A_289, %dma_wait3A] : memref<102400x16xf32, #tpu.memory_space<vmem_shared>> -> memref<128x16xf32, #tpu.memory_space<vmem_shared>>
      %dma_wait3A_443 = arith.constant 0 : i32
      %dma_wait3A_444 = tpu.memref_slice %arg10[%add3A_289, %dma_wait3A_443] : memref<102400x16xf32, #tpu.memory_space<vmem_shared>> -> memref<128x16xf32, #tpu.memory_space<vmem_shared>>
      tpu.wait_dma2 semaphore(%run_scoped3A : memref<!tpu.dma_semaphore, #tpu.memory_space<semaphore_mem>>) src(%arg8 : memref<128x16xf32, #tpu.memory_space<vmem>>) dst(%dma_wait3A_444 : memref<128x16xf32, #tpu.memory_space<vmem_shared>>)
      tpu.yield
    }) : () -> ()
    %mul3A_290 = arith.constant 6400 : i32
    %mul3A_291 = arith.muli %arg1, %mul3A_290 : i32
    %add3A_292 = arith.constant 2176 : i32
    %add3A_293 = arith.addi %mul3A_291, %add3A_292 : i32
    "tpu.region"() ({
      %run_scoped3A = tpu.sem_alloc : memref<!tpu.dma_semaphore, #tpu.memory_space<semaphore_mem>>
      %dma_start3A = arith.constant 0 : i32
      %dma_start3A_439 = tpu.memref_slice %arg10[%add3A_293, %dma_start3A] : memref<102400x16xf32, #tpu.memory_space<vmem_shared>> -> memref<128x16xf32, #tpu.memory_space<vmem_shared>>
      %dma_start3A_440 = arith.constant 0 : i32
      %dma_start3A_441 = tpu.memref_slice %arg10[%add3A_293, %dma_start3A_440] : memref<102400x16xf32, #tpu.memory_space<vmem_shared>> -> memref<128x16xf32, #tpu.memory_space<vmem_shared>>
      tpu.enqueue_dma source(%arg8 : memref<128x16xf32, #tpu.memory_space<vmem>>) target(%dma_start3A_441 : memref<128x16xf32, #tpu.memory_space<vmem_shared>>) target_semaphore(%run_scoped3A : memref<!tpu.dma_semaphore, #tpu.memory_space<semaphore_mem>>)
      %dma_wait3A = arith.constant 0 : i32
      %dma_wait3A_442 = tpu.memref_slice %arg10[%add3A_293, %dma_wait3A] : memref<102400x16xf32, #tpu.memory_space<vmem_shared>> -> memref<128x16xf32, #tpu.memory_space<vmem_shared>>
      %dma_wait3A_443 = arith.constant 0 : i32
      %dma_wait3A_444 = tpu.memref_slice %arg10[%add3A_293, %dma_wait3A_443] : memref<102400x16xf32, #tpu.memory_space<vmem_shared>> -> memref<128x16xf32, #tpu.memory_space<vmem_shared>>
      tpu.wait_dma2 semaphore(%run_scoped3A : memref<!tpu.dma_semaphore, #tpu.memory_space<semaphore_mem>>) src(%arg8 : memref<128x16xf32, #tpu.memory_space<vmem>>) dst(%dma_wait3A_444 : memref<128x16xf32, #tpu.memory_space<vmem_shared>>)
      tpu.yield
    }) : () -> ()
    %mul3A_294 = arith.constant 6400 : i32
    %mul3A_295 = arith.muli %arg1, %mul3A_294 : i32
    %add3A_296 = arith.constant 2304 : i32
    %add3A_297 = arith.addi %mul3A_295, %add3A_296 : i32
    "tpu.region"() ({
      %run_scoped3A = tpu.sem_alloc : memref<!tpu.dma_semaphore, #tpu.memory_space<semaphore_mem>>
      %dma_start3A = arith.constant 0 : i32
      %dma_start3A_439 = tpu.memref_slice %arg10[%add3A_297, %dma_start3A] : memref<102400x16xf32, #tpu.memory_space<vmem_shared>> -> memref<128x16xf32, #tpu.memory_space<vmem_shared>>
      %dma_start3A_440 = arith.constant 0 : i32
      %dma_start3A_441 = tpu.memref_slice %arg10[%add3A_297, %dma_start3A_440] : memref<102400x16xf32, #tpu.memory_space<vmem_shared>> -> memref<128x16xf32, #tpu.memory_space<vmem_shared>>
      tpu.enqueue_dma source(%arg8 : memref<128x16xf32, #tpu.memory_space<vmem>>) target(%dma_start3A_441 : memref<128x16xf32, #tpu.memory_space<vmem_shared>>) target_semaphore(%run_scoped3A : memref<!tpu.dma_semaphore, #tpu.memory_space<semaphore_mem>>)
      %dma_wait3A = arith.constant 0 : i32
      %dma_wait3A_442 = tpu.memref_slice %arg10[%add3A_297, %dma_wait3A] : memref<102400x16xf32, #tpu.memory_space<vmem_shared>> -> memref<128x16xf32, #tpu.memory_space<vmem_shared>>
      %dma_wait3A_443 = arith.constant 0 : i32
      %dma_wait3A_444 = tpu.memref_slice %arg10[%add3A_297, %dma_wait3A_443] : memref<102400x16xf32, #tpu.memory_space<vmem_shared>> -> memref<128x16xf32, #tpu.memory_space<vmem_shared>>
      tpu.wait_dma2 semaphore(%run_scoped3A : memref<!tpu.dma_semaphore, #tpu.memory_space<semaphore_mem>>) src(%arg8 : memref<128x16xf32, #tpu.memory_space<vmem>>) dst(%dma_wait3A_444 : memref<128x16xf32, #tpu.memory_space<vmem_shared>>)
      tpu.yield
    }) : () -> ()
    %mul3A_298 = arith.constant 6400 : i32
    %mul3A_299 = arith.muli %arg1, %mul3A_298 : i32
    %add3A_300 = arith.constant 2432 : i32
    %add3A_301 = arith.addi %mul3A_299, %add3A_300 : i32
    "tpu.region"() ({
      %run_scoped3A = tpu.sem_alloc : memref<!tpu.dma_semaphore, #tpu.memory_space<semaphore_mem>>
      %dma_start3A = arith.constant 0 : i32
      %dma_start3A_439 = tpu.memref_slice %arg10[%add3A_301, %dma_start3A] : memref<102400x16xf32, #tpu.memory_space<vmem_shared>> -> memref<128x16xf32, #tpu.memory_space<vmem_shared>>
      %dma_start3A_440 = arith.constant 0 : i32
      %dma_start3A_441 = tpu.memref_slice %arg10[%add3A_301, %dma_start3A_440] : memref<102400x16xf32, #tpu.memory_space<vmem_shared>> -> memref<128x16xf32, #tpu.memory_space<vmem_shared>>
      tpu.enqueue_dma source(%arg8 : memref<128x16xf32, #tpu.memory_space<vmem>>) target(%dma_start3A_441 : memref<128x16xf32, #tpu.memory_space<vmem_shared>>) target_semaphore(%run_scoped3A : memref<!tpu.dma_semaphore, #tpu.memory_space<semaphore_mem>>)
      %dma_wait3A = arith.constant 0 : i32
      %dma_wait3A_442 = tpu.memref_slice %arg10[%add3A_301, %dma_wait3A] : memref<102400x16xf32, #tpu.memory_space<vmem_shared>> -> memref<128x16xf32, #tpu.memory_space<vmem_shared>>
      %dma_wait3A_443 = arith.constant 0 : i32
      %dma_wait3A_444 = tpu.memref_slice %arg10[%add3A_301, %dma_wait3A_443] : memref<102400x16xf32, #tpu.memory_space<vmem_shared>> -> memref<128x16xf32, #tpu.memory_space<vmem_shared>>
      tpu.wait_dma2 semaphore(%run_scoped3A : memref<!tpu.dma_semaphore, #tpu.memory_space<semaphore_mem>>) src(%arg8 : memref<128x16xf32, #tpu.memory_space<vmem>>) dst(%dma_wait3A_444 : memref<128x16xf32, #tpu.memory_space<vmem_shared>>)
      tpu.yield
    }) : () -> ()
    %mul3A_302 = arith.constant 6400 : i32
    %mul3A_303 = arith.muli %arg1, %mul3A_302 : i32
    %add3A_304 = arith.constant 2560 : i32
    %add3A_305 = arith.addi %mul3A_303, %add3A_304 : i32
    "tpu.region"() ({
      %run_scoped3A = tpu.sem_alloc : memref<!tpu.dma_semaphore, #tpu.memory_space<semaphore_mem>>
      %dma_start3A = arith.constant 0 : i32
      %dma_start3A_439 = tpu.memref_slice %arg10[%add3A_305, %dma_start3A] : memref<102400x16xf32, #tpu.memory_space<vmem_shared>> -> memref<128x16xf32, #tpu.memory_space<vmem_shared>>
      %dma_start3A_440 = arith.constant 0 : i32
      %dma_start3A_441 = tpu.memref_slice %arg10[%add3A_305, %dma_start3A_440] : memref<102400x16xf32, #tpu.memory_space<vmem_shared>> -> memref<128x16xf32, #tpu.memory_space<vmem_shared>>
      tpu.enqueue_dma source(%arg8 : memref<128x16xf32, #tpu.memory_space<vmem>>) target(%dma_start3A_441 : memref<128x16xf32, #tpu.memory_space<vmem_shared>>) target_semaphore(%run_scoped3A : memref<!tpu.dma_semaphore, #tpu.memory_space<semaphore_mem>>)
      %dma_wait3A = arith.constant 0 : i32
      %dma_wait3A_442 = tpu.memref_slice %arg10[%add3A_305, %dma_wait3A] : memref<102400x16xf32, #tpu.memory_space<vmem_shared>> -> memref<128x16xf32, #tpu.memory_space<vmem_shared>>
      %dma_wait3A_443 = arith.constant 0 : i32
      %dma_wait3A_444 = tpu.memref_slice %arg10[%add3A_305, %dma_wait3A_443] : memref<102400x16xf32, #tpu.memory_space<vmem_shared>> -> memref<128x16xf32, #tpu.memory_space<vmem_shared>>
      tpu.wait_dma2 semaphore(%run_scoped3A : memref<!tpu.dma_semaphore, #tpu.memory_space<semaphore_mem>>) src(%arg8 : memref<128x16xf32, #tpu.memory_space<vmem>>) dst(%dma_wait3A_444 : memref<128x16xf32, #tpu.memory_space<vmem_shared>>)
      tpu.yield
    }) : () -> ()
    %mul3A_306 = arith.constant 6400 : i32
    %mul3A_307 = arith.muli %arg1, %mul3A_306 : i32
    %add3A_308 = arith.constant 2688 : i32
    %add3A_309 = arith.addi %mul3A_307, %add3A_308 : i32
    "tpu.region"() ({
      %run_scoped3A = tpu.sem_alloc : memref<!tpu.dma_semaphore, #tpu.memory_space<semaphore_mem>>
      %dma_start3A = arith.constant 0 : i32
      %dma_start3A_439 = tpu.memref_slice %arg10[%add3A_309, %dma_start3A] : memref<102400x16xf32, #tpu.memory_space<vmem_shared>> -> memref<128x16xf32, #tpu.memory_space<vmem_shared>>
      %dma_start3A_440 = arith.constant 0 : i32
      %dma_start3A_441 = tpu.memref_slice %arg10[%add3A_309, %dma_start3A_440] : memref<102400x16xf32, #tpu.memory_space<vmem_shared>> -> memref<128x16xf32, #tpu.memory_space<vmem_shared>>
      tpu.enqueue_dma source(%arg8 : memref<128x16xf32, #tpu.memory_space<vmem>>) target(%dma_start3A_441 : memref<128x16xf32, #tpu.memory_space<vmem_shared>>) target_semaphore(%run_scoped3A : memref<!tpu.dma_semaphore, #tpu.memory_space<semaphore_mem>>)
      %dma_wait3A = arith.constant 0 : i32
      %dma_wait3A_442 = tpu.memref_slice %arg10[%add3A_309, %dma_wait3A] : memref<102400x16xf32, #tpu.memory_space<vmem_shared>> -> memref<128x16xf32, #tpu.memory_space<vmem_shared>>
      %dma_wait3A_443 = arith.constant 0 : i32
      %dma_wait3A_444 = tpu.memref_slice %arg10[%add3A_309, %dma_wait3A_443] : memref<102400x16xf32, #tpu.memory_space<vmem_shared>> -> memref<128x16xf32, #tpu.memory_space<vmem_shared>>
      tpu.wait_dma2 semaphore(%run_scoped3A : memref<!tpu.dma_semaphore, #tpu.memory_space<semaphore_mem>>) src(%arg8 : memref<128x16xf32, #tpu.memory_space<vmem>>) dst(%dma_wait3A_444 : memref<128x16xf32, #tpu.memory_space<vmem_shared>>)
      tpu.yield
    }) : () -> ()
    %mul3A_310 = arith.constant 6400 : i32
    %mul3A_311 = arith.muli %arg1, %mul3A_310 : i32
    %add3A_312 = arith.constant 2816 : i32
    %add3A_313 = arith.addi %mul3A_311, %add3A_312 : i32
    "tpu.region"() ({
      %run_scoped3A = tpu.sem_alloc : memref<!tpu.dma_semaphore, #tpu.memory_space<semaphore_mem>>
      %dma_start3A = arith.constant 0 : i32
      %dma_start3A_439 = tpu.memref_slice %arg10[%add3A_313, %dma_start3A] : memref<102400x16xf32, #tpu.memory_space<vmem_shared>> -> memref<128x16xf32, #tpu.memory_space<vmem_shared>>
      %dma_start3A_440 = arith.constant 0 : i32
      %dma_start3A_441 = tpu.memref_slice %arg10[%add3A_313, %dma_start3A_440] : memref<102400x16xf32, #tpu.memory_space<vmem_shared>> -> memref<128x16xf32, #tpu.memory_space<vmem_shared>>
      tpu.enqueue_dma source(%arg8 : memref<128x16xf32, #tpu.memory_space<vmem>>) target(%dma_start3A_441 : memref<128x16xf32, #tpu.memory_space<vmem_shared>>) target_semaphore(%run_scoped3A : memref<!tpu.dma_semaphore, #tpu.memory_space<semaphore_mem>>)
      %dma_wait3A = arith.constant 0 : i32
      %dma_wait3A_442 = tpu.memref_slice %arg10[%add3A_313, %dma_wait3A] : memref<102400x16xf32, #tpu.memory_space<vmem_shared>> -> memref<128x16xf32, #tpu.memory_space<vmem_shared>>
      %dma_wait3A_443 = arith.constant 0 : i32
      %dma_wait3A_444 = tpu.memref_slice %arg10[%add3A_313, %dma_wait3A_443] : memref<102400x16xf32, #tpu.memory_space<vmem_shared>> -> memref<128x16xf32, #tpu.memory_space<vmem_shared>>
      tpu.wait_dma2 semaphore(%run_scoped3A : memref<!tpu.dma_semaphore, #tpu.memory_space<semaphore_mem>>) src(%arg8 : memref<128x16xf32, #tpu.memory_space<vmem>>) dst(%dma_wait3A_444 : memref<128x16xf32, #tpu.memory_space<vmem_shared>>)
      tpu.yield
    }) : () -> ()
    %mul3A_314 = arith.constant 6400 : i32
    %mul3A_315 = arith.muli %arg1, %mul3A_314 : i32
    %add3A_316 = arith.constant 2944 : i32
    %add3A_317 = arith.addi %mul3A_315, %add3A_316 : i32
    "tpu.region"() ({
      %run_scoped3A = tpu.sem_alloc : memref<!tpu.dma_semaphore, #tpu.memory_space<semaphore_mem>>
      %dma_start3A = arith.constant 0 : i32
      %dma_start3A_439 = tpu.memref_slice %arg10[%add3A_317, %dma_start3A] : memref<102400x16xf32, #tpu.memory_space<vmem_shared>> -> memref<128x16xf32, #tpu.memory_space<vmem_shared>>
      %dma_start3A_440 = arith.constant 0 : i32
      %dma_start3A_441 = tpu.memref_slice %arg10[%add3A_317, %dma_start3A_440] : memref<102400x16xf32, #tpu.memory_space<vmem_shared>> -> memref<128x16xf32, #tpu.memory_space<vmem_shared>>
      tpu.enqueue_dma source(%arg8 : memref<128x16xf32, #tpu.memory_space<vmem>>) target(%dma_start3A_441 : memref<128x16xf32, #tpu.memory_space<vmem_shared>>) target_semaphore(%run_scoped3A : memref<!tpu.dma_semaphore, #tpu.memory_space<semaphore_mem>>)
      %dma_wait3A = arith.constant 0 : i32
      %dma_wait3A_442 = tpu.memref_slice %arg10[%add3A_317, %dma_wait3A] : memref<102400x16xf32, #tpu.memory_space<vmem_shared>> -> memref<128x16xf32, #tpu.memory_space<vmem_shared>>
      %dma_wait3A_443 = arith.constant 0 : i32
      %dma_wait3A_444 = tpu.memref_slice %arg10[%add3A_317, %dma_wait3A_443] : memref<102400x16xf32, #tpu.memory_space<vmem_shared>> -> memref<128x16xf32, #tpu.memory_space<vmem_shared>>
      tpu.wait_dma2 semaphore(%run_scoped3A : memref<!tpu.dma_semaphore, #tpu.memory_space<semaphore_mem>>) src(%arg8 : memref<128x16xf32, #tpu.memory_space<vmem>>) dst(%dma_wait3A_444 : memref<128x16xf32, #tpu.memory_space<vmem_shared>>)
      tpu.yield
    }) : () -> ()
    %mul3A_318 = arith.constant 6400 : i32
    %mul3A_319 = arith.muli %arg1, %mul3A_318 : i32
    %add3A_320 = arith.constant 3072 : i32
    %add3A_321 = arith.addi %mul3A_319, %add3A_320 : i32
    "tpu.region"() ({
      %run_scoped3A = tpu.sem_alloc : memref<!tpu.dma_semaphore, #tpu.memory_space<semaphore_mem>>
      %dma_start3A = arith.constant 0 : i32
      %dma_start3A_439 = tpu.memref_slice %arg10[%add3A_321, %dma_start3A] : memref<102400x16xf32, #tpu.memory_space<vmem_shared>> -> memref<128x16xf32, #tpu.memory_space<vmem_shared>>
      %dma_start3A_440 = arith.constant 0 : i32
      %dma_start3A_441 = tpu.memref_slice %arg10[%add3A_321, %dma_start3A_440] : memref<102400x16xf32, #tpu.memory_space<vmem_shared>> -> memref<128x16xf32, #tpu.memory_space<vmem_shared>>
      tpu.enqueue_dma source(%arg8 : memref<128x16xf32, #tpu.memory_space<vmem>>) target(%dma_start3A_441 : memref<128x16xf32, #tpu.memory_space<vmem_shared>>) target_semaphore(%run_scoped3A : memref<!tpu.dma_semaphore, #tpu.memory_space<semaphore_mem>>)
      %dma_wait3A = arith.constant 0 : i32
      %dma_wait3A_442 = tpu.memref_slice %arg10[%add3A_321, %dma_wait3A] : memref<102400x16xf32, #tpu.memory_space<vmem_shared>> -> memref<128x16xf32, #tpu.memory_space<vmem_shared>>
      %dma_wait3A_443 = arith.constant 0 : i32
      %dma_wait3A_444 = tpu.memref_slice %arg10[%add3A_321, %dma_wait3A_443] : memref<102400x16xf32, #tpu.memory_space<vmem_shared>> -> memref<128x16xf32, #tpu.memory_space<vmem_shared>>
      tpu.wait_dma2 semaphore(%run_scoped3A : memref<!tpu.dma_semaphore, #tpu.memory_space<semaphore_mem>>) src(%arg8 : memref<128x16xf32, #tpu.memory_space<vmem>>) dst(%dma_wait3A_444 : memref<128x16xf32, #tpu.memory_space<vmem_shared>>)
      tpu.yield
    }) : () -> ()
    %mul3A_322 = arith.constant 6400 : i32
    %mul3A_323 = arith.muli %arg1, %mul3A_322 : i32
    %add3A_324 = arith.constant 3200 : i32
    %add3A_325 = arith.addi %mul3A_323, %add3A_324 : i32
    "tpu.region"() ({
      %run_scoped3A = tpu.sem_alloc : memref<!tpu.dma_semaphore, #tpu.memory_space<semaphore_mem>>
      %dma_start3A = arith.constant 0 : i32
      %dma_start3A_439 = tpu.memref_slice %arg10[%add3A_325, %dma_start3A] : memref<102400x16xf32, #tpu.memory_space<vmem_shared>> -> memref<128x16xf32, #tpu.memory_space<vmem_shared>>
      %dma_start3A_440 = arith.constant 0 : i32
      %dma_start3A_441 = tpu.memref_slice %arg10[%add3A_325, %dma_start3A_440] : memref<102400x16xf32, #tpu.memory_space<vmem_shared>> -> memref<128x16xf32, #tpu.memory_space<vmem_shared>>
      tpu.enqueue_dma source(%arg8 : memref<128x16xf32, #tpu.memory_space<vmem>>) target(%dma_start3A_441 : memref<128x16xf32, #tpu.memory_space<vmem_shared>>) target_semaphore(%run_scoped3A : memref<!tpu.dma_semaphore, #tpu.memory_space<semaphore_mem>>)
      %dma_wait3A = arith.constant 0 : i32
      %dma_wait3A_442 = tpu.memref_slice %arg10[%add3A_325, %dma_wait3A] : memref<102400x16xf32, #tpu.memory_space<vmem_shared>> -> memref<128x16xf32, #tpu.memory_space<vmem_shared>>
      %dma_wait3A_443 = arith.constant 0 : i32
      %dma_wait3A_444 = tpu.memref_slice %arg10[%add3A_325, %dma_wait3A_443] : memref<102400x16xf32, #tpu.memory_space<vmem_shared>> -> memref<128x16xf32, #tpu.memory_space<vmem_shared>>
      tpu.wait_dma2 semaphore(%run_scoped3A : memref<!tpu.dma_semaphore, #tpu.memory_space<semaphore_mem>>) src(%arg8 : memref<128x16xf32, #tpu.memory_space<vmem>>) dst(%dma_wait3A_444 : memref<128x16xf32, #tpu.memory_space<vmem_shared>>)
      tpu.yield
    }) : () -> ()
    %mul3A_326 = arith.constant 6400 : i32
    %mul3A_327 = arith.muli %arg1, %mul3A_326 : i32
    %add3A_328 = arith.constant 3328 : i32
    %add3A_329 = arith.addi %mul3A_327, %add3A_328 : i32
    "tpu.region"() ({
      %run_scoped3A = tpu.sem_alloc : memref<!tpu.dma_semaphore, #tpu.memory_space<semaphore_mem>>
      %dma_start3A = arith.constant 0 : i32
      %dma_start3A_439 = tpu.memref_slice %arg10[%add3A_329, %dma_start3A] : memref<102400x16xf32, #tpu.memory_space<vmem_shared>> -> memref<128x16xf32, #tpu.memory_space<vmem_shared>>
      %dma_start3A_440 = arith.constant 0 : i32
      %dma_start3A_441 = tpu.memref_slice %arg10[%add3A_329, %dma_start3A_440] : memref<102400x16xf32, #tpu.memory_space<vmem_shared>> -> memref<128x16xf32, #tpu.memory_space<vmem_shared>>
      tpu.enqueue_dma source(%arg8 : memref<128x16xf32, #tpu.memory_space<vmem>>) target(%dma_start3A_441 : memref<128x16xf32, #tpu.memory_space<vmem_shared>>) target_semaphore(%run_scoped3A : memref<!tpu.dma_semaphore, #tpu.memory_space<semaphore_mem>>)
      %dma_wait3A = arith.constant 0 : i32
      %dma_wait3A_442 = tpu.memref_slice %arg10[%add3A_329, %dma_wait3A] : memref<102400x16xf32, #tpu.memory_space<vmem_shared>> -> memref<128x16xf32, #tpu.memory_space<vmem_shared>>
      %dma_wait3A_443 = arith.constant 0 : i32
      %dma_wait3A_444 = tpu.memref_slice %arg10[%add3A_329, %dma_wait3A_443] : memref<102400x16xf32, #tpu.memory_space<vmem_shared>> -> memref<128x16xf32, #tpu.memory_space<vmem_shared>>
      tpu.wait_dma2 semaphore(%run_scoped3A : memref<!tpu.dma_semaphore, #tpu.memory_space<semaphore_mem>>) src(%arg8 : memref<128x16xf32, #tpu.memory_space<vmem>>) dst(%dma_wait3A_444 : memref<128x16xf32, #tpu.memory_space<vmem_shared>>)
      tpu.yield
    }) : () -> ()
    %mul3A_330 = arith.constant 6400 : i32
    %mul3A_331 = arith.muli %arg1, %mul3A_330 : i32
    %add3A_332 = arith.constant 3456 : i32
    %add3A_333 = arith.addi %mul3A_331, %add3A_332 : i32
    "tpu.region"() ({
      %run_scoped3A = tpu.sem_alloc : memref<!tpu.dma_semaphore, #tpu.memory_space<semaphore_mem>>
      %dma_start3A = arith.constant 0 : i32
      %dma_start3A_439 = tpu.memref_slice %arg10[%add3A_333, %dma_start3A] : memref<102400x16xf32, #tpu.memory_space<vmem_shared>> -> memref<128x16xf32, #tpu.memory_space<vmem_shared>>
      %dma_start3A_440 = arith.constant 0 : i32
      %dma_start3A_441 = tpu.memref_slice %arg10[%add3A_333, %dma_start3A_440] : memref<102400x16xf32, #tpu.memory_space<vmem_shared>> -> memref<128x16xf32, #tpu.memory_space<vmem_shared>>
      tpu.enqueue_dma source(%arg8 : memref<128x16xf32, #tpu.memory_space<vmem>>) target(%dma_start3A_441 : memref<128x16xf32, #tpu.memory_space<vmem_shared>>) target_semaphore(%run_scoped3A : memref<!tpu.dma_semaphore, #tpu.memory_space<semaphore_mem>>)
      %dma_wait3A = arith.constant 0 : i32
      %dma_wait3A_442 = tpu.memref_slice %arg10[%add3A_333, %dma_wait3A] : memref<102400x16xf32, #tpu.memory_space<vmem_shared>> -> memref<128x16xf32, #tpu.memory_space<vmem_shared>>
      %dma_wait3A_443 = arith.constant 0 : i32
      %dma_wait3A_444 = tpu.memref_slice %arg10[%add3A_333, %dma_wait3A_443] : memref<102400x16xf32, #tpu.memory_space<vmem_shared>> -> memref<128x16xf32, #tpu.memory_space<vmem_shared>>
      tpu.wait_dma2 semaphore(%run_scoped3A : memref<!tpu.dma_semaphore, #tpu.memory_space<semaphore_mem>>) src(%arg8 : memref<128x16xf32, #tpu.memory_space<vmem>>) dst(%dma_wait3A_444 : memref<128x16xf32, #tpu.memory_space<vmem_shared>>)
      tpu.yield
    }) : () -> ()
    %mul3A_334 = arith.constant 6400 : i32
    %mul3A_335 = arith.muli %arg1, %mul3A_334 : i32
    %add3A_336 = arith.constant 3584 : i32
    %add3A_337 = arith.addi %mul3A_335, %add3A_336 : i32
    "tpu.region"() ({
      %run_scoped3A = tpu.sem_alloc : memref<!tpu.dma_semaphore, #tpu.memory_space<semaphore_mem>>
      %dma_start3A = arith.constant 0 : i32
      %dma_start3A_439 = tpu.memref_slice %arg10[%add3A_337, %dma_start3A] : memref<102400x16xf32, #tpu.memory_space<vmem_shared>> -> memref<128x16xf32, #tpu.memory_space<vmem_shared>>
      %dma_start3A_440 = arith.constant 0 : i32
      %dma_start3A_441 = tpu.memref_slice %arg10[%add3A_337, %dma_start3A_440] : memref<102400x16xf32, #tpu.memory_space<vmem_shared>> -> memref<128x16xf32, #tpu.memory_space<vmem_shared>>
      tpu.enqueue_dma source(%arg8 : memref<128x16xf32, #tpu.memory_space<vmem>>) target(%dma_start3A_441 : memref<128x16xf32, #tpu.memory_space<vmem_shared>>) target_semaphore(%run_scoped3A : memref<!tpu.dma_semaphore, #tpu.memory_space<semaphore_mem>>)
      %dma_wait3A = arith.constant 0 : i32
      %dma_wait3A_442 = tpu.memref_slice %arg10[%add3A_337, %dma_wait3A] : memref<102400x16xf32, #tpu.memory_space<vmem_shared>> -> memref<128x16xf32, #tpu.memory_space<vmem_shared>>
      %dma_wait3A_443 = arith.constant 0 : i32
      %dma_wait3A_444 = tpu.memref_slice %arg10[%add3A_337, %dma_wait3A_443] : memref<102400x16xf32, #tpu.memory_space<vmem_shared>> -> memref<128x16xf32, #tpu.memory_space<vmem_shared>>
      tpu.wait_dma2 semaphore(%run_scoped3A : memref<!tpu.dma_semaphore, #tpu.memory_space<semaphore_mem>>) src(%arg8 : memref<128x16xf32, #tpu.memory_space<vmem>>) dst(%dma_wait3A_444 : memref<128x16xf32, #tpu.memory_space<vmem_shared>>)
      tpu.yield
    }) : () -> ()
    %mul3A_338 = arith.constant 6400 : i32
    %mul3A_339 = arith.muli %arg1, %mul3A_338 : i32
    %add3A_340 = arith.constant 3712 : i32
    %add3A_341 = arith.addi %mul3A_339, %add3A_340 : i32
    "tpu.region"() ({
      %run_scoped3A = tpu.sem_alloc : memref<!tpu.dma_semaphore, #tpu.memory_space<semaphore_mem>>
      %dma_start3A = arith.constant 0 : i32
      %dma_start3A_439 = tpu.memref_slice %arg10[%add3A_341, %dma_start3A] : memref<102400x16xf32, #tpu.memory_space<vmem_shared>> -> memref<128x16xf32, #tpu.memory_space<vmem_shared>>
      %dma_start3A_440 = arith.constant 0 : i32
      %dma_start3A_441 = tpu.memref_slice %arg10[%add3A_341, %dma_start3A_440] : memref<102400x16xf32, #tpu.memory_space<vmem_shared>> -> memref<128x16xf32, #tpu.memory_space<vmem_shared>>
      tpu.enqueue_dma source(%arg8 : memref<128x16xf32, #tpu.memory_space<vmem>>) target(%dma_start3A_441 : memref<128x16xf32, #tpu.memory_space<vmem_shared>>) target_semaphore(%run_scoped3A : memref<!tpu.dma_semaphore, #tpu.memory_space<semaphore_mem>>)
      %dma_wait3A = arith.constant 0 : i32
      %dma_wait3A_442 = tpu.memref_slice %arg10[%add3A_341, %dma_wait3A] : memref<102400x16xf32, #tpu.memory_space<vmem_shared>> -> memref<128x16xf32, #tpu.memory_space<vmem_shared>>
      %dma_wait3A_443 = arith.constant 0 : i32
      %dma_wait3A_444 = tpu.memref_slice %arg10[%add3A_341, %dma_wait3A_443] : memref<102400x16xf32, #tpu.memory_space<vmem_shared>> -> memref<128x16xf32, #tpu.memory_space<vmem_shared>>
      tpu.wait_dma2 semaphore(%run_scoped3A : memref<!tpu.dma_semaphore, #tpu.memory_space<semaphore_mem>>) src(%arg8 : memref<128x16xf32, #tpu.memory_space<vmem>>) dst(%dma_wait3A_444 : memref<128x16xf32, #tpu.memory_space<vmem_shared>>)
      tpu.yield
    }) : () -> ()
    %mul3A_342 = arith.constant 6400 : i32
    %mul3A_343 = arith.muli %arg1, %mul3A_342 : i32
    %add3A_344 = arith.constant 3840 : i32
    %add3A_345 = arith.addi %mul3A_343, %add3A_344 : i32
    "tpu.region"() ({
      %run_scoped3A = tpu.sem_alloc : memref<!tpu.dma_semaphore, #tpu.memory_space<semaphore_mem>>
      %dma_start3A = arith.constant 0 : i32
      %dma_start3A_439 = tpu.memref_slice %arg10[%add3A_345, %dma_start3A] : memref<102400x16xf32, #tpu.memory_space<vmem_shared>> -> memref<128x16xf32, #tpu.memory_space<vmem_shared>>
      %dma_start3A_440 = arith.constant 0 : i32
      %dma_start3A_441 = tpu.memref_slice %arg10[%add3A_345, %dma_start3A_440] : memref<102400x16xf32, #tpu.memory_space<vmem_shared>> -> memref<128x16xf32, #tpu.memory_space<vmem_shared>>
      tpu.enqueue_dma source(%arg8 : memref<128x16xf32, #tpu.memory_space<vmem>>) target(%dma_start3A_441 : memref<128x16xf32, #tpu.memory_space<vmem_shared>>) target_semaphore(%run_scoped3A : memref<!tpu.dma_semaphore, #tpu.memory_space<semaphore_mem>>)
      %dma_wait3A = arith.constant 0 : i32
      %dma_wait3A_442 = tpu.memref_slice %arg10[%add3A_345, %dma_wait3A] : memref<102400x16xf32, #tpu.memory_space<vmem_shared>> -> memref<128x16xf32, #tpu.memory_space<vmem_shared>>
      %dma_wait3A_443 = arith.constant 0 : i32
      %dma_wait3A_444 = tpu.memref_slice %arg10[%add3A_345, %dma_wait3A_443] : memref<102400x16xf32, #tpu.memory_space<vmem_shared>> -> memref<128x16xf32, #tpu.memory_space<vmem_shared>>
      tpu.wait_dma2 semaphore(%run_scoped3A : memref<!tpu.dma_semaphore, #tpu.memory_space<semaphore_mem>>) src(%arg8 : memref<128x16xf32, #tpu.memory_space<vmem>>) dst(%dma_wait3A_444 : memref<128x16xf32, #tpu.memory_space<vmem_shared>>)
      tpu.yield
    }) : () -> ()
    %mul3A_346 = arith.constant 6400 : i32
    %mul3A_347 = arith.muli %arg1, %mul3A_346 : i32
    %add3A_348 = arith.constant 3968 : i32
    %add3A_349 = arith.addi %mul3A_347, %add3A_348 : i32
    "tpu.region"() ({
      %run_scoped3A = tpu.sem_alloc : memref<!tpu.dma_semaphore, #tpu.memory_space<semaphore_mem>>
      %dma_start3A = arith.constant 0 : i32
      %dma_start3A_439 = tpu.memref_slice %arg10[%add3A_349, %dma_start3A] : memref<102400x16xf32, #tpu.memory_space<vmem_shared>> -> memref<128x16xf32, #tpu.memory_space<vmem_shared>>
      %dma_start3A_440 = arith.constant 0 : i32
      %dma_start3A_441 = tpu.memref_slice %arg10[%add3A_349, %dma_start3A_440] : memref<102400x16xf32, #tpu.memory_space<vmem_shared>> -> memref<128x16xf32, #tpu.memory_space<vmem_shared>>
      tpu.enqueue_dma source(%arg8 : memref<128x16xf32, #tpu.memory_space<vmem>>) target(%dma_start3A_441 : memref<128x16xf32, #tpu.memory_space<vmem_shared>>) target_semaphore(%run_scoped3A : memref<!tpu.dma_semaphore, #tpu.memory_space<semaphore_mem>>)
      %dma_wait3A = arith.constant 0 : i32
      %dma_wait3A_442 = tpu.memref_slice %arg10[%add3A_349, %dma_wait3A] : memref<102400x16xf32, #tpu.memory_space<vmem_shared>> -> memref<128x16xf32, #tpu.memory_space<vmem_shared>>
      %dma_wait3A_443 = arith.constant 0 : i32
      %dma_wait3A_444 = tpu.memref_slice %arg10[%add3A_349, %dma_wait3A_443] : memref<102400x16xf32, #tpu.memory_space<vmem_shared>> -> memref<128x16xf32, #tpu.memory_space<vmem_shared>>
      tpu.wait_dma2 semaphore(%run_scoped3A : memref<!tpu.dma_semaphore, #tpu.memory_space<semaphore_mem>>) src(%arg8 : memref<128x16xf32, #tpu.memory_space<vmem>>) dst(%dma_wait3A_444 : memref<128x16xf32, #tpu.memory_space<vmem_shared>>)
      tpu.yield
    }) : () -> ()
    %mul3A_350 = arith.constant 6400 : i32
    %mul3A_351 = arith.muli %arg1, %mul3A_350 : i32
    %add3A_352 = arith.constant 4096 : i32
    %add3A_353 = arith.addi %mul3A_351, %add3A_352 : i32
    "tpu.region"() ({
      %run_scoped3A = tpu.sem_alloc : memref<!tpu.dma_semaphore, #tpu.memory_space<semaphore_mem>>
      %dma_start3A = arith.constant 0 : i32
      %dma_start3A_439 = tpu.memref_slice %arg10[%add3A_353, %dma_start3A] : memref<102400x16xf32, #tpu.memory_space<vmem_shared>> -> memref<128x16xf32, #tpu.memory_space<vmem_shared>>
      %dma_start3A_440 = arith.constant 0 : i32
      %dma_start3A_441 = tpu.memref_slice %arg10[%add3A_353, %dma_start3A_440] : memref<102400x16xf32, #tpu.memory_space<vmem_shared>> -> memref<128x16xf32, #tpu.memory_space<vmem_shared>>
      tpu.enqueue_dma source(%arg8 : memref<128x16xf32, #tpu.memory_space<vmem>>) target(%dma_start3A_441 : memref<128x16xf32, #tpu.memory_space<vmem_shared>>) target_semaphore(%run_scoped3A : memref<!tpu.dma_semaphore, #tpu.memory_space<semaphore_mem>>)
      %dma_wait3A = arith.constant 0 : i32
      %dma_wait3A_442 = tpu.memref_slice %arg10[%add3A_353, %dma_wait3A] : memref<102400x16xf32, #tpu.memory_space<vmem_shared>> -> memref<128x16xf32, #tpu.memory_space<vmem_shared>>
      %dma_wait3A_443 = arith.constant 0 : i32
      %dma_wait3A_444 = tpu.memref_slice %arg10[%add3A_353, %dma_wait3A_443] : memref<102400x16xf32, #tpu.memory_space<vmem_shared>> -> memref<128x16xf32, #tpu.memory_space<vmem_shared>>
      tpu.wait_dma2 semaphore(%run_scoped3A : memref<!tpu.dma_semaphore, #tpu.memory_space<semaphore_mem>>) src(%arg8 : memref<128x16xf32, #tpu.memory_space<vmem>>) dst(%dma_wait3A_444 : memref<128x16xf32, #tpu.memory_space<vmem_shared>>)
      tpu.yield
    }) : () -> ()
    %mul3A_354 = arith.constant 6400 : i32
    %mul3A_355 = arith.muli %arg1, %mul3A_354 : i32
    %add3A_356 = arith.constant 4224 : i32
    %add3A_357 = arith.addi %mul3A_355, %add3A_356 : i32
    "tpu.region"() ({
      %run_scoped3A = tpu.sem_alloc : memref<!tpu.dma_semaphore, #tpu.memory_space<semaphore_mem>>
      %dma_start3A = arith.constant 0 : i32
      %dma_start3A_439 = tpu.memref_slice %arg10[%add3A_357, %dma_start3A] : memref<102400x16xf32, #tpu.memory_space<vmem_shared>> -> memref<128x16xf32, #tpu.memory_space<vmem_shared>>
      %dma_start3A_440 = arith.constant 0 : i32
      %dma_start3A_441 = tpu.memref_slice %arg10[%add3A_357, %dma_start3A_440] : memref<102400x16xf32, #tpu.memory_space<vmem_shared>> -> memref<128x16xf32, #tpu.memory_space<vmem_shared>>
      tpu.enqueue_dma source(%arg8 : memref<128x16xf32, #tpu.memory_space<vmem>>) target(%dma_start3A_441 : memref<128x16xf32, #tpu.memory_space<vmem_shared>>) target_semaphore(%run_scoped3A : memref<!tpu.dma_semaphore, #tpu.memory_space<semaphore_mem>>)
      %dma_wait3A = arith.constant 0 : i32
      %dma_wait3A_442 = tpu.memref_slice %arg10[%add3A_357, %dma_wait3A] : memref<102400x16xf32, #tpu.memory_space<vmem_shared>> -> memref<128x16xf32, #tpu.memory_space<vmem_shared>>
      %dma_wait3A_443 = arith.constant 0 : i32
      %dma_wait3A_444 = tpu.memref_slice %arg10[%add3A_357, %dma_wait3A_443] : memref<102400x16xf32, #tpu.memory_space<vmem_shared>> -> memref<128x16xf32, #tpu.memory_space<vmem_shared>>
      tpu.wait_dma2 semaphore(%run_scoped3A : memref<!tpu.dma_semaphore, #tpu.memory_space<semaphore_mem>>) src(%arg8 : memref<128x16xf32, #tpu.memory_space<vmem>>) dst(%dma_wait3A_444 : memref<128x16xf32, #tpu.memory_space<vmem_shared>>)
      tpu.yield
    }) : () -> ()
    %mul3A_358 = arith.constant 6400 : i32
    %mul3A_359 = arith.muli %arg1, %mul3A_358 : i32
    %add3A_360 = arith.constant 4352 : i32
    %add3A_361 = arith.addi %mul3A_359, %add3A_360 : i32
    "tpu.region"() ({
      %run_scoped3A = tpu.sem_alloc : memref<!tpu.dma_semaphore, #tpu.memory_space<semaphore_mem>>
      %dma_start3A = arith.constant 0 : i32
      %dma_start3A_439 = tpu.memref_slice %arg10[%add3A_361, %dma_start3A] : memref<102400x16xf32, #tpu.memory_space<vmem_shared>> -> memref<128x16xf32, #tpu.memory_space<vmem_shared>>
      %dma_start3A_440 = arith.constant 0 : i32
      %dma_start3A_441 = tpu.memref_slice %arg10[%add3A_361, %dma_start3A_440] : memref<102400x16xf32, #tpu.memory_space<vmem_shared>> -> memref<128x16xf32, #tpu.memory_space<vmem_shared>>
      tpu.enqueue_dma source(%arg8 : memref<128x16xf32, #tpu.memory_space<vmem>>) target(%dma_start3A_441 : memref<128x16xf32, #tpu.memory_space<vmem_shared>>) target_semaphore(%run_scoped3A : memref<!tpu.dma_semaphore, #tpu.memory_space<semaphore_mem>>)
      %dma_wait3A = arith.constant 0 : i32
      %dma_wait3A_442 = tpu.memref_slice %arg10[%add3A_361, %dma_wait3A] : memref<102400x16xf32, #tpu.memory_space<vmem_shared>> -> memref<128x16xf32, #tpu.memory_space<vmem_shared>>
      %dma_wait3A_443 = arith.constant 0 : i32
      %dma_wait3A_444 = tpu.memref_slice %arg10[%add3A_361, %dma_wait3A_443] : memref<102400x16xf32, #tpu.memory_space<vmem_shared>> -> memref<128x16xf32, #tpu.memory_space<vmem_shared>>
      tpu.wait_dma2 semaphore(%run_scoped3A : memref<!tpu.dma_semaphore, #tpu.memory_space<semaphore_mem>>) src(%arg8 : memref<128x16xf32, #tpu.memory_space<vmem>>) dst(%dma_wait3A_444 : memref<128x16xf32, #tpu.memory_space<vmem_shared>>)
      tpu.yield
    }) : () -> ()
    %mul3A_362 = arith.constant 6400 : i32
    %mul3A_363 = arith.muli %arg1, %mul3A_362 : i32
    %add3A_364 = arith.constant 4480 : i32
    %add3A_365 = arith.addi %mul3A_363, %add3A_364 : i32
    "tpu.region"() ({
      %run_scoped3A = tpu.sem_alloc : memref<!tpu.dma_semaphore, #tpu.memory_space<semaphore_mem>>
      %dma_start3A = arith.constant 0 : i32
      %dma_start3A_439 = tpu.memref_slice %arg10[%add3A_365, %dma_start3A] : memref<102400x16xf32, #tpu.memory_space<vmem_shared>> -> memref<128x16xf32, #tpu.memory_space<vmem_shared>>
      %dma_start3A_440 = arith.constant 0 : i32
      %dma_start3A_441 = tpu.memref_slice %arg10[%add3A_365, %dma_start3A_440] : memref<102400x16xf32, #tpu.memory_space<vmem_shared>> -> memref<128x16xf32, #tpu.memory_space<vmem_shared>>
      tpu.enqueue_dma source(%arg8 : memref<128x16xf32, #tpu.memory_space<vmem>>) target(%dma_start3A_441 : memref<128x16xf32, #tpu.memory_space<vmem_shared>>) target_semaphore(%run_scoped3A : memref<!tpu.dma_semaphore, #tpu.memory_space<semaphore_mem>>)
      %dma_wait3A = arith.constant 0 : i32
      %dma_wait3A_442 = tpu.memref_slice %arg10[%add3A_365, %dma_wait3A] : memref<102400x16xf32, #tpu.memory_space<vmem_shared>> -> memref<128x16xf32, #tpu.memory_space<vmem_shared>>
      %dma_wait3A_443 = arith.constant 0 : i32
      %dma_wait3A_444 = tpu.memref_slice %arg10[%add3A_365, %dma_wait3A_443] : memref<102400x16xf32, #tpu.memory_space<vmem_shared>> -> memref<128x16xf32, #tpu.memory_space<vmem_shared>>
      tpu.wait_dma2 semaphore(%run_scoped3A : memref<!tpu.dma_semaphore, #tpu.memory_space<semaphore_mem>>) src(%arg8 : memref<128x16xf32, #tpu.memory_space<vmem>>) dst(%dma_wait3A_444 : memref<128x16xf32, #tpu.memory_space<vmem_shared>>)
      tpu.yield
    }) : () -> ()
    %mul3A_366 = arith.constant 6400 : i32
    %mul3A_367 = arith.muli %arg1, %mul3A_366 : i32
    %add3A_368 = arith.constant 4608 : i32
    %add3A_369 = arith.addi %mul3A_367, %add3A_368 : i32
    "tpu.region"() ({
      %run_scoped3A = tpu.sem_alloc : memref<!tpu.dma_semaphore, #tpu.memory_space<semaphore_mem>>
      %dma_start3A = arith.constant 0 : i32
      %dma_start3A_439 = tpu.memref_slice %arg10[%add3A_369, %dma_start3A] : memref<102400x16xf32, #tpu.memory_space<vmem_shared>> -> memref<128x16xf32, #tpu.memory_space<vmem_shared>>
      %dma_start3A_440 = arith.constant 0 : i32
      %dma_start3A_441 = tpu.memref_slice %arg10[%add3A_369, %dma_start3A_440] : memref<102400x16xf32, #tpu.memory_space<vmem_shared>> -> memref<128x16xf32, #tpu.memory_space<vmem_shared>>
      tpu.enqueue_dma source(%arg8 : memref<128x16xf32, #tpu.memory_space<vmem>>) target(%dma_start3A_441 : memref<128x16xf32, #tpu.memory_space<vmem_shared>>) target_semaphore(%run_scoped3A : memref<!tpu.dma_semaphore, #tpu.memory_space<semaphore_mem>>)
      %dma_wait3A = arith.constant 0 : i32
      %dma_wait3A_442 = tpu.memref_slice %arg10[%add3A_369, %dma_wait3A] : memref<102400x16xf32, #tpu.memory_space<vmem_shared>> -> memref<128x16xf32, #tpu.memory_space<vmem_shared>>
      %dma_wait3A_443 = arith.constant 0 : i32
      %dma_wait3A_444 = tpu.memref_slice %arg10[%add3A_369, %dma_wait3A_443] : memref<102400x16xf32, #tpu.memory_space<vmem_shared>> -> memref<128x16xf32, #tpu.memory_space<vmem_shared>>
      tpu.wait_dma2 semaphore(%run_scoped3A : memref<!tpu.dma_semaphore, #tpu.memory_space<semaphore_mem>>) src(%arg8 : memref<128x16xf32, #tpu.memory_space<vmem>>) dst(%dma_wait3A_444 : memref<128x16xf32, #tpu.memory_space<vmem_shared>>)
      tpu.yield
    }) : () -> ()
    %mul3A_370 = arith.constant 6400 : i32
    %mul3A_371 = arith.muli %arg1, %mul3A_370 : i32
    %add3A_372 = arith.constant 4736 : i32
    %add3A_373 = arith.addi %mul3A_371, %add3A_372 : i32
    "tpu.region"() ({
      %run_scoped3A = tpu.sem_alloc : memref<!tpu.dma_semaphore, #tpu.memory_space<semaphore_mem>>
      %dma_start3A = arith.constant 0 : i32
      %dma_start3A_439 = tpu.memref_slice %arg10[%add3A_373, %dma_start3A] : memref<102400x16xf32, #tpu.memory_space<vmem_shared>> -> memref<128x16xf32, #tpu.memory_space<vmem_shared>>
      %dma_start3A_440 = arith.constant 0 : i32
      %dma_start3A_441 = tpu.memref_slice %arg10[%add3A_373, %dma_start3A_440] : memref<102400x16xf32, #tpu.memory_space<vmem_shared>> -> memref<128x16xf32, #tpu.memory_space<vmem_shared>>
      tpu.enqueue_dma source(%arg8 : memref<128x16xf32, #tpu.memory_space<vmem>>) target(%dma_start3A_441 : memref<128x16xf32, #tpu.memory_space<vmem_shared>>) target_semaphore(%run_scoped3A : memref<!tpu.dma_semaphore, #tpu.memory_space<semaphore_mem>>)
      %dma_wait3A = arith.constant 0 : i32
      %dma_wait3A_442 = tpu.memref_slice %arg10[%add3A_373, %dma_wait3A] : memref<102400x16xf32, #tpu.memory_space<vmem_shared>> -> memref<128x16xf32, #tpu.memory_space<vmem_shared>>
      %dma_wait3A_443 = arith.constant 0 : i32
      %dma_wait3A_444 = tpu.memref_slice %arg10[%add3A_373, %dma_wait3A_443] : memref<102400x16xf32, #tpu.memory_space<vmem_shared>> -> memref<128x16xf32, #tpu.memory_space<vmem_shared>>
      tpu.wait_dma2 semaphore(%run_scoped3A : memref<!tpu.dma_semaphore, #tpu.memory_space<semaphore_mem>>) src(%arg8 : memref<128x16xf32, #tpu.memory_space<vmem>>) dst(%dma_wait3A_444 : memref<128x16xf32, #tpu.memory_space<vmem_shared>>)
      tpu.yield
    }) : () -> ()
    %mul3A_374 = arith.constant 6400 : i32
    %mul3A_375 = arith.muli %arg1, %mul3A_374 : i32
    %add3A_376 = arith.constant 4864 : i32
    %add3A_377 = arith.addi %mul3A_375, %add3A_376 : i32
    "tpu.region"() ({
      %run_scoped3A = tpu.sem_alloc : memref<!tpu.dma_semaphore, #tpu.memory_space<semaphore_mem>>
      %dma_start3A = arith.constant 0 : i32
      %dma_start3A_439 = tpu.memref_slice %arg10[%add3A_377, %dma_start3A] : memref<102400x16xf32, #tpu.memory_space<vmem_shared>> -> memref<128x16xf32, #tpu.memory_space<vmem_shared>>
      %dma_start3A_440 = arith.constant 0 : i32
      %dma_start3A_441 = tpu.memref_slice %arg10[%add3A_377, %dma_start3A_440] : memref<102400x16xf32, #tpu.memory_space<vmem_shared>> -> memref<128x16xf32, #tpu.memory_space<vmem_shared>>
      tpu.enqueue_dma source(%arg8 : memref<128x16xf32, #tpu.memory_space<vmem>>) target(%dma_start3A_441 : memref<128x16xf32, #tpu.memory_space<vmem_shared>>) target_semaphore(%run_scoped3A : memref<!tpu.dma_semaphore, #tpu.memory_space<semaphore_mem>>)
      %dma_wait3A = arith.constant 0 : i32
      %dma_wait3A_442 = tpu.memref_slice %arg10[%add3A_377, %dma_wait3A] : memref<102400x16xf32, #tpu.memory_space<vmem_shared>> -> memref<128x16xf32, #tpu.memory_space<vmem_shared>>
      %dma_wait3A_443 = arith.constant 0 : i32
      %dma_wait3A_444 = tpu.memref_slice %arg10[%add3A_377, %dma_wait3A_443] : memref<102400x16xf32, #tpu.memory_space<vmem_shared>> -> memref<128x16xf32, #tpu.memory_space<vmem_shared>>
      tpu.wait_dma2 semaphore(%run_scoped3A : memref<!tpu.dma_semaphore, #tpu.memory_space<semaphore_mem>>) src(%arg8 : memref<128x16xf32, #tpu.memory_space<vmem>>) dst(%dma_wait3A_444 : memref<128x16xf32, #tpu.memory_space<vmem_shared>>)
      tpu.yield
    }) : () -> ()
    %mul3A_378 = arith.constant 6400 : i32
    %mul3A_379 = arith.muli %arg1, %mul3A_378 : i32
    %add3A_380 = arith.constant 4992 : i32
    %add3A_381 = arith.addi %mul3A_379, %add3A_380 : i32
    "tpu.region"() ({
      %run_scoped3A = tpu.sem_alloc : memref<!tpu.dma_semaphore, #tpu.memory_space<semaphore_mem>>
      %dma_start3A = arith.constant 0 : i32
      %dma_start3A_439 = tpu.memref_slice %arg10[%add3A_381, %dma_start3A] : memref<102400x16xf32, #tpu.memory_space<vmem_shared>> -> memref<128x16xf32, #tpu.memory_space<vmem_shared>>
      %dma_start3A_440 = arith.constant 0 : i32
      %dma_start3A_441 = tpu.memref_slice %arg10[%add3A_381, %dma_start3A_440] : memref<102400x16xf32, #tpu.memory_space<vmem_shared>> -> memref<128x16xf32, #tpu.memory_space<vmem_shared>>
      tpu.enqueue_dma source(%arg8 : memref<128x16xf32, #tpu.memory_space<vmem>>) target(%dma_start3A_441 : memref<128x16xf32, #tpu.memory_space<vmem_shared>>) target_semaphore(%run_scoped3A : memref<!tpu.dma_semaphore, #tpu.memory_space<semaphore_mem>>)
      %dma_wait3A = arith.constant 0 : i32
      %dma_wait3A_442 = tpu.memref_slice %arg10[%add3A_381, %dma_wait3A] : memref<102400x16xf32, #tpu.memory_space<vmem_shared>> -> memref<128x16xf32, #tpu.memory_space<vmem_shared>>
      %dma_wait3A_443 = arith.constant 0 : i32
      %dma_wait3A_444 = tpu.memref_slice %arg10[%add3A_381, %dma_wait3A_443] : memref<102400x16xf32, #tpu.memory_space<vmem_shared>> -> memref<128x16xf32, #tpu.memory_space<vmem_shared>>
      tpu.wait_dma2 semaphore(%run_scoped3A : memref<!tpu.dma_semaphore, #tpu.memory_space<semaphore_mem>>) src(%arg8 : memref<128x16xf32, #tpu.memory_space<vmem>>) dst(%dma_wait3A_444 : memref<128x16xf32, #tpu.memory_space<vmem_shared>>)
      tpu.yield
    }) : () -> ()
    %mul3A_382 = arith.constant 6400 : i32
    %mul3A_383 = arith.muli %arg1, %mul3A_382 : i32
    %add3A_384 = arith.constant 5120 : i32
    %add3A_385 = arith.addi %mul3A_383, %add3A_384 : i32
    "tpu.region"() ({
      %run_scoped3A = tpu.sem_alloc : memref<!tpu.dma_semaphore, #tpu.memory_space<semaphore_mem>>
      %dma_start3A = arith.constant 0 : i32
      %dma_start3A_439 = tpu.memref_slice %arg10[%add3A_385, %dma_start3A] : memref<102400x16xf32, #tpu.memory_space<vmem_shared>> -> memref<128x16xf32, #tpu.memory_space<vmem_shared>>
      %dma_start3A_440 = arith.constant 0 : i32
      %dma_start3A_441 = tpu.memref_slice %arg10[%add3A_385, %dma_start3A_440] : memref<102400x16xf32, #tpu.memory_space<vmem_shared>> -> memref<128x16xf32, #tpu.memory_space<vmem_shared>>
      tpu.enqueue_dma source(%arg8 : memref<128x16xf32, #tpu.memory_space<vmem>>) target(%dma_start3A_441 : memref<128x16xf32, #tpu.memory_space<vmem_shared>>) target_semaphore(%run_scoped3A : memref<!tpu.dma_semaphore, #tpu.memory_space<semaphore_mem>>)
      %dma_wait3A = arith.constant 0 : i32
      %dma_wait3A_442 = tpu.memref_slice %arg10[%add3A_385, %dma_wait3A] : memref<102400x16xf32, #tpu.memory_space<vmem_shared>> -> memref<128x16xf32, #tpu.memory_space<vmem_shared>>
      %dma_wait3A_443 = arith.constant 0 : i32
      %dma_wait3A_444 = tpu.memref_slice %arg10[%add3A_385, %dma_wait3A_443] : memref<102400x16xf32, #tpu.memory_space<vmem_shared>> -> memref<128x16xf32, #tpu.memory_space<vmem_shared>>
      tpu.wait_dma2 semaphore(%run_scoped3A : memref<!tpu.dma_semaphore, #tpu.memory_space<semaphore_mem>>) src(%arg8 : memref<128x16xf32, #tpu.memory_space<vmem>>) dst(%dma_wait3A_444 : memref<128x16xf32, #tpu.memory_space<vmem_shared>>)
      tpu.yield
    }) : () -> ()
    %mul3A_386 = arith.constant 6400 : i32
    %mul3A_387 = arith.muli %arg1, %mul3A_386 : i32
    %add3A_388 = arith.constant 5248 : i32
    %add3A_389 = arith.addi %mul3A_387, %add3A_388 : i32
    "tpu.region"() ({
      %run_scoped3A = tpu.sem_alloc : memref<!tpu.dma_semaphore, #tpu.memory_space<semaphore_mem>>
      %dma_start3A = arith.constant 0 : i32
      %dma_start3A_439 = tpu.memref_slice %arg10[%add3A_389, %dma_start3A] : memref<102400x16xf32, #tpu.memory_space<vmem_shared>> -> memref<128x16xf32, #tpu.memory_space<vmem_shared>>
      %dma_start3A_440 = arith.constant 0 : i32
      %dma_start3A_441 = tpu.memref_slice %arg10[%add3A_389, %dma_start3A_440] : memref<102400x16xf32, #tpu.memory_space<vmem_shared>> -> memref<128x16xf32, #tpu.memory_space<vmem_shared>>
      tpu.enqueue_dma source(%arg8 : memref<128x16xf32, #tpu.memory_space<vmem>>) target(%dma_start3A_441 : memref<128x16xf32, #tpu.memory_space<vmem_shared>>) target_semaphore(%run_scoped3A : memref<!tpu.dma_semaphore, #tpu.memory_space<semaphore_mem>>)
      %dma_wait3A = arith.constant 0 : i32
      %dma_wait3A_442 = tpu.memref_slice %arg10[%add3A_389, %dma_wait3A] : memref<102400x16xf32, #tpu.memory_space<vmem_shared>> -> memref<128x16xf32, #tpu.memory_space<vmem_shared>>
      %dma_wait3A_443 = arith.constant 0 : i32
      %dma_wait3A_444 = tpu.memref_slice %arg10[%add3A_389, %dma_wait3A_443] : memref<102400x16xf32, #tpu.memory_space<vmem_shared>> -> memref<128x16xf32, #tpu.memory_space<vmem_shared>>
      tpu.wait_dma2 semaphore(%run_scoped3A : memref<!tpu.dma_semaphore, #tpu.memory_space<semaphore_mem>>) src(%arg8 : memref<128x16xf32, #tpu.memory_space<vmem>>) dst(%dma_wait3A_444 : memref<128x16xf32, #tpu.memory_space<vmem_shared>>)
      tpu.yield
    }) : () -> ()
    %mul3A_390 = arith.constant 6400 : i32
    %mul3A_391 = arith.muli %arg1, %mul3A_390 : i32
    %add3A_392 = arith.constant 5376 : i32
    %add3A_393 = arith.addi %mul3A_391, %add3A_392 : i32
    "tpu.region"() ({
      %run_scoped3A = tpu.sem_alloc : memref<!tpu.dma_semaphore, #tpu.memory_space<semaphore_mem>>
      %dma_start3A = arith.constant 0 : i32
      %dma_start3A_439 = tpu.memref_slice %arg10[%add3A_393, %dma_start3A] : memref<102400x16xf32, #tpu.memory_space<vmem_shared>> -> memref<128x16xf32, #tpu.memory_space<vmem_shared>>
      %dma_start3A_440 = arith.constant 0 : i32
      %dma_start3A_441 = tpu.memref_slice %arg10[%add3A_393, %dma_start3A_440] : memref<102400x16xf32, #tpu.memory_space<vmem_shared>> -> memref<128x16xf32, #tpu.memory_space<vmem_shared>>
      tpu.enqueue_dma source(%arg8 : memref<128x16xf32, #tpu.memory_space<vmem>>) target(%dma_start3A_441 : memref<128x16xf32, #tpu.memory_space<vmem_shared>>) target_semaphore(%run_scoped3A : memref<!tpu.dma_semaphore, #tpu.memory_space<semaphore_mem>>)
      %dma_wait3A = arith.constant 0 : i32
      %dma_wait3A_442 = tpu.memref_slice %arg10[%add3A_393, %dma_wait3A] : memref<102400x16xf32, #tpu.memory_space<vmem_shared>> -> memref<128x16xf32, #tpu.memory_space<vmem_shared>>
      %dma_wait3A_443 = arith.constant 0 : i32
      %dma_wait3A_444 = tpu.memref_slice %arg10[%add3A_393, %dma_wait3A_443] : memref<102400x16xf32, #tpu.memory_space<vmem_shared>> -> memref<128x16xf32, #tpu.memory_space<vmem_shared>>
      tpu.wait_dma2 semaphore(%run_scoped3A : memref<!tpu.dma_semaphore, #tpu.memory_space<semaphore_mem>>) src(%arg8 : memref<128x16xf32, #tpu.memory_space<vmem>>) dst(%dma_wait3A_444 : memref<128x16xf32, #tpu.memory_space<vmem_shared>>)
      tpu.yield
    }) : () -> ()
    %mul3A_394 = arith.constant 6400 : i32
    %mul3A_395 = arith.muli %arg1, %mul3A_394 : i32
    %add3A_396 = arith.constant 5504 : i32
    %add3A_397 = arith.addi %mul3A_395, %add3A_396 : i32
    "tpu.region"() ({
      %run_scoped3A = tpu.sem_alloc : memref<!tpu.dma_semaphore, #tpu.memory_space<semaphore_mem>>
      %dma_start3A = arith.constant 0 : i32
      %dma_start3A_439 = tpu.memref_slice %arg10[%add3A_397, %dma_start3A] : memref<102400x16xf32, #tpu.memory_space<vmem_shared>> -> memref<128x16xf32, #tpu.memory_space<vmem_shared>>
      %dma_start3A_440 = arith.constant 0 : i32
      %dma_start3A_441 = tpu.memref_slice %arg10[%add3A_397, %dma_start3A_440] : memref<102400x16xf32, #tpu.memory_space<vmem_shared>> -> memref<128x16xf32, #tpu.memory_space<vmem_shared>>
      tpu.enqueue_dma source(%arg8 : memref<128x16xf32, #tpu.memory_space<vmem>>) target(%dma_start3A_441 : memref<128x16xf32, #tpu.memory_space<vmem_shared>>) target_semaphore(%run_scoped3A : memref<!tpu.dma_semaphore, #tpu.memory_space<semaphore_mem>>)
      %dma_wait3A = arith.constant 0 : i32
      %dma_wait3A_442 = tpu.memref_slice %arg10[%add3A_397, %dma_wait3A] : memref<102400x16xf32, #tpu.memory_space<vmem_shared>> -> memref<128x16xf32, #tpu.memory_space<vmem_shared>>
      %dma_wait3A_443 = arith.constant 0 : i32
      %dma_wait3A_444 = tpu.memref_slice %arg10[%add3A_397, %dma_wait3A_443] : memref<102400x16xf32, #tpu.memory_space<vmem_shared>> -> memref<128x16xf32, #tpu.memory_space<vmem_shared>>
      tpu.wait_dma2 semaphore(%run_scoped3A : memref<!tpu.dma_semaphore, #tpu.memory_space<semaphore_mem>>) src(%arg8 : memref<128x16xf32, #tpu.memory_space<vmem>>) dst(%dma_wait3A_444 : memref<128x16xf32, #tpu.memory_space<vmem_shared>>)
      tpu.yield
    }) : () -> ()
    %mul3A_398 = arith.constant 6400 : i32
    %mul3A_399 = arith.muli %arg1, %mul3A_398 : i32
    %add3A_400 = arith.constant 5632 : i32
    %add3A_401 = arith.addi %mul3A_399, %add3A_400 : i32
    "tpu.region"() ({
      %run_scoped3A = tpu.sem_alloc : memref<!tpu.dma_semaphore, #tpu.memory_space<semaphore_mem>>
      %dma_start3A = arith.constant 0 : i32
      %dma_start3A_439 = tpu.memref_slice %arg10[%add3A_401, %dma_start3A] : memref<102400x16xf32, #tpu.memory_space<vmem_shared>> -> memref<128x16xf32, #tpu.memory_space<vmem_shared>>
      %dma_start3A_440 = arith.constant 0 : i32
      %dma_start3A_441 = tpu.memref_slice %arg10[%add3A_401, %dma_start3A_440] : memref<102400x16xf32, #tpu.memory_space<vmem_shared>> -> memref<128x16xf32, #tpu.memory_space<vmem_shared>>
      tpu.enqueue_dma source(%arg8 : memref<128x16xf32, #tpu.memory_space<vmem>>) target(%dma_start3A_441 : memref<128x16xf32, #tpu.memory_space<vmem_shared>>) target_semaphore(%run_scoped3A : memref<!tpu.dma_semaphore, #tpu.memory_space<semaphore_mem>>)
      %dma_wait3A = arith.constant 0 : i32
      %dma_wait3A_442 = tpu.memref_slice %arg10[%add3A_401, %dma_wait3A] : memref<102400x16xf32, #tpu.memory_space<vmem_shared>> -> memref<128x16xf32, #tpu.memory_space<vmem_shared>>
      %dma_wait3A_443 = arith.constant 0 : i32
      %dma_wait3A_444 = tpu.memref_slice %arg10[%add3A_401, %dma_wait3A_443] : memref<102400x16xf32, #tpu.memory_space<vmem_shared>> -> memref<128x16xf32, #tpu.memory_space<vmem_shared>>
      tpu.wait_dma2 semaphore(%run_scoped3A : memref<!tpu.dma_semaphore, #tpu.memory_space<semaphore_mem>>) src(%arg8 : memref<128x16xf32, #tpu.memory_space<vmem>>) dst(%dma_wait3A_444 : memref<128x16xf32, #tpu.memory_space<vmem_shared>>)
      tpu.yield
    }) : () -> ()
    %mul3A_402 = arith.constant 6400 : i32
    %mul3A_403 = arith.muli %arg1, %mul3A_402 : i32
    %add3A_404 = arith.constant 5760 : i32
    %add3A_405 = arith.addi %mul3A_403, %add3A_404 : i32
    "tpu.region"() ({
      %run_scoped3A = tpu.sem_alloc : memref<!tpu.dma_semaphore, #tpu.memory_space<semaphore_mem>>
      %dma_start3A = arith.constant 0 : i32
      %dma_start3A_439 = tpu.memref_slice %arg10[%add3A_405, %dma_start3A] : memref<102400x16xf32, #tpu.memory_space<vmem_shared>> -> memref<128x16xf32, #tpu.memory_space<vmem_shared>>
      %dma_start3A_440 = arith.constant 0 : i32
      %dma_start3A_441 = tpu.memref_slice %arg10[%add3A_405, %dma_start3A_440] : memref<102400x16xf32, #tpu.memory_space<vmem_shared>> -> memref<128x16xf32, #tpu.memory_space<vmem_shared>>
      tpu.enqueue_dma source(%arg8 : memref<128x16xf32, #tpu.memory_space<vmem>>) target(%dma_start3A_441 : memref<128x16xf32, #tpu.memory_space<vmem_shared>>) target_semaphore(%run_scoped3A : memref<!tpu.dma_semaphore, #tpu.memory_space<semaphore_mem>>)
      %dma_wait3A = arith.constant 0 : i32
      %dma_wait3A_442 = tpu.memref_slice %arg10[%add3A_405, %dma_wait3A] : memref<102400x16xf32, #tpu.memory_space<vmem_shared>> -> memref<128x16xf32, #tpu.memory_space<vmem_shared>>
      %dma_wait3A_443 = arith.constant 0 : i32
      %dma_wait3A_444 = tpu.memref_slice %arg10[%add3A_405, %dma_wait3A_443] : memref<102400x16xf32, #tpu.memory_space<vmem_shared>> -> memref<128x16xf32, #tpu.memory_space<vmem_shared>>
      tpu.wait_dma2 semaphore(%run_scoped3A : memref<!tpu.dma_semaphore, #tpu.memory_space<semaphore_mem>>) src(%arg8 : memref<128x16xf32, #tpu.memory_space<vmem>>) dst(%dma_wait3A_444 : memref<128x16xf32, #tpu.memory_space<vmem_shared>>)
      tpu.yield
    }) : () -> ()
    %mul3A_406 = arith.constant 6400 : i32
    %mul3A_407 = arith.muli %arg1, %mul3A_406 : i32
    %add3A_408 = arith.constant 5888 : i32
    %add3A_409 = arith.addi %mul3A_407, %add3A_408 : i32
    "tpu.region"() ({
      %run_scoped3A = tpu.sem_alloc : memref<!tpu.dma_semaphore, #tpu.memory_space<semaphore_mem>>
      %dma_start3A = arith.constant 0 : i32
      %dma_start3A_439 = tpu.memref_slice %arg10[%add3A_409, %dma_start3A] : memref<102400x16xf32, #tpu.memory_space<vmem_shared>> -> memref<128x16xf32, #tpu.memory_space<vmem_shared>>
      %dma_start3A_440 = arith.constant 0 : i32
      %dma_start3A_441 = tpu.memref_slice %arg10[%add3A_409, %dma_start3A_440] : memref<102400x16xf32, #tpu.memory_space<vmem_shared>> -> memref<128x16xf32, #tpu.memory_space<vmem_shared>>
      tpu.enqueue_dma source(%arg8 : memref<128x16xf32, #tpu.memory_space<vmem>>) target(%dma_start3A_441 : memref<128x16xf32, #tpu.memory_space<vmem_shared>>) target_semaphore(%run_scoped3A : memref<!tpu.dma_semaphore, #tpu.memory_space<semaphore_mem>>)
      %dma_wait3A = arith.constant 0 : i32
      %dma_wait3A_442 = tpu.memref_slice %arg10[%add3A_409, %dma_wait3A] : memref<102400x16xf32, #tpu.memory_space<vmem_shared>> -> memref<128x16xf32, #tpu.memory_space<vmem_shared>>
      %dma_wait3A_443 = arith.constant 0 : i32
      %dma_wait3A_444 = tpu.memref_slice %arg10[%add3A_409, %dma_wait3A_443] : memref<102400x16xf32, #tpu.memory_space<vmem_shared>> -> memref<128x16xf32, #tpu.memory_space<vmem_shared>>
      tpu.wait_dma2 semaphore(%run_scoped3A : memref<!tpu.dma_semaphore, #tpu.memory_space<semaphore_mem>>) src(%arg8 : memref<128x16xf32, #tpu.memory_space<vmem>>) dst(%dma_wait3A_444 : memref<128x16xf32, #tpu.memory_space<vmem_shared>>)
      tpu.yield
    }) : () -> ()
    %mul3A_410 = arith.constant 6400 : i32
    %mul3A_411 = arith.muli %arg1, %mul3A_410 : i32
    %add3A_412 = arith.constant 6016 : i32
    %add3A_413 = arith.addi %mul3A_411, %add3A_412 : i32
    "tpu.region"() ({
      %run_scoped3A = tpu.sem_alloc : memref<!tpu.dma_semaphore, #tpu.memory_space<semaphore_mem>>
      %dma_start3A = arith.constant 0 : i32
      %dma_start3A_439 = tpu.memref_slice %arg10[%add3A_413, %dma_start3A] : memref<102400x16xf32, #tpu.memory_space<vmem_shared>> -> memref<128x16xf32, #tpu.memory_space<vmem_shared>>
      %dma_start3A_440 = arith.constant 0 : i32
      %dma_start3A_441 = tpu.memref_slice %arg10[%add3A_413, %dma_start3A_440] : memref<102400x16xf32, #tpu.memory_space<vmem_shared>> -> memref<128x16xf32, #tpu.memory_space<vmem_shared>>
      tpu.enqueue_dma source(%arg8 : memref<128x16xf32, #tpu.memory_space<vmem>>) target(%dma_start3A_441 : memref<128x16xf32, #tpu.memory_space<vmem_shared>>) target_semaphore(%run_scoped3A : memref<!tpu.dma_semaphore, #tpu.memory_space<semaphore_mem>>)
      %dma_wait3A = arith.constant 0 : i32
      %dma_wait3A_442 = tpu.memref_slice %arg10[%add3A_413, %dma_wait3A] : memref<102400x16xf32, #tpu.memory_space<vmem_shared>> -> memref<128x16xf32, #tpu.memory_space<vmem_shared>>
      %dma_wait3A_443 = arith.constant 0 : i32
      %dma_wait3A_444 = tpu.memref_slice %arg10[%add3A_413, %dma_wait3A_443] : memref<102400x16xf32, #tpu.memory_space<vmem_shared>> -> memref<128x16xf32, #tpu.memory_space<vmem_shared>>
      tpu.wait_dma2 semaphore(%run_scoped3A : memref<!tpu.dma_semaphore, #tpu.memory_space<semaphore_mem>>) src(%arg8 : memref<128x16xf32, #tpu.memory_space<vmem>>) dst(%dma_wait3A_444 : memref<128x16xf32, #tpu.memory_space<vmem_shared>>)
      tpu.yield
    }) : () -> ()
    %mul3A_414 = arith.constant 6400 : i32
    %mul3A_415 = arith.muli %arg1, %mul3A_414 : i32
    %add3A_416 = arith.constant 6144 : i32
    %add3A_417 = arith.addi %mul3A_415, %add3A_416 : i32
    "tpu.region"() ({
      %run_scoped3A = tpu.sem_alloc : memref<!tpu.dma_semaphore, #tpu.memory_space<semaphore_mem>>
      %dma_start3A = arith.constant 0 : i32
      %dma_start3A_439 = tpu.memref_slice %arg10[%add3A_417, %dma_start3A] : memref<102400x16xf32, #tpu.memory_space<vmem_shared>> -> memref<128x16xf32, #tpu.memory_space<vmem_shared>>
      %dma_start3A_440 = arith.constant 0 : i32
      %dma_start3A_441 = tpu.memref_slice %arg10[%add3A_417, %dma_start3A_440] : memref<102400x16xf32, #tpu.memory_space<vmem_shared>> -> memref<128x16xf32, #tpu.memory_space<vmem_shared>>
      tpu.enqueue_dma source(%arg8 : memref<128x16xf32, #tpu.memory_space<vmem>>) target(%dma_start3A_441 : memref<128x16xf32, #tpu.memory_space<vmem_shared>>) target_semaphore(%run_scoped3A : memref<!tpu.dma_semaphore, #tpu.memory_space<semaphore_mem>>)
      %dma_wait3A = arith.constant 0 : i32
      %dma_wait3A_442 = tpu.memref_slice %arg10[%add3A_417, %dma_wait3A] : memref<102400x16xf32, #tpu.memory_space<vmem_shared>> -> memref<128x16xf32, #tpu.memory_space<vmem_shared>>
      %dma_wait3A_443 = arith.constant 0 : i32
      %dma_wait3A_444 = tpu.memref_slice %arg10[%add3A_417, %dma_wait3A_443] : memref<102400x16xf32, #tpu.memory_space<vmem_shared>> -> memref<128x16xf32, #tpu.memory_space<vmem_shared>>
      tpu.wait_dma2 semaphore(%run_scoped3A : memref<!tpu.dma_semaphore, #tpu.memory_space<semaphore_mem>>) src(%arg8 : memref<128x16xf32, #tpu.memory_space<vmem>>) dst(%dma_wait3A_444 : memref<128x16xf32, #tpu.memory_space<vmem_shared>>)
      tpu.yield
    }) : () -> ()
    %mul3A_418 = arith.constant 6400 : i32
    %mul3A_419 = arith.muli %arg1, %mul3A_418 : i32
    %add3A_420 = arith.constant 6272 : i32
    %add3A_421 = arith.addi %mul3A_419, %add3A_420 : i32
    "tpu.region"() ({
      %run_scoped3A = tpu.sem_alloc : memref<!tpu.dma_semaphore, #tpu.memory_space<semaphore_mem>>
      %dma_start3A = arith.constant 0 : i32
      %dma_start3A_439 = tpu.memref_slice %arg10[%add3A_421, %dma_start3A] : memref<102400x16xf32, #tpu.memory_space<vmem_shared>> -> memref<128x16xf32, #tpu.memory_space<vmem_shared>>
      %dma_start3A_440 = arith.constant 0 : i32
      %dma_start3A_441 = tpu.memref_slice %arg10[%add3A_421, %dma_start3A_440] : memref<102400x16xf32, #tpu.memory_space<vmem_shared>> -> memref<128x16xf32, #tpu.memory_space<vmem_shared>>
      tpu.enqueue_dma source(%arg8 : memref<128x16xf32, #tpu.memory_space<vmem>>) target(%dma_start3A_441 : memref<128x16xf32, #tpu.memory_space<vmem_shared>>) target_semaphore(%run_scoped3A : memref<!tpu.dma_semaphore, #tpu.memory_space<semaphore_mem>>)
      %dma_wait3A = arith.constant 0 : i32
      %dma_wait3A_442 = tpu.memref_slice %arg10[%add3A_421, %dma_wait3A] : memref<102400x16xf32, #tpu.memory_space<vmem_shared>> -> memref<128x16xf32, #tpu.memory_space<vmem_shared>>
      %dma_wait3A_443 = arith.constant 0 : i32
      %dma_wait3A_444 = tpu.memref_slice %arg10[%add3A_421, %dma_wait3A_443] : memref<102400x16xf32, #tpu.memory_space<vmem_shared>> -> memref<128x16xf32, #tpu.memory_space<vmem_shared>>
      tpu.wait_dma2 semaphore(%run_scoped3A : memref<!tpu.dma_semaphore, #tpu.memory_space<semaphore_mem>>) src(%arg8 : memref<128x16xf32, #tpu.memory_space<vmem>>) dst(%dma_wait3A_444 : memref<128x16xf32, #tpu.memory_space<vmem_shared>>)
      tpu.yield
    }) : () -> ()
    %barrier3A_422 = arith.constant 0 : index
    tpu.barrier barrier_id(%barrier3A_422)
    %scan3A_423 = arith.constant 0 : i32
    %scan3A_424 = arith.constant 49 : i32
    %scan3A_425 = arith.addi %scan3A_423, %scan3A_424 : i32
    %scan3A_426 = arith.constant 1 : i32
    scf.for %scan3A_439 = %scan3A_423 to %scan3A_425 step %scan3A_426  : i32 {
      %mul3A_440 = arith.constant 1 : i32
      %mul3A_441 = arith.muli %scan3A_439, %mul3A_440 : i32
      %add3A_442 = arith.constant 0 : i32
      %add3A_443 = arith.addi %add3A_442, %mul3A_441 : i32
      %mul3A_444 = arith.constant 802816 : i32
      %mul3A_445 = arith.muli %arg0, %mul3A_444 : i32
      %mul3A_446 = arith.constant 50176 : i32
      %mul3A_447 = arith.muli %arg1, %mul3A_446 : i32
      %add3A_448 = arith.addi %mul3A_445, %mul3A_447 : i32
      %mul3A_449 = arith.constant 1024 : i32
      %mul3A_450 = arith.muli %add3A_443, %mul3A_449 : i32
      %add3A_451 = arith.addi %add3A_448, %mul3A_450 : i32
      "tpu.region"() ({
        %run_scoped3A = tpu.sem_alloc : memref<!tpu.dma_semaphore, #tpu.memory_space<semaphore_mem>>
        %dma_start3A = tpu.memref_slice %arg3[%add3A_451] : memref<1605632xi32, #tpu.memory_space<hbm>> -> memref<1024xi32, #tpu.memory_space<hbm>>
        %dma_start3A_452 = tpu.memref_slice %arg3[%add3A_451] : memref<1605632xi32, #tpu.memory_space<hbm>> -> memref<1024xi32, #tpu.memory_space<hbm>>
        tpu.enqueue_dma source(%dma_start3A_452 : memref<1024xi32, #tpu.memory_space<hbm>>) target(%arg6 : memref<1024xi32, #tpu.memory_space<vmem>>) target_semaphore(%run_scoped3A : memref<!tpu.dma_semaphore, #tpu.memory_space<semaphore_mem>>)
        %dma_wait3A = tpu.memref_slice %arg3[%add3A_451] : memref<1605632xi32, #tpu.memory_space<hbm>> -> memref<1024xi32, #tpu.memory_space<hbm>>
        %dma_wait3A_453 = tpu.memref_slice %arg3[%add3A_451] : memref<1605632xi32, #tpu.memory_space<hbm>> -> memref<1024xi32, #tpu.memory_space<hbm>>
        tpu.wait_dma2 semaphore(%run_scoped3A : memref<!tpu.dma_semaphore, #tpu.memory_space<semaphore_mem>>) src(%dma_wait3A_453 : memref<1024xi32, #tpu.memory_space<hbm>>) dst(%arg6 : memref<1024xi32, #tpu.memory_space<vmem>>)
        tpu.yield
      }) : () -> ()
      "tpu.region"() ({
        %run_scoped3A = tpu.sem_alloc : memref<!tpu.dma_semaphore, #tpu.memory_space<semaphore_mem>>
        %dma_start3A = arith.constant 0 : i32
        %dma_start3A_452 = tpu.memref_slice %arg6[%dma_start3A] : memref<1024xi32, #tpu.memory_space<vmem>> -> memref<512xi32, #tpu.memory_space<vmem>>
        %dma_start3A_453 = arith.constant 0 : i32
        %dma_start3A_454 = arith.constant 0 : i32
        %dma_start3A_455 = tpu.memref_slice %arg10[%dma_start3A_453, %dma_start3A_454] : memref<102400x16xf32, #tpu.memory_space<vmem_shared>> -> memref<102400x16xf32, #tpu.memory_space<vmem_shared>>
        tpu.enqueue_indirect_dma source(%arg9 : memref<512x16xf32, #tpu.memory_space<vmem>>) target(%dma_start3A_455 : memref<102400x16xf32, #tpu.memory_space<vmem_shared>>) offsets(%dma_start3A_452 : memref<512xi32, #tpu.memory_space<vmem>>) semaphore(%run_scoped3A : memref<!tpu.dma_semaphore, #tpu.memory_space<semaphore_mem>>) {add = true}
        %dma_wait3A = arith.constant 0 : i32
        %dma_wait3A_456 = tpu.memref_slice %arg6[%dma_wait3A] : memref<1024xi32, #tpu.memory_space<vmem>> -> memref<512xi32, #tpu.memory_space<vmem>>
        %dma_wait3A_457 = arith.constant 0 : i32
        %dma_wait3A_458 = arith.constant 0 : i32
        %dma_wait3A_459 = tpu.memref_slice %arg10[%dma_wait3A_457, %dma_wait3A_458] : memref<102400x16xf32, #tpu.memory_space<vmem_shared>> -> memref<102400x16xf32, #tpu.memory_space<vmem_shared>>
        tpu.wait_indirect_dma semaphore(%run_scoped3A : memref<!tpu.dma_semaphore, #tpu.memory_space<semaphore_mem>>) src(%arg9 : memref<512x16xf32, #tpu.memory_space<vmem>>) dst(%dma_wait3A_459 : memref<102400x16xf32, #tpu.memory_space<vmem_shared>>)
        tpu.yield
      }) : () -> ()
      "tpu.region"() ({
        %run_scoped3A = tpu.sem_alloc : memref<!tpu.dma_semaphore, #tpu.memory_space<semaphore_mem>>
        %dma_start3A = arith.constant 512 : i32
        %dma_start3A_452 = tpu.memref_slice %arg6[%dma_start3A] : memref<1024xi32, #tpu.memory_space<vmem>> -> memref<512xi32, #tpu.memory_space<vmem>>
        %dma_start3A_453 = arith.constant 0 : i32
        %dma_start3A_454 = arith.constant 0 : i32
        %dma_start3A_455 = tpu.memref_slice %arg10[%dma_start3A_453, %dma_start3A_454] : memref<102400x16xf32, #tpu.memory_space<vmem_shared>> -> memref<102400x16xf32, #tpu.memory_space<vmem_shared>>
        tpu.enqueue_indirect_dma source(%arg9 : memref<512x16xf32, #tpu.memory_space<vmem>>) target(%dma_start3A_455 : memref<102400x16xf32, #tpu.memory_space<vmem_shared>>) offsets(%dma_start3A_452 : memref<512xi32, #tpu.memory_space<vmem>>) semaphore(%run_scoped3A : memref<!tpu.dma_semaphore, #tpu.memory_space<semaphore_mem>>) {add = true}
        %dma_wait3A = arith.constant 512 : i32
        %dma_wait3A_456 = tpu.memref_slice %arg6[%dma_wait3A] : memref<1024xi32, #tpu.memory_space<vmem>> -> memref<512xi32, #tpu.memory_space<vmem>>
        %dma_wait3A_457 = arith.constant 0 : i32
        %dma_wait3A_458 = arith.constant 0 : i32
        %dma_wait3A_459 = tpu.memref_slice %arg10[%dma_wait3A_457, %dma_wait3A_458] : memref<102400x16xf32, #tpu.memory_space<vmem_shared>> -> memref<102400x16xf32, #tpu.memory_space<vmem_shared>>
        tpu.wait_indirect_dma semaphore(%run_scoped3A : memref<!tpu.dma_semaphore, #tpu.memory_space<semaphore_mem>>) src(%arg9 : memref<512x16xf32, #tpu.memory_space<vmem>>) dst(%dma_wait3A_459 : memref<102400x16xf32, #tpu.memory_space<vmem_shared>>)
        tpu.yield
      }) : () -> ()
    }
    %scan3A_427 = arith.constant 49 : i32
    %barrier3A_428 = arith.constant 0 : index
    tpu.barrier barrier_id(%barrier3A_428)
    %lt3A_429 = arith.constant 15 : i32
    %lt3A_430 = arith.cmpi slt, %arg1, %lt3A_429 : i32
    %convert_element_type3A_431 = arith.extui %lt3A_430 : i1 to i32
    %cond3A_432 = arith.constant 0 : i32
    %cond3A_433 = arith.cmpi ne, %convert_element_type3A_431, %cond3A_432 : i32
    scf.if %cond3A_433 {
      %mul3A_439 = arith.constant 6400 : i32
      %mul3A_440 = arith.muli %arg1, %mul3A_439 : i32
      %mul3A_441 = arith.constant 6400 : i32
      %mul3A_442 = arith.muli %arg1, %mul3A_441 : i32
      "tpu.region"() ({
        %run_scoped3A = tpu.sem_alloc : memref<!tpu.dma_semaphore, #tpu.memory_space<semaphore_mem>>
        %dma_start3A = tpu.memref_slice %arg5[%mul3A_442, %mul3A_0] : memref<100000x32xf32, #tpu.memory_space<hbm>> -> memref<6400x16xf32, #tpu.memory_space<hbm>>
        %dma_start3A_443 = arith.constant 0 : i32
        %dma_start3A_444 = tpu.memref_slice %arg10[%mul3A_440, %dma_start3A_443] : memref<102400x16xf32, #tpu.memory_space<vmem_shared>> -> memref<6400x16xf32, #tpu.memory_space<vmem_shared>>
        tpu.enqueue_dma source(%dma_start3A_444 : memref<6400x16xf32, #tpu.memory_space<vmem_shared>>) target(%dma_start3A : memref<6400x16xf32, #tpu.memory_space<hbm>>) target_semaphore(%run_scoped3A : memref<!tpu.dma_semaphore, #tpu.memory_space<semaphore_mem>>)
        %dma_wait3A = tpu.memref_slice %arg5[%mul3A_442, %mul3A_0] : memref<100000x32xf32, #tpu.memory_space<hbm>> -> memref<6400x16xf32, #tpu.memory_space<hbm>>
        %dma_wait3A_445 = arith.constant 0 : i32
        %dma_wait3A_446 = tpu.memref_slice %arg10[%mul3A_440, %dma_wait3A_445] : memref<102400x16xf32, #tpu.memory_space<vmem_shared>> -> memref<6400x16xf32, #tpu.memory_space<vmem_shared>>
        tpu.wait_dma2 semaphore(%run_scoped3A : memref<!tpu.dma_semaphore, #tpu.memory_space<semaphore_mem>>) src(%dma_wait3A_446 : memref<6400x16xf32, #tpu.memory_space<vmem_shared>>) dst(%dma_wait3A : memref<6400x16xf32, #tpu.memory_space<hbm>>)
        tpu.yield
      }) : () -> ()
    } else {
    }
    %eq3A_434 = arith.constant 15 : i32
    %eq3A_435 = arith.cmpi eq, %arg1, %eq3A_434 : i32
    %convert_element_type3A_436 = arith.extui %eq3A_435 : i1 to i32
    %cond3A_437 = arith.constant 0 : i32
    %cond3A_438 = arith.cmpi ne, %convert_element_type3A_436, %cond3A_437 : i32
    scf.if %cond3A_438 {
      "tpu.region"() ({
        %run_scoped3A = tpu.sem_alloc : memref<!tpu.dma_semaphore, #tpu.memory_space<semaphore_mem>>
        %dma_start3A = arith.constant 96000 : i32
        %dma_start3A_439 = tpu.memref_slice %arg5[%dma_start3A, %mul3A_0] : memref<100000x32xf32, #tpu.memory_space<hbm>> -> memref<4000x16xf32, #tpu.memory_space<hbm>>
        %dma_start3A_440 = arith.constant 96000 : i32
        %dma_start3A_441 = arith.constant 0 : i32
        %dma_start3A_442 = tpu.memref_slice %arg10[%dma_start3A_440, %dma_start3A_441] : memref<102400x16xf32, #tpu.memory_space<vmem_shared>> -> memref<4000x16xf32, #tpu.memory_space<vmem_shared>>
        tpu.enqueue_dma source(%dma_start3A_442 : memref<4000x16xf32, #tpu.memory_space<vmem_shared>>) target(%dma_start3A_439 : memref<4000x16xf32, #tpu.memory_space<hbm>>) target_semaphore(%run_scoped3A : memref<!tpu.dma_semaphore, #tpu.memory_space<semaphore_mem>>)
        %dma_wait3A = arith.constant 96000 : i32
        %dma_wait3A_443 = tpu.memref_slice %arg5[%dma_wait3A, %mul3A_0] : memref<100000x32xf32, #tpu.memory_space<hbm>> -> memref<4000x16xf32, #tpu.memory_space<hbm>>
        %dma_wait3A_444 = arith.constant 96000 : i32
        %dma_wait3A_445 = arith.constant 0 : i32
        %dma_wait3A_446 = tpu.memref_slice %arg10[%dma_wait3A_444, %dma_wait3A_445] : memref<102400x16xf32, #tpu.memory_space<vmem_shared>> -> memref<4000x16xf32, #tpu.memory_space<vmem_shared>>
        tpu.wait_dma2 semaphore(%run_scoped3A : memref<!tpu.dma_semaphore, #tpu.memory_space<semaphore_mem>>) src(%dma_wait3A_446 : memref<4000x16xf32, #tpu.memory_space<vmem_shared>>) dst(%dma_wait3A_443 : memref<4000x16xf32, #tpu.memory_space<hbm>>)
        tpu.yield
      }) : () -> ()
    } else {
    }
    return
  }
}

#map = affine_map<(d0, d1) -> (0, 0)>
#map1 = affine_map<(d0, d1) -> (0)>
module attributes {stable_mosaic.version = 14 : i64} {
  func.func @k(%arg0: i32, %arg1: i32, %arg2: memref<100000x32xf32, #tpu.memory_space<hbm>>, %arg3: memref<100000x32xf32, #tpu.memory_space<hbm>>, %arg4: memref<1605632xi32, #tpu.memory_space<hbm>>, %arg5: memref<1605632xi32, #tpu.memory_space<hbm>>, %arg6: memref<401408x128xf32, #tpu.memory_space<hbm>>, %arg7: memref<1024xi32, #tpu.memory_space<vmem>>, %arg8: memref<1024xi32, #tpu.memory_space<vmem>>, %arg9: memref<1024x32xf32, #tpu.memory_space<vmem>>, %arg10: memref<1024x32xf32, #tpu.memory_space<vmem>>, %arg11: memref<256x128xf32, #tpu.memory_space<vmem>>, %arg12: memref<!tpu.dma_semaphore, #tpu.memory_space<semaphore_mem>>, %arg13: memref<!tpu.dma_semaphore, #tpu.memory_space<semaphore_mem>>) attributes {dimension_semantics = [#tpu.dimension_semantics<core_parallel>, #tpu.dimension_semantics<subcore_parallel>], iteration_bounds = array<i64: 2, 16>, scalar_prefetch = 0 : i64, scratch_operands = 7 : i64, tpu.core_type = #tpu.core_type<sc_vector_subcore>, window_params = [{transform_indices = #map}, {transform_indices = #map}, {transform_indices = #map1}, {transform_indices = #map1}, {transform_indices = #map}]} {
    %mul3A = arith.constant 2 : i32
    %mul3A_0 = arith.muli %arg1, %mul3A : i32
    %add3A = arith.addi %mul3A_0, %arg0 : i32
    %mul3A_1 = arith.constant 50176 : i32
    %mul3A_2 = arith.muli %add3A, %mul3A_1 : i32
    %mul3A_3 = arith.constant 12544 : i32
    %mul3A_4 = arith.muli %add3A, %mul3A_3 : i32
    %scan3A = arith.constant 0 : i32
    %scan3A_5 = arith.constant 49 : i32
    %scan3A_6 = arith.addi %scan3A, %scan3A_5 : i32
    %scan3A_7 = arith.constant 1 : i32
    scf.for %scan3A_9 = %scan3A to %scan3A_6 step %scan3A_7  : i32 {
      %mul3A_10 = arith.constant 1 : i32
      %mul3A_11 = arith.muli %scan3A_9, %mul3A_10 : i32
      %add3A_12 = arith.constant 0 : i32
      %add3A_13 = arith.addi %add3A_12, %mul3A_11 : i32
      %mul3A_14 = arith.constant 1024 : i32
      %mul3A_15 = arith.muli %add3A_13, %mul3A_14 : i32
      %add3A_16 = arith.addi %mul3A_2, %mul3A_15 : i32
      "tpu.region"() ({
        %run_scoped3A = tpu.sem_alloc : memref<!tpu.dma_semaphore, #tpu.memory_space<semaphore_mem>>
        %dma_start3A_35 = tpu.memref_slice %arg4[%add3A_16] : memref<1605632xi32, #tpu.memory_space<hbm>> -> memref<1024xi32, #tpu.memory_space<hbm>>
        %dma_start3A_36 = tpu.memref_slice %arg4[%add3A_16] : memref<1605632xi32, #tpu.memory_space<hbm>> -> memref<1024xi32, #tpu.memory_space<hbm>>
        tpu.enqueue_dma source(%dma_start3A_36 : memref<1024xi32, #tpu.memory_space<hbm>>) target(%arg7 : memref<1024xi32, #tpu.memory_space<vmem>>) target_semaphore(%run_scoped3A : memref<!tpu.dma_semaphore, #tpu.memory_space<semaphore_mem>>)
        %dma_wait3A_37 = tpu.memref_slice %arg4[%add3A_16] : memref<1605632xi32, #tpu.memory_space<hbm>> -> memref<1024xi32, #tpu.memory_space<hbm>>
        %dma_wait3A_38 = tpu.memref_slice %arg4[%add3A_16] : memref<1605632xi32, #tpu.memory_space<hbm>> -> memref<1024xi32, #tpu.memory_space<hbm>>
        tpu.wait_dma2 semaphore(%run_scoped3A : memref<!tpu.dma_semaphore, #tpu.memory_space<semaphore_mem>>) src(%dma_wait3A_38 : memref<1024xi32, #tpu.memory_space<hbm>>) dst(%arg7 : memref<1024xi32, #tpu.memory_space<vmem>>)
        tpu.yield
      }) : () -> ()
      "tpu.region"() ({
        %run_scoped3A = tpu.sem_alloc : memref<!tpu.dma_semaphore, #tpu.memory_space<semaphore_mem>>
        %dma_start3A_35 = tpu.memref_slice %arg5[%add3A_16] : memref<1605632xi32, #tpu.memory_space<hbm>> -> memref<1024xi32, #tpu.memory_space<hbm>>
        %dma_start3A_36 = tpu.memref_slice %arg5[%add3A_16] : memref<1605632xi32, #tpu.memory_space<hbm>> -> memref<1024xi32, #tpu.memory_space<hbm>>
        tpu.enqueue_dma source(%dma_start3A_36 : memref<1024xi32, #tpu.memory_space<hbm>>) target(%arg8 : memref<1024xi32, #tpu.memory_space<vmem>>) target_semaphore(%run_scoped3A : memref<!tpu.dma_semaphore, #tpu.memory_space<semaphore_mem>>)
        %dma_wait3A_37 = tpu.memref_slice %arg5[%add3A_16] : memref<1605632xi32, #tpu.memory_space<hbm>> -> memref<1024xi32, #tpu.memory_space<hbm>>
        %dma_wait3A_38 = tpu.memref_slice %arg5[%add3A_16] : memref<1605632xi32, #tpu.memory_space<hbm>> -> memref<1024xi32, #tpu.memory_space<hbm>>
        tpu.wait_dma2 semaphore(%run_scoped3A : memref<!tpu.dma_semaphore, #tpu.memory_space<semaphore_mem>>) src(%dma_wait3A_38 : memref<1024xi32, #tpu.memory_space<hbm>>) dst(%arg8 : memref<1024xi32, #tpu.memory_space<vmem>>)
        tpu.yield
      }) : () -> ()
      %dma_start3A = arith.constant 0 : i32
      %dma_start3A_17 = arith.constant 0 : i32
      %dma_start3A_18 = tpu.memref_slice %arg2[%dma_start3A, %dma_start3A_17] : memref<100000x32xf32, #tpu.memory_space<hbm>> -> memref<100000x32xf32, #tpu.memory_space<hbm>>
      tpu.enqueue_indirect_dma source(%dma_start3A_18 : memref<100000x32xf32, #tpu.memory_space<hbm>>) target(%arg9 : memref<1024x32xf32, #tpu.memory_space<vmem>>) offsets(%arg7 : memref<1024xi32, #tpu.memory_space<vmem>>) semaphore(%arg12 : memref<!tpu.dma_semaphore, #tpu.memory_space<semaphore_mem>>)
      %dma_start3A_19 = arith.constant 0 : i32
      %dma_start3A_20 = arith.constant 0 : i32
      %dma_start3A_21 = tpu.memref_slice %arg3[%dma_start3A_19, %dma_start3A_20] : memref<100000x32xf32, #tpu.memory_space<hbm>> -> memref<100000x32xf32, #tpu.memory_space<hbm>>
      tpu.enqueue_indirect_dma source(%dma_start3A_21 : memref<100000x32xf32, #tpu.memory_space<hbm>>) target(%arg10 : memref<1024x32xf32, #tpu.memory_space<vmem>>) offsets(%arg8 : memref<1024xi32, #tpu.memory_space<vmem>>) semaphore(%arg13 : memref<!tpu.dma_semaphore, #tpu.memory_space<semaphore_mem>>)
      %dma_wait3A = arith.constant 0 : i32
      %dma_wait3A_22 = arith.constant 0 : i32
      %dma_wait3A_23 = tpu.memref_slice %arg2[%dma_wait3A, %dma_wait3A_22] : memref<100000x32xf32, #tpu.memory_space<hbm>> -> memref<100000x32xf32, #tpu.memory_space<hbm>>
      tpu.wait_indirect_dma semaphore(%arg12 : memref<!tpu.dma_semaphore, #tpu.memory_space<semaphore_mem>>) src(%dma_wait3A_23 : memref<100000x32xf32, #tpu.memory_space<hbm>>) dst(%arg9 : memref<1024x32xf32, #tpu.memory_space<vmem>>)
      %dma_wait3A_24 = arith.constant 0 : i32
      %dma_wait3A_25 = arith.constant 0 : i32
      %dma_wait3A_26 = tpu.memref_slice %arg3[%dma_wait3A_24, %dma_wait3A_25] : memref<100000x32xf32, #tpu.memory_space<hbm>> -> memref<100000x32xf32, #tpu.memory_space<hbm>>
      tpu.wait_indirect_dma semaphore(%arg13 : memref<!tpu.dma_semaphore, #tpu.memory_space<semaphore_mem>>) src(%dma_wait3A_26 : memref<100000x32xf32, #tpu.memory_space<hbm>>) dst(%arg10 : memref<1024x32xf32, #tpu.memory_space<vmem>>)
      %scan3A_27 = arith.constant 0 : i32
      %scan3A_28 = arith.constant 256 : i32
      %scan3A_29 = arith.addi %scan3A_27, %scan3A_28 : i32
      %scan3A_30 = arith.constant 1 : i32
      scf.for %scan3A_35 = %scan3A_27 to %scan3A_29 step %scan3A_30  : i32 {
        %mul3A_36 = arith.constant 1 : i32
        %mul3A_37 = arith.muli %scan3A_35, %mul3A_36 : i32
        %add3A_38 = arith.constant 0 : i32
        %add3A_39 = arith.addi %add3A_38, %mul3A_37 : i32
        %mul3A_40 = arith.constant 4 : i32
        %mul3A_41 = arith.muli %mul3A_40, %add3A_39 : i32
        %add3A_42 = arith.constant 0 : i32
        %add3A_43 = arith.addi %mul3A_41, %add3A_42 : i32
        %get3A = arith.index_cast %add3A_43 : i32 to index
        %get3A_44 = arith.constant 0 : index
        %get3A_45 = tpu.vector_load %arg9[%get3A, %get3A_44] {strides = array<i32>} : memref<1024x32xf32, #tpu.memory_space<vmem>>, vector<1x16xf32>,
        %get3A_46 = vector.shape_cast %get3A_45 : vector<1x16xf32> to vector<16xf32>
        %get3A_47 = arith.index_cast %add3A_43 : i32 to index
        %get3A_48 = arith.constant 0 : index
        %get3A_49 = tpu.vector_load %arg10[%get3A_47, %get3A_48] {strides = array<i32>} : memref<1024x32xf32, #tpu.memory_space<vmem>>, vector<1x16xf32>,
        %get3A_50 = vector.shape_cast %get3A_49 : vector<1x16xf32> to vector<16xf32>
        %add3A_51 = arith.addf %get3A_46, %get3A_50 : vector<16xf32>
        %swap3A = arith.index_cast %add3A_39 : i32 to index
        %swap3A_52 = arith.constant 0 : index
        %swap3A_53 = tpu.vector_load %arg11[%swap3A, %swap3A_52] {strides = array<i32>} : memref<256x128xf32, #tpu.memory_space<vmem>>, vector<1x16xf32>,
        %swap3A_54 = vector.shape_cast %swap3A_53 : vector<1x16xf32> to vector<16xf32>
        %swap3A_55 = vector.shape_cast %add3A_51 : vector<16xf32> to vector<1x16xf32>
        tpu.vector_store %arg11[%swap3A, %swap3A_52], %swap3A_55 {strides = array<i32>} : memref<256x128xf32, #tpu.memory_space<vmem>>, vector<1x16xf32>,
        %get3A_56 = arith.index_cast %add3A_43 : i32 to index
        %get3A_57 = arith.constant 16 : index
        %get3A_58 = tpu.vector_load %arg9[%get3A_56, %get3A_57] {strides = array<i32>} : memref<1024x32xf32, #tpu.memory_space<vmem>>, vector<1x16xf32>,
        %get3A_59 = vector.shape_cast %get3A_58 : vector<1x16xf32> to vector<16xf32>
        %get3A_60 = arith.index_cast %add3A_43 : i32 to index
        %get3A_61 = arith.constant 16 : index
        %get3A_62 = tpu.vector_load %arg10[%get3A_60, %get3A_61] {strides = array<i32>} : memref<1024x32xf32, #tpu.memory_space<vmem>>, vector<1x16xf32>,
        %get3A_63 = vector.shape_cast %get3A_62 : vector<1x16xf32> to vector<16xf32>
        %add3A_64 = arith.addf %get3A_59, %get3A_63 : vector<16xf32>
        %swap3A_65 = arith.index_cast %add3A_39 : i32 to index
        %swap3A_66 = arith.constant 16 : index
        %swap3A_67 = tpu.vector_load %arg11[%swap3A_65, %swap3A_66] {strides = array<i32>} : memref<256x128xf32, #tpu.memory_space<vmem>>, vector<1x16xf32>,
        %swap3A_68 = vector.shape_cast %swap3A_67 : vector<1x16xf32> to vector<16xf32>
        %swap3A_69 = vector.shape_cast %add3A_64 : vector<16xf32> to vector<1x16xf32>
        tpu.vector_store %arg11[%swap3A_65, %swap3A_66], %swap3A_69 {strides = array<i32>} : memref<256x128xf32, #tpu.memory_space<vmem>>, vector<1x16xf32>,
        %mul3A_70 = arith.constant 4 : i32
        %mul3A_71 = arith.muli %mul3A_70, %add3A_39 : i32
        %add3A_72 = arith.constant 1 : i32
        %add3A_73 = arith.addi %mul3A_71, %add3A_72 : i32
        %get3A_74 = arith.index_cast %add3A_73 : i32 to index
        %get3A_75 = arith.constant 0 : index
        %get3A_76 = tpu.vector_load %arg9[%get3A_74, %get3A_75] {strides = array<i32>} : memref<1024x32xf32, #tpu.memory_space<vmem>>, vector<1x16xf32>,
        %get3A_77 = vector.shape_cast %get3A_76 : vector<1x16xf32> to vector<16xf32>
        %get3A_78 = arith.index_cast %add3A_73 : i32 to index
        %get3A_79 = arith.constant 0 : index
        %get3A_80 = tpu.vector_load %arg10[%get3A_78, %get3A_79] {strides = array<i32>} : memref<1024x32xf32, #tpu.memory_space<vmem>>, vector<1x16xf32>,
        %get3A_81 = vector.shape_cast %get3A_80 : vector<1x16xf32> to vector<16xf32>
        %add3A_82 = arith.addf %get3A_77, %get3A_81 : vector<16xf32>
        %swap3A_83 = arith.index_cast %add3A_39 : i32 to index
        %swap3A_84 = arith.constant 32 : index
        %swap3A_85 = tpu.vector_load %arg11[%swap3A_83, %swap3A_84] {strides = array<i32>} : memref<256x128xf32, #tpu.memory_space<vmem>>, vector<1x16xf32>,
        %swap3A_86 = vector.shape_cast %swap3A_85 : vector<1x16xf32> to vector<16xf32>
        %swap3A_87 = vector.shape_cast %add3A_82 : vector<16xf32> to vector<1x16xf32>
        tpu.vector_store %arg11[%swap3A_83, %swap3A_84], %swap3A_87 {strides = array<i32>} : memref<256x128xf32, #tpu.memory_space<vmem>>, vector<1x16xf32>,
        %get3A_88 = arith.index_cast %add3A_73 : i32 to index
        %get3A_89 = arith.constant 16 : index
        %get3A_90 = tpu.vector_load %arg9[%get3A_88, %get3A_89] {strides = array<i32>} : memref<1024x32xf32, #tpu.memory_space<vmem>>, vector<1x16xf32>,
        %get3A_91 = vector.shape_cast %get3A_90 : vector<1x16xf32> to vector<16xf32>
        %get3A_92 = arith.index_cast %add3A_73 : i32 to index
        %get3A_93 = arith.constant 16 : index
        %get3A_94 = tpu.vector_load %arg10[%get3A_92, %get3A_93] {strides = array<i32>} : memref<1024x32xf32, #tpu.memory_space<vmem>>, vector<1x16xf32>,
        %get3A_95 = vector.shape_cast %get3A_94 : vector<1x16xf32> to vector<16xf32>
        %add3A_96 = arith.addf %get3A_91, %get3A_95 : vector<16xf32>
        %swap3A_97 = arith.index_cast %add3A_39 : i32 to index
        %swap3A_98 = arith.constant 48 : index
        %swap3A_99 = tpu.vector_load %arg11[%swap3A_97, %swap3A_98] {strides = array<i32>} : memref<256x128xf32, #tpu.memory_space<vmem>>, vector<1x16xf32>,
        %swap3A_100 = vector.shape_cast %swap3A_99 : vector<1x16xf32> to vector<16xf32>
        %swap3A_101 = vector.shape_cast %add3A_96 : vector<16xf32> to vector<1x16xf32>
        tpu.vector_store %arg11[%swap3A_97, %swap3A_98], %swap3A_101 {strides = array<i32>} : memref<256x128xf32, #tpu.memory_space<vmem>>, vector<1x16xf32>,
        %mul3A_102 = arith.constant 4 : i32
        %mul3A_103 = arith.muli %mul3A_102, %add3A_39 : i32
        %add3A_104 = arith.constant 2 : i32
        %add3A_105 = arith.addi %mul3A_103, %add3A_104 : i32
        %get3A_106 = arith.index_cast %add3A_105 : i32 to index
        %get3A_107 = arith.constant 0 : index
        %get3A_108 = tpu.vector_load %arg9[%get3A_106, %get3A_107] {strides = array<i32>} : memref<1024x32xf32, #tpu.memory_space<vmem>>, vector<1x16xf32>,
        %get3A_109 = vector.shape_cast %get3A_108 : vector<1x16xf32> to vector<16xf32>
        %get3A_110 = arith.index_cast %add3A_105 : i32 to index
        %get3A_111 = arith.constant 0 : index
        %get3A_112 = tpu.vector_load %arg10[%get3A_110, %get3A_111] {strides = array<i32>} : memref<1024x32xf32, #tpu.memory_space<vmem>>, vector<1x16xf32>,
        %get3A_113 = vector.shape_cast %get3A_112 : vector<1x16xf32> to vector<16xf32>
        %add3A_114 = arith.addf %get3A_109, %get3A_113 : vector<16xf32>
        %swap3A_115 = arith.index_cast %add3A_39 : i32 to index
        %swap3A_116 = arith.constant 64 : index
        %swap3A_117 = tpu.vector_load %arg11[%swap3A_115, %swap3A_116] {strides = array<i32>} : memref<256x128xf32, #tpu.memory_space<vmem>>, vector<1x16xf32>,
        %swap3A_118 = vector.shape_cast %swap3A_117 : vector<1x16xf32> to vector<16xf32>
        %swap3A_119 = vector.shape_cast %add3A_114 : vector<16xf32> to vector<1x16xf32>
        tpu.vector_store %arg11[%swap3A_115, %swap3A_116], %swap3A_119 {strides = array<i32>} : memref<256x128xf32, #tpu.memory_space<vmem>>, vector<1x16xf32>,
        %get3A_120 = arith.index_cast %add3A_105 : i32 to index
        %get3A_121 = arith.constant 16 : index
        %get3A_122 = tpu.vector_load %arg9[%get3A_120, %get3A_121] {strides = array<i32>} : memref<1024x32xf32, #tpu.memory_space<vmem>>, vector<1x16xf32>,
        %get3A_123 = vector.shape_cast %get3A_122 : vector<1x16xf32> to vector<16xf32>
        %get3A_124 = arith.index_cast %add3A_105 : i32 to index
        %get3A_125 = arith.constant 16 : index
        %get3A_126 = tpu.vector_load %arg10[%get3A_124, %get3A_125] {strides = array<i32>} : memref<1024x32xf32, #tpu.memory_space<vmem>>, vector<1x16xf32>,
        %get3A_127 = vector.shape_cast %get3A_126 : vector<1x16xf32> to vector<16xf32>
        %add3A_128 = arith.addf %get3A_123, %get3A_127 : vector<16xf32>
        %swap3A_129 = arith.index_cast %add3A_39 : i32 to index
        %swap3A_130 = arith.constant 80 : index
        %swap3A_131 = tpu.vector_load %arg11[%swap3A_129, %swap3A_130] {strides = array<i32>} : memref<256x128xf32, #tpu.memory_space<vmem>>, vector<1x16xf32>,
        %swap3A_132 = vector.shape_cast %swap3A_131 : vector<1x16xf32> to vector<16xf32>
        %swap3A_133 = vector.shape_cast %add3A_128 : vector<16xf32> to vector<1x16xf32>
        tpu.vector_store %arg11[%swap3A_129, %swap3A_130], %swap3A_133 {strides = array<i32>} : memref<256x128xf32, #tpu.memory_space<vmem>>, vector<1x16xf32>,
        %mul3A_134 = arith.constant 4 : i32
        %mul3A_135 = arith.muli %mul3A_134, %add3A_39 : i32
        %add3A_136 = arith.constant 3 : i32
        %add3A_137 = arith.addi %mul3A_135, %add3A_136 : i32
        %get3A_138 = arith.index_cast %add3A_137 : i32 to index
        %get3A_139 = arith.constant 0 : index
        %get3A_140 = tpu.vector_load %arg9[%get3A_138, %get3A_139] {strides = array<i32>} : memref<1024x32xf32, #tpu.memory_space<vmem>>, vector<1x16xf32>,
        %get3A_141 = vector.shape_cast %get3A_140 : vector<1x16xf32> to vector<16xf32>
        %get3A_142 = arith.index_cast %add3A_137 : i32 to index
        %get3A_143 = arith.constant 0 : index
        %get3A_144 = tpu.vector_load %arg10[%get3A_142, %get3A_143] {strides = array<i32>} : memref<1024x32xf32, #tpu.memory_space<vmem>>, vector<1x16xf32>,
        %get3A_145 = vector.shape_cast %get3A_144 : vector<1x16xf32> to vector<16xf32>
        %add3A_146 = arith.addf %get3A_141, %get3A_145 : vector<16xf32>
        %swap3A_147 = arith.index_cast %add3A_39 : i32 to index
        %swap3A_148 = arith.constant 96 : index
        %swap3A_149 = tpu.vector_load %arg11[%swap3A_147, %swap3A_148] {strides = array<i32>} : memref<256x128xf32, #tpu.memory_space<vmem>>, vector<1x16xf32>,
        %swap3A_150 = vector.shape_cast %swap3A_149 : vector<1x16xf32> to vector<16xf32>
        %swap3A_151 = vector.shape_cast %add3A_146 : vector<16xf32> to vector<1x16xf32>
        tpu.vector_store %arg11[%swap3A_147, %swap3A_148], %swap3A_151 {strides = array<i32>} : memref<256x128xf32, #tpu.memory_space<vmem>>, vector<1x16xf32>,
        %get3A_152 = arith.index_cast %add3A_137 : i32 to index
        %get3A_153 = arith.constant 16 : index
        %get3A_154 = tpu.vector_load %arg9[%get3A_152, %get3A_153] {strides = array<i32>} : memref<1024x32xf32, #tpu.memory_space<vmem>>, vector<1x16xf32>,
        %get3A_155 = vector.shape_cast %get3A_154 : vector<1x16xf32> to vector<16xf32>
        %get3A_156 = arith.index_cast %add3A_137 : i32 to index
        %get3A_157 = arith.constant 16 : index
        %get3A_158 = tpu.vector_load %arg10[%get3A_156, %get3A_157] {strides = array<i32>} : memref<1024x32xf32, #tpu.memory_space<vmem>>, vector<1x16xf32>,
        %get3A_159 = vector.shape_cast %get3A_158 : vector<1x16xf32> to vector<16xf32>
        %add3A_160 = arith.addf %get3A_155, %get3A_159 : vector<16xf32>
        %swap3A_161 = arith.index_cast %add3A_39 : i32 to index
        %swap3A_162 = arith.constant 112 : index
        %swap3A_163 = tpu.vector_load %arg11[%swap3A_161, %swap3A_162] {strides = array<i32>} : memref<256x128xf32, #tpu.memory_space<vmem>>, vector<1x16xf32>,
        %swap3A_164 = vector.shape_cast %swap3A_163 : vector<1x16xf32> to vector<16xf32>
        %swap3A_165 = vector.shape_cast %add3A_160 : vector<16xf32> to vector<1x16xf32>
        tpu.vector_store %arg11[%swap3A_161, %swap3A_162], %swap3A_165 {strides = array<i32>} : memref<256x128xf32, #tpu.memory_space<vmem>>, vector<1x16xf32>,
      }
      %scan3A_31 = arith.constant 256 : i32
      %mul3A_32 = arith.constant 256 : i32
      %mul3A_33 = arith.muli %add3A_13, %mul3A_32 : i32
      %add3A_34 = arith.addi %mul3A_4, %mul3A_33 : i32
      "tpu.region"() ({
        %run_scoped3A = tpu.sem_alloc : memref<!tpu.dma_semaphore, #tpu.memory_space<semaphore_mem>>
        %dma_start3A_35 = arith.constant 0 : i32
        %dma_start3A_36 = tpu.memref_slice %arg6[%add3A_34, %dma_start3A_35] : memref<401408x128xf32, #tpu.memory_space<hbm>> -> memref<256x128xf32, #tpu.memory_space<hbm>>
        %dma_start3A_37 = arith.constant 0 : i32
        %dma_start3A_38 = tpu.memref_slice %arg6[%add3A_34, %dma_start3A_37] : memref<401408x128xf32, #tpu.memory_space<hbm>> -> memref<256x128xf32, #tpu.memory_space<hbm>>
        tpu.enqueue_dma source(%arg11 : memref<256x128xf32, #tpu.memory_space<vmem>>) target(%dma_start3A_38 : memref<256x128xf32, #tpu.memory_space<hbm>>) target_semaphore(%run_scoped3A : memref<!tpu.dma_semaphore, #tpu.memory_space<semaphore_mem>>)
        %dma_wait3A_39 = arith.constant 0 : i32
        %dma_wait3A_40 = tpu.memref_slice %arg6[%add3A_34, %dma_wait3A_39] : memref<401408x128xf32, #tpu.memory_space<hbm>> -> memref<256x128xf32, #tpu.memory_space<hbm>>
        %dma_wait3A_41 = arith.constant 0 : i32
        %dma_wait3A_42 = tpu.memref_slice %arg6[%add3A_34, %dma_wait3A_41] : memref<401408x128xf32, #tpu.memory_space<hbm>> -> memref<256x128xf32, #tpu.memory_space<hbm>>
        tpu.wait_dma2 semaphore(%run_scoped3A : memref<!tpu.dma_semaphore, #tpu.memory_space<semaphore_mem>>) src(%arg11 : memref<256x128xf32, #tpu.memory_space<vmem>>) dst(%dma_wait3A_42 : memref<256x128xf32, #tpu.memory_space<hbm>>)
        tpu.yield
      }) : () -> ()
    }
    %scan3A_8 = arith.constant 49 : i32
    return
  }
}

module attributes {stable_mosaic.version = 14 : i64} {
  func.func @_transform_body(%arg0: i32, %arg1: memref<4000x32xf32, #tpu.memory_space<vmem>>, %arg2: memref<4000x32xf32, #tpu.memory_space<vmem>>, %arg3: memref<32x32xf32, #tpu.memory_space<vmem>>, %arg4: memref<32x32xf32, #tpu.memory_space<vmem>>, %arg5: memref<1x32xf32, #tpu.memory_space<vmem>>, %arg6: memref<4000x32xf32, #tpu.memory_space<vmem>>, %arg7: memref<4000x32xf32, #tpu.memory_space<vmem>>) attributes {dimension_semantics = [#tpu.dimension_semantics<arbitrary>], iteration_bounds = array<i64: 25>, scalar_prefetch = 0 : i64, scratch_operands = 0 : i64, tpu.core_type = #tpu.core_type<tc>, window_params = [{transform_indices = @transform_0, window_bounds = array<i64: 4000, 32>}, {transform_indices = @transform_1, window_bounds = array<i64: 4000, 32>}, {pipeline_mode = #tpu.pipeline_mode<synchronous>, transform_indices = @transform_2, window_bounds = array<i64: 32, 32>}, {pipeline_mode = #tpu.pipeline_mode<synchronous>, transform_indices = @transform_3, window_bounds = array<i64: 32, 32>}, {pipeline_mode = #tpu.pipeline_mode<synchronous>, transform_indices = @transform_4, window_bounds = array<i64: 1, 32>}, {transform_indices = @transform_5, window_bounds = array<i64: 4000, 32>}, {transform_indices = @transform_6, window_bounds = array<i64: 4000, 32>}]} {
    %get3A = arith.constant 0 : index
    %get3A_0 = arith.constant 0 : index
    %get3A_1 = vector.load %arg1[%get3A, %get3A_0] : memref<4000x32xf32, #tpu.memory_space<vmem>>, vector<4000x32xf32>
    %get3A_2 = arith.constant 0 : index
    %get3A_3 = arith.constant 0 : index
    %get3A_4 = vector.load %arg3[%get3A_2, %get3A_3] : memref<32x32xf32, #tpu.memory_space<vmem>>, vector<32x32xf32>
    %dot_general3A = arith.constant dense<0.000000e+00> : vector<4000x32xf32>
    %dot_general3A_5 = tpu.matmul %get3A_1, %get3A_4, %dot_general3A {dimension_numbers = #tpu.dot_dimension_numbers<[1], [0], [0], [1], [0, 0, 1, 1], [], []>, transpose_lhs_hint = false} : vector<4000x32xf32>, vector<32x32xf32>, vector<4000x32xf32> -> vector<4000x32xf32>
    %get3A_6 = arith.constant 0 : index
    %get3A_7 = arith.constant 0 : index
    %get3A_8 = vector.load %arg5[%get3A_6, %get3A_7] : memref<1x32xf32, #tpu.memory_space<vmem>>, vector<1x32xf32>
    %add3A = vector.broadcast %get3A_8 : vector<1x32xf32> to vector<4000x32xf32>
    %add3A_9 = arith.addf %dot_general3A_5, %add3A : vector<4000x32xf32>
    %swap3A = arith.constant 0 : index
    %swap3A_10 = arith.constant 0 : index
    %swap3A_11 = vector.load %arg6[%swap3A, %swap3A_10] : memref<4000x32xf32, #tpu.memory_space<vmem>>, vector<4000x32xf32>
    tpu.vector_store %arg6[%swap3A, %swap3A_10], %add3A_9 {strides = array<i32>} : memref<4000x32xf32, #tpu.memory_space<vmem>>, vector<4000x32xf32>,
    %get3A_12 = arith.constant 0 : index
    %get3A_13 = arith.constant 0 : index
    %get3A_14 = vector.load %arg2[%get3A_12, %get3A_13] : memref<4000x32xf32, #tpu.memory_space<vmem>>, vector<4000x32xf32>
    %get3A_15 = arith.constant 0 : index
    %get3A_16 = arith.constant 0 : index
    %get3A_17 = vector.load %arg4[%get3A_15, %get3A_16] : memref<32x32xf32, #tpu.memory_space<vmem>>, vector<32x32xf32>
    %dot_general3A_18 = arith.constant dense<0.000000e+00> : vector<4000x32xf32>
    %dot_general3A_19 = tpu.matmul %get3A_14, %get3A_17, %dot_general3A_18 {dimension_numbers = #tpu.dot_dimension_numbers<[1], [0], [0], [1], [0, 0, 1, 1], [], []>, transpose_lhs_hint = false} : vector<4000x32xf32>, vector<32x32xf32>, vector<4000x32xf32> -> vector<4000x32xf32>
    %swap3A_20 = arith.constant 0 : index
    %swap3A_21 = arith.constant 0 : index
    %swap3A_22 = vector.load %arg7[%swap3A_20, %swap3A_21] : memref<4000x32xf32, #tpu.memory_space<vmem>>, vector<4000x32xf32>
    tpu.vector_store %arg7[%swap3A_20, %swap3A_21], %dot_general3A_19 {strides = array<i32>} : memref<4000x32xf32, #tpu.memory_space<vmem>>, vector<4000x32xf32>,
    return
  }
  func.func @transform_0(%arg0: i32) -> (i32, i32) {
    %c0_i32 = arith.constant 0 : i32
    %c0_i32_0 = arith.constant 0 : i32
    return %arg0, %c0_i32 : i32, i32
  }
  func.func @transform_1(%arg0: i32) -> (i32, i32) {
    %c0_i32 = arith.constant 0 : i32
    %c0_i32_0 = arith.constant 0 : i32
    return %arg0, %c0_i32 : i32, i32
  }
  func.func @transform_2(%arg0: i32) -> (i32, i32) {
    %c0_i32 = arith.constant 0 : i32
    %c0_i32_0 = arith.constant 0 : i32
    %c0_i32_1 = arith.constant 0 : i32
    return %c0_i32, %c0_i32_0 : i32, i32
  }
  func.func @transform_3(%arg0: i32) -> (i32, i32) {
    %c0_i32 = arith.constant 0 : i32
    %c0_i32_0 = arith.constant 0 : i32
    %c0_i32_1 = arith.constant 0 : i32
    return %c0_i32, %c0_i32_0 : i32, i32
  }
  func.func @transform_4(%arg0: i32) -> (i32, i32) {
    %c0_i32 = arith.constant 0 : i32
    %c0_i32_0 = arith.constant 0 : i32
    %c0_i32_1 = arith.constant 0 : i32
    return %c0_i32, %c0_i32_0 : i32, i32
  }
  func.func @transform_5(%arg0: i32) -> (i32, i32) {
    %c0_i32 = arith.constant 0 : i32
    %c0_i32_0 = arith.constant 0 : i32
    return %arg0, %c0_i32 : i32, i32
  }
  func.func @transform_6(%arg0: i32) -> (i32, i32) {
    %c0_i32 = arith.constant 0 : i32
    %c0_i32_0 = arith.constant 0 : i32
    return %arg0, %c0_i32 : i32, i32
  }
}

module attributes {stable_mosaic.version = 14 : i64} {
  func.func @_edge_body(%arg0: i32, %arg1: memref<2000x64xf32, #tpu.memory_space<vmem>>, %arg2: memref<2000x128xf32, #tpu.memory_space<vmem>>, %arg3: memref<64x128xf32, #tpu.memory_space<vmem>>, %arg4: memref<1x128xf32, #tpu.memory_space<vmem>>, %arg5: memref<128x128xf32, #tpu.memory_space<vmem>>, %arg6: memref<1x128xf32, #tpu.memory_space<vmem>>, %arg7: memref<1x128xf32, #tpu.memory_space<vmem>>, %arg8: memref<1x128xf32, #tpu.memory_space<vmem>>, %arg9: memref<128x128xf32, #tpu.memory_space<vmem>>, %arg10: memref<128x128xf32, #tpu.memory_space<vmem>>, %arg11: memref<1x128xf32, #tpu.memory_space<vmem>>, %arg12: memref<1x128xf32, #tpu.memory_space<vmem>>, %arg13: memref<1x128xf32, #tpu.memory_space<vmem>>, %arg14: memref<128x128xf32, #tpu.memory_space<vmem>>, %arg15: memref<2000x128xf32, #tpu.memory_space<vmem>>) attributes {dimension_semantics = [#tpu.dimension_semantics<arbitrary>], iteration_bounds = array<i64: 200>, scalar_prefetch = 0 : i64, scratch_operands = 0 : i64, tpu.core_type = #tpu.core_type<tc>, window_params = [{transform_indices = @transform_0, window_bounds = array<i64: 2000, 64>}, {transform_indices = @transform_1, window_bounds = array<i64: 2000, 128>}, {pipeline_mode = #tpu.pipeline_mode<synchronous>, transform_indices = @transform_2, window_bounds = array<i64: 64, 128>}, {pipeline_mode = #tpu.pipeline_mode<synchronous>, transform_indices = @transform_3, window_bounds = array<i64: 1, 128>}, {pipeline_mode = #tpu.pipeline_mode<synchronous>, transform_indices = @transform_4, window_bounds = array<i64: 128, 128>}, {pipeline_mode = #tpu.pipeline_mode<synchronous>, transform_indices = @transform_5, window_bounds = array<i64: 1, 128>}, {pipeline_mode = #tpu.pipeline_mode<synchronous>, transform_indices = @transform_6, window_bounds = array<i64: 1, 128>}, {pipeline_mode = #tpu.pipeline_mode<synchronous>, transform_indices = @transform_7, window_bounds = array<i64: 1, 128>}, {pipeline_mode = #tpu.pipeline_mode<synchronous>, transform_indices = @transform_8, window_bounds = array<i64: 128, 128>}, {pipeline_mode = #tpu.pipeline_mode<synchronous>, transform_indices = @transform_9, window_bounds = array<i64: 128, 128>}, {pipeline_mode = #tpu.pipeline_mode<synchronous>, transform_indices = @transform_10, window_bounds = array<i64: 1, 128>}, {pipeline_mode = #tpu.pipeline_mode<synchronous>, transform_indices = @transform_11, window_bounds = array<i64: 1, 128>}, {pipeline_mode = #tpu.pipeline_mode<synchronous>, transform_indices = @transform_12, window_bounds = array<i64: 1, 128>}, {pipeline_mode = #tpu.pipeline_mode<synchronous>, transform_indices = @transform_13, window_bounds = array<i64: 128, 128>}, {transform_indices = @transform_14, window_bounds = array<i64: 2000, 128>}]} {
    %get3A = arith.constant 0 : index
    %get3A_0 = arith.constant 0 : index
    %get3A_1 = vector.load %arg1[%get3A, %get3A_0] : memref<2000x64xf32, #tpu.memory_space<vmem>>, vector<2000x64xf32>
    %get3A_2 = arith.constant 0 : index
    %get3A_3 = arith.constant 0 : index
    %get3A_4 = vector.load %arg14[%get3A_2, %get3A_3] : memref<128x128xf32, #tpu.memory_space<vmem>>, vector<128x128xf32>
    %get3A_5 = arith.constant 0 : index
    %get3A_6 = arith.constant 0 : index
    %get3A_7 = vector.load %arg3[%get3A_5, %get3A_6] : memref<64x128xf32, #tpu.memory_space<vmem>>, vector<64x128xf32>
    %dot_general3A = arith.constant dense<0.000000e+00> : vector<2000x128xf32>
    %dot_general3A_8 = tpu.matmul %get3A_1, %get3A_7, %dot_general3A {dimension_numbers = #tpu.dot_dimension_numbers<[1], [0], [0], [1], [0, 0, 1, 1], [], []>, transpose_lhs_hint = false} : vector<2000x64xf32>, vector<64x128xf32>, vector<2000x128xf32> -> vector<2000x128xf32>
    %get3A_9 = arith.constant 0 : index
    %get3A_10 = arith.constant 0 : index
    %get3A_11 = vector.load %arg4[%get3A_9, %get3A_10] : memref<1x128xf32, #tpu.memory_space<vmem>>, vector<1x128xf32>
    %add3A = vector.broadcast %get3A_11 : vector<1x128xf32> to vector<2000x128xf32>
    %add3A_12 = arith.addf %dot_general3A_8, %add3A : vector<2000x128xf32>
    %logistic3A = arith.negf %add3A_12 : vector<2000x128xf32>
    %logistic3A_13 = math.exp %logistic3A : vector<2000x128xf32>
    %logistic3A_14 = arith.constant 1.000000e+00 : f32
    %logistic3A_15 = vector.broadcast %logistic3A_14 : f32 to vector<2000x128xf32>
    %logistic3A_16 = arith.addf %logistic3A_15, %logistic3A_13 : vector<2000x128xf32>
    %logistic3A_17 = arith.divf %logistic3A_15, %logistic3A_16 : vector<2000x128xf32>
    %mul3A = arith.mulf %add3A_12, %logistic3A_17 : vector<2000x128xf32>
    %get3A_18 = arith.constant 0 : index
    %get3A_19 = arith.constant 0 : index
    %get3A_20 = vector.load %arg5[%get3A_18, %get3A_19] : memref<128x128xf32, #tpu.memory_space<vmem>>, vector<128x128xf32>
    %dot_general3A_21 = arith.constant dense<0.000000e+00> : vector<2000x128xf32>
    %dot_general3A_22 = tpu.matmul %mul3A, %get3A_20, %dot_general3A_21 {dimension_numbers = #tpu.dot_dimension_numbers<[1], [0], [0], [1], [0, 0, 1, 1], [], []>, transpose_lhs_hint = false} : vector<2000x128xf32>, vector<128x128xf32>, vector<2000x128xf32> -> vector<2000x128xf32>
    %get3A_23 = arith.constant 0 : index
    %get3A_24 = arith.constant 0 : index
    %get3A_25 = vector.load %arg6[%get3A_23, %get3A_24] : memref<1x128xf32, #tpu.memory_space<vmem>>, vector<1x128xf32>
    %add3A_26 = vector.broadcast %get3A_25 : vector<1x128xf32> to vector<2000x128xf32>
    %add3A_27 = arith.addf %dot_general3A_22, %add3A_26 : vector<2000x128xf32>
    %get3A_28 = arith.constant 0 : index
    %get3A_29 = arith.constant 0 : index
    %get3A_30 = vector.load %arg7[%get3A_28, %get3A_29] : memref<1x128xf32, #tpu.memory_space<vmem>>, vector<1x128xf32>
    %get3A_31 = arith.constant 0 : index
    %get3A_32 = arith.constant 0 : index
    %get3A_33 = vector.load %arg8[%get3A_31, %get3A_32] : memref<1x128xf32, #tpu.memory_space<vmem>>, vector<1x128xf32>
    %dot_general3A_34 = arith.constant dense<0.000000e+00> : vector<2000x128xf32>
    %dot_general3A_35 = tpu.matmul %add3A_27, %get3A_4, %dot_general3A_34 {dimension_numbers = #tpu.dot_dimension_numbers<[1], [0], [0], [1], [0, 0, 1, 1], [], []>, transpose_lhs_hint = false} : vector<2000x128xf32>, vector<128x128xf32>, vector<2000x128xf32> -> vector<2000x128xf32>
    %sub3A = arith.subf %add3A_27, %dot_general3A_35 : vector<2000x128xf32>
    %mul3A_36 = arith.mulf %sub3A, %sub3A : vector<2000x128xf32>
    %dot_general3A_37 = arith.constant dense<0.000000e+00> : vector<2000x128xf32>
    %dot_general3A_38 = tpu.matmul %mul3A_36, %get3A_4, %dot_general3A_37 {dimension_numbers = #tpu.dot_dimension_numbers<[1], [0], [0], [1], [0, 0, 1, 1], [], []>, transpose_lhs_hint = false} : vector<2000x128xf32>, vector<128x128xf32>, vector<2000x128xf32> -> vector<2000x128xf32>
    %add3A_39 = arith.constant 9.99999974E-6 : f32
    %add3A_40 = vector.broadcast %add3A_39 : f32 to vector<2000x128xf32>
    %add3A_41 = arith.addf %dot_general3A_38, %add3A_40 : vector<2000x128xf32>
    %rsqrt3A = math.rsqrt %add3A_41 : vector<2000x128xf32>
    %mul3A_42 = arith.mulf %sub3A, %rsqrt3A : vector<2000x128xf32>
    %mul3A_43 = vector.broadcast %get3A_30 : vector<1x128xf32> to vector<2000x128xf32>
    %mul3A_44 = arith.mulf %mul3A_42, %mul3A_43 : vector<2000x128xf32>
    %add3A_45 = vector.broadcast %get3A_33 : vector<1x128xf32> to vector<2000x128xf32>
    %add3A_46 = arith.addf %mul3A_44, %add3A_45 : vector<2000x128xf32>
    %get3A_47 = arith.constant 0 : index
    %get3A_48 = arith.constant 0 : index
    %get3A_49 = vector.load %arg2[%get3A_47, %get3A_48] : memref<2000x128xf32, #tpu.memory_space<vmem>>, vector<2000x128xf32>
    %get3A_50 = arith.constant 0 : index
    %get3A_51 = arith.constant 0 : index
    %get3A_52 = vector.load %arg9[%get3A_50, %get3A_51] : memref<128x128xf32, #tpu.memory_space<vmem>>, vector<128x128xf32>
    %dot_general3A_53 = arith.constant dense<0.000000e+00> : vector<2000x128xf32>
    %dot_general3A_54 = tpu.matmul %add3A_46, %get3A_52, %dot_general3A_53 {dimension_numbers = #tpu.dot_dimension_numbers<[1], [0], [0], [1], [0, 0, 1, 1], [], []>, transpose_lhs_hint = false} : vector<2000x128xf32>, vector<128x128xf32>, vector<2000x128xf32> -> vector<2000x128xf32>
    %add3A_55 = arith.addf %get3A_49, %dot_general3A_54 : vector<2000x128xf32>
    %logistic3A_56 = arith.negf %add3A_55 : vector<2000x128xf32>
    %logistic3A_57 = math.exp %logistic3A_56 : vector<2000x128xf32>
    %logistic3A_58 = arith.constant 1.000000e+00 : f32
    %logistic3A_59 = vector.broadcast %logistic3A_58 : f32 to vector<2000x128xf32>
    %logistic3A_60 = arith.addf %logistic3A_59, %logistic3A_57 : vector<2000x128xf32>
    %logistic3A_61 = arith.divf %logistic3A_59, %logistic3A_60 : vector<2000x128xf32>
    %mul3A_62 = arith.mulf %add3A_55, %logistic3A_61 : vector<2000x128xf32>
    %get3A_63 = arith.constant 0 : index
    %get3A_64 = arith.constant 0 : index
    %get3A_65 = vector.load %arg10[%get3A_63, %get3A_64] : memref<128x128xf32, #tpu.memory_space<vmem>>, vector<128x128xf32>
    %dot_general3A_66 = arith.constant dense<0.000000e+00> : vector<2000x128xf32>
    %dot_general3A_67 = tpu.matmul %mul3A_62, %get3A_65, %dot_general3A_66 {dimension_numbers = #tpu.dot_dimension_numbers<[1], [0], [0], [1], [0, 0, 1, 1], [], []>, transpose_lhs_hint = false} : vector<2000x128xf32>, vector<128x128xf32>, vector<2000x128xf32> -> vector<2000x128xf32>
    %get3A_68 = arith.constant 0 : index
    %get3A_69 = arith.constant 0 : index
    %get3A_70 = vector.load %arg11[%get3A_68, %get3A_69] : memref<1x128xf32, #tpu.memory_space<vmem>>, vector<1x128xf32>
    %add3A_71 = vector.broadcast %get3A_70 : vector<1x128xf32> to vector<2000x128xf32>
    %add3A_72 = arith.addf %dot_general3A_67, %add3A_71 : vector<2000x128xf32>
    %get3A_73 = arith.constant 0 : index
    %get3A_74 = arith.constant 0 : index
    %get3A_75 = vector.load %arg12[%get3A_73, %get3A_74] : memref<1x128xf32, #tpu.memory_space<vmem>>, vector<1x128xf32>
    %get3A_76 = arith.constant 0 : index
    %get3A_77 = arith.constant 0 : index
    %get3A_78 = vector.load %arg13[%get3A_76, %get3A_77] : memref<1x128xf32, #tpu.memory_space<vmem>>, vector<1x128xf32>
    %dot_general3A_79 = arith.constant dense<0.000000e+00> : vector<2000x128xf32>
    %dot_general3A_80 = tpu.matmul %add3A_72, %get3A_4, %dot_general3A_79 {dimension_numbers = #tpu.dot_dimension_numbers<[1], [0], [0], [1], [0, 0, 1, 1], [], []>, transpose_lhs_hint = false} : vector<2000x128xf32>, vector<128x128xf32>, vector<2000x128xf32> -> vector<2000x128xf32>
    %sub3A_81 = arith.subf %add3A_72, %dot_general3A_80 : vector<2000x128xf32>
    %mul3A_82 = arith.mulf %sub3A_81, %sub3A_81 : vector<2000x128xf32>
    %dot_general3A_83 = arith.constant dense<0.000000e+00> : vector<2000x128xf32>
    %dot_general3A_84 = tpu.matmul %mul3A_82, %get3A_4, %dot_general3A_83 {dimension_numbers = #tpu.dot_dimension_numbers<[1], [0], [0], [1], [0, 0, 1, 1], [], []>, transpose_lhs_hint = false} : vector<2000x128xf32>, vector<128x128xf32>, vector<2000x128xf32> -> vector<2000x128xf32>
    %add3A_85 = arith.constant 9.99999974E-6 : f32
    %add3A_86 = vector.broadcast %add3A_85 : f32 to vector<2000x128xf32>
    %add3A_87 = arith.addf %dot_general3A_84, %add3A_86 : vector<2000x128xf32>
    %rsqrt3A_88 = math.rsqrt %add3A_87 : vector<2000x128xf32>
    %mul3A_89 = arith.mulf %sub3A_81, %rsqrt3A_88 : vector<2000x128xf32>
    %mul3A_90 = vector.broadcast %get3A_75 : vector<1x128xf32> to vector<2000x128xf32>
    %mul3A_91 = arith.mulf %mul3A_89, %mul3A_90 : vector<2000x128xf32>
    %add3A_92 = vector.broadcast %get3A_78 : vector<1x128xf32> to vector<2000x128xf32>
    %add3A_93 = arith.addf %mul3A_91, %add3A_92 : vector<2000x128xf32>
    %swap3A = arith.constant 0 : index
    %swap3A_94 = arith.constant 0 : index
    %swap3A_95 = vector.load %arg15[%swap3A, %swap3A_94] : memref<2000x128xf32, #tpu.memory_space<vmem>>, vector<2000x128xf32>
    tpu.vector_store %arg15[%swap3A, %swap3A_94], %add3A_93 {strides = array<i32>} : memref<2000x128xf32, #tpu.memory_space<vmem>>, vector<2000x128xf32>,
    return
  }
  func.func @transform_0(%arg0: i32) -> (i32, i32) {
    %c0_i32 = arith.constant 0 : i32
    %c0_i32_0 = arith.constant 0 : i32
    return %arg0, %c0_i32 : i32, i32
  }
  func.func @transform_1(%arg0: i32) -> (i32, i32) {
    %c0_i32 = arith.constant 0 : i32
    %c0_i32_0 = arith.constant 0 : i32
    return %arg0, %c0_i32 : i32, i32
  }
  func.func @transform_2(%arg0: i32) -> (i32, i32) {
    %c0_i32 = arith.constant 0 : i32
    %c0_i32_0 = arith.constant 0 : i32
    %c0_i32_1 = arith.constant 0 : i32
    return %c0_i32, %c0_i32_0 : i32, i32
  }
  func.func @transform_3(%arg0: i32) -> (i32, i32) {
    %c0_i32 = arith.constant 0 : i32
    %c0_i32_0 = arith.constant 0 : i32
    %c0_i32_1 = arith.constant 0 : i32
    return %c0_i32, %c0_i32_0 : i32, i32
  }
  func.func @transform_4(%arg0: i32) -> (i32, i32) {
    %c0_i32 = arith.constant 0 : i32
    %c0_i32_0 = arith.constant 0 : i32
    %c0_i32_1 = arith.constant 0 : i32
    return %c0_i32, %c0_i32_0 : i32, i32
  }
  func.func @transform_5(%arg0: i32) -> (i32, i32) {
    %c0_i32 = arith.constant 0 : i32
    %c0_i32_0 = arith.constant 0 : i32
    %c0_i32_1 = arith.constant 0 : i32
    return %c0_i32, %c0_i32_0 : i32, i32
  }
  func.func @transform_6(%arg0: i32) -> (i32, i32) {
    %c0_i32 = arith.constant 0 : i32
    %c0_i32_0 = arith.constant 0 : i32
    %c0_i32_1 = arith.constant 0 : i32
    return %c0_i32, %c0_i32_0 : i32, i32
  }
  func.func @transform_7(%arg0: i32) -> (i32, i32) {
    %c0_i32 = arith.constant 0 : i32
    %c0_i32_0 = arith.constant 0 : i32
    %c0_i32_1 = arith.constant 0 : i32
    return %c0_i32, %c0_i32_0 : i32, i32
  }
  func.func @transform_8(%arg0: i32) -> (i32, i32) {
    %c0_i32 = arith.constant 0 : i32
    %c0_i32_0 = arith.constant 0 : i32
    %c0_i32_1 = arith.constant 0 : i32
    return %c0_i32, %c0_i32_0 : i32, i32
  }
  func.func @transform_9(%arg0: i32) -> (i32, i32) {
    %c0_i32 = arith.constant 0 : i32
    %c0_i32_0 = arith.constant 0 : i32
    %c0_i32_1 = arith.constant 0 : i32
    return %c0_i32, %c0_i32_0 : i32, i32
  }
  func.func @transform_10(%arg0: i32) -> (i32, i32) {
    %c0_i32 = arith.constant 0 : i32
    %c0_i32_0 = arith.constant 0 : i32
    %c0_i32_1 = arith.constant 0 : i32
    return %c0_i32, %c0_i32_0 : i32, i32
  }
  func.func @transform_11(%arg0: i32) -> (i32, i32) {
    %c0_i32 = arith.constant 0 : i32
    %c0_i32_0 = arith.constant 0 : i32
    %c0_i32_1 = arith.constant 0 : i32
    return %c0_i32, %c0_i32_0 : i32, i32
  }
  func.func @transform_12(%arg0: i32) -> (i32, i32) {
    %c0_i32 = arith.constant 0 : i32
    %c0_i32_0 = arith.constant 0 : i32
    %c0_i32_1 = arith.constant 0 : i32
    return %c0_i32, %c0_i32_0 : i32, i32
  }
  func.func @transform_13(%arg0: i32) -> (i32, i32) {
    %c0_i32 = arith.constant 0 : i32
    %c0_i32_0 = arith.constant 0 : i32
    %c0_i32_1 = arith.constant 0 : i32
    return %c0_i32, %c0_i32_0 : i32, i32
  }
  func.func @transform_14(%arg0: i32) -> (i32, i32) {
    %c0_i32 = arith.constant 0 : i32
    %c0_i32_0 = arith.constant 0 : i32
    return %arg0, %c0_i32 : i32, i32
  }
}

module attributes {stable_mosaic.version = 14 : i64} {
  func.func @_ee_t_body(%arg0: i32, %arg1: memref<16x6400xf32, #tpu.memory_space<vmem>>, %arg2: memref<32x16xf32, #tpu.memory_space<vmem>>, %arg3: memref<32x1xf32, #tpu.memory_space<vmem>>, %arg4: memref<32x32xf32, #tpu.memory_space<vmem>>, %arg5: memref<32x1xf32, #tpu.memory_space<vmem>>, %arg6: memref<32x1xf32, #tpu.memory_space<vmem>>, %arg7: memref<32x1xf32, #tpu.memory_space<vmem>>, %arg8: memref<32x6400xf32, #tpu.memory_space<vmem>>) attributes {dimension_semantics = [#tpu.dimension_semantics<arbitrary>], iteration_bounds = array<i64: 250>, scalar_prefetch = 0 : i64, scratch_operands = 0 : i64, tpu.core_type = #tpu.core_type<tc>, window_params = [{transform_indices = @transform_0, window_bounds = array<i64: 16, 6400>}, {pipeline_mode = #tpu.pipeline_mode<synchronous>, transform_indices = @transform_1, window_bounds = array<i64: 32, 16>}, {pipeline_mode = #tpu.pipeline_mode<synchronous>, transform_indices = @transform_2, window_bounds = array<i64: 32, 1>}, {pipeline_mode = #tpu.pipeline_mode<synchronous>, transform_indices = @transform_3, window_bounds = array<i64: 32, 32>}, {pipeline_mode = #tpu.pipeline_mode<synchronous>, transform_indices = @transform_4, window_bounds = array<i64: 32, 1>}, {pipeline_mode = #tpu.pipeline_mode<synchronous>, transform_indices = @transform_5, window_bounds = array<i64: 32, 1>}, {pipeline_mode = #tpu.pipeline_mode<synchronous>, transform_indices = @transform_6, window_bounds = array<i64: 32, 1>}, {transform_indices = @transform_7, window_bounds = array<i64: 32, 6400>}]} {
    %get3A = arith.constant 0 : index
    %get3A_0 = arith.constant 0 : index
    %get3A_1 = vector.load %arg1[%get3A, %get3A_0] : memref<16x6400xf32, #tpu.memory_space<vmem>>, vector<16x6400xf32>
    %get3A_2 = arith.constant 0 : index
    %get3A_3 = arith.constant 0 : index
    %get3A_4 = vector.load %arg2[%get3A_2, %get3A_3] : memref<32x16xf32, #tpu.memory_space<vmem>>, vector<32x16xf32>
    %dot_general3A = arith.constant dense<0.000000e+00> : vector<32x6400xf32>
    %dot_general3A_5 = tpu.matmul %get3A_4, %get3A_1, %dot_general3A {dimension_numbers = #tpu.dot_dimension_numbers<[1], [0], [0], [1], [0, 0, 1, 1], [], []>, transpose_lhs_hint = false} : vector<32x16xf32>, vector<16x6400xf32>, vector<32x6400xf32> -> vector<32x6400xf32>
    %get3A_6 = arith.constant 0 : index
    %get3A_7 = arith.constant 0 : index
    %get3A_8 = vector.load %arg3[%get3A_6, %get3A_7] : memref<32x1xf32, #tpu.memory_space<vmem>>, vector<32x1xf32>
    %add3A = vector.broadcast %get3A_8 : vector<32x1xf32> to vector<32x6400xf32>
    %add3A_9 = arith.addf %dot_general3A_5, %add3A : vector<32x6400xf32>
    %logistic3A = arith.negf %add3A_9 : vector<32x6400xf32>
    %logistic3A_10 = math.exp %logistic3A : vector<32x6400xf32>
    %logistic3A_11 = arith.constant 1.000000e+00 : f32
    %logistic3A_12 = vector.broadcast %logistic3A_11 : f32 to vector<32x6400xf32>
    %logistic3A_13 = arith.addf %logistic3A_12, %logistic3A_10 : vector<32x6400xf32>
    %logistic3A_14 = arith.divf %logistic3A_12, %logistic3A_13 : vector<32x6400xf32>
    %mul3A = arith.mulf %add3A_9, %logistic3A_14 : vector<32x6400xf32>
    %get3A_15 = arith.constant 0 : index
    %get3A_16 = arith.constant 0 : index
    %get3A_17 = vector.load %arg4[%get3A_15, %get3A_16] : memref<32x32xf32, #tpu.memory_space<vmem>>, vector<32x32xf32>
    %dot_general3A_18 = arith.constant dense<0.000000e+00> : vector<32x6400xf32>
    %dot_general3A_19 = tpu.matmul %get3A_17, %mul3A, %dot_general3A_18 {dimension_numbers = #tpu.dot_dimension_numbers<[1], [0], [0], [1], [0, 0, 1, 1], [], []>, transpose_lhs_hint = false} : vector<32x32xf32>, vector<32x6400xf32>, vector<32x6400xf32> -> vector<32x6400xf32>
    %get3A_20 = arith.constant 0 : index
    %get3A_21 = arith.constant 0 : index
    %get3A_22 = vector.load %arg5[%get3A_20, %get3A_21] : memref<32x1xf32, #tpu.memory_space<vmem>>, vector<32x1xf32>
    %add3A_23 = vector.broadcast %get3A_22 : vector<32x1xf32> to vector<32x6400xf32>
    %add3A_24 = arith.addf %dot_general3A_19, %add3A_23 : vector<32x6400xf32>
    %reduce_sum3A = arith.constant dense<0.000000e+00> : vector<6400xf32>
    %reduce_sum3A_25 = vector.multi_reduction <add>, %add3A_24, %reduce_sum3A [0] : vector<32x6400xf32> to vector<6400xf32>
    %broadcast_in_dim3A = vector.shape_cast %reduce_sum3A_25 : vector<6400xf32> to vector<1x6400xf32>
    %div3A = arith.constant 3.200000e+01 : f32
    %div3A_26 = vector.broadcast %div3A : f32 to vector<1x6400xf32>
    %div3A_27 = arith.divf %broadcast_in_dim3A, %div3A_26 : vector<1x6400xf32>
    %sub3A = vector.broadcast %div3A_27 : vector<1x6400xf32> to vector<32x6400xf32>
    %sub3A_28 = arith.subf %add3A_24, %sub3A : vector<32x6400xf32>
    %integer_pow3A = arith.mulf %sub3A_28, %sub3A_28 : vector<32x6400xf32>
    %reduce_sum3A_29 = arith.constant dense<0.000000e+00> : vector<6400xf32>
    %reduce_sum3A_30 = vector.multi_reduction <add>, %integer_pow3A, %reduce_sum3A_29 [0] : vector<32x6400xf32> to vector<6400xf32>
    %broadcast_in_dim3A_31 = vector.shape_cast %reduce_sum3A_30 : vector<6400xf32> to vector<1x6400xf32>
    %div3A_32 = arith.constant 3.200000e+01 : f32
    %div3A_33 = vector.broadcast %div3A_32 : f32 to vector<1x6400xf32>
    %div3A_34 = arith.divf %broadcast_in_dim3A_31, %div3A_33 : vector<1x6400xf32>
    %sub3A_35 = vector.broadcast %div3A_27 : vector<1x6400xf32> to vector<32x6400xf32>
    %sub3A_36 = arith.subf %add3A_24, %sub3A_35 : vector<32x6400xf32>
    %add3A_37 = arith.constant 9.99999974E-6 : f32
    %add3A_38 = vector.broadcast %add3A_37 : f32 to vector<1x6400xf32>
    %add3A_39 = arith.addf %div3A_34, %add3A_38 : vector<1x6400xf32>
    %rsqrt3A = math.rsqrt %add3A_39 : vector<1x6400xf32>
    %mul3A_40 = vector.broadcast %rsqrt3A : vector<1x6400xf32> to vector<32x6400xf32>
    %mul3A_41 = arith.mulf %sub3A_36, %mul3A_40 : vector<32x6400xf32>
    %get3A_42 = arith.constant 0 : index
    %get3A_43 = arith.constant 0 : index
    %get3A_44 = vector.load %arg6[%get3A_42, %get3A_43] : memref<32x1xf32, #tpu.memory_space<vmem>>, vector<32x1xf32>
    %mul3A_45 = vector.broadcast %get3A_44 : vector<32x1xf32> to vector<32x6400xf32>
    %mul3A_46 = arith.mulf %mul3A_41, %mul3A_45 : vector<32x6400xf32>
    %get3A_47 = arith.constant 0 : index
    %get3A_48 = arith.constant 0 : index
    %get3A_49 = vector.load %arg7[%get3A_47, %get3A_48] : memref<32x1xf32, #tpu.memory_space<vmem>>, vector<32x1xf32>
    %add3A_50 = vector.broadcast %get3A_49 : vector<32x1xf32> to vector<32x6400xf32>
    %add3A_51 = arith.addf %mul3A_46, %add3A_50 : vector<32x6400xf32>
    %swap3A = arith.constant 0 : index
    %swap3A_52 = arith.constant 0 : index
    %swap3A_53 = vector.load %arg8[%swap3A, %swap3A_52] : memref<32x6400xf32, #tpu.memory_space<vmem>>, vector<32x6400xf32>
    tpu.vector_store %arg8[%swap3A, %swap3A_52], %add3A_51 {strides = array<i32>} : memref<32x6400xf32, #tpu.memory_space<vmem>>, vector<32x6400xf32>,
    return
  }
  func.func @transform_0(%arg0: i32) -> (i32, i32) {
    %c0_i32 = arith.constant 0 : i32
    %c0_i32_0 = arith.constant 0 : i32
    return %c0_i32, %arg0 : i32, i32
  }
  func.func @transform_1(%arg0: i32) -> (i32, i32) {
    %c0_i32 = arith.constant 0 : i32
    %c0_i32_0 = arith.constant 0 : i32
    %c0_i32_1 = arith.constant 0 : i32
    return %c0_i32, %c0_i32_0 : i32, i32
  }
  func.func @transform_2(%arg0: i32) -> (i32, i32) {
    %c0_i32 = arith.constant 0 : i32
    %c0_i32_0 = arith.constant 0 : i32
    %c0_i32_1 = arith.constant 0 : i32
    return %c0_i32, %c0_i32_0 : i32, i32
  }
  func.func @transform_3(%arg0: i32) -> (i32, i32) {
    %c0_i32 = arith.constant 0 : i32
    %c0_i32_0 = arith.constant 0 : i32
    %c0_i32_1 = arith.constant 0 : i32
    return %c0_i32, %c0_i32_0 : i32, i32
  }
  func.func @transform_4(%arg0: i32) -> (i32, i32) {
    %c0_i32 = arith.constant 0 : i32
    %c0_i32_0 = arith.constant 0 : i32
    %c0_i32_1 = arith.constant 0 : i32
    return %c0_i32, %c0_i32_0 : i32, i32
  }
  func.func @transform_5(%arg0: i32) -> (i32, i32) {
    %c0_i32 = arith.constant 0 : i32
    %c0_i32_0 = arith.constant 0 : i32
    %c0_i32_1 = arith.constant 0 : i32
    return %c0_i32, %c0_i32_0 : i32, i32
  }
  func.func @transform_6(%arg0: i32) -> (i32, i32) {
    %c0_i32 = arith.constant 0 : i32
    %c0_i32_0 = arith.constant 0 : i32
    %c0_i32_1 = arith.constant 0 : i32
    return %c0_i32, %c0_i32_0 : i32, i32
  }
  func.func @transform_7(%arg0: i32) -> (i32, i32) {
    %c0_i32 = arith.constant 0 : i32
    %c0_i32_0 = arith.constant 0 : i32
    return %c0_i32, %arg0 : i32, i32
  }
}

module attributes {stable_mosaic.version = 14 : i64} {
  func.func @_node_body(%arg0: i32, %arg1: memref<4000x32xf32, #tpu.memory_space<vmem>>, %arg2: memref<4000x32xf32, #tpu.memory_space<vmem>>, %arg3: memref<4000x32xf32, #tpu.memory_space<vmem>>, %arg4: memref<32x32xf32, #tpu.memory_space<vmem>>, %arg5: memref<32x32xf32, #tpu.memory_space<vmem>>, %arg6: memref<1x32xf32, #tpu.memory_space<vmem>>, %arg7: memref<32x32xf32, #tpu.memory_space<vmem>>, %arg8: memref<1x32xf32, #tpu.memory_space<vmem>>, %arg9: memref<1x32xf32, #tpu.memory_space<vmem>>, %arg10: memref<1x32xf32, #tpu.memory_space<vmem>>, %arg11: memref<32x32xf32, #tpu.memory_space<vmem>>, %arg12: memref<1x32xf32, #tpu.memory_space<vmem>>, %arg13: memref<32x4xf32, #tpu.memory_space<vmem>>, %arg14: memref<1x4xf32, #tpu.memory_space<vmem>>, %arg15: memref<4000x4xf32, #tpu.memory_space<vmem>>) attributes {dimension_semantics = [#tpu.dimension_semantics<arbitrary>], iteration_bounds = array<i64: 25>, scalar_prefetch = 0 : i64, scratch_operands = 0 : i64, tpu.core_type = #tpu.core_type<tc>, window_params = [{transform_indices = @transform_0, window_bounds = array<i64: 4000, 32>}, {transform_indices = @transform_1, window_bounds = array<i64: 4000, 32>}, {transform_indices = @transform_2, window_bounds = array<i64: 4000, 32>}, {pipeline_mode = #tpu.pipeline_mode<synchronous>, transform_indices = @transform_3, window_bounds = array<i64: 32, 32>}, {pipeline_mode = #tpu.pipeline_mode<synchronous>, transform_indices = @transform_4, window_bounds = array<i64: 32, 32>}, {pipeline_mode = #tpu.pipeline_mode<synchronous>, transform_indices = @transform_5, window_bounds = array<i64: 1, 32>}, {pipeline_mode = #tpu.pipeline_mode<synchronous>, transform_indices = @transform_6, window_bounds = array<i64: 32, 32>}, {pipeline_mode = #tpu.pipeline_mode<synchronous>, transform_indices = @transform_7, window_bounds = array<i64: 1, 32>}, {pipeline_mode = #tpu.pipeline_mode<synchronous>, transform_indices = @transform_8, window_bounds = array<i64: 1, 32>}, {pipeline_mode = #tpu.pipeline_mode<synchronous>, transform_indices = @transform_9, window_bounds = array<i64: 1, 32>}, {pipeline_mode = #tpu.pipeline_mode<synchronous>, transform_indices = @transform_10, window_bounds = array<i64: 32, 32>}, {pipeline_mode = #tpu.pipeline_mode<synchronous>, transform_indices = @transform_11, window_bounds = array<i64: 1, 32>}, {pipeline_mode = #tpu.pipeline_mode<synchronous>, transform_indices = @transform_12, window_bounds = array<i64: 32, 4>}, {pipeline_mode = #tpu.pipeline_mode<synchronous>, transform_indices = @transform_13, window_bounds = array<i64: 1, 4>}, {transform_indices = @transform_14, window_bounds = array<i64: 4000, 4>}]} {
    %get3A = arith.constant 0 : index
    %get3A_0 = arith.constant 0 : index
    %get3A_1 = vector.load %arg3[%get3A, %get3A_0] : memref<4000x32xf32, #tpu.memory_space<vmem>>, vector<4000x1xf32>
    %get3A_2 = arith.constant 0 : index
    %get3A_3 = arith.constant 16 : index
    %get3A_4 = vector.load %arg3[%get3A_2, %get3A_3] : memref<4000x32xf32, #tpu.memory_space<vmem>>, vector<4000x1xf32>
    %add3A = arith.addf %get3A_1, %get3A_4 : vector<4000x1xf32>
    %get3A_5 = arith.constant 0 : index
    %get3A_6 = arith.constant 0 : index
    %get3A_7 = vector.load %arg2[%get3A_5, %get3A_6] : memref<4000x32xf32, #tpu.memory_space<vmem>>, vector<4000x32xf32>
    %max3A = arith.constant 1.000000e+00 : f32
    %max3A_8 = vector.broadcast %max3A : f32 to vector<4000x1xf32>
    %max3A_9 = arith.maximumf %add3A, %max3A_8 : vector<4000x1xf32>
    %div3A = vector.broadcast %max3A_9 : vector<4000x1xf32> to vector<4000x32xf32>
    %div3A_10 = arith.divf %get3A_7, %div3A : vector<4000x32xf32>
    %get3A_11 = arith.constant 0 : index
    %get3A_12 = arith.constant 0 : index
    %get3A_13 = vector.load %arg1[%get3A_11, %get3A_12] : memref<4000x32xf32, #tpu.memory_space<vmem>>, vector<4000x32xf32>
    %get3A_14 = arith.constant 0 : index
    %get3A_15 = arith.constant 0 : index
    %get3A_16 = vector.load %arg4[%get3A_14, %get3A_15] : memref<32x32xf32, #tpu.memory_space<vmem>>, vector<32x32xf32>
    %dot_general3A = arith.constant dense<0.000000e+00> : vector<4000x32xf32>
    %dot_general3A_17 = tpu.matmul %get3A_13, %get3A_16, %dot_general3A {dimension_numbers = #tpu.dot_dimension_numbers<[1], [0], [0], [1], [0, 0, 1, 1], [], []>, transpose_lhs_hint = false} : vector<4000x32xf32>, vector<32x32xf32>, vector<4000x32xf32> -> vector<4000x32xf32>
    %get3A_18 = arith.constant 0 : index
    %get3A_19 = arith.constant 0 : index
    %get3A_20 = vector.load %arg5[%get3A_18, %get3A_19] : memref<32x32xf32, #tpu.memory_space<vmem>>, vector<32x32xf32>
    %dot_general3A_21 = arith.constant dense<0.000000e+00> : vector<4000x32xf32>
    %dot_general3A_22 = tpu.matmul %div3A_10, %get3A_20, %dot_general3A_21 {dimension_numbers = #tpu.dot_dimension_numbers<[1], [0], [0], [1], [0, 0, 1, 1], [], []>, transpose_lhs_hint = false} : vector<4000x32xf32>, vector<32x32xf32>, vector<4000x32xf32> -> vector<4000x32xf32>
    %add3A_23 = arith.addf %dot_general3A_17, %dot_general3A_22 : vector<4000x32xf32>
    %get3A_24 = arith.constant 0 : index
    %get3A_25 = arith.constant 0 : index
    %get3A_26 = vector.load %arg6[%get3A_24, %get3A_25] : memref<1x32xf32, #tpu.memory_space<vmem>>, vector<1x32xf32>
    %add3A_27 = vector.broadcast %get3A_26 : vector<1x32xf32> to vector<4000x32xf32>
    %add3A_28 = arith.addf %add3A_23, %add3A_27 : vector<4000x32xf32>
    %logistic3A = arith.negf %add3A_28 : vector<4000x32xf32>
    %logistic3A_29 = math.exp %logistic3A : vector<4000x32xf32>
    %logistic3A_30 = arith.constant 1.000000e+00 : f32
    %logistic3A_31 = vector.broadcast %logistic3A_30 : f32 to vector<4000x32xf32>
    %logistic3A_32 = arith.addf %logistic3A_31, %logistic3A_29 : vector<4000x32xf32>
    %logistic3A_33 = arith.divf %logistic3A_31, %logistic3A_32 : vector<4000x32xf32>
    %mul3A = arith.mulf %add3A_28, %logistic3A_33 : vector<4000x32xf32>
    %get3A_34 = arith.constant 0 : index
    %get3A_35 = arith.constant 0 : index
    %get3A_36 = vector.load %arg7[%get3A_34, %get3A_35] : memref<32x32xf32, #tpu.memory_space<vmem>>, vector<32x32xf32>
    %dot_general3A_37 = arith.constant dense<0.000000e+00> : vector<4000x32xf32>
    %dot_general3A_38 = tpu.matmul %mul3A, %get3A_36, %dot_general3A_37 {dimension_numbers = #tpu.dot_dimension_numbers<[1], [0], [0], [1], [0, 0, 1, 1], [], []>, transpose_lhs_hint = false} : vector<4000x32xf32>, vector<32x32xf32>, vector<4000x32xf32> -> vector<4000x32xf32>
    %get3A_39 = arith.constant 0 : index
    %get3A_40 = arith.constant 0 : index
    %get3A_41 = vector.load %arg8[%get3A_39, %get3A_40] : memref<1x32xf32, #tpu.memory_space<vmem>>, vector<1x32xf32>
    %add3A_42 = vector.broadcast %get3A_41 : vector<1x32xf32> to vector<4000x32xf32>
    %add3A_43 = arith.addf %dot_general3A_38, %add3A_42 : vector<4000x32xf32>
    %get3A_44 = arith.constant 0 : index
    %get3A_45 = arith.constant 0 : index
    %get3A_46 = vector.load %arg9[%get3A_44, %get3A_45] : memref<1x32xf32, #tpu.memory_space<vmem>>, vector<1x32xf32>
    %get3A_47 = arith.constant 0 : index
    %get3A_48 = arith.constant 0 : index
    %get3A_49 = vector.load %arg10[%get3A_47, %get3A_48] : memref<1x32xf32, #tpu.memory_space<vmem>>, vector<1x32xf32>
    %reduce_sum3A = arith.constant dense<0.000000e+00> : vector<4000xf32>
    %reduce_sum3A_50 = vector.multi_reduction <add>, %add3A_43, %reduce_sum3A [1] : vector<4000x32xf32> to vector<4000xf32>
    %broadcast_in_dim3A = vector.shape_cast %reduce_sum3A_50 : vector<4000xf32> to vector<4000x1xf32>
    %div3A_51 = arith.constant 3.200000e+01 : f32
    %div3A_52 = vector.broadcast %div3A_51 : f32 to vector<4000x1xf32>
    %div3A_53 = arith.divf %broadcast_in_dim3A, %div3A_52 : vector<4000x1xf32>
    %sub3A = vector.broadcast %div3A_53 : vector<4000x1xf32> to vector<4000x32xf32>
    %sub3A_54 = arith.subf %add3A_43, %sub3A : vector<4000x32xf32>
    %integer_pow3A = arith.mulf %sub3A_54, %sub3A_54 : vector<4000x32xf32>
    %reduce_sum3A_55 = arith.constant dense<0.000000e+00> : vector<4000xf32>
    %reduce_sum3A_56 = vector.multi_reduction <add>, %integer_pow3A, %reduce_sum3A_55 [1] : vector<4000x32xf32> to vector<4000xf32>
    %broadcast_in_dim3A_57 = vector.shape_cast %reduce_sum3A_56 : vector<4000xf32> to vector<4000x1xf32>
    %div3A_58 = arith.constant 3.200000e+01 : f32
    %div3A_59 = vector.broadcast %div3A_58 : f32 to vector<4000x1xf32>
    %div3A_60 = arith.divf %broadcast_in_dim3A_57, %div3A_59 : vector<4000x1xf32>
    %sub3A_61 = vector.broadcast %div3A_53 : vector<4000x1xf32> to vector<4000x32xf32>
    %sub3A_62 = arith.subf %add3A_43, %sub3A_61 : vector<4000x32xf32>
    %add3A_63 = arith.constant 9.99999974E-6 : f32
    %add3A_64 = vector.broadcast %add3A_63 : f32 to vector<4000x1xf32>
    %add3A_65 = arith.addf %div3A_60, %add3A_64 : vector<4000x1xf32>
    %sqrt3A = math.sqrt %add3A_65 : vector<4000x1xf32>
    %div3A_66 = vector.broadcast %sqrt3A : vector<4000x1xf32> to vector<4000x32xf32>
    %div3A_67 = arith.divf %sub3A_62, %div3A_66 : vector<4000x32xf32>
    %mul3A_68 = vector.broadcast %get3A_46 : vector<1x32xf32> to vector<4000x32xf32>
    %mul3A_69 = arith.mulf %div3A_67, %mul3A_68 : vector<4000x32xf32>
    %add3A_70 = vector.broadcast %get3A_49 : vector<1x32xf32> to vector<4000x32xf32>
    %add3A_71 = arith.addf %mul3A_69, %add3A_70 : vector<4000x32xf32>
    %get3A_72 = arith.constant 0 : index
    %get3A_73 = arith.constant 0 : index
    %get3A_74 = vector.load %arg11[%get3A_72, %get3A_73] : memref<32x32xf32, #tpu.memory_space<vmem>>, vector<32x32xf32>
    %dot_general3A_75 = arith.constant dense<0.000000e+00> : vector<4000x32xf32>
    %dot_general3A_76 = tpu.matmul %add3A_71, %get3A_74, %dot_general3A_75 {dimension_numbers = #tpu.dot_dimension_numbers<[1], [0], [0], [1], [0, 0, 1, 1], [], []>, transpose_lhs_hint = false} : vector<4000x32xf32>, vector<32x32xf32>, vector<4000x32xf32> -> vector<4000x32xf32>
    %get3A_77 = arith.constant 0 : index
    %get3A_78 = arith.constant 0 : index
    %get3A_79 = vector.load %arg12[%get3A_77, %get3A_78] : memref<1x32xf32, #tpu.memory_space<vmem>>, vector<1x32xf32>
    %add3A_80 = vector.broadcast %get3A_79 : vector<1x32xf32> to vector<4000x32xf32>
    %add3A_81 = arith.addf %dot_general3A_76, %add3A_80 : vector<4000x32xf32>
    %logistic3A_82 = arith.negf %add3A_81 : vector<4000x32xf32>
    %logistic3A_83 = math.exp %logistic3A_82 : vector<4000x32xf32>
    %logistic3A_84 = arith.constant 1.000000e+00 : f32
    %logistic3A_85 = vector.broadcast %logistic3A_84 : f32 to vector<4000x32xf32>
    %logistic3A_86 = arith.addf %logistic3A_85, %logistic3A_83 : vector<4000x32xf32>
    %logistic3A_87 = arith.divf %logistic3A_85, %logistic3A_86 : vector<4000x32xf32>
    %get3A_88 = arith.constant 0 : index
    %get3A_89 = arith.constant 0 : index
    %get3A_90 = vector.load %arg13[%get3A_88, %get3A_89] : memref<32x4xf32, #tpu.memory_space<vmem>>, vector<32x4xf32>
    %dot_general3A_91 = arith.constant dense<0.000000e+00> : vector<4000x4xf32>
    %dot_general3A_92 = tpu.matmul %logistic3A_87, %get3A_90, %dot_general3A_91 {dimension_numbers = #tpu.dot_dimension_numbers<[1], [0], [0], [1], [0, 0, 1, 1], [], []>, transpose_lhs_hint = false} : vector<4000x32xf32>, vector<32x4xf32>, vector<4000x4xf32> -> vector<4000x4xf32>
    %get3A_93 = arith.constant 0 : index
    %get3A_94 = arith.constant 0 : index
    %get3A_95 = vector.load %arg14[%get3A_93, %get3A_94] : memref<1x4xf32, #tpu.memory_space<vmem>>, vector<1x4xf32>
    %add3A_96 = vector.broadcast %get3A_95 : vector<1x4xf32> to vector<4000x4xf32>
    %add3A_97 = arith.addf %dot_general3A_92, %add3A_96 : vector<4000x4xf32>
    %swap3A = arith.constant 0 : index
    %swap3A_98 = arith.constant 0 : index
    %swap3A_99 = vector.load %arg15[%swap3A, %swap3A_98] : memref<4000x4xf32, #tpu.memory_space<vmem>>, vector<4000x4xf32>
    tpu.vector_store %arg15[%swap3A, %swap3A_98], %add3A_97 {strides = array<i32>} : memref<4000x4xf32, #tpu.memory_space<vmem>>, vector<4000x4xf32>,
    return
  }
  func.func @transform_0(%arg0: i32) -> (i32, i32) {
    %c0_i32 = arith.constant 0 : i32
    %c0_i32_0 = arith.constant 0 : i32
    return %arg0, %c0_i32 : i32, i32
  }
  func.func @transform_1(%arg0: i32) -> (i32, i32) {
    %c0_i32 = arith.constant 0 : i32
    %c0_i32_0 = arith.constant 0 : i32
    return %arg0, %c0_i32 : i32, i32
  }
  func.func @transform_2(%arg0: i32) -> (i32, i32) {
    %c0_i32 = arith.constant 0 : i32
    %c0_i32_0 = arith.constant 0 : i32
    return %arg0, %c0_i32 : i32, i32
  }
  func.func @transform_3(%arg0: i32) -> (i32, i32) {
    %c0_i32 = arith.constant 0 : i32
    %c0_i32_0 = arith.constant 0 : i32
    %c0_i32_1 = arith.constant 0 : i32
    return %c0_i32, %c0_i32_0 : i32, i32
  }
  func.func @transform_4(%arg0: i32) -> (i32, i32) {
    %c0_i32 = arith.constant 0 : i32
    %c0_i32_0 = arith.constant 0 : i32
    %c0_i32_1 = arith.constant 0 : i32
    return %c0_i32, %c0_i32_0 : i32, i32
  }
  func.func @transform_5(%arg0: i32) -> (i32, i32) {
    %c0_i32 = arith.constant 0 : i32
    %c0_i32_0 = arith.constant 0 : i32
    %c0_i32_1 = arith.constant 0 : i32
    return %c0_i32, %c0_i32_0 : i32, i32
  }
  func.func @transform_6(%arg0: i32) -> (i32, i32) {
    %c0_i32 = arith.constant 0 : i32
    %c0_i32_0 = arith.constant 0 : i32
    %c0_i32_1 = arith.constant 0 : i32
    return %c0_i32, %c0_i32_0 : i32, i32
  }
  func.func @transform_7(%arg0: i32) -> (i32, i32) {
    %c0_i32 = arith.constant 0 : i32
    %c0_i32_0 = arith.constant 0 : i32
    %c0_i32_1 = arith.constant 0 : i32
    return %c0_i32, %c0_i32_0 : i32, i32
  }
  func.func @transform_8(%arg0: i32) -> (i32, i32) {
    %c0_i32 = arith.constant 0 : i32
    %c0_i32_0 = arith.constant 0 : i32
    %c0_i32_1 = arith.constant 0 : i32
    return %c0_i32, %c0_i32_0 : i32, i32
  }
  func.func @transform_9(%arg0: i32) -> (i32, i32) {
    %c0_i32 = arith.constant 0 : i32
    %c0_i32_0 = arith.constant 0 : i32
    %c0_i32_1 = arith.constant 0 : i32
    return %c0_i32, %c0_i32_0 : i32, i32
  }
  func.func @transform_10(%arg0: i32) -> (i32, i32) {
    %c0_i32 = arith.constant 0 : i32
    %c0_i32_0 = arith.constant 0 : i32
    %c0_i32_1 = arith.constant 0 : i32
    return %c0_i32, %c0_i32_0 : i32, i32
  }
  func.func @transform_11(%arg0: i32) -> (i32, i32) {
    %c0_i32 = arith.constant 0 : i32
    %c0_i32_0 = arith.constant 0 : i32
    %c0_i32_1 = arith.constant 0 : i32
    return %c0_i32, %c0_i32_0 : i32, i32
  }
  func.func @transform_12(%arg0: i32) -> (i32, i32) {
    %c0_i32 = arith.constant 0 : i32
    %c0_i32_0 = arith.constant 0 : i32
    %c0_i32_1 = arith.constant 0 : i32
    return %c0_i32, %c0_i32_0 : i32, i32
  }
  func.func @transform_13(%arg0: i32) -> (i32, i32) {
    %c0_i32 = arith.constant 0 : i32
    %c0_i32_0 = arith.constant 0 : i32
    %c0_i32_1 = arith.constant 0 : i32
    return %c0_i32, %c0_i32_0 : i32, i32
  }
  func.func @transform_14(%arg0: i32) -> (i32, i32) {
    %c0_i32 = arith.constant 0 : i32
    %c0_i32_0 = arith.constant 0 : i32
    return %arg0, %c0_i32 : i32, i32
  }
}

</mosaic_0001>

<sc_bundles>
// kernel: kernel.11.cloned.1.call-start
scs
__scs_entry_jumppad:
0x0: {  	(pc) =	sbr.rel $0x88, $3  }
0x1: {  	(tag) =	ssettag $0x0;
	lr =	simm.s32 $0x1  }
0x2: {  	[smem:$0x3F87] =	sst lr;
	_ =	strace $0xD0000000  }
0x3: {  	_ = 	snop  }
0x4: {  	_ = 	snop  }
0x5: {  	_ = 	snop  }
0x6: {  	_ = 	snop  }
0x7: {  	_ = 	snop  }
__scs_overlays_trampoline_lowered:
0x8: {  	[smem:$0x3F96] =	sst s0  }
0x9: {  	[smem:$0x3F97] =	sst s1  }
0xa: {  	[smem:$0x3F98] =	sst s2  }
0xb: {  	[smem:$0x3F99] =	sst s3  }
0xc: {  	[smem:$0x3F9A] =	sst s4  }
0xd: {  	[smem:$0x3F9B] =	sst s5  }
0xe: {  	[smem:$0x3F9C] =	sst s6  }
0xf: {  	[smem:$0x3F9D] =	sst s7  }
0x10: {  	[smem:$0x3F9E] =	sst s8  }
0x11: {  	[smem:$0x3F9F] =	sst s9;
	s0 =	simm.s32 @!p0 $0x0  }
0x12: {  	s1 =	sld [smem:$0x3F85];
	s0 =	simm.s32 @p0 $0x1  }
0x13: {  	[smem:$0x3FA0] =	sst s0;
	s0 =	simm.s32 @!p1 $0x0  }
0x14: {  	s2 =	sld [smem:$0x3F84];
	s0 =	simm.s32 @p1 $0x1  }
0x15: {  	[smem:$0x3FA1] =	sst s0;
	s0 =	simm.s32 @!p2 $0x0  }
0x16: {  	s3 =	sld [smem:$0x3FDB];
	s0 =	simm.s32 @p2 $0x1  }
0x17: {  	s4 =	simm.s32 $0x1BF5;
	[smem:$0x3FA3] =	sst s0  }
0x18: {  	s0 =	sld [smem:$0x3F86];
	_ =	swait.ge [sflag:s4], $0x0  }
0x19: {  	s7 =	sld [smem:$0x3F87]  }
0x1a: {  	s8 =	sadd.s32 $0xFFFFE003, lr  }
0x1b: {  	s9 =	sadd.s32 $0xFFFFFEF7, lr;
	s5 =	simm.s32 $0xFFFFFFFF;
	p2 =	slt.u32 s8, $0xFFFFF086  }
0x1c: {  	p1 =	slt.u32 s9, $0xF7A;
	s5 =	simm.s32 @!p2 $0x0  }
0x1d: {  	s5 =	simm.s32 @p1 $0x1;
	p0 =	seq.s32 s7, s2  }
0x1e: {  	s7 =	smul.u32 @!p0 $0xF7A, s2;
	p2 =	seq.s32 @!p0 s5, $0x0  }
0x1f: {  	s9 =	smul.u32 $0xF7A, s1;
	s8 =	simm.s32 @!p0 $0x1BF5;
	p2 =	por !p2, p0  }
0x20: {  	[sflag:s8] =	ssyncset.s32 @!p0 $0xFFFFF086;
	s6 =	sadd.s32 @!p0 s3, s7;
	s7 =	simm.s32 @!p0 $0x108  }
0x21: {  	s3 =	sadd.s32 s3, s9;
	s6 =	sadd.s32 @!p0 $0x88, s6;
	s7 =	simm.s32 @p2 $0x1082  }
0x22: {  	[simem:s7], [sflag:s8] =	dma.local @!p0 [hbm:s6], $0xF7A  }
0x23: {  	s9 =	sor.u32 $0xD0000000, s2;
	s6 =	simm.s32 $0x108;
	_ =	swait.ge @!p0 [sflag:s8], $0x0  }
0x24: {  	s3 =	sadd.s32 $0x88, s3;
	s6 =	simm.s32 @!p1 $0x1082;
	[sflag:s4] =	ssyncset.s32 $0xFFFFF086  }
0x25: {  	[simem:s6], [sflag:s4] =	dma.local [hbm:s3], $0xF7A  }
0x26: {  	[smem:$0x3F87] =	sst s1;
	(tag) =	ssettag s2;
	_ =	strace s9  }
0x27: {  	s1 =	sld [smem:$0x3F97]  }
0x28: {  	s2 =	sld [smem:$0x3F98]  }
0x29: {  	s4 =	sld [smem:$0x3F9A]  }
0x2a: {  	p0 =	seq.s32 s5, $0x0;
	s5 =	sld [smem:$0x3F9B]  }
0x2b: {  	s6 =	sld [smem:$0x3F9C]  }
0x2c: {  	s7 =	sld [smem:$0x3F9D]  }
0x2d: {  	s3 =	simm.s32 $0x108;
	s8 =	sld [smem:$0x3F9E]  }
0x2e: {  	s3 =	simm.s32 @!p0 $0x1082;
	s9 =	sld [smem:$0x3F9F]  }
0x2f: {  	lr =	sadd.s32 s0, s3;
	s0 =	sld [smem:$0x3F96]  }
0x30: {  	s3 =	sld [smem:$0x3F99]  }
0x31: {  	[smem:$0x3FA2] =	sst s10  }
0x32: {  	s10 =	sld [smem:$0x3FA0];
	_ =	sdelay $0x3  }
0x33: {  	p0 =	seq.s32 s10, $0x1;
	s10 =	sld [smem:$0x3FA2];
	_ =	sdelay $0x3  }
0x34: {  	[smem:$0x3FA2] =	sst s10  }
0x35: {  	s10 =	sld [smem:$0x3FA1];
	_ =	sdelay $0x3  }
0x36: {  	p1 =	seq.s32 s10, $0x1;
	s10 =	sld [smem:$0x3FA2];
	_ =	sdelay $0x3  }
0x37: {  	[smem:$0x3FA2] =	sst s10  }
0x38: {  	s10 =	sld [smem:$0x3FA3]  }
0x39: {  	_ = 	snop;
	(pc) =	sbr.ind lr, $3  }
0x3a: {  	_ = 	snop  }
0x3b: {  	_ = 	snop  }
0x3c: {  	p2 =	seq.s32 s10, $0x1;
	s10 =	sld [smem:$0x3FA2]  }
0x3d: {  	_ =	shalt  }
0x3e: {  	_ =	shalt  }
0x3f: {  	_ =	shalt  }
0x40: {  	_ =	shalt  }
0x41: {  	_ =	shalt  }
0x42: {  	_ =	shalt  }
0x43: {  	_ =	shalt  }
0x44: {  	_ =	shalt  }
0x45: {  	_ =	shalt  }
0x46: {  	_ =	shalt  }
0x47: {  	_ =	shalt  }
0x48: {  	_ =	shalt  }
0x49: {  	_ =	shalt  }
0x4a: {  	_ =	shalt  }
0x4b: {  	_ =	shalt  }
0x4c: {  	_ =	shalt  }
0x4d: {  	_ =	shalt  }
0x4e: {  	_ =	shalt  }
0x4f: {  	_ =	shalt  }
0x50: {  	_ =	shalt  }
0x51: {  	_ =	shalt  }
0x52: {  	_ =	shalt  }
0x53: {  	_ =	shalt  }
0x54: {  	_ =	shalt  }
0x55: {  	_ =	shalt  }
0x56: {  	_ =	shalt  }
0x57: {  	_ =	shalt  }
0x58: {  	_ =	shalt  }
0x59: {  	_ =	shalt  }
0x5a: {  	_ =	shalt  }
0x5b: {  	_ =	shalt  }
0x5c: {  	_ =	shalt  }
0x5d: {  	_ =	shalt  }
0x5e: {  	_ =	shalt  }
0x5f: {  	_ =	shalt  }
0x60: {  	_ =	shalt  }
0x61: {  	_ =	shalt  }
0x62: {  	_ =	shalt  }
0x63: {  	_ =	shalt  }
0x64: {  	_ =	shalt  }
0x65: {  	_ =	shalt  }
0x66: {  	_ =	shalt  }
0x67: {  	_ =	shalt  }
0x68: {  	_ =	shalt  }
0x69: {  	_ =	shalt  }
0x6a: {  	_ =	shalt  }
0x6b: {  	_ =	shalt  }
0x6c: {  	_ =	shalt  }
0x6d: {  	_ =	shalt  }
0x6e: {  	_ =	shalt  }
0x6f: {  	_ =	shalt  }
0x70: {  	_ =	shalt  }
0x71: {  	_ =	shalt  }
0x72: {  	_ =	shalt  }
0x73: {  	_ =	shalt  }
0x74: {  	_ =	shalt  }
0x75: {  	_ =	shalt  }
0x76: {  	_ =	shalt  }
0x77: {  	_ =	shalt  }
0x78: {  	_ =	shalt  }
0x79: {  	_ =	shalt  }
0x7a: {  	_ =	shalt  }
0x7b: {  	_ =	shalt  }
0x7c: {  	_ =	shalt  }
0x7d: {  	_ =	shalt  }
0x7e: {  	_ =	shalt  }
0x7f: {  	_ =	shalt  }
0x80: {  	_ =	shalt  }
0x81: {  	_ =	shalt  }
0x82: {  	_ =	shalt  }
0x83: {  	_ =	shalt  }
0x84: {  	_ =	shalt  }
0x85: {  	_ =	shalt  }
0x86: {  	_ =	shalt  }
0x87: {  	_ =	shalt  }
.Lfunc_end0:
.L_simem_size_0:
called_computation.1_lowered:
.L_overlay_start_0:
0x88: {  	s2 =	sld [smem:$0x3FD9]  }
0x89: {  	s3 =	sld [smem:$0x3FFE];
	_ =	sdelay $0x1  }
0x8a: {  	s1 =	srdreg.scid  }
0x8b: {  	s0 =	sand.u32 $0x1, s1  }
0x8c: {  	s16 =	sshll.u32 s0, $0xA;
	s2 =	sadd.s32 s3, s2  }
0x8d: {  	s2 =	sadd.s32 s2, s16  }
0x8e: {  	[smem:$0x3FAE] =	sst s2  }
0x8f: {  	_ = 	snop  }
0x90: {  	(tm) =	ssettm $0x1  }
0x91: {  	s17 =	sld [smem:$0x3FFB];
	_ =	sdelay $0x3  }
0x92: {  	_ =	strace s17  }
0x93: {  	s2 =	sld [smem:$0x3FFC];
	_ =	sdelay $0x3  }
0x94: {  	_ =	strace s2  }
0x95: {  	s2 =	sld [smem:$0x3FFD];
	_ =	sdelay $0x3  }
0x96: {  	_ =	strace s2  }
0x97: {  	_ =	strace $0x8FFFFFFF  }
0x98: {  	s18 =	sld [smem:$0x3FDB];
	_ =	sdelay $0x1  }
0x99: {  	s19 =	simm.s32 $_scs_section_size  }
0x9a: {  	s4 =	simm.s32 $_size__tile_overlayer_lowered;
	s5 =	simm.s32 $_tile_overlayer_lowered  }
0x9b: {  	s22 =	simm.s32 $0x1BFF;
	s21 =	sshll.u32 s5, $0x1;
	s2 =	sadd.s32 s19, s18  }
0x9c: {  	s6 =	simm.s32 $0x0;
	s20 =	sshll.u32 s4, $0x1;
	s4 =	sadd.s32 s21, s2  }
0x9d: {  	[timem:s6], [sflag:s22] =	dma.local [hbm:s4], s20  }
0x9e: {  	_ =	swait.ge [sflag:s22], s20  }
0x9f: {  	s3 =	ssub.s32 $0x0, s20;
	[sflag:s22] =	ssyncset.done $0x0  }
0xa0: {  	[sflag:s22] =	ssyncadd.s32 s3;
	_ =	sdelay $0x1  }
0xa1: {  	s23 =	simm.s32 $0x1B8B  }
0xa2: {  	_ =	swait.ge [sflag:s23], $0x1  }
0xa3: {  	[sflag:s23] =	ssyncset.done $0x0  }
0xa4: {  	s25 =	simm.s32 $0x1B8E;
	s24 =	sld [smem:$0x3FFE];
	[sflag:s23] =	ssyncadd.s32 $0xFFFFFFFF  }
0xa5: {  	s26 =	simm.s32 $execute0_lowered;
	[smem:$0x3FD2] =	sst s25  }
0xa6: {  	s4 =	sshll.u32 s26, $0x1;
	_ =	strace $0x80000049;
	[dreg:$0x1] =	wrdreg $0xFFFFFFFF  }
0xa7: {  	s28 =	simm.s32 $_size_execute0_lowered;
	s2 =	sadd.s32 s2, s4;
	[dreg:$0x0] =	wrdreg $0x0  }
0xa8: {  	s4 =	sshll.u32 s28, $0x1;
	[dreg:$0x2] =	wrdreg s2  }
0xa9: {  	[dreg:$0x3] =	wrdreg s4  }
0xaa: {  	[dreg:$0x4] =	wrdreg $0xC0  }
0xab: {  	_ =	task [dreg:s6], $0x5FFFF  }
0xac: {  	[dreg:$0x1] =	wrdreg $0xFFFFFFFF  }
0xad: {  	[dreg:$0x0] =	wrdreg $0x60  }
0xae: {  	[dreg:$0x2] =	wrdreg s24  }
0xaf: {  	[dreg:$0x3] =	wrdreg $0x6C000  }
0xb0: {  	[dreg:$0x4] =	wrdreg $0x9  }
0xb1: {  	_ =	task.clear_ibuf [dreg:s6], $0x5FFFF;
	_ =	strace $0x90000049  }
0xb2: {  	s29 =	simm.s32 $0x9;
	_ =	strace $0x8000004B  }
0xb3: {  	_ =	swait.ge [sflag:s29], $0x1  }
0xb4: {  	[sflag:s29] =	ssyncadd.s32 $0xFFFFFFFF  }
0xb5: {  	_ =	strace $0x9000004B  }
0xb6: {  	_ =	sfence  }
0xb7: {  	s30 =	sld [smem:$0x0];
	_ =	sdelay $0x2  }
0xb8: {  	s31 =	sshll.u32 s1, $0xD;
	s1 =	sshrl.u32 s1, $0x2  }
0xb9: {  	s3 =	sand.u32 $0x4000, s31;
	s1 =	sadd.s32 s1, s30  }
0xba: {  	s0 =	sor.u32 s3, s0;
	s1 =	sshll.u32 s1, $0x11  }
0xbb: {  	s0 =	sor.u32 s1, s0  }
0xbc: {  	s0 =	sadd.s32 $0x8F2B, s0  }
0xbd: {  	[sflag:s0] =	ssyncadd.remote.s32 $0x1  }
0xbe: {  	_ =	sfence.sel $0xFFFF  }
0xbf: {  	[dreg:$0x0] =	wrdreg $0xFFFFFFFF;
	(pc) =	sbr.abs _section_cstart, $3  }
0xc0: {  	[dreg:$0x1] =	wrdreg $0xFFFFFFFF  }
0xc1: {  	_ =	task.clear_ibuf [dreg:s6], $0x2FFFF;
	_ =	strace $0x9FFFFFFF  }
0xc2: {  	(tm) =	ssettm $0x7FFFFFFF  }
0xc3: {  	_ =	shalt  }
tec
execute0_lowered:
.L_overlay_start_1:
0x0: {  	(tag) =	ssettag $0x1  }
0x1: {  	s0 =	srdreg.scid  }
0x2: {  	s12 =	stileid.u32;
	s1 =	rddreg [dreg:$0x0]  }
0x3: {  	s2 =	rddreg [dreg:$0x1];
	s4 =	smul.u32 $0x310000, s12  }
0x4: {  	s3 =	simm.s32 $0x0;
	s0 =	sand.u32 $0x1, s0;
	s6 =	smul.u32 $0x64000, s12  }
0x5: {  	[smem:$0x7FF] =	sst s3;
	s8 =	sadd.s32 $0x1EE600, s1;
	s20 =	smul.u32 $0x32000, s12  }
0x6: {  	s14 =	sadd.s32 $0x18CA00, s1;
	s30 =	smul.u32 $0x3100, s12;
	s5 =	sshll.u32 s0, $0x4  }
0x7: {  	_ =	strace $0x8000004A;
	s9 =	ssub.s32 $0x2, s0;
	s24 =	smul.u32 $0xC4000, s0  }
0x8: {  	s0 =	sshll.u32 s0, $0x1;
	s4 =	sor.u32 s5, s4;
	s5 =	sor.u32 s5, s20  }
0x9: {  	s13 =	sshrl.u32 s6, $0x2;
	s4 =	sshrl.u32 s4, $0x3;
	s5 =	sshrl.u32 s5, $0x3  }
0xa: {  	s6 =	sadd.s32 s0, s14;
	s7 =	sadd.s32 s4, s1;
	s26 =	sadd.s32 s14, s5  }
0xb: {  	s4 =	sadd.s32 s13, s2;
	s14 =	sadd.s32 s30, s8;
	[dreg:$0xd] =	wrdreg s26  }
0xc: {  	s15 =	sadd.s32 $0x1000, s4;
	[dreg:$0x10] =	wrdreg s14  }
0xd: {  	s16 =	sadd.s32 $0x1800, s4;
	[dreg:$0x3] =	wrdreg s15  }
0xe: {  	s17 =	sadd.s32 $0x2000, s4;
	[dreg:$0x4] =	wrdreg s16  }
0xf: {  	s18 =	sadd.s32 $0x2800, s4;
	[dreg:$0x5] =	wrdreg s17  }
0x10: {  	s19 =	sadd.s32 $0x3000, s4;
	[dreg:$0x6] =	wrdreg s18  }
0x11: {  	s11 =	sadd.s32 $0x3800, s4;
	[dreg:$0x7] =	wrdreg s19  }
0x12: {  	s21 =	sadd.s32 $0x4000, s4;
	[dreg:$0x8] =	wrdreg s11  }
0x13: {  	s22 =	sadd.s32 $0x4800, s4;
	[dreg:$0x9] =	wrdreg s21  }
0x14: {  	s25 =	smul.u32 $0xC400, s12;
	s23 =	sadd.s32 $0x5000, s4;
	[dreg:$0xa] =	wrdreg s22  }
0x15: {  	s1 =	sadd.s32 $0x21F600, s1;
	s13 =	sadd.s32 $0x5800, s4;
	[dreg:$0xb] =	wrdreg s23  }
0x16: {  	s5 =	sadd.s32 s1, s5;
	[dreg:$0xc] =	wrdreg s13  }
0x17: {  	s28 =	sadd.s32 s25, s24;
	s24 =	sadd.s32 $0xA000, s4;
	[dreg:$0xe] =	wrdreg s5  }
0x18: {  	s26 =	sadd.s32 $0xA800, s4;
	[dreg:$0x1a] =	wrdreg s24  }
0x19: {  	s10 =	sshrl.u32 s9, $0x1;
	s30 =	sadd.s32 $0xB800, s4;
	[dreg:$0x1b] =	wrdreg s26  }
0x1a: {  	s0 =	sadd.s32 s0, s1;
	s1 =	sadd.s32 $0xC000, s4;
	[dreg:$0x1d] =	wrdreg s30  }
0x1b: {  	s25 =	sadd.s32 $0xB1BA00, s7;
	s7 =	sadd.s32 $0xD800, s4;
	[dreg:$0x1e] =	wrdreg s1  }
0x1c: {  	s9 =	ssub.s32 s9, s10;
	s10 =	sadd.s32 $0xF000, s4;
	[smem:$0x7EA] =	sst s7  }
0x1d: {  	p0 =	seq.s32 s12, $0xF;
	s12 =	sadd.s32 $0x10000, s4;
	[smem:$0x7ED] =	sst s10  }
0x1e: {  	s14 =	sadd.s32 $0x11000, s4;
	[smem:$0x7EF] =	sst s12  }
0x1f: {  	s11 =	sadd.s32 $0x6000, s4;
	[smem:$0x7F1] =	sst s14  }
0x20: {  	s15 =	sadd.s32 $0x6800, s4;
	[dreg:$0xf] =	wrdreg s11  }
0x21: {  	s16 =	sadd.s32 $0x5DC00, s6;
	[dreg:$0x11] =	wrdreg s15  }
0x22: {  	s0 =	sadd.s32 $0x5DC00, s0;
	[dreg:$0x12] =	wrdreg s16  }
0x23: {  	s17 =	smax.u32 s9, $0x1;
	[dreg:$0x13] =	wrdreg s0  }
0x24: {  	s18 =	sadd.s32 $0x7800, s4;
	[dreg:$0x14] =	wrdreg s17  }
0x25: {  	s19 =	sadd.s32 $0x8000, s4;
	[dreg:$0x15] =	wrdreg s18  }
0x26: {  	s21 =	sadd.s32 $0x8800, s4;
	[dreg:$0x16] =	wrdreg s19  }
0x27: {  	s22 =	sadd.s32 $0x9000, s4;
	[dreg:$0x17] =	wrdreg s21  }
0x28: {  	s23 =	sadd.s32 $0x9800, s4;
	[dreg:$0x18] =	wrdreg s22  }
0x29: {  	s13 =	sshrl.u32 s28, $0x3;
	s28 =	sadd.s32 $0xB000, s4;
	[dreg:$0x19] =	wrdreg s23  }
0x2a: {  	s5 =	sadd.s32 $0xC800, s4;
	[dreg:$0x1c] =	wrdreg s28  }
0x2b: {  	s6 =	sadd.s32 $0xD000, s4;
	[dreg:$0x1f] =	wrdreg s5  }
0x2c: {  	s9 =	sadd.s32 $0xE800, s4;
	[smem:$0x7E9] =	sst s6  }
0x2d: {  	s24 =	sadd.s32 $0x15800, s4;
	[smem:$0x7EC] =	sst s9  }
0x2e: {  	s26 =	sadd.s32 $0x16000, s4;
	[smem:$0x7FA] =	sst s24  }
0x2f: {  	s30 =	sadd.s32 $0x177000, s2;
	[smem:$0x7FB] =	sst s26  }
0x30: {  	s20 =	sadd.s32 s13, s8;
	s8 =	sadd.s32 $0xE000, s4;
	[smem:$0x7FD] =	sst s30  }
0x31: {  	s11 =	sadd.s32 $0xF800, s4;
	[smem:$0x7EB] =	sst s8  }
0x32: {  	s29 =	sadd.s32 $0x800, s4;
	s13 =	sadd.s32 $0x10800, s4;
	[smem:$0x7EE] =	sst s11  }
0x33: {  	s31 =	sadd.s32 $0x7000, s4;
	s15 =	sadd.s32 $0x11800, s4;
	[smem:$0x7F0] =	sst s13  }
0x34: {  	s7 =	simm.s32 $0x400;
	s16 =	sadd.s32 $0x12000, s4;
	[smem:$0x7F2] =	sst s15  }
0x35: {  	s10 =	simm.s32 $0x3400;
	s17 =	sadd.s32 $0x12800, s4;
	[smem:$0x7F3] =	sst s16  }
0x36: {  	s12 =	simm.s32 $0x200;
	s18 =	sadd.s32 $0x13000, s4;
	[smem:$0x7F4] =	sst s17  }
0x37: {  	s14 =	simm.s32 $0x0;
	s19 =	sadd.s32 $0x13800, s4;
	[smem:$0x7F5] =	sst s18  }
0x38: {  	s21 =	sadd.s32 $0x14000, s4;
	s22 =	sadd.s32 $0x14800, s4;
	[smem:$0x7F6] =	sst s19  }
0x39: {  	s23 =	sadd.s32 $0x15000, s4;
	s28 =	sadd.s32 $0x16800, s4;
	[smem:$0x7F7] =	sst s21  }
0x3a: {  	s0 =	sadd.s32 $0x17000, s4;
	s24 =	simm.s32 $0x2;
	[smem:$0x7F8] =	sst s22  }
0x3b: {  	s5 =	simm.s32 $0x10;
	s6 =	simm.s32 $0x80;
	[smem:$0x7F9] =	sst s23  }
0x3c: {  	s9 =	simm.s32 $0x2400;
	[smem:$0x7FC] =	sst s28;
	s16 =	sadd.s32 $0x17800, s4  }
0x3d: {  	s17 =	sadd.s32 $0x18000, s4;
	s22 =	sadd.s32 $0x18800, s4;
	s23 =	simm.s32 $0x4400  }
0x3e: {  	v0 =	vimm.f32 $0.0e+00;
	v1 =	vimm.f32 $1.000000000e+00;
	s8 =	simm.s32 $0x1400;
	s11 =	simm.s32 $0x1;
	s13 =	simm.s32 $0x4C00  }
.LBB2_1:
0x3f: {  	s15 =	simm.s32 $0x0  }
.LBB2_2:
0x40: {  	p1 =	sne.s32 s15, $0x1FC0  }
.Ltmp0:
0x41: {  	_ = 	snop;
	(pc) =	sbr.rel @p1 .LBB2_2-.Ltmp0, $3  }
0x42: {  	_ =	sdelay $0x1  }
0x43: {  	s18 =	sshra.s32 s15, $0x2  }
0x44: {  	s15 =	sadd.s32 $0x40, s15;
	[tilespmem:s18+$0x4400] =	vst v0  }
0x45: {  	s15 =	simm.s32 $0x40;
	s18 =	simm.s32 $0x0  }
.LBB2_4:
0x46: {  	p1 =	sne.s32 s15, $0x7FC0;
	[tilespmem:s18+$0x4C00] =	vst v1;
	s18 =	smov.u32 s15;
	s15 =	sadd.s32 $0x40, s15  }
.Ltmp1:
0x47: {  	(pc) =	sbr.rel @p1 .LBB2_4-.Ltmp1, $2  }
0x48: {  	_ =	sdelay $0x2  }
0x49: {  	s18 =	sshra.s32 s18, $0x2  }
0x4a: {  	[tilespmem:s18+$0x4C00] =	vst v1  }
0x4b: {  	[spmem:s4] =	stream.linear.scatter [tilespmem:s23], [sflag:$0x2], $0x800, $0x38;
	[tilespmem:$0x1FC00] =	vst v63  }
0x4c: {  	_ =	swait.ge [sflag:s24], $0x800  }
0x4d: {  	[sflag:s24] =	ssyncset.done $0x0  }
0x4e: {  	[sflag:s24] =	ssyncadd.s32 $0xFFFFF800  }
0x4f: {  	[spmem:s29] =	stream.linear.scatter [tilespmem:s23], [sflag:$0x2], $0x800, $0x38;
	[tilespmem:$0x1FC00] =	vst v63  }
0x50: {  	_ =	swait.ge [sflag:s24], $0x800  }
0x51: {  	[sflag:s24] =	ssyncset.done $0x0  }
0x52: {  	s15 =	rddreg [dreg:$0x3];
	[sflag:s24] =	ssyncadd.s32 $0xFFFFF800  }
0x53: {  	[spmem:s15] =	stream.linear.scatter [tilespmem:s23], [sflag:$0x2], $0x800, $0x38;
	[tilespmem:$0x1FC00] =	vst v63  }
0x54: {  	_ =	swait.ge [sflag:s24], $0x800  }
0x55: {  	[sflag:s24] =	ssyncset.done $0x0  }
0x56: {  	s28 =	rddreg [dreg:$0x4];
	[sflag:s24] =	ssyncadd.s32 $0xFFFFF800  }
0x57: {  	[spmem:s28] =	stream.linear.scatter [tilespmem:s23], [sflag:$0x2], $0x800, $0x38;
	[tilespmem:$0x1FC00] =	vst v63  }
0x58: {  	_ =	swait.ge [sflag:s24], $0x800  }
0x59: {  	[sflag:s24] =	ssyncset.done $0x0  }
0x5a: {  	s30 =	rddreg [dreg:$0x5];
	[sflag:s24] =	ssyncadd.s32 $0xFFFFF800  }
0x5b: {  	[spmem:s30] =	stream.linear.scatter [tilespmem:s23], [sflag:$0x2], $0x800, $0x38;
	[tilespmem:$0x1FC00] =	vst v63  }
0x5c: {  	_ =	swait.ge [sflag:s24], $0x800  }
0x5d: {  	[sflag:s24] =	ssyncset.done $0x0  }
0x5e: {  	s1 =	rddreg [dreg:$0x6];
	[sflag:s24] =	ssyncadd.s32 $0xFFFFF800  }
0x5f: {  	[spmem:s1] =	stream.linear.scatter [tilespmem:s23], [sflag:$0x2], $0x800, $0x38;
	[tilespmem:$0x1FC00] =	vst v63  }
0x60: {  	_ =	swait.ge [sflag:s24], $0x800  }
0x61: {  	[sflag:s24] =	ssyncset.done $0x0  }
0x62: {  	s18 =	rddreg [dreg:$0x7];
	[sflag:s24] =	ssyncadd.s32 $0xFFFFF800  }
0x63: {  	[spmem:s18] =	stream.linear.scatter [tilespmem:s23], [sflag:$0x2], $0x800, $0x38;
	[tilespmem:$0x1FC00] =	vst v63  }
0x64: {  	_ =	swait.ge [sflag:s24], $0x800  }
0x65: {  	[sflag:s24] =	ssyncset.done $0x0  }
0x66: {  	s19 =	rddreg [dreg:$0x8];
	[sflag:s24] =	ssyncadd.s32 $0xFFFFF800  }
0x67: {  	[spmem:s19] =	stream.linear.scatter [tilespmem:s23], [sflag:$0x2], $0x800, $0x38;
	[tilespmem:$0x1FC00] =	vst v63  }
0x68: {  	_ =	swait.ge [sflag:s24], $0x800  }
0x69: {  	[sflag:s24] =	ssyncset.done $0x0  }
0x6a: {  	s21 =	rddreg [dreg:$0x9];
	[sflag:s24] =	ssyncadd.s32 $0xFFFFF800  }
0x6b: {  	[spmem:s21] =	stream.linear.scatter [tilespmem:s23], [sflag:$0x2], $0x800, $0x38;
	[tilespmem:$0x1FC00] =	vst v63  }
0x6c: {  	_ =	swait.ge [sflag:s24], $0x800  }
0x6d: {  	[sflag:s24] =	ssyncset.done $0x0  }
0x6e: {  	s26 =	rddreg [dreg:$0xa];
	[sflag:s24] =	ssyncadd.s32 $0xFFFFF800  }
0x6f: {  	[spmem:s26] =	stream.linear.scatter [tilespmem:s23], [sflag:$0x2], $0x800, $0x38;
	[tilespmem:$0x1FC00] =	vst v63  }
0x70: {  	_ =	swait.ge [sflag:s24], $0x800  }
0x71: {  	[sflag:s24] =	ssyncset.done $0x0  }
0x72: {  	s28 =	rddreg [dreg:$0xb];
	[sflag:s24] =	ssyncadd.s32 $0xFFFFF800  }
0x73: {  	[spmem:s28] =	stream.linear.scatter [tilespmem:s23], [sflag:$0x2], $0x800, $0x38;
	[tilespmem:$0x1FC00] =	vst v63  }
0x74: {  	_ =	swait.ge [sflag:s24], $0x800  }
0x75: {  	[sflag:s24] =	ssyncset.done $0x0  }
0x76: {  	s30 =	rddreg [dreg:$0xc];
	[sflag:s24] =	ssyncadd.s32 $0xFFFFF800  }
0x77: {  	[spmem:s30] =	stream.linear.scatter [tilespmem:s23], [sflag:$0x2], $0x800, $0x38;
	[tilespmem:$0x1FC00] =	vst v63  }
0x78: {  	_ =	swait.ge [sflag:s24], $0x800  }
0x79: {  	[sflag:s24] =	ssyncset.done $0x0  }
0x7a: {  	s1 =	rddreg [dreg:$0xf];
	[sflag:s24] =	ssyncadd.s32 $0xFFFFF800  }
0x7b: {  	[spmem:s1] =	stream.linear.scatter [tilespmem:s23], [sflag:$0x2], $0x800, $0x38;
	[tilespmem:$0x1FC00] =	vst v63  }
0x7c: {  	_ =	swait.ge [sflag:s24], $0x800  }
0x7d: {  	[sflag:s24] =	ssyncset.done $0x0  }
0x7e: {  	s18 =	rddreg [dreg:$0x11];
	[sflag:s24] =	ssyncadd.s32 $0xFFFFF800  }
0x7f: {  	[spmem:s18] =	stream.linear.scatter [tilespmem:s23], [sflag:$0x2], $0x800, $0x38;
	[tilespmem:$0x1FC00] =	vst v63  }
0x80: {  	_ =	swait.ge [sflag:s24], $0x800  }
0x81: {  	[sflag:s24] =	ssyncset.done $0x0  }
0x82: {  	[sflag:s24] =	ssyncadd.s32 $0xFFFFF800  }
0x83: {  	[spmem:s31] =	stream.linear.scatter [tilespmem:s23], [sflag:$0x2], $0x800, $0x38;
	[tilespmem:$0x1FC00] =	vst v63  }
0x84: {  	_ =	swait.ge [sflag:s24], $0x800  }
0x85: {  	[sflag:s24] =	ssyncset.done $0x0  }
0x86: {  	s1 =	rddreg [dreg:$0x15];
	[sflag:s24] =	ssyncadd.s32 $0xFFFFF800  }
0x87: {  	[spmem:s1] =	stream.linear.scatter [tilespmem:s23], [sflag:$0x2], $0x800, $0x38;
	[tilespmem:$0x1FC00] =	vst v63  }
0x88: {  	_ =	swait.ge [sflag:s24], $0x800  }
0x89: {  	[sflag:s24] =	ssyncset.done $0x0  }
0x8a: {  	s19 =	rddreg [dreg:$0x16];
	[sflag:s24] =	ssyncadd.s32 $0xFFFFF800  }
0x8b: {  	[spmem:s19] =	stream.linear.scatter [tilespmem:s23], [sflag:$0x2], $0x800, $0x38;
	[tilespmem:$0x1FC00] =	vst v63  }
0x8c: {  	_ =	swait.ge [sflag:s24], $0x800  }
0x8d: {  	[sflag:s24] =	ssyncset.done $0x0  }
0x8e: {  	s21 =	rddreg [dreg:$0x17];
	[sflag:s24] =	ssyncadd.s32 $0xFFFFF800  }
0x8f: {  	[spmem:s21] =	stream.linear.scatter [tilespmem:s23], [sflag:$0x2], $0x800, $0x38;
	[tilespmem:$0x1FC00] =	vst v63  }
0x90: {  	_ =	swait.ge [sflag:s24], $0x800  }
0x91: {  	[sflag:s24] =	ssyncset.done $0x0  }
0x92: {  	s26 =	rddreg [dreg:$0x18];
	[sflag:s24] =	ssyncadd.s32 $0xFFFFF800  }
0x93: {  	[spmem:s26] =	stream.linear.scatter [tilespmem:s23], [sflag:$0x2], $0x800, $0x38;
	[tilespmem:$0x1FC00] =	vst v63  }
0x94: {  	_ =	swait.ge [sflag:s24], $0x800  }
0x95: {  	[sflag:s24] =	ssyncset.done $0x0  }
0x96: {  	s28 =	rddreg [dreg:$0x19];
	[sflag:s24] =	ssyncadd.s32 $0xFFFFF800  }
0x97: {  	[spmem:s28] =	stream.linear.scatter [tilespmem:s23], [sflag:$0x2], $0x800, $0x38;
	[tilespmem:$0x1FC00] =	vst v63  }
0x98: {  	_ =	swait.ge [sflag:s24], $0x800  }
0x99: {  	[sflag:s24] =	ssyncset.done $0x0  }
0x9a: {  	s30 =	rddreg [dreg:$0x1a];
	[sflag:s24] =	ssyncadd.s32 $0xFFFFF800  }
0x9b: {  	[spmem:s30] =	stream.linear.scatter [tilespmem:s23], [sflag:$0x2], $0x800, $0x38;
	[tilespmem:$0x1FC00] =	vst v63  }
0x9c: {  	_ =	swait.ge [sflag:s24], $0x800  }
0x9d: {  	[sflag:s24] =	ssyncset.done $0x0  }
0x9e: {  	s15 =	rddreg [dreg:$0x1b];
	[sflag:s24] =	ssyncadd.s32 $0xFFFFF800  }
0x9f: {  	[spmem:s15] =	stream.linear.scatter [tilespmem:s23], [sflag:$0x2], $0x800, $0x38;
	[tilespmem:$0x1FC00] =	vst v63  }
0xa0: {  	_ =	swait.ge [sflag:s24], $0x800  }
0xa1: {  	[sflag:s24] =	ssyncset.done $0x0  }
0xa2: {  	s18 =	rddreg [dreg:$0x1c];
	[sflag:s24] =	ssyncadd.s32 $0xFFFFF800  }
0xa3: {  	[spmem:s18] =	stream.linear.scatter [tilespmem:s23], [sflag:$0x2], $0x800, $0x38;
	[tilespmem:$0x1FC00] =	vst v63  }
0xa4: {  	_ =	swait.ge [sflag:s24], $0x800  }
0xa5: {  	[sflag:s24] =	ssyncset.done $0x0  }
0xa6: {  	s19 =	rddreg [dreg:$0x1d];
	[sflag:s24] =	ssyncadd.s32 $0xFFFFF800  }
0xa7: {  	[spmem:s19] =	stream.linear.scatter [tilespmem:s23], [sflag:$0x2], $0x800, $0x38;
	[tilespmem:$0x1FC00] =	vst v63  }
0xa8: {  	_ =	swait.ge [sflag:s24], $0x800  }
0xa9: {  	[sflag:s24] =	ssyncset.done $0x0  }
0xaa: {  	s21 =	rddreg [dreg:$0x1e];
	[sflag:s24] =	ssyncadd.s32 $0xFFFFF800  }
0xab: {  	[spmem:s21] =	stream.linear.scatter [tilespmem:s23], [sflag:$0x2], $0x800, $0x38;
	[tilespmem:$0x1FC00] =	vst v63  }
0xac: {  	_ =	swait.ge [sflag:s24], $0x800  }
0xad: {  	[sflag:s24] =	ssyncset.done $0x0  }
0xae: {  	s26 =	rddreg [dreg:$0x1f];
	[sflag:s24] =	ssyncadd.s32 $0xFFFFF800  }
0xaf: {  	[spmem:s26] =	stream.linear.scatter [tilespmem:s23], [sflag:$0x2], $0x800, $0x38;
	[tilespmem:$0x1FC00] =	vst v63  }
0xb0: {  	_ =	swait.ge [sflag:s24], $0x800  }
0xb1: {  	s28 =	sld [smem:$0x7E9]  }
0xb2: {  	[sflag:s24] =	ssyncset.done $0x0  }
0xb3: {  	[sflag:s24] =	ssyncadd.s32 $0xFFFFF800  }
0xb4: {  	[spmem:s28] =	stream.linear.scatter [tilespmem:s23], [sflag:$0x2], $0x800, $0x38;
	[tilespmem:$0x1FC00] =	vst v63  }
0xb5: {  	_ =	swait.ge [sflag:s24], $0x800  }
0xb6: {  	s30 =	sld [smem:$0x7EA]  }
0xb7: {  	[sflag:s24] =	ssyncset.done $0x0  }
0xb8: {  	[sflag:s24] =	ssyncadd.s32 $0xFFFFF800  }
0xb9: {  	[spmem:s30] =	stream.linear.scatter [tilespmem:s23], [sflag:$0x2], $0x800, $0x38;
	[tilespmem:$0x1FC00] =	vst v63  }
0xba: {  	_ =	swait.ge [sflag:s24], $0x800  }
0xbb: {  	s15 =	sld [smem:$0x7EB]  }
0xbc: {  	[sflag:s24] =	ssyncset.done $0x0  }
0xbd: {  	[sflag:s24] =	ssyncadd.s32 $0xFFFFF800  }
0xbe: {  	[spmem:s15] =	stream.linear.scatter [tilespmem:s23], [sflag:$0x2], $0x800, $0x38;
	[tilespmem:$0x1FC00] =	vst v63  }
0xbf: {  	_ =	swait.ge [sflag:s24], $0x800  }
0xc0: {  	s18 =	sld [smem:$0x7EC]  }
0xc1: {  	[sflag:s24] =	ssyncset.done $0x0  }
0xc2: {  	[sflag:s24] =	ssyncadd.s32 $0xFFFFF800  }
0xc3: {  	[spmem:s18] =	stream.linear.scatter [tilespmem:s23], [sflag:$0x2], $0x800, $0x38;
	[tilespmem:$0x1FC00] =	vst v63  }
0xc4: {  	_ =	swait.ge [sflag:s24], $0x800  }
0xc5: {  	s19 =	sld [smem:$0x7ED]  }
0xc6: {  	[sflag:s24] =	ssyncset.done $0x0  }
0xc7: {  	[sflag:s24] =	ssyncadd.s32 $0xFFFFF800  }
0xc8: {  	[spmem:s19] =	stream.linear.scatter [tilespmem:s23], [sflag:$0x2], $0x800, $0x38;
	[tilespmem:$0x1FC00] =	vst v63  }
0xc9: {  	_ =	swait.ge [sflag:s24], $0x800  }
0xca: {  	s21 =	sld [smem:$0x7EE]  }
0xcb: {  	[sflag:s24] =	ssyncset.done $0x0  }
0xcc: {  	[sflag:s24] =	ssyncadd.s32 $0xFFFFF800  }
0xcd: {  	[spmem:s21] =	stream.linear.scatter [tilespmem:s23], [sflag:$0x2], $0x800, $0x38;
	[tilespmem:$0x1FC00] =	vst v63  }
0xce: {  	_ =	swait.ge [sflag:s24], $0x800  }
0xcf: {  	s26 =	sld [smem:$0x7EF]  }
0xd0: {  	[sflag:s24] =	ssyncset.done $0x0  }
0xd1: {  	[sflag:s24] =	ssyncadd.s32 $0xFFFFF800  }
0xd2: {  	[spmem:s26] =	stream.linear.scatter [tilespmem:s23], [sflag:$0x2], $0x800, $0x38;
	[tilespmem:$0x1FC00] =	vst v63  }
0xd3: {  	_ =	swait.ge [sflag:s24], $0x800  }
0xd4: {  	s28 =	sld [smem:$0x7F0]  }
0xd5: {  	[sflag:s24] =	ssyncset.done $0x0  }
0xd6: {  	[sflag:s24] =	ssyncadd.s32 $0xFFFFF800  }
0xd7: {  	[spmem:s28] =	stream.linear.scatter [tilespmem:s23], [sflag:$0x2], $0x800, $0x38;
	[tilespmem:$0x1FC00] =	vst v63  }
0xd8: {  	_ =	swait.ge [sflag:s24], $0x800  }
0xd9: {  	s30 =	sld [smem:$0x7F1]  }
0xda: {  	[sflag:s24] =	ssyncset.done $0x0  }
0xdb: {  	[sflag:s24] =	ssyncadd.s32 $0xFFFFF800  }
0xdc: {  	[spmem:s30] =	stream.linear.scatter [tilespmem:s23], [sflag:$0x2], $0x800, $0x38;
	[tilespmem:$0x1FC00] =	vst v63  }
0xdd: {  	_ =	swait.ge [sflag:s24], $0x800  }
0xde: {  	s15 =	sld [smem:$0x7F2]  }
0xdf: {  	[sflag:s24] =	ssyncset.done $0x0  }
0xe0: {  	[sflag:s24] =	ssyncadd.s32 $0xFFFFF800  }
0xe1: {  	[spmem:s15] =	stream.linear.scatter [tilespmem:s23], [sflag:$0x2], $0x800, $0x38;
	[tilespmem:$0x1FC00] =	vst v63  }
0xe2: {  	_ =	swait.ge [sflag:s24], $0x800  }
0xe3: {  	s18 =	sld [smem:$0x7F3]  }
0xe4: {  	[sflag:s24] =	ssyncset.done $0x0  }
0xe5: {  	[sflag:s24] =	ssyncadd.s32 $0xFFFFF800  }
0xe6: {  	[spmem:s18] =	stream.linear.scatter [tilespmem:s23], [sflag:$0x2], $0x800, $0x38;
	[tilespmem:$0x1FC00] =	vst v63  }
0xe7: {  	_ =	swait.ge [sflag:s24], $0x800  }
0xe8: {  	s19 =	sld [smem:$0x7F4]  }
0xe9: {  	[sflag:s24] =	ssyncset.done $0x0  }
0xea: {  	[sflag:s24] =	ssyncadd.s32 $0xFFFFF800  }
0xeb: {  	[spmem:s19] =	stream.linear.scatter [tilespmem:s23], [sflag:$0x2], $0x800, $0x38;
	[tilespmem:$0x1FC00] =	vst v63  }
0xec: {  	_ =	swait.ge [sflag:s24], $0x800  }
0xed: {  	s21 =	sld [smem:$0x7F5]  }
0xee: {  	[sflag:s24] =	ssyncset.done $0x0  }
0xef: {  	[sflag:s24] =	ssyncadd.s32 $0xFFFFF800  }
0xf0: {  	[spmem:s21] =	stream.linear.scatter [tilespmem:s23], [sflag:$0x2], $0x800, $0x38;
	[tilespmem:$0x1FC00] =	vst v63  }
0xf1: {  	_ =	swait.ge [sflag:s24], $0x800  }
0xf2: {  	s26 =	sld [smem:$0x7F6]  }
0xf3: {  	[sflag:s24] =	ssyncset.done $0x0  }
0xf4: {  	[sflag:s24] =	ssyncadd.s32 $0xFFFFF800  }
0xf5: {  	[spmem:s26] =	stream.linear.scatter [tilespmem:s23], [sflag:$0x2], $0x800, $0x38;
	[tilespmem:$0x1FC00] =	vst v63  }
0xf6: {  	_ =	swait.ge [sflag:s24], $0x800  }
0xf7: {  	s28 =	sld [smem:$0x7F7]  }
0xf8: {  	[sflag:s24] =	ssyncset.done $0x0  }
0xf9: {  	[sflag:s24] =	ssyncadd.s32 $0xFFFFF800  }
0xfa: {  	[spmem:s28] =	stream.linear.scatter [tilespmem:s23], [sflag:$0x2], $0x800, $0x38;
	[tilespmem:$0x1FC00] =	vst v63  }
0xfb: {  	_ =	swait.ge [sflag:s24], $0x800  }
0xfc: {  	s30 =	sld [smem:$0x7F8]  }
0xfd: {  	[sflag:s24] =	ssyncset.done $0x0  }
0xfe: {  	[sflag:s24] =	ssyncadd.s32 $0xFFFFF800  }
0xff: {  	[spmem:s30] =	stream.linear.scatter [tilespmem:s23], [sflag:$0x2], $0x800, $0x38;
	[tilespmem:$0x1FC00] =	vst v63  }
0x100: {  	_ =	swait.ge [sflag:s24], $0x800  }
0x101: {  	s15 =	sld [smem:$0x7F9]  }
0x102: {  	[sflag:s24] =	ssyncset.done $0x0  }
0x103: {  	[sflag:s24] =	ssyncadd.s32 $0xFFFFF800  }
0x104: {  	[spmem:s15] =	stream.linear.scatter [tilespmem:s23], [sflag:$0x2], $0x800, $0x38;
	[tilespmem:$0x1FC00] =	vst v63  }
0x105: {  	_ =	swait.ge [sflag:s24], $0x800  }
0x106: {  	s18 =	sld [smem:$0x7FA]  }
0x107: {  	[sflag:s24] =	ssyncset.done $0x0  }
0x108: {  	[sflag:s24] =	ssyncadd.s32 $0xFFFFF800  }
0x109: {  	[spmem:s18] =	stream.linear.scatter [tilespmem:s23], [sflag:$0x2], $0x800, $0x38;
	[tilespmem:$0x1FC00] =	vst v63  }
0x10a: {  	_ =	swait.ge [sflag:s24], $0x800  }
0x10b: {  	s19 =	sld [smem:$0x7FB]  }
0x10c: {  	[sflag:s24] =	ssyncset.done $0x0  }
0x10d: {  	[sflag:s24] =	ssyncadd.s32 $0xFFFFF800  }
0x10e: {  	[spmem:s19] =	stream.linear.scatter [tilespmem:s23], [sflag:$0x2], $0x800, $0x38;
	[tilespmem:$0x1FC00] =	vst v63  }
0x10f: {  	_ =	swait.ge [sflag:s24], $0x800  }
0x110: {  	s21 =	sld [smem:$0x7FC]  }
0x111: {  	[sflag:s24] =	ssyncset.done $0x0  }
0x112: {  	[sflag:s24] =	ssyncadd.s32 $0xFFFFF800  }
0x113: {  	[spmem:s21] =	stream.linear.scatter [tilespmem:s23], [sflag:$0x2], $0x800, $0x38;
	[tilespmem:$0x1FC00] =	vst v63  }
0x114: {  	_ =	swait.ge [sflag:s24], $0x800  }
0x115: {  	[sflag:s24] =	ssyncset.done $0x0  }
0x116: {  	[sflag:s24] =	ssyncadd.s32 $0xFFFFF800  }
0x117: {  	[spmem:s0] =	stream.linear.scatter [tilespmem:s23], [sflag:$0x2], $0x800, $0x38;
	[tilespmem:$0x1FC00] =	vst v63  }
0x118: {  	_ =	swait.ge [sflag:s24], $0x800  }
0x119: {  	[sflag:s24] =	ssyncset.done $0x0  }
0x11a: {  	[sflag:s24] =	ssyncadd.s32 $0xFFFFF800  }
0x11b: {  	[spmem:s16] =	stream.linear.scatter [tilespmem:s23], [sflag:$0x2], $0x800, $0x38;
	[tilespmem:$0x1FC00] =	vst v63  }
0x11c: {  	_ =	swait.ge [sflag:s24], $0x800  }
0x11d: {  	[sflag:s24] =	ssyncset.done $0x0  }
0x11e: {  	[sflag:s24] =	ssyncadd.s32 $0xFFFFF800  }
0x11f: {  	[spmem:s17] =	stream.linear.scatter [tilespmem:s23], [sflag:$0x2], $0x800, $0x38;
	[tilespmem:$0x1FC00] =	vst v63  }
0x120: {  	_ =	swait.ge [sflag:s24], $0x800  }
0x121: {  	[sflag:s24] =	ssyncset.done $0x0  }
0x122: {  	[sflag:s24] =	ssyncadd.s32 $0xFFFFF800  }
0x123: {  	[spmem:s22] =	stream.linear.scatter [tilespmem:s23], [sflag:$0x2], $0x800, $0x38;
	[tilespmem:$0x1FC00] =	vst v63  }
0x124: {  	_ =	swait.ge [sflag:s24], $0x800  }
0x125: {  	[sflag:s24] =	ssyncset.done $0x0  }
0x126: {  	[sflag:s24] =	ssyncadd.s32 $0xFFFFF800  }
0x127: {  	[bflag:$0x0] =	sbarrier.arrive $0xFFFF  }
0x128: {  	s19 =	rddreg [dreg:$0x10]  }
0x129: {  	[tilespmem:s3], [sflag:$0x2] =	stream.linear.gather [hbm4b:s19+s3], $0x400, $0x38;
	[tilespmem:$0x1FC00] =	vst v63  }
0x12a: {  	_ =	swait.ge [sflag:s24], $0x400  }
0x12b: {  	[sflag:s24] =	ssyncset.done $0x0  }
0x12c: {  	s26 =	sadd.s32 $0x0, s25;
	[sflag:s24] =	ssyncadd.s32 $0xFFFFFC00  }
0x12d: {  	[tilespmem:s7], [sflag:$0x1] =	stream.strided.gather [hbm4b:s26+s5], $0x1000, s6, s5, $0x38;
	[tilespmem:$0x1FC00] =	vst v63  }
0x12e: {  	s28 =	sadd.s32 $0x4, s26  }
0x12f: {  	[tilespmem:s8], [sflag:$0x1] =	stream.strided.gather [hbm4b:s28+s5], $0x1000, s6, s5, $0x38;
	[tilespmem:$0x1FC00] =	vst v63  }
0x130: {  	s30 =	sadd.s32 $0x8, s26  }
0x131: {  	[tilespmem:s9], [sflag:$0x1] =	stream.strided.gather [hbm4b:s30+s5], $0x1000, s6, s5, $0x38;
	[tilespmem:$0x1FC00] =	vst v63  }
0x132: {  	s15 =	sadd.s32 $0xC, s26  }
0x133: {  	[tilespmem:s10], [sflag:$0x1] =	stream.strided.gather [hbm4b:s15+s5], $0x1000, s6, s5, $0x38;
	[tilespmem:$0x1FC00] =	vst v63  }
0x134: {  	_ =	swait.ge [sflag:s11], $0x1000  }
0x135: {  	[sflag:s11] =	ssyncset.done $0x0  }
0x136: {  	[sflag:s11] =	ssyncadd.s32 $0xFFFFF000  }
0x137: {  	_ =	swait.ge [sflag:s11], $0x1000  }
0x138: {  	[sflag:s11] =	ssyncset.done $0x0  }
0x139: {  	[sflag:s11] =	ssyncadd.s32 $0xFFFFF000  }
0x13a: {  	_ =	swait.ge [sflag:s11], $0x1000  }
0x13b: {  	[sflag:s11] =	ssyncset.done $0x0  }
0x13c: {  	[sflag:s11] =	ssyncadd.s32 $0xFFFFF000  }
0x13d: {  	_ =	swait.ge [sflag:s11], $0x1000  }
0x13e: {  	[sflag:s11] =	ssyncset.done $0x0  }
0x13f: {  	[sflag:s11] =	ssyncadd.s32 $0xFFFFF000  }
0x140: {  	[spmem:s2] =	stream.indirect.scatter.add.f32 [tilespmem:s7], [sflag:$0x2], $0x10, s3, s7, $0xb8;
	[tilespmem:$0x1FC00] =	vst v63  }
0x141: {  	_ =	swait.ge [sflag:s24], $0x4000  }
0x142: {  	s18 =	smov.u32 s19;
	s15 =	simm.s32 $0x1000;
	[sflag:s24] =	ssyncset.done $0x0  }
.LBB2_6:
0x143: {  	p1 =	sne.s32 s15, $0x61000;
	[sflag:s24] =	ssyncadd.s32 $0xFFFFC000;
	s18 =	sadd.s32 $0x80, s18  }
0x144: {  	[tilespmem:s3], [sflag:$0x2] =	stream.linear.gather [hbm4b:s18+s3], $0x400, $0x38;
	[tilespmem:$0x1FC00] =	vst v63  }
0x145: {  	s19 =	smov.u32 s15;
	s15 =	sadd.s32 $0x1000, s15;
	_ =	swait.ge [sflag:s24], $0x400  }
0x146: {  	[sflag:s24] =	ssyncset.done $0x0  }
0x147: {  	s19 =	sadd.s32 s19, s25;
	[sflag:s24] =	ssyncadd.s32 $0xFFFFFC00  }
0x148: {  	[tilespmem:s7], [sflag:$0x1] =	stream.strided.gather [hbm4b:s19+s5], $0x1000, s6, s5, $0x38;
	[tilespmem:$0x1FC00] =	vst v63  }
0x149: {  	s21 =	sadd.s32 $0x4, s19  }
0x14a: {  	[tilespmem:s8], [sflag:$0x1] =	stream.strided.gather [hbm4b:s21+s5], $0x1000, s6, s5, $0x38;
	[tilespmem:$0x1FC00] =	vst v63  }
0x14b: {  	s21 =	sadd.s32 $0x8, s19  }
0x14c: {  	[tilespmem:s9], [sflag:$0x1] =	stream.strided.gather [hbm4b:s21+s5], $0x1000, s6, s5, $0x38;
	[tilespmem:$0x1FC00] =	vst v63  }
0x14d: {  	s19 =	sadd.s32 $0xC, s19  }
0x14e: {  	[tilespmem:s10], [sflag:$0x1] =	stream.strided.gather [hbm4b:s19+s5], $0x1000, s6, s5, $0x38;
	[tilespmem:$0x1FC00] =	vst v63  }
0x14f: {  	_ =	swait.ge [sflag:s11], $0x1000  }
0x150: {  	[sflag:s11] =	ssyncset.done $0x0  }
0x151: {  	[sflag:s11] =	ssyncadd.s32 $0xFFFFF000  }
0x152: {  	_ =	swait.ge [sflag:s11], $0x1000  }
0x153: {  	[sflag:s11] =	ssyncset.done $0x0  }
0x154: {  	[sflag:s11] =	ssyncadd.s32 $0xFFFFF000  }
0x155: {  	_ =	swait.ge [sflag:s11], $0x1000  }
0x156: {  	[sflag:s11] =	ssyncset.done $0x0  }
0x157: {  	[sflag:s11] =	ssyncadd.s32 $0xFFFFF000  }
0x158: {  	_ =	swait.ge [sflag:s11], $0x1000  }
.Ltmp2:
0x159: {  	[sflag:s11] =	ssyncset.done $0x0;
	(pc) =	sbr.rel @p1 .LBB2_6-.Ltmp2, $4  }
0x15a: {  	[sflag:s11] =	ssyncadd.s32 $0xFFFFF000  }
0x15b: {  	[spmem:s2] =	stream.indirect.scatter.add.f32 [tilespmem:s7], [sflag:$0x2], $0x10, s3, s7, $0xb8;
	[tilespmem:$0x1FC00] =	vst v63  }
0x15c: {  	_ =	swait.ge [sflag:s24], $0x4000  }
0x15d: {  	[sflag:s24] =	ssyncset.done $0x0  }
0x15e: {  	[sflag:s24] =	ssyncadd.s32 $0xFFFFC000  }
0x15f: {  	[bflag:$0x0] =	sbarrier.arrive $0xFFFF  }
0x160: {  	s1 =	sld [smem:$0x7FD];
	_ =	sdelay $0x1  }
0x161: {  	s18 =	simm.s32 @p0 $0x1;
	s19 =	simm.s32 @p0 $0x4;
	s21 =	simm.s32 @p0 $0x2  }
0x162: {  	s26 =	simm.s32 @p0 $0x1FC2;
	s28 =	rddreg [dreg:$0x12];
	s15 =	sshrl.u32 @p0 s1, $0x3  }
0x163: {  	[hbm:s28@s19], [sflag:s26] =	dma.strided @p0 [spmem:s15@s21], $0x1F40, s18, $0x2   }
0x164: {  	s18 =	stileid.u32;
	s19 =	simm.s32 @!p0 $0x1  }
0x165: {  	s26 =	simm.s32 @!p0 $0x4;
	_ =	swait.ge @p0 [sflag:s21], $0x1F40;
	s18 =	sshll.u32 @!p0 s18, $0x6  }
0x166: {  	s28 =	simm.s32 @!p0 $0x2;
	[sflag:s21] =	ssyncset.done @p0 $0x0;
	s18 =	sor.u32 @!p0 $0x1C02, s18  }
0x167: {  	s30 =	rddreg [dreg:$0xd];
	[sflag:s21] =	ssyncadd.s32 @p0 $0xFFFFE0C0;
	s21 =	sshrl.u32 @!p0 s4, $0x3  }
0x168: {  	[hbm:s30@s26], [sflag:s18] =	dma.strided @!p0 [spmem:s21@s28], $0x3200, s19, $0x2   }
0x169: {  	_ =	swait.ge @!p0 [sflag:s28], $0x3200  }
0x16a: {  	[sflag:s28] =	ssyncset.done @!p0 $0x0  }
0x16b: {  	[sflag:s28] =	ssyncadd.s32 @!p0 $0xFFFFCE00  }
0x16c: {  	[bflag:$0x0] =	sbarrier.arrive $0xFFFF  }
0x16d: {  	[spmem:s4] =	stream.linear.scatter [tilespmem:s23], [sflag:$0x2], $0x800, $0x38;
	[tilespmem:$0x1FC00] =	vst v63  }
0x16e: {  	_ =	swait.ge [sflag:s24], $0x800  }
0x16f: {  	[sflag:s24] =	ssyncset.done $0x0  }
0x170: {  	[sflag:s24] =	ssyncadd.s32 $0xFFFFF800  }
0x171: {  	[spmem:s29] =	stream.linear.scatter [tilespmem:s23], [sflag:$0x2], $0x800, $0x38;
	[tilespmem:$0x1FC00] =	vst v63  }
0x172: {  	_ =	swait.ge [sflag:s24], $0x800  }
0x173: {  	[sflag:s24] =	ssyncset.done $0x0  }
0x174: {  	s26 =	rddreg [dreg:$0x3];
	[sflag:s24] =	ssyncadd.s32 $0xFFFFF800  }
0x175: {  	[spmem:s26] =	stream.linear.scatter [tilespmem:s23], [sflag:$0x2], $0x800, $0x38;
	[tilespmem:$0x1FC00] =	vst v63  }
0x176: {  	_ =	swait.ge [sflag:s24], $0x800  }
0x177: {  	[sflag:s24] =	ssyncset.done $0x0  }
0x178: {  	s28 =	rddreg [dreg:$0x4];
	[sflag:s24] =	ssyncadd.s32 $0xFFFFF800  }
0x179: {  	[spmem:s28] =	stream.linear.scatter [tilespmem:s23], [sflag:$0x2], $0x800, $0x38;
	[tilespmem:$0x1FC00] =	vst v63  }
0x17a: {  	_ =	swait.ge [sflag:s24], $0x800  }
0x17b: {  	[sflag:s24] =	ssyncset.done $0x0  }
0x17c: {  	s30 =	smov.u32 s29;
	s29 =	rddreg [dreg:$0x5];
	[sflag:s24] =	ssyncadd.s32 $0xFFFFF800  }
0x17d: {  	[spmem:s29] =	stream.linear.scatter [tilespmem:s23], [sflag:$0x2], $0x800, $0x38;
	[tilespmem:$0x1FC00] =	vst v63  }
0x17e: {  	_ =	swait.ge [sflag:s24], $0x800  }
0x17f: {  	[sflag:s24] =	ssyncset.done $0x0  }
0x180: {  	s1 =	rddreg [dreg:$0x6];
	[sflag:s24] =	ssyncadd.s32 $0xFFFFF800  }
0x181: {  	[spmem:s1] =	stream.linear.scatter [tilespmem:s23], [sflag:$0x2], $0x800, $0x38;
	[tilespmem:$0x1FC00] =	vst v63  }
0x182: {  	_ =	swait.ge [sflag:s24], $0x800  }
0x183: {  	[sflag:s24] =	ssyncset.done $0x0  }
0x184: {  	s26 =	rddreg [dreg:$0x7];
	[sflag:s24] =	ssyncadd.s32 $0xFFFFF800  }
0x185: {  	[spmem:s26] =	stream.linear.scatter [tilespmem:s23], [sflag:$0x2], $0x800, $0x38;
	[tilespmem:$0x1FC00] =	vst v63  }
0x186: {  	_ =	swait.ge [sflag:s24], $0x800  }
0x187: {  	[sflag:s24] =	ssyncset.done $0x0  }
0x188: {  	s28 =	rddreg [dreg:$0x8];
	[sflag:s24] =	ssyncadd.s32 $0xFFFFF800  }
0x189: {  	[spmem:s28] =	stream.linear.scatter [tilespmem:s23], [sflag:$0x2], $0x800, $0x38;
	[tilespmem:$0x1FC00] =	vst v63  }
0x18a: {  	_ =	swait.ge [sflag:s24], $0x800  }
0x18b: {  	[sflag:s24] =	ssyncset.done $0x0  }
0x18c: {  	s29 =	rddreg [dreg:$0x9];
	[sflag:s24] =	ssyncadd.s32 $0xFFFFF800  }
0x18d: {  	[spmem:s29] =	stream.linear.scatter [tilespmem:s23], [sflag:$0x2], $0x800, $0x38;
	[tilespmem:$0x1FC00] =	vst v63  }
0x18e: {  	_ =	swait.ge [sflag:s24], $0x800  }
0x18f: {  	[sflag:s24] =	ssyncset.done $0x0  }
0x190: {  	s1 =	rddreg [dreg:$0xa];
	[sflag:s24] =	ssyncadd.s32 $0xFFFFF800  }
0x191: {  	[spmem:s1] =	stream.linear.scatter [tilespmem:s23], [sflag:$0x2], $0x800, $0x38;
	[tilespmem:$0x1FC00] =	vst v63  }
0x192: {  	_ =	swait.ge [sflag:s24], $0x800  }
0x193: {  	[sflag:s24] =	ssyncset.done $0x0  }
0x194: {  	s26 =	rddreg [dreg:$0xb];
	[sflag:s24] =	ssyncadd.s32 $0xFFFFF800  }
0x195: {  	[spmem:s26] =	stream.linear.scatter [tilespmem:s23], [sflag:$0x2], $0x800, $0x38;
	[tilespmem:$0x1FC00] =	vst v63  }
0x196: {  	_ =	swait.ge [sflag:s24], $0x800  }
0x197: {  	[sflag:s24] =	ssyncset.done $0x0  }
0x198: {  	s28 =	rddreg [dreg:$0xc];
	[sflag:s24] =	ssyncadd.s32 $0xFFFFF800  }
0x199: {  	[spmem:s28] =	stream.linear.scatter [tilespmem:s23], [sflag:$0x2], $0x800, $0x38;
	[tilespmem:$0x1FC00] =	vst v63  }
0x19a: {  	_ =	swait.ge [sflag:s24], $0x800  }
0x19b: {  	[sflag:s24] =	ssyncset.done $0x0  }
0x19c: {  	s29 =	rddreg [dreg:$0xf];
	[sflag:s24] =	ssyncadd.s32 $0xFFFFF800  }
0x19d: {  	[spmem:s29] =	stream.linear.scatter [tilespmem:s23], [sflag:$0x2], $0x800, $0x38;
	[tilespmem:$0x1FC00] =	vst v63  }
0x19e: {  	_ =	swait.ge [sflag:s24], $0x800  }
0x19f: {  	[sflag:s24] =	ssyncset.done $0x0  }
0x1a0: {  	s1 =	rddreg [dreg:$0x11];
	[sflag:s24] =	ssyncadd.s32 $0xFFFFF800  }
0x1a1: {  	[spmem:s1] =	stream.linear.scatter [tilespmem:s23], [sflag:$0x2], $0x800, $0x38;
	[tilespmem:$0x1FC00] =	vst v63  }
0x1a2: {  	_ =	swait.ge [sflag:s24], $0x800  }
0x1a3: {  	[sflag:s24] =	ssyncset.done $0x0  }
0x1a4: {  	[sflag:s24] =	ssyncadd.s32 $0xFFFFF800  }
0x1a5: {  	[spmem:s31] =	stream.linear.scatter [tilespmem:s23], [sflag:$0x2], $0x800, $0x38;
	[tilespmem:$0x1FC00] =	vst v63  }
0x1a6: {  	_ =	swait.ge [sflag:s24], $0x800  }
0x1a7: {  	[sflag:s24] =	ssyncset.done $0x0  }
0x1a8: {  	s26 =	rddreg [dreg:$0x15];
	[sflag:s24] =	ssyncadd.s32 $0xFFFFF800  }
0x1a9: {  	[spmem:s26] =	stream.linear.scatter [tilespmem:s23], [sflag:$0x2], $0x800, $0x38;
	[tilespmem:$0x1FC00] =	vst v63  }
0x1aa: {  	_ =	swait.ge [sflag:s24], $0x800  }
0x1ab: {  	[sflag:s24] =	ssyncset.done $0x0  }
0x1ac: {  	s28 =	rddreg [dreg:$0x16];
	[sflag:s24] =	ssyncadd.s32 $0xFFFFF800  }
0x1ad: {  	[spmem:s28] =	stream.linear.scatter [tilespmem:s23], [sflag:$0x2], $0x800, $0x38;
	[tilespmem:$0x1FC00] =	vst v63  }
0x1ae: {  	_ =	swait.ge [sflag:s24], $0x800  }
0x1af: {  	[sflag:s24] =	ssyncset.done $0x0  }
0x1b0: {  	s29 =	rddreg [dreg:$0x17];
	[sflag:s24] =	ssyncadd.s32 $0xFFFFF800  }
0x1b1: {  	[spmem:s29] =	stream.linear.scatter [tilespmem:s23], [sflag:$0x2], $0x800, $0x38;
	[tilespmem:$0x1FC00] =	vst v63  }
0x1b2: {  	_ =	swait.ge [sflag:s24], $0x800  }
0x1b3: {  	[sflag:s24] =	ssyncset.done $0x0  }
0x1b4: {  	s1 =	smov.u32 s31;
	s31 =	rddreg [dreg:$0x18];
	[sflag:s24] =	ssyncadd.s32 $0xFFFFF800  }
0x1b5: {  	[spmem:s31] =	stream.linear.scatter [tilespmem:s23], [sflag:$0x2], $0x800, $0x38;
	[tilespmem:$0x1FC00] =	vst v63  }
0x1b6: {  	_ =	swait.ge [sflag:s24], $0x800  }
0x1b7: {  	[sflag:s24] =	ssyncset.done $0x0  }
0x1b8: {  	s26 =	rddreg [dreg:$0x19];
	[sflag:s24] =	ssyncadd.s32 $0xFFFFF800  }
0x1b9: {  	[spmem:s26] =	stream.linear.scatter [tilespmem:s23], [sflag:$0x2], $0x800, $0x38;
	[tilespmem:$0x1FC00] =	vst v63  }
0x1ba: {  	_ =	swait.ge [sflag:s24], $0x800  }
0x1bb: {  	[sflag:s24] =	ssyncset.done $0x0  }
0x1bc: {  	s28 =	rddreg [dreg:$0x1a];
	[sflag:s24] =	ssyncadd.s32 $0xFFFFF800  }
0x1bd: {  	[spmem:s28] =	stream.linear.scatter [tilespmem:s23], [sflag:$0x2], $0x800, $0x38;
	[tilespmem:$0x1FC00] =	vst v63  }
0x1be: {  	_ =	swait.ge [sflag:s24], $0x800  }
0x1bf: {  	[sflag:s24] =	ssyncset.done $0x0  }
0x1c0: {  	s29 =	rddreg [dreg:$0x1b];
	[sflag:s24] =	ssyncadd.s32 $0xFFFFF800  }
0x1c1: {  	[spmem:s29] =	stream.linear.scatter [tilespmem:s23], [sflag:$0x2], $0x800, $0x38;
	[tilespmem:$0x1FC00] =	vst v63  }
0x1c2: {  	_ =	swait.ge [sflag:s24], $0x800  }
0x1c3: {  	[sflag:s24] =	ssyncset.done $0x0  }
0x1c4: {  	s31 =	rddreg [dreg:$0x1c];
	[sflag:s24] =	ssyncadd.s32 $0xFFFFF800  }
0x1c5: {  	[spmem:s31] =	stream.linear.scatter [tilespmem:s23], [sflag:$0x2], $0x800, $0x38;
	[tilespmem:$0x1FC00] =	vst v63  }
0x1c6: {  	_ =	swait.ge [sflag:s24], $0x800  }
0x1c7: {  	[sflag:s24] =	ssyncset.done $0x0  }
0x1c8: {  	s26 =	rddreg [dreg:$0x1d];
	[sflag:s24] =	ssyncadd.s32 $0xFFFFF800  }
0x1c9: {  	[spmem:s26] =	stream.linear.scatter [tilespmem:s23], [sflag:$0x2], $0x800, $0x38;
	[tilespmem:$0x1FC00] =	vst v63  }
0x1ca: {  	_ =	swait.ge [sflag:s24], $0x800  }
0x1cb: {  	[sflag:s24] =	ssyncset.done $0x0  }
0x1cc: {  	s28 =	rddreg [dreg:$0x1e];
	[sflag:s24] =	ssyncadd.s32 $0xFFFFF800  }
0x1cd: {  	[spmem:s28] =	stream.linear.scatter [tilespmem:s23], [sflag:$0x2], $0x800, $0x38;
	[tilespmem:$0x1FC00] =	vst v63  }
0x1ce: {  	_ =	swait.ge [sflag:s24], $0x800  }
0x1cf: {  	[sflag:s24] =	ssyncset.done $0x0  }
0x1d0: {  	s29 =	rddreg [dreg:$0x1f];
	[sflag:s24] =	ssyncadd.s32 $0xFFFFF800  }
0x1d1: {  	[spmem:s29] =	stream.linear.scatter [tilespmem:s23], [sflag:$0x2], $0x800, $0x38;
	[tilespmem:$0x1FC00] =	vst v63  }
0x1d2: {  	_ =	swait.ge [sflag:s24], $0x800  }
0x1d3: {  	s31 =	sld [smem:$0x7E9]  }
0x1d4: {  	[sflag:s24] =	ssyncset.done $0x0  }
0x1d5: {  	[sflag:s24] =	ssyncadd.s32 $0xFFFFF800  }
0x1d6: {  	[spmem:s31] =	stream.linear.scatter [tilespmem:s23], [sflag:$0x2], $0x800, $0x38;
	[tilespmem:$0x1FC00] =	vst v63  }
0x1d7: {  	_ =	swait.ge [sflag:s24], $0x800  }
0x1d8: {  	s26 =	sld [smem:$0x7EA]  }
0x1d9: {  	[sflag:s24] =	ssyncset.done $0x0  }
0x1da: {  	[sflag:s24] =	ssyncadd.s32 $0xFFFFF800  }
0x1db: {  	[spmem:s26] =	stream.linear.scatter [tilespmem:s23], [sflag:$0x2], $0x800, $0x38;
	[tilespmem:$0x1FC00] =	vst v63  }
0x1dc: {  	_ =	swait.ge [sflag:s24], $0x800  }
0x1dd: {  	s28 =	sld [smem:$0x7EB]  }
0x1de: {  	[sflag:s24] =	ssyncset.done $0x0  }
0x1df: {  	[sflag:s24] =	ssyncadd.s32 $0xFFFFF800  }
0x1e0: {  	[spmem:s28] =	stream.linear.scatter [tilespmem:s23], [sflag:$0x2], $0x800, $0x38;
	[tilespmem:$0x1FC00] =	vst v63  }
0x1e1: {  	_ =	swait.ge [sflag:s24], $0x800  }
0x1e2: {  	s29 =	sld [smem:$0x7EC]  }
0x1e3: {  	[sflag:s24] =	ssyncset.done $0x0  }
0x1e4: {  	[sflag:s24] =	ssyncadd.s32 $0xFFFFF800  }
0x1e5: {  	[spmem:s29] =	stream.linear.scatter [tilespmem:s23], [sflag:$0x2], $0x800, $0x38;
	[tilespmem:$0x1FC00] =	vst v63  }
0x1e6: {  	_ =	swait.ge [sflag:s24], $0x800  }
0x1e7: {  	s31 =	sld [smem:$0x7ED]  }
0x1e8: {  	[sflag:s24] =	ssyncset.done $0x0  }
0x1e9: {  	[sflag:s24] =	ssyncadd.s32 $0xFFFFF800  }
0x1ea: {  	[spmem:s31] =	stream.linear.scatter [tilespmem:s23], [sflag:$0x2], $0x800, $0x38;
	[tilespmem:$0x1FC00] =	vst v63  }
0x1eb: {  	_ =	swait.ge [sflag:s24], $0x800  }
0x1ec: {  	s26 =	sld [smem:$0x7EE]  }
0x1ed: {  	[sflag:s24] =	ssyncset.done $0x0  }
0x1ee: {  	[sflag:s24] =	ssyncadd.s32 $0xFFFFF800  }
0x1ef: {  	[spmem:s26] =	stream.linear.scatter [tilespmem:s23], [sflag:$0x2], $0x800, $0x38;
	[tilespmem:$0x1FC00] =	vst v63  }
0x1f0: {  	_ =	swait.ge [sflag:s24], $0x800  }
0x1f1: {  	s28 =	sld [smem:$0x7EF]  }
0x1f2: {  	[sflag:s24] =	ssyncset.done $0x0  }
0x1f3: {  	[sflag:s24] =	ssyncadd.s32 $0xFFFFF800  }
0x1f4: {  	[spmem:s28] =	stream.linear.scatter [tilespmem:s23], [sflag:$0x2], $0x800, $0x38;
	[tilespmem:$0x1FC00] =	vst v63  }
0x1f5: {  	_ =	swait.ge [sflag:s24], $0x800  }
0x1f6: {  	s29 =	sld [smem:$0x7F0]  }
0x1f7: {  	[sflag:s24] =	ssyncset.done $0x0  }
0x1f8: {  	[sflag:s24] =	ssyncadd.s32 $0xFFFFF800  }
0x1f9: {  	[spmem:s29] =	stream.linear.scatter [tilespmem:s23], [sflag:$0x2], $0x800, $0x38;
	[tilespmem:$0x1FC00] =	vst v63  }
0x1fa: {  	_ =	swait.ge [sflag:s24], $0x800  }
0x1fb: {  	s31 =	sld [smem:$0x7F1]  }
0x1fc: {  	[sflag:s24] =	ssyncset.done $0x0  }
0x1fd: {  	[sflag:s24] =	ssyncadd.s32 $0xFFFFF800  }
0x1fe: {  	[spmem:s31] =	stream.linear.scatter [tilespmem:s23], [sflag:$0x2], $0x800, $0x38;
	[tilespmem:$0x1FC00] =	vst v63  }
0x1ff: {  	_ =	swait.ge [sflag:s24], $0x800  }
0x200: {  	s26 =	sld [smem:$0x7F2]  }
0x201: {  	[sflag:s24] =	ssyncset.done $0x0  }
0x202: {  	[sflag:s24] =	ssyncadd.s32 $0xFFFFF800  }
0x203: {  	[spmem:s26] =	stream.linear.scatter [tilespmem:s23], [sflag:$0x2], $0x800, $0x38;
	[tilespmem:$0x1FC00] =	vst v63  }
0x204: {  	_ =	swait.ge [sflag:s24], $0x800  }
0x205: {  	s28 =	sld [smem:$0x7F3]  }
0x206: {  	[sflag:s24] =	ssyncset.done $0x0  }
0x207: {  	[sflag:s24] =	ssyncadd.s32 $0xFFFFF800  }
0x208: {  	[spmem:s28] =	stream.linear.scatter [tilespmem:s23], [sflag:$0x2], $0x800, $0x38;
	[tilespmem:$0x1FC00] =	vst v63  }
0x209: {  	_ =	swait.ge [sflag:s24], $0x800  }
0x20a: {  	s29 =	sld [smem:$0x7F4]  }
0x20b: {  	[sflag:s24] =	ssyncset.done $0x0  }
0x20c: {  	[sflag:s24] =	ssyncadd.s32 $0xFFFFF800  }
0x20d: {  	[spmem:s29] =	stream.linear.scatter [tilespmem:s23], [sflag:$0x2], $0x800, $0x38;
	[tilespmem:$0x1FC00] =	vst v63  }
0x20e: {  	_ =	swait.ge [sflag:s24], $0x800  }
0x20f: {  	s31 =	sld [smem:$0x7F5]  }
0x210: {  	[sflag:s24] =	ssyncset.done $0x0  }
0x211: {  	[sflag:s24] =	ssyncadd.s32 $0xFFFFF800  }
0x212: {  	[spmem:s31] =	stream.linear.scatter [tilespmem:s23], [sflag:$0x2], $0x800, $0x38;
	[tilespmem:$0x1FC00] =	vst v63  }
0x213: {  	_ =	swait.ge [sflag:s24], $0x800  }
0x214: {  	s26 =	sld [smem:$0x7F6]  }
0x215: {  	[sflag:s24] =	ssyncset.done $0x0  }
0x216: {  	[sflag:s24] =	ssyncadd.s32 $0xFFFFF800  }
0x217: {  	[spmem:s26] =	stream.linear.scatter [tilespmem:s23], [sflag:$0x2], $0x800, $0x38;
	[tilespmem:$0x1FC00] =	vst v63  }
0x218: {  	_ =	swait.ge [sflag:s24], $0x800  }
0x219: {  	s28 =	sld [smem:$0x7F7]  }
0x21a: {  	[sflag:s24] =	ssyncset.done $0x0  }
0x21b: {  	[sflag:s24] =	ssyncadd.s32 $0xFFFFF800  }
0x21c: {  	[spmem:s28] =	stream.linear.scatter [tilespmem:s23], [sflag:$0x2], $0x800, $0x38;
	[tilespmem:$0x1FC00] =	vst v63  }
0x21d: {  	_ =	swait.ge [sflag:s24], $0x800  }
0x21e: {  	s29 =	sld [smem:$0x7F8]  }
0x21f: {  	[sflag:s24] =	ssyncset.done $0x0  }
0x220: {  	[sflag:s24] =	ssyncadd.s32 $0xFFFFF800  }
0x221: {  	[spmem:s29] =	stream.linear.scatter [tilespmem:s23], [sflag:$0x2], $0x800, $0x38;
	[tilespmem:$0x1FC00] =	vst v63  }
0x222: {  	_ =	swait.ge [sflag:s24], $0x800  }
0x223: {  	s31 =	sld [smem:$0x7F9]  }
0x224: {  	[sflag:s24] =	ssyncset.done $0x0  }
0x225: {  	[sflag:s24] =	ssyncadd.s32 $0xFFFFF800  }
0x226: {  	[spmem:s31] =	stream.linear.scatter [tilespmem:s23], [sflag:$0x2], $0x800, $0x38;
	[tilespmem:$0x1FC00] =	vst v63  }
0x227: {  	_ =	swait.ge [sflag:s24], $0x800  }
0x228: {  	s26 =	sld [smem:$0x7FA]  }
0x229: {  	[sflag:s24] =	ssyncset.done $0x0  }
0x22a: {  	[sflag:s24] =	ssyncadd.s32 $0xFFFFF800  }
0x22b: {  	[spmem:s26] =	stream.linear.scatter [tilespmem:s23], [sflag:$0x2], $0x800, $0x38;
	[tilespmem:$0x1FC00] =	vst v63  }
0x22c: {  	_ =	swait.ge [sflag:s24], $0x800  }
0x22d: {  	s28 =	sld [smem:$0x7FB]  }
0x22e: {  	[sflag:s24] =	ssyncset.done $0x0  }
0x22f: {  	[sflag:s24] =	ssyncadd.s32 $0xFFFFF800  }
0x230: {  	[spmem:s28] =	stream.linear.scatter [tilespmem:s23], [sflag:$0x2], $0x800, $0x38;
	[tilespmem:$0x1FC00] =	vst v63  }
0x231: {  	_ =	swait.ge [sflag:s24], $0x800  }
0x232: {  	s29 =	sld [smem:$0x7FC]  }
0x233: {  	[sflag:s24] =	ssyncset.done $0x0  }
0x234: {  	[sflag:s24] =	ssyncadd.s32 $0xFFFFF800  }
0x235: {  	[spmem:s29] =	stream.linear.scatter [tilespmem:s23], [sflag:$0x2], $0x800, $0x38;
	[tilespmem:$0x1FC00] =	vst v63  }
0x236: {  	_ =	swait.ge [sflag:s24], $0x800  }
0x237: {  	[sflag:s24] =	ssyncset.done $0x0  }
0x238: {  	[sflag:s24] =	ssyncadd.s32 $0xFFFFF800  }
0x239: {  	[spmem:s0] =	stream.linear.scatter [tilespmem:s23], [sflag:$0x2], $0x800, $0x38;
	[tilespmem:$0x1FC00] =	vst v63  }
0x23a: {  	_ =	swait.ge [sflag:s24], $0x800  }
0x23b: {  	[sflag:s24] =	ssyncset.done $0x0  }
0x23c: {  	[sflag:s24] =	ssyncadd.s32 $0xFFFFF800  }
0x23d: {  	[spmem:s16] =	stream.linear.scatter [tilespmem:s23], [sflag:$0x2], $0x800, $0x38;
	[tilespmem:$0x1FC00] =	vst v63  }
0x23e: {  	_ =	swait.ge [sflag:s24], $0x800  }
0x23f: {  	[sflag:s24] =	ssyncset.done $0x0  }
0x240: {  	[sflag:s24] =	ssyncadd.s32 $0xFFFFF800  }
0x241: {  	[spmem:s17] =	stream.linear.scatter [tilespmem:s23], [sflag:$0x2], $0x800, $0x38;
	[tilespmem:$0x1FC00] =	vst v63  }
0x242: {  	_ =	swait.ge [sflag:s24], $0x800  }
0x243: {  	[sflag:s24] =	ssyncset.done $0x0  }
0x244: {  	[sflag:s24] =	ssyncadd.s32 $0xFFFFF800  }
0x245: {  	[spmem:s22] =	stream.linear.scatter [tilespmem:s23], [sflag:$0x2], $0x800, $0x38;
	[tilespmem:$0x1FC00] =	vst v63  }
0x246: {  	_ =	swait.ge [sflag:s24], $0x800  }
0x247: {  	[sflag:s24] =	ssyncset.done $0x0  }
0x248: {  	[sflag:s24] =	ssyncadd.s32 $0xFFFFF800  }
0x249: {  	s31 =	sadd.s32 $0x0, s20;
	[bflag:$0x0] =	sbarrier.arrive $0xFFFF  }
0x24a: {  	[tilespmem:s3], [sflag:$0x2] =	stream.linear.gather [hbm4b:s31+s3], $0x400, $0x38;
	[tilespmem:$0x1FC00] =	vst v63  }
0x24b: {  	_ =	swait.ge [sflag:s24], $0x400  }
0x24c: {  	[sflag:s24] =	ssyncset.done $0x0  }
0x24d: {  	[sflag:s24] =	ssyncadd.s32 $0xFFFFFC00  }
0x24e: {  	[spmem:s2] =	stream.indirect.scatter.add.f32 [tilespmem:s13], [sflag:$0x2], $0x10, s3, s12, $0xb8;
	[tilespmem:$0x1FC00] =	vst v63  }
0x24f: {  	_ =	swait.ge [sflag:s24], $0x2000  }
0x250: {  	[sflag:s24] =	ssyncset.done $0x0  }
0x251: {  	[sflag:s24] =	ssyncadd.s32 $0xFFFFE000  }
0x252: {  	[spmem:s2] =	stream.indirect.scatter.add.f32 [tilespmem:s13], [sflag:$0x2], $0x10, s12, s12, $0xb8;
	[tilespmem:$0x1FC00] =	vst v63  }
0x253: {  	_ =	swait.ge [sflag:s24], $0x2000  }
0x254: {  	s19 =	simm.s32 $0x80;
	s26 =	simm.s32 $0x100;
	[sflag:s24] =	ssyncset.done $0x0  }
.LBB2_8:
0x255: {  	s28 =	sadd.s32 s19, s20  }
0x256: {  	[sflag:s24] =	ssyncadd.s32 $0xFFFFE000;
	s19 =	smov.u32 s26;
	s29 =	sadd.s32 $0x80, s26  }
0x257: {  	[tilespmem:s3], [sflag:$0x2] =	stream.linear.gather [hbm4b:s28+s3], $0x400, $0x38;
	[tilespmem:$0x1FC00] =	vst v63  }
0x258: {  	p1 =	sne.s32 s26, $0x1800;
	_ =	swait.ge [sflag:s24], $0x400  }
0x259: {  	[sflag:s24] =	ssyncset.done $0x0  }
0x25a: {  	[sflag:s24] =	ssyncadd.s32 $0xFFFFFC00  }
0x25b: {  	[spmem:s2] =	stream.indirect.scatter.add.f32 [tilespmem:s13], [sflag:$0x2], $0x10, s3, s12, $0xb8;
	[tilespmem:$0x1FC00] =	vst v63  }
0x25c: {  	_ =	swait.ge [sflag:s24], $0x2000  }
.Ltmp3:
0x25d: {  	[sflag:s24] =	ssyncset.done $0x0;
	(pc) =	sbr.rel @p1 .LBB2_8-.Ltmp3, $4  }
0x25e: {  	[sflag:s24] =	ssyncadd.s32 $0xFFFFE000  }
0x25f: {  	[spmem:s2] =	stream.indirect.scatter.add.f32 [tilespmem:s13], [sflag:$0x2], $0x10, s12, s12, $0xb8;
	[tilespmem:$0x1FC00] =	vst v63  }
0x260: {  	_ =	swait.ge [sflag:s24], $0x2000  }
0x261: {  	s26 =	smov.u32 s29;
	[sflag:s24] =	ssyncset.done $0x0  }
0x262: {  	s19 =	sadd.s32 s19, s20;
	[sflag:s24] =	ssyncadd.s32 $0xFFFFE000  }
0x263: {  	[tilespmem:s3], [sflag:$0x2] =	stream.linear.gather [hbm4b:s19+s3], $0x400, $0x38;
	[tilespmem:$0x1FC00] =	vst v63  }
0x264: {  	_ =	swait.ge [sflag:s24], $0x400  }
0x265: {  	[sflag:s24] =	ssyncset.done $0x0  }
0x266: {  	[sflag:s24] =	ssyncadd.s32 $0xFFFFFC00  }
0x267: {  	[spmem:s2] =	stream.indirect.scatter.add.f32 [tilespmem:s13], [sflag:$0x2], $0x10, s3, s12, $0xb8;
	[tilespmem:$0x1FC00] =	vst v63  }
0x268: {  	_ =	swait.ge [sflag:s24], $0x2000  }
0x269: {  	[sflag:s24] =	ssyncset.done $0x0  }
0x26a: {  	[sflag:s24] =	ssyncadd.s32 $0xFFFFE000  }
0x26b: {  	[spmem:s2] =	stream.indirect.scatter.add.f32 [tilespmem:s13], [sflag:$0x2], $0x10, s12, s12, $0xb8;
	[tilespmem:$0x1FC00] =	vst v63  }
0x26c: {  	_ =	swait.ge [sflag:s24], $0x2000  }
0x26d: {  	[sflag:s24] =	ssyncset.done $0x0  }
0x26e: {  	[sflag:s24] =	ssyncadd.s32 $0xFFFFE000  }
0x26f: {  	s26 =	simm.s32 @p0 $0x4;
	s28 =	simm.s32 @p0 $0x2;
	[bflag:$0x0] =	sbarrier.arrive $0xFFFF  }
0x270: {  	s29 =	simm.s32 @p0 $0x1FC2;
	s19 =	simm.s32 @p0 $0x1;
	s31 =	rddreg [dreg:$0x13]  }
0x271: {  	[hbm:s31@s26], [sflag:s29] =	dma.strided @p0 [spmem:s15@s28], $0x1F40, s19, $0x2   }
0x272: {  	_ =	swait.ge @p0 [sflag:s28], $0x1F40  }
0x273: {  	s15 =	simm.s32 @!p0 $0x1;
	s19 =	simm.s32 @!p0 $0x4;
	[sflag:s28] =	ssyncset.done @p0 $0x0  }
0x274: {  	s26 =	simm.s32 @!p0 $0x2;
	[sflag:s28] =	ssyncadd.s32 @p0 $0xFFFFE0C0;
	s28 =	rddreg [dreg:$0xe]  }
0x275: {  	[hbm:s28@s19], [sflag:s18] =	dma.strided @!p0 [spmem:s21@s26], $0x3200, s15, $0x2   }
0x276: {  	_ =	swait.ge @!p0 [sflag:s26], $0x3200  }
0x277: {  	s14 =	sadd.s32 $0x1, s14;
	s28 =	rddreg [dreg:$0x14]  }
0x278: {  	p1 =	sne.s32 s14, s28  }
.Ltmp4:
0x279: {  	_ = 	snop;
	(pc) =	sbr.rel @p1 .LBB2_1-.Ltmp4, $3  }
0x27a: {  	_ =	sdelay $0x1  }
0x27b: {  	[sflag:s26] =	ssyncset.done @!p0 $0x0  }
0x27c: {  	s29 =	smov.u32 s30;
	s31 =	smov.u32 s1;
	[sflag:s26] =	ssyncadd.s32 @!p0 $0xFFFFCE00  }
0x27d: {  	_ =	sfence.sel $0x180000  }
0x27e: {  	[bflag:$0x0] =	sbarrier.arrive $0xFFFF  }
0x27f: {  	_ =	strace $0x9000004A  }
0x280: {  	s0 =	stileid.u32;
	[bflag:$0x2] =	sbarrier.arrive $0xFFFF  }
0x281: {  	p0 =	sne.s32 s0, $0x0;
	s0 =	rddreg [dreg:$0x2]  }
0x282: {  	s0 =	sadd.s32 @!p0 $0x100000, s0  }
0x283: {  	[sflag:s0] =	ssyncadd.tile.s32 @!p0 $0x1;
	_ =	shalt  }
.Lfunc_end2:
_tile_overlayer_lowered:
.L_overlay_start_2:
0x284: {  	(tag) =	ssettag $0x2  }
0x285: {  	s0 =	rddreg [dreg:$0x0];
	s2 =	stileid.u32  }
0x286: {  	s1 =	rddreg [dreg:$0x1];
	p0 =	sne.s32 s2, $0x0  }
0x287: {  	s3 =	rddreg [dreg:$0x2];
	[bflag:$0x3] =	sbarrier.arrive $0xFFFF;
	s2 =	simm.s32 @!p0 $0x1C02  }
0x288: {  	[timem:s3], [sflag:s2] =	dma.local @!p0 [hbm:s0], s1  }
0x289: {  	s0 =	simm.s32 @!p0 $0x2  }
0x28a: {  	_ =	swait.ge @!p0 [sflag:s0], s1  }
0x28b: {  	s1 =	ssub.s32 @!p0 $0x0, s1;
	[sflag:s0] =	ssyncset.done @!p0 $0x0  }
0x28c: {  	[sflag:s0] =	ssyncadd.s32 @!p0 s1  }
0x28d: {  	[bflag:$0x3] =	sbarrier.arrive $0xFFFF  }
0x28e: {  	_ =	shalt  }

// kernel: kernel.8.cloned.1.call-start
scs
__scs_entry_jumppad:
0x0: {  	(pc) =	sbr.rel $0x88, $3  }
0x1: {  	(tag) =	ssettag $0x0;
	lr =	simm.s32 $0x1  }
0x2: {  	[smem:$0x3F87] =	sst lr;
	_ =	strace $0xD0000000  }
0x3: {  	_ = 	snop  }
0x4: {  	_ = 	snop  }
0x5: {  	_ = 	snop  }
0x6: {  	_ = 	snop  }
0x7: {  	_ = 	snop  }
__scs_overlays_trampoline_lowered:
0x8: {  	[smem:$0x3F96] =	sst s0  }
0x9: {  	[smem:$0x3F97] =	sst s1  }
0xa: {  	[smem:$0x3F98] =	sst s2  }
0xb: {  	[smem:$0x3F99] =	sst s3  }
0xc: {  	[smem:$0x3F9A] =	sst s4  }
0xd: {  	[smem:$0x3F9B] =	sst s5  }
0xe: {  	[smem:$0x3F9C] =	sst s6  }
0xf: {  	[smem:$0x3F9D] =	sst s7  }
0x10: {  	[smem:$0x3F9E] =	sst s8  }
0x11: {  	[smem:$0x3F9F] =	sst s9;
	s0 =	simm.s32 @!p0 $0x0  }
0x12: {  	s1 =	sld [smem:$0x3F85];
	s0 =	simm.s32 @p0 $0x1  }
0x13: {  	[smem:$0x3FA0] =	sst s0;
	s0 =	simm.s32 @!p1 $0x0  }
0x14: {  	s2 =	sld [smem:$0x3F84];
	s0 =	simm.s32 @p1 $0x1  }
0x15: {  	[smem:$0x3FA1] =	sst s0;
	s0 =	simm.s32 @!p2 $0x0  }
0x16: {  	s3 =	sld [smem:$0x3FDB];
	s0 =	simm.s32 @p2 $0x1  }
0x17: {  	s4 =	simm.s32 $0x1BF5;
	[smem:$0x3FA3] =	sst s0  }
0x18: {  	s0 =	sld [smem:$0x3F86];
	_ =	swait.ge [sflag:s4], $0x0  }
0x19: {  	s7 =	sld [smem:$0x3F87]  }
0x1a: {  	s8 =	sadd.s32 $0xFFFFE003, lr  }
0x1b: {  	s9 =	sadd.s32 $0xFFFFFEF7, lr;
	s5 =	simm.s32 $0xFFFFFFFF;
	p2 =	slt.u32 s8, $0xFFFFF086  }
0x1c: {  	p1 =	slt.u32 s9, $0xF7A;
	s5 =	simm.s32 @!p2 $0x0  }
0x1d: {  	s5 =	simm.s32 @p1 $0x1;
	p0 =	seq.s32 s7, s2  }
0x1e: {  	s7 =	smul.u32 @!p0 $0xF7A, s2;
	p2 =	seq.s32 @!p0 s5, $0x0  }
0x1f: {  	s9 =	smul.u32 $0xF7A, s1;
	s8 =	simm.s32 @!p0 $0x1BF5;
	p2 =	por !p2, p0  }
0x20: {  	[sflag:s8] =	ssyncset.s32 @!p0 $0xFFFFF086;
	s6 =	sadd.s32 @!p0 s3, s7;
	s7 =	simm.s32 @!p0 $0x108  }
0x21: {  	s3 =	sadd.s32 s3, s9;
	s6 =	sadd.s32 @!p0 $0x88, s6;
	s7 =	simm.s32 @p2 $0x1082  }
0x22: {  	[simem:s7], [sflag:s8] =	dma.local @!p0 [hbm:s6], $0xF7A  }
0x23: {  	s9 =	sor.u32 $0xD0000000, s2;
	s6 =	simm.s32 $0x108;
	_ =	swait.ge @!p0 [sflag:s8], $0x0  }
0x24: {  	s3 =	sadd.s32 $0x88, s3;
	s6 =	simm.s32 @!p1 $0x1082;
	[sflag:s4] =	ssyncset.s32 $0xFFFFF086  }
0x25: {  	[simem:s6], [sflag:s4] =	dma.local [hbm:s3], $0xF7A  }
0x26: {  	[smem:$0x3F87] =	sst s1;
	(tag) =	ssettag s2;
	_ =	strace s9  }
0x27: {  	s1 =	sld [smem:$0x3F97]  }
0x28: {  	s2 =	sld [smem:$0x3F98]  }
0x29: {  	s4 =	sld [smem:$0x3F9A]  }
0x2a: {  	p0 =	seq.s32 s5, $0x0;
	s5 =	sld [smem:$0x3F9B]  }
0x2b: {  	s6 =	sld [smem:$0x3F9C]  }
0x2c: {  	s7 =	sld [smem:$0x3F9D]  }
0x2d: {  	s3 =	simm.s32 $0x108;
	s8 =	sld [smem:$0x3F9E]  }
0x2e: {  	s3 =	simm.s32 @!p0 $0x1082;
	s9 =	sld [smem:$0x3F9F]  }
0x2f: {  	lr =	sadd.s32 s0, s3;
	s0 =	sld [smem:$0x3F96]  }
0x30: {  	s3 =	sld [smem:$0x3F99]  }
0x31: {  	[smem:$0x3FA2] =	sst s10  }
0x32: {  	s10 =	sld [smem:$0x3FA0];
	_ =	sdelay $0x3  }
0x33: {  	p0 =	seq.s32 s10, $0x1;
	s10 =	sld [smem:$0x3FA2];
	_ =	sdelay $0x3  }
0x34: {  	[smem:$0x3FA2] =	sst s10  }
0x35: {  	s10 =	sld [smem:$0x3FA1];
	_ =	sdelay $0x3  }
0x36: {  	p1 =	seq.s32 s10, $0x1;
	s10 =	sld [smem:$0x3FA2];
	_ =	sdelay $0x3  }
0x37: {  	[smem:$0x3FA2] =	sst s10  }
0x38: {  	s10 =	sld [smem:$0x3FA3]  }
0x39: {  	_ = 	snop;
	(pc) =	sbr.ind lr, $3  }
0x3a: {  	_ = 	snop  }
0x3b: {  	_ = 	snop  }
0x3c: {  	p2 =	seq.s32 s10, $0x1;
	s10 =	sld [smem:$0x3FA2]  }
0x3d: {  	_ =	shalt  }
0x3e: {  	_ =	shalt  }
0x3f: {  	_ =	shalt  }
0x40: {  	_ =	shalt  }
0x41: {  	_ =	shalt  }
0x42: {  	_ =	shalt  }
0x43: {  	_ =	shalt  }
0x44: {  	_ =	shalt  }
0x45: {  	_ =	shalt  }
0x46: {  	_ =	shalt  }
0x47: {  	_ =	shalt  }
0x48: {  	_ =	shalt  }
0x49: {  	_ =	shalt  }
0x4a: {  	_ =	shalt  }
0x4b: {  	_ =	shalt  }
0x4c: {  	_ =	shalt  }
0x4d: {  	_ =	shalt  }
0x4e: {  	_ =	shalt  }
0x4f: {  	_ =	shalt  }
0x50: {  	_ =	shalt  }
0x51: {  	_ =	shalt  }
0x52: {  	_ =	shalt  }
0x53: {  	_ =	shalt  }
0x54: {  	_ =	shalt  }
0x55: {  	_ =	shalt  }
0x56: {  	_ =	shalt  }
0x57: {  	_ =	shalt  }
0x58: {  	_ =	shalt  }
0x59: {  	_ =	shalt  }
0x5a: {  	_ =	shalt  }
0x5b: {  	_ =	shalt  }
0x5c: {  	_ =	shalt  }
0x5d: {  	_ =	shalt  }
0x5e: {  	_ =	shalt  }
0x5f: {  	_ =	shalt  }
0x60: {  	_ =	shalt  }
0x61: {  	_ =	shalt  }
0x62: {  	_ =	shalt  }
0x63: {  	_ =	shalt  }
0x64: {  	_ =	shalt  }
0x65: {  	_ =	shalt  }
0x66: {  	_ =	shalt  }
0x67: {  	_ =	shalt  }
0x68: {  	_ =	shalt  }
0x69: {  	_ =	shalt  }
0x6a: {  	_ =	shalt  }
0x6b: {  	_ =	shalt  }
0x6c: {  	_ =	shalt  }
0x6d: {  	_ =	shalt  }
0x6e: {  	_ =	shalt  }
0x6f: {  	_ =	shalt  }
0x70: {  	_ =	shalt  }
0x71: {  	_ =	shalt  }
0x72: {  	_ =	shalt  }
0x73: {  	_ =	shalt  }
0x74: {  	_ =	shalt  }
0x75: {  	_ =	shalt  }
0x76: {  	_ =	shalt  }
0x77: {  	_ =	shalt  }
0x78: {  	_ =	shalt  }
0x79: {  	_ =	shalt  }
0x7a: {  	_ =	shalt  }
0x7b: {  	_ =	shalt  }
0x7c: {  	_ =	shalt  }
0x7d: {  	_ =	shalt  }
0x7e: {  	_ =	shalt  }
0x7f: {  	_ =	shalt  }
0x80: {  	_ =	shalt  }
0x81: {  	_ =	shalt  }
0x82: {  	_ =	shalt  }
0x83: {  	_ =	shalt  }
0x84: {  	_ =	shalt  }
0x85: {  	_ =	shalt  }
0x86: {  	_ =	shalt  }
0x87: {  	_ =	shalt  }
.Lfunc_end0:
.L_simem_size_0:
called_computation_lowered:
.L_overlay_start_0:
0x88: {  	s2 =	sld [smem:$0x3FD9]  }
0x89: {  	s3 =	sld [smem:$0x3FFE];
	_ =	sdelay $0x1  }
0x8a: {  	s1 =	srdreg.scid  }
0x8b: {  	s0 =	sand.u32 $0x1, s1  }
0x8c: {  	s16 =	sshll.u32 s0, $0xA;
	s2 =	sadd.s32 s3, s2  }
0x8d: {  	s2 =	sadd.s32 s2, s16  }
0x8e: {  	[smem:$0x3FAE] =	sst s2  }
0x8f: {  	_ = 	snop  }
0x90: {  	(tm) =	ssettm $0x1  }
0x91: {  	s17 =	sld [smem:$0x3FFB];
	_ =	sdelay $0x3  }
0x92: {  	_ =	strace s17  }
0x93: {  	s2 =	sld [smem:$0x3FFC];
	_ =	sdelay $0x3  }
0x94: {  	_ =	strace s2  }
0x95: {  	s2 =	sld [smem:$0x3FFD];
	_ =	sdelay $0x3  }
0x96: {  	_ =	strace s2  }
0x97: {  	_ =	strace $0x8FFFFFFF  }
0x98: {  	s18 =	sld [smem:$0x3FDB];
	_ =	sdelay $0x1  }
0x99: {  	s19 =	simm.s32 $_scs_section_size  }
0x9a: {  	s4 =	simm.s32 $_size__tile_overlayer_lowered;
	s5 =	simm.s32 $_tile_overlayer_lowered  }
0x9b: {  	s22 =	simm.s32 $0x1BFF;
	s21 =	sshll.u32 s5, $0x1;
	s2 =	sadd.s32 s19, s18  }
0x9c: {  	s6 =	simm.s32 $0x0;
	s20 =	sshll.u32 s4, $0x1;
	s4 =	sadd.s32 s21, s2  }
0x9d: {  	[timem:s6], [sflag:s22] =	dma.local [hbm:s4], s20  }
0x9e: {  	_ =	swait.ge [sflag:s22], s20  }
0x9f: {  	s3 =	ssub.s32 $0x0, s20;
	[sflag:s22] =	ssyncset.done $0x0  }
0xa0: {  	[sflag:s22] =	ssyncadd.s32 s3;
	_ =	sdelay $0x1  }
0xa1: {  	s23 =	simm.s32 $0x1B8B  }
0xa2: {  	_ =	swait.ge [sflag:s23], $0x1  }
0xa3: {  	[sflag:s23] =	ssyncset.done $0x0  }
0xa4: {  	s25 =	simm.s32 $0x1B8E;
	s24 =	sld [smem:$0x3FFE];
	[sflag:s23] =	ssyncadd.s32 $0xFFFFFFFF  }
0xa5: {  	s26 =	simm.s32 $execute0_lowered;
	[smem:$0x3FD2] =	sst s25  }
0xa6: {  	s4 =	sshll.u32 s26, $0x1;
	_ =	strace $0x80000046;
	[dreg:$0x1] =	wrdreg $0xFFFFFFFF  }
0xa7: {  	s28 =	simm.s32 $_size_execute0_lowered;
	s2 =	sadd.s32 s2, s4;
	[dreg:$0x0] =	wrdreg $0x0  }
0xa8: {  	s4 =	sshll.u32 s28, $0x1;
	[dreg:$0x2] =	wrdreg s2  }
0xa9: {  	[dreg:$0x3] =	wrdreg s4  }
0xaa: {  	[dreg:$0x4] =	wrdreg $0xC0  }
0xab: {  	_ =	task [dreg:s6], $0x5FFFF  }
0xac: {  	[dreg:$0x1] =	wrdreg $0xFFFFFFFF  }
0xad: {  	[dreg:$0x0] =	wrdreg $0x60  }
0xae: {  	[dreg:$0x2] =	wrdreg s24  }
0xaf: {  	[dreg:$0x3] =	wrdreg $0x9  }
0xb0: {  	_ =	task.clear_ibuf [dreg:s6], $0x4FFFF;
	_ =	strace $0x90000046  }
0xb1: {  	s29 =	simm.s32 $0x9;
	_ =	strace $0x80000048  }
0xb2: {  	_ =	swait.ge [sflag:s29], $0x1  }
0xb3: {  	[sflag:s29] =	ssyncadd.s32 $0xFFFFFFFF  }
0xb4: {  	_ =	strace $0x90000048  }
0xb5: {  	_ =	sfence  }
0xb6: {  	s30 =	sld [smem:$0x0];
	_ =	sdelay $0x2  }
0xb7: {  	s31 =	sshll.u32 s1, $0xD;
	s1 =	sshrl.u32 s1, $0x2  }
0xb8: {  	s3 =	sand.u32 $0x4000, s31;
	s1 =	sadd.s32 s1, s30  }
0xb9: {  	s0 =	sor.u32 s3, s0;
	s1 =	sshll.u32 s1, $0x11  }
0xba: {  	s0 =	sor.u32 s1, s0  }
0xbb: {  	s0 =	sadd.s32 $0x8F2B, s0  }
0xbc: {  	[sflag:s0] =	ssyncadd.remote.s32 $0x1  }
0xbd: {  	_ =	sfence.sel $0xFFFF  }
0xbe: {  	[dreg:$0x0] =	wrdreg $0xFFFFFFFF;
	(pc) =	sbr.abs _section_cstart, $3  }
0xbf: {  	[dreg:$0x1] =	wrdreg $0xFFFFFFFF  }
0xc0: {  	_ =	task.clear_ibuf [dreg:s6], $0x2FFFF;
	_ =	strace $0x9FFFFFFF  }
0xc1: {  	(tm) =	ssettm $0x7FFFFFFF  }
tec
execute0_lowered:
.L_overlay_start_1:
0x0: {  	(tag) =	ssettag $0x1  }
0x1: {  	s8 =	rddreg [dreg:$0x0]  }
0x2: {  	s0 =	rddreg [dreg:$0x1]  }
0x3: {  	s1 =	simm.s32 $0x0;
	s5 =	srdreg.scid;
	s2 =	stileid.u32  }
0x4: {  	s12 =	simm.s32 $0x400;
	s13 =	simm.s32 $0x800;
	s14 =	simm.s32 $0x8800  }
0x5: {  	s15 =	simm.s32 $0x1;
	s16 =	simm.s32 $0x2;
	s17 =	simm.s32 $0x10800  }
0x6: {  	s18 =	simm.s32 $0x0;
	[smem:$0x7FF] =	sst s1;
	s3 =	sadd.s32 $0x499E00, s8  }
0x7: {  	s4 =	sadd.s32 $0x18CA00, s8;
	s6 =	sand.u32 $0x1, s5;
	s7 =	sshll.u32 s2, $0x1  }
0x8: {  	s5 =	sadd.s32 $0x250600, s8;
	_ =	strace $0x80000047;
	s9 =	ssub.s32 $0x2, s6  }
0x9: {  	s10 =	sor.u32 s6, s7;
	s6 =	sadd.s32 $0x21F600, s8;
	s11 =	sshrl.u32 s9, $0x1  }
0xa: {  	s8 =	sadd.s32 $0x4FBA00, s8;
	s7 =	smul.u32 $0xC400, s10;
	s11 =	ssub.s32 s9, s11  }
0xb: {  	s9 =	smul.u32 $0x188000, s10;
	s10 =	smax.u32 s11, $0x1;
	s11 =	simm.s32 $0x3  }
.LBB2_1:
0xc: {  	s19 =	simm.s32 $0x0  }
.LBB2_2:
0xd: {  	s20 =	sshll.u32 s19, $0xA  }
0xe: {  	s20 =	sadd.s32 s7, s20  }
0xf: {  	s20 =	sshrl.u32 s20, $0x3  }
0x10: {  	s22 =	simm.s32 $0x0;
	s21 =	sadd.s32 s5, s20  }
0x11: {  	[tilespmem:s22], [sflag:$0x3] =	stream.linear.gather [hbm4b:s21+s22], $0x400, $0x38;
	[tilespmem:$0x18800] =	vst v63  }
0x12: {  	_ =	swait.ge [sflag:s11], $0x400  }
0x13: {  	[sflag:s11] =	ssyncset.done $0x0  }
0x14: {  	s20 =	sadd.s32 s6, s20;
	[sflag:s11] =	ssyncadd.s32 $0xFFFFFC00  }
0x15: {  	[tilespmem:s12], [sflag:$0x3] =	stream.linear.gather [hbm4b:s20+s22], $0x400, $0x38;
	[tilespmem:$0x18800] =	vst v63  }
0x16: {  	_ =	swait.ge [sflag:s11], $0x400  }
0x17: {  	[sflag:s11] =	ssyncset.done $0x0  }
0x18: {  	[sflag:s11] =	ssyncadd.s32 $0xFFFFFC00  }
0x19: {  	[tilespmem:s13], [sflag:$0x1] =	stream.indirect.gather [hbm4b:s3+s12], $0x20, s22, s12, $0xb8;
	[tilespmem:$0x18800] =	vst v63  }
0x1a: {  	_ = 	snop  }
0x1b: {  	[tilespmem:s14], [sflag:$0x2] =	stream.indirect.gather [hbm4b:s4+s12], $0x20, s12, s12, $0xb8;
	[tilespmem:$0x18800] =	vst v63  }
0x1c: {  	_ =	swait.ge [sflag:s15], $0x8000  }
0x1d: {  	[sflag:s15] =	ssyncset.done $0x0  }
0x1e: {  	[sflag:s15] =	ssyncadd.s32 $0xFFFF8000  }
0x1f: {  	_ =	swait.ge [sflag:s16], $0x8000  }
0x20: {  	[sflag:s16] =	ssyncset.done $0x0  }
0x21: {  	s20 =	simm.s32 $0x0;
	[sflag:s16] =	ssyncadd.s32 $0xFFFF8000  }
0x22: {  	v0 =	vld [tilespmem:s20+$0x870]  }
0x23: {  	v1 =	vld [tilespmem:s20+$0x8870]  }
0x24: {  	v2 =	vld [tilespmem:s20+$0x800]  }
0x25: {  	v3 =	vld [tilespmem:s20+$0x8800]  }
0x26: {  	v4 =	vld [tilespmem:s20+$0x810]  }
0x27: {  	v5 =	vld [tilespmem:s20+$0x8810]  }
0x28: {  	v6 =	vld [tilespmem:s20+$0x820]  }
0x29: {  	v7 =	vld [tilespmem:s20+$0x830]  }
0x2a: {  	v0 =	vadd.f32 v1, v0;
	v1 =	vld [tilespmem:s20+$0x8820]  }
0x2b: {  	v8 =	vld [tilespmem:s20+$0x8830]  }
0x2c: {  	v9 =	vld [tilespmem:s20+$0x8840];
	v2 =	vadd.f32 v3, v2  }
0x2d: {  	[tilespmem:s20+$0x10870] =	vst v0;
	v0 =	vadd.f32 v5, v4;
	v5 =	vld [tilespmem:s20+$0x840]  }
0x2e: {  	v3 =	vld [tilespmem:s20+$0x8850];
	[tilespmem:s20+$0x10800] =	vst v2  }
0x2f: {  	v2 =	vld [tilespmem:s20+$0x850];
	[tilespmem:s20+$0x10810] =	vst v0;
	v0 =	vadd.f32 v1, v6  }
0x30: {  	v4 =	vld [tilespmem:s20+$0x8860];
	v6 =	vadd.f32 v8, v7  }
0x31: {  	s21 =	simm.s32 $0x80;
	[tilespmem:s20+$0x10820] =	vst v0;
	v0 =	vld [tilespmem:s20+$0x860]  }
0x32: {  	s22 =	simm.s32 $0x400;
	v5 =	vadd.f32 v9, v5;
	v1 =	vld [tilespmem:s21+$0x870];
	[tilespmem:s20+$0x10830] =	vst v6  }
.LBB2_3:
0x33: {  	p0 =	sne.s32 s22, $0x1FE00;
	v6 =	vld [tilespmem:s21+$0x8870]  }
0x34: {  	v7 =	vld [tilespmem:s21+$0x800];
	[tilespmem:s20+$0x10840] =	vst v5;
	v2 =	vadd.f32 v3, v2  }
0x35: {  	v3 =	vld [tilespmem:s21+$0x8800]  }
0x36: {  	v5 =	vld [tilespmem:s21+$0x810];
	[tilespmem:s20+$0x10850] =	vst v2;
	v0 =	vadd.f32 v4, v0  }
0x37: {  	v2 =	vld [tilespmem:s21+$0x8810]  }
0x38: {  	v4 =	vld [tilespmem:s21+$0x820];
	v1 =	vadd.f32 v6, v1;
	[tilespmem:s20+$0x10860] =	vst v0;
	s20 =	smov.u32 s21  }
0x39: {  	v0 =	vld [tilespmem:s20+$0x8820]  }
0x3a: {  	v3 =	vadd.f32 v3, v7;
	v6 =	vld [tilespmem:s20+$0x830];
	[tilespmem:s20+$0x10870] =	vst v1  }
0x3b: {  	v1 =	vld [tilespmem:s20+$0x8830]  }
0x3c: {  	[tilespmem:s20+$0x10800] =	vst v3;
	v2 =	vadd.f32 v2, v5;
	v5 =	vld [tilespmem:s20+$0x840]  }
0x3d: {  	v7 =	vld [tilespmem:s20+$0x8840]  }
.Ltmp0:
0x3e: {  	[tilespmem:s20+$0x10810] =	vst v2;
	v0 =	vadd.f32 v0, v4;
	v2 =	vld [tilespmem:s20+$0x850];
	(pc) =	sbr.rel @p0 .LBB2_3-.Ltmp0, $4  }
0x3f: {  	v3 =	vld [tilespmem:s20+$0x8850]  }
0x40: {  	[tilespmem:s20+$0x10820] =	vst v0;
	v6 =	vadd.f32 v1, v6;
	v0 =	vld [tilespmem:s20+$0x860]  }
0x41: {  	s21 =	sshra.s32 s22, $0x2;
	v4 =	vld [tilespmem:s20+$0x8860]  }
0x42: {  	s22 =	sadd.s32 $0x200, s22;
	v1 =	vld [tilespmem:s21+$0x870];
	[tilespmem:s20+$0x10830] =	vst v6;
	v5 =	vadd.f32 v7, v5  }
0x43: {  	v6 =	vld [tilespmem:s21+$0x8870]  }
0x44: {  	v7 =	vld [tilespmem:s21+$0x800];
	[tilespmem:s20+$0x10840] =	vst v5;
	v2 =	vadd.f32 v3, v2  }
0x45: {  	v51 =	vld [tilespmem:s21+$0x8800]  }
0x46: {  	v5 =	vld [tilespmem:s21+$0x810];
	[tilespmem:s20+$0x10850] =	vst v2;
	v0 =	vadd.f32 v4, v0  }
0x47: {  	v2 =	vld [tilespmem:s21+$0x8810]  }
0x48: {  	v52 =	vld [tilespmem:s21+$0x820];
	[tilespmem:s20+$0x10860] =	vst v0  }
0x49: {  	v54 =	vld [tilespmem:s21+$0x8820]  }
0x4a: {  	v55 =	vld [tilespmem:s21+$0x830]  }
0x4b: {  	v56 =	vld [tilespmem:s21+$0x8830]  }
0x4c: {  	v57 =	vld [tilespmem:s21+$0x840]  }
0x4d: {  	v58 =	vld [tilespmem:s21+$0x8840]  }
0x4e: {  	v59 =	vld [tilespmem:s21+$0x850]  }
0x4f: {  	v53 =	vadd.f32 v6, v1;
	v60 =	vld [tilespmem:s21+$0x8850]  }
0x50: {  	v61 =	vld [tilespmem:s21+$0x860];
	v3 =	vadd.f32 v51, v7  }
0x51: {  	v62 =	vld [tilespmem:s21+$0x8860];
	[tilespmem:s21+$0x10870] =	vst v53;
	v2 =	vadd.f32 v2, v5  }
0x52: {  	[tilespmem:s21+$0x10800] =	vst v3;
	v1 =	vadd.f32 v54, v52  }
0x53: {  	[tilespmem:s21+$0x10810] =	vst v2;
	v0 =	vadd.f32 v56, v55  }
0x54: {  	v3 =	vadd.f32 v58, v57;
	[tilespmem:s21+$0x10820] =	vst v1  }
0x55: {  	s31 =	sshll.u32 s19, $0xF;
	v63 =	vadd.f32 v60, v59;
	[tilespmem:s21+$0x10830] =	vst v0  }
0x56: {  	s19 =	sadd.s32 $0x1, s19;
	s20 =	sadd.s32 s9, s31;
	[tilespmem:s21+$0x10840] =	vst v3;
	v1 =	vadd.f32 v62, v61  }
0x57: {  	p0 =	sne.s32 s19, $0x31;
	s20 =	sshrl.u32 s20, $0x3;
	[tilespmem:s21+$0x10850] =	vst v63  }
.Ltmp1:
0x58: {  	s20 =	sadd.s32 s8, s20;
	[tilespmem:s21+$0x10860] =	vst v1;
	(pc) =	sbr.rel @p0 .LBB2_2-.Ltmp1, $4  }
0x59: {  	[hbm4b:s20+s1] =	stream.linear.scatter [tilespmem:s17], [sflag:$0x3], $0x8000, $0x38;
	[tilespmem:$0x18800] =	vst v63  }
0x5a: {  	_ =	swait.ge [sflag:s11], $0x8000  }
0x5b: {  	[sflag:s11] =	ssyncset.done $0x0  }
0x5c: {  	[sflag:s11] =	ssyncadd.s32 $0xFFFF8000  }
0x5d: {  	s18 =	sadd.s32 $0x1, s18  }
0x5e: {  	p0 =	sne.s32 s18, s10  }
.Ltmp2:
0x5f: {  	_ = 	snop;
	(pc) =	sbr.rel @p0 .LBB2_1-.Ltmp2, $1  }
0x60: {  	_ =	sdelay $0x3  }
0x61: {  	_ =	sfence.sel $0x180000  }
0x62: {  	[bflag:$0x0] =	sbarrier.arrive $0xFFFF  }
0x63: {  	p0 =	sne.s32 s2, $0x0;
	_ =	strace $0x90000047  }
0x64: {  	s0 =	sadd.s32 @!p0 $0x100000, s0;
	[bflag:$0x2] =	sbarrier.arrive $0xFFFF  }
0x65: {  	[sflag:s0] =	ssyncadd.tile.s32 @!p0 $0x1;
	_ =	shalt  }
.Lfunc_end2:
_tile_overlayer_lowered:
.L_overlay_start_2:
0x66: {  	(tag) =	ssettag $0x2  }
0x67: {  	s0 =	rddreg [dreg:$0x0];
	s2 =	stileid.u32  }
0x68: {  	s1 =	rddreg [dreg:$0x1];
	p0 =	sne.s32 s2, $0x0  }
0x69: {  	s3 =	rddreg [dreg:$0x2];
	[bflag:$0x3] =	sbarrier.arrive $0xFFFF;
	s2 =	simm.s32 @!p0 $0x1C03  }
0x6a: {  	[timem:s3], [sflag:s2] =	dma.local @!p0 [hbm:s0], s1  }
0x6b: {  	s0 =	simm.s32 @!p0 $0x3  }
0x6c: {  	_ =	swait.ge @!p0 [sflag:s0], s1  }
0x6d: {  	s1 =	ssub.s32 @!p0 $0x0, s1;
	[sflag:s0] =	ssyncset.done @!p0 $0x0  }
0x6e: {  	[sflag:s0] =	ssyncadd.s32 @!p0 s1  }
0x6f: {  	[bflag:$0x3] =	sbarrier.arrive $0xFFFF  }
0x70: {  	_ =	shalt  }

</sc_bundles>
